<compile_context>
chip_gen: v7x
topology: tpu7x:2x2x1
jax: 0.10.2.dev20260603
libtpu: 0.0.44.dev20260713+nightly
codegen_flags: <defaults>
</compile_context>

<pallas_src>
import functools

import jax
import jax.numpy as jnp
from jax import lax
from jax.experimental import pallas as pl
from jax.experimental.pallas import tpu as pltpu
from jax.experimental.pallas import tpu_sc as plsc

V = 1000000
D = 16
F = 26
B = 16384

NC = 2
NS = 16
NW = NC * NS

ROWS = B * F
ROWS_PER_W = ROWS // NW
PIECE = 1664
NPIECE = ROWS_PER_W // PIECE
NCHUNK = PIECE // 16

BLK = 512
NSPLIT = 2


CHV = 1024
NFULL = V // CHV
VMID = NFULL * CHV
VTAIL = V - V % 128


def _sc_transpose(emb_t, tail_flat):
    mesh = plsc.VectorSubcoreMesh(core_axis_name="c", subcore_axis_name="s")

    @functools.partial(
        pl.kernel,
        mesh=mesh,
        compiler_params=pltpu.CompilerParams(use_tc_tiling_on_sc=True,
                                             needs_layout_passes=False),
        out_type=[jax.ShapeDtypeStruct((V * D,), jnp.float32)],
        scratch_types=[
            pltpu.VMEM((D, CHV), jnp.float32),
            pltpu.VMEM((D, CHV), jnp.float32),
            pltpu.VMEM((CHV * D,), jnp.float32),
            pltpu.VMEM((CHV * D,), jnp.float32),
            pltpu.SemaphoreType.DMA,
            pltpu.SemaphoreType.DMA,
            pltpu.SemaphoreType.DMA,
            pltpu.SemaphoreType.DMA,
        ],
    )
    def tr_kernel(src, tail, out, in0, in1, ob0, ob1, si0, si1, so0, so1):
        wid = lax.axis_index("s") * NC + lax.axis_index("c")
        lane = jnp.arange(16, dtype=jnp.int32)
        nfc = (NFULL - wid + NW - 1) // NW
        sins = [si0, si1]
        souts = [so0, so1]
        inbufs = [in0, in1]
        obufs = [ob0, ob1]

        def start_in(k_, b):
            pltpu.async_copy(
                src.at[:, pl.ds((wid + NW * k_) * CHV, CHV)], inbufs[b], sins[b])

        def wait_in(b):
            pltpu.make_async_copy(src.at[:, pl.ds(0, CHV)], inbufs[b],
                                  sins[b]).wait()

        def wait_out(b):
            pltpu.make_async_copy(obufs[b], out.at[pl.ds(0, CHV * D)],
                                  souts[b]).wait()

        base = lane * D

        def transpose_buf(b, n):
            @plsc.parallel_loop(0, n // 16, unroll=2)
            def _jloop(j):
                row = base + j * 256
                for d in range(D):
                    vals = inbufs[b][d, pl.ds(j * 16, 16)]
                    plsc.store_scatter(obufs[b], [row + d], vals)

        def flush(k_, b):
            pltpu.async_copy(
                obufs[b],
                out.at[pl.ds((wid + NW * k_) * CHV * D, CHV * D)], souts[b])

        start_in(0, 0)

        def pbody(p, carry):
            k0 = 2 * p

            @pl.when(k0 + 1 < nfc)
            def _pre1():
                start_in(k0 + 1, 1)

            wait_in(0)

            @pl.when(p >= 1)
            def _dr0():
                wait_out(0)

            transpose_buf(0, CHV)
            flush(k0, 0)

            @pl.when(k0 + 1 < nfc)
            def _second():
                @pl.when(k0 + 2 < nfc)
                def _pre0():
                    start_in(k0 + 2, 0)

                wait_in(1)

                @pl.when(p >= 1)
                def _dr1():
                    wait_out(1)

                transpose_buf(1, CHV)
                flush(k0 + 1, 1)

            return carry

        lax.fori_loop(0, (nfc + 1) // 2, pbody, 0, unroll=False)
        wait_out(0)
        wait_out(1)

        @pl.when(wid == 0)
        def _mid():
            n = VTAIL - VMID
            pltpu.sync_copy(src.at[:, pl.ds(VMID, n)], in0.at[:, pl.ds(0, n)])
            @plsc.parallel_loop(0, n // 16, unroll=2)
            def _jloop(j):
                row = base + j * 256
                for d in range(D):
                    vals = in0[d, pl.ds(j * 16, 16)]
                    plsc.store_scatter(ob0, [row + d], vals)
            pltpu.sync_copy(ob0.at[pl.ds(0, n * D)],
                            out.at[pl.ds(VMID * D, n * D)])

        @pl.when(wid == 1)
        def _tail():
            pltpu.sync_copy(tail, out.at[pl.ds(VTAIL * D, (V - VTAIL) * D)])

    return tr_kernel(emb_t, tail_flat)


def _sc_gather(emb_w, bias16, idx_flat, n_rows):
    mesh = plsc.VectorSubcoreMesh(core_axis_name="c", subcore_axis_name="s")
    rows_per_w = n_rows // NW
    npiece = rows_per_w // PIECE

    @functools.partial(
        pl.kernel,
        mesh=mesh,
        compiler_params=pltpu.CompilerParams(use_tc_tiling_on_sc=False,
                                             needs_layout_passes=False),
        out_type=[
            jax.ShapeDtypeStruct((n_rows, D), jnp.float32),
            jax.ShapeDtypeStruct((n_rows,), jnp.float32),
        ],
        scratch_types=[
            pltpu.VMEM((rows_per_w,), jnp.int32),
            pltpu.VMEM((PIECE, D), jnp.float32),
            pltpu.VMEM((PIECE, 16), jnp.float32),
            pltpu.VMEM((PIECE,), jnp.int32),
            pltpu.VMEM((PIECE,), jnp.float32),
            pltpu.SemaphoreType.DMA,
            pltpu.SemaphoreType.DMA,
        ],
    )
    def gather_kernel(emb_hbm, bias_hbm, idx_hbm, emb_out, bias_out,
                      idx_v, ebuf, brows, idx_d, bvals, sem_e, sem_b):
        wid = lax.axis_index("s") * NC + lax.axis_index("c")
        base = wid * rows_per_w
        pltpu.sync_copy(idx_hbm.at[pl.ds(base, rows_per_w)], idx_v)
        lane = jnp.arange(16, dtype=jnp.int32)
        for p in range(npiece):
            piece_idx = idx_v.at[pl.ds(p * PIECE, PIECE)]
            ce = pltpu.async_copy(emb_hbm.at[piece_idx], ebuf, sem_e)

            @plsc.parallel_loop(0, NCHUNK, unroll=4)
            def _div(k):
                v = idx_v[pl.ds(p * PIECE + k * 16, 16)]
                idx_d[pl.ds(k * 16, 16)] = lax.shift_right_logical(v, 4)
            cb = pltpu.async_copy(bias_hbm.at[idx_d], brows, sem_b)
            cb.wait()

            @plsc.parallel_loop(0, NCHUNK, unroll=4)
            def _sel(k):
                v = idx_v[pl.ds(p * PIECE + k * 16, 16)]
                rows = k * 16 + lane
                vals = plsc.load_gather(brows, [rows, jnp.bitwise_and(v, 15)])
                bvals[pl.ds(k * 16, 16)] = vals
            ce.wait()
            off = base + p * PIECE
            pltpu.sync_copy(ebuf, emb_out.at[pl.ds(off, PIECE)])
            pltpu.sync_copy(bvals, bias_out.at[pl.ds(off, PIECE)])

    return gather_kernel(emb_w, bias16, idx_flat)


def _tc_fm(xg, bg, m, w0, nb):

    def body(w0_ref, x_ref, b_ref, m_ref, o_ref):
        xb = x_ref[...]
        y = jnp.dot(xb, m_ref[...], preferred_element_type=jnp.float32)
        inter = jnp.sum(y * xb, axis=1)
        lin = jnp.sum(b_ref[...], axis=1) + w0_ref[0, 0]
        o_ref[...] = inter + lin

    return pl.pallas_call(
        body,
        grid=(nb // BLK,),
        in_specs=[
            pl.BlockSpec(memory_space=pltpu.SMEM),
            pl.BlockSpec((BLK, F * D), lambda i: (i, 0)),
            pl.BlockSpec((BLK, F), lambda i: (i, 0)),
            pl.BlockSpec((F * D, F * D), lambda i: (0, 0)),
        ],
        out_specs=pl.BlockSpec((BLK,), lambda i: (i,)),
        out_shape=jax.ShapeDtypeStruct((nb,), jnp.float32),
    )(w0, xg, bg, m)


def kernel(x, w0, bias_w, emb_w, fiw):
    idx_flat = x.astype(jnp.int32).reshape(ROWS)
    tail_flat = emb_w[VTAIL:].reshape((V - VTAIL) * D)
    emb_lin, = _sc_transpose(emb_w.T, tail_flat)
    emb2d = emb_lin.reshape(V, D)
    bias16 = bias_w.reshape(V // 16, 16)
    fu = jnp.triu(fiw, 1)
    fsym = fu + fu.T
    eye = jnp.eye(D, dtype=jnp.float32)
    m = ((0.5 * fsym)[:, None, :, None] * eye[None, :, None, :]).reshape(F * D, F * D)
    w01 = w0.reshape(1, 1)
    nh = B // NSPLIT
    rows_h = nh * F
    outs = []
    for h in range(NSPLIT):
        idx_h = lax.slice(idx_flat, (h * rows_h,), ((h + 1) * rows_h,))
        emb_rows, bias_vals = _sc_gather(emb2d, bias16, idx_h, rows_h)
        xg = emb_rows.reshape(nh, F * D)
        bg = bias_vals.reshape(nh, F)
        outs.append(_tc_fm(xg, bg, m, w01, nh))
    return jnp.concatenate(outs)

# --- scband reference (transcript-rebuilt; emitter-appended) ---
"""Pipeline reference for scband-field-weighted-factorization-machine-model-5334349381847 (READ-ONLY COPY).

The authoritative reference and input builder live on the scoring server;
editing this copy changes nothing except your own understanding.
"""

import jax, jax.numpy as jnp
import numpy as np

V = 1000000  # num_features after np.max(...)+1
D = 16       # embed_dim
F = 26       # num_fields
B = 16384    # batch


def _trunc_normal(key, shape, std=0.01):
    return jax.random.truncated_normal(key, -2.0, 2.0, shape, dtype=jnp.float32) * std


def setup_inputs(seed: int = 0) -> dict:
    key = jax.random.key(seed)
    k1, k2, k3, k4 = jax.random.split(key, 4)
    x = jax.random.randint(k1, (B, F), 0, V)
    w0 = jnp.zeros((1,), dtype=jnp.float32)
    bias_w = _trunc_normal(k2, (V, 1))
    emb_w = _trunc_normal(k3, (V, D))
    fiw = _trunc_normal(k4, (F, F))  # raw field_inter_weights (pre-parametrization)
    return {"x": x, "w0": w0, "bias_w": bias_w, "emb_w": emb_w, "fiw": fiw}


def reference(x, w0, bias_w, emb_w, fiw):
    # Symmetric parametrization: triu(1) + triu(1)^T
    fu = jnp.triu(fiw, 1)
    fsym = fu + fu.T
    # embedding lookups
    emb = jnp.take(emb_w, x, axis=0)            # [B, F, D]
    biases = jnp.take(bias_w, x, axis=0)[..., 0]  # [B, F]
    lin_term = w0[0] + jnp.sum(biases, axis=-1)   # [B]
    # factorization interactions via tensors path
    emb_mul_embT = jnp.einsum('bfd,bgd->bfg', emb, emb)  # [B, F, F]
    inter = jnp.sum(emb_mul_embT * fsym, axis=(-1, -2)) / 2.0  # [B]
    return lin_term + inter

if __name__ == "__main__":
    import jax
    _d = setup_inputs()
    print(jax.jit(kernel)(*tuple(_d.values())))

</pallas_src>

<mosaic_0001>
#map = affine_map<(d0, d1) -> (0, 0)>
#map1 = affine_map<(d0, d1) -> (0)>
module attributes {stable_mosaic.version = 14 : i64} {
  func.func @gather_kernel(%arg0: i32, %arg1: i32, %arg2: memref<1000000x16xf32, #tpu.memory_space<hbm>>, %arg3: memref<62500x16xf32, #tpu.memory_space<hbm>>, %arg4: memref<212992xi32, #tpu.memory_space<hbm>>, %arg5: memref<212992x16xf32, #tpu.memory_space<hbm>>, %arg6: memref<212992xf32, #tpu.memory_space<hbm>>, %arg7: memref<6656xi32, #tpu.memory_space<vmem>>, %arg8: memref<1664x16xf32, #tpu.memory_space<vmem>>, %arg9: memref<1664x16xf32, #tpu.memory_space<vmem>>, %arg10: memref<1664xi32, #tpu.memory_space<vmem>>, %arg11: memref<1664xf32, #tpu.memory_space<vmem>>, %arg12: memref<!tpu.dma_semaphore, #tpu.memory_space<semaphore_mem>>, %arg13: memref<!tpu.dma_semaphore, #tpu.memory_space<semaphore_mem>>) attributes {dimension_semantics = [#tpu.dimension_semantics<core_parallel>, #tpu.dimension_semantics<subcore_parallel>], iteration_bounds = array<i64: 2, 16>, scalar_prefetch = 0 : i64, scratch_operands = 7 : i64, tpu.core_type = #tpu.core_type<sc_vector_subcore>, window_params = [{transform_indices = #map}, {transform_indices = #map}, {transform_indices = #map1}, {transform_indices = #map}, {transform_indices = #map1}]} {
    %mul3A = arith.constant 2 : i32
    %mul3A_0 = arith.muli %arg1, %mul3A : i32
    %add3A = arith.addi %mul3A_0, %arg0 : i32
    %mul3A_1 = arith.constant 6656 : i32
    %mul3A_2 = arith.muli %add3A, %mul3A_1 : i32
    "tpu.region"() ({
      %run_scoped3A = tpu.sem_alloc : memref<!tpu.dma_semaphore, #tpu.memory_space<semaphore_mem>>
      %dma_start3A_96 = tpu.memref_slice %arg4[%mul3A_2] : memref<212992xi32, #tpu.memory_space<hbm>> -> memref<6656xi32, #tpu.memory_space<hbm>>
      %dma_start3A_97 = tpu.memref_slice %arg4[%mul3A_2] : memref<212992xi32, #tpu.memory_space<hbm>> -> memref<6656xi32, #tpu.memory_space<hbm>>
      tpu.enqueue_dma source(%dma_start3A_97 : memref<6656xi32, #tpu.memory_space<hbm>>) target(%arg7 : memref<6656xi32, #tpu.memory_space<vmem>>) target_semaphore(%run_scoped3A : memref<!tpu.dma_semaphore, #tpu.memory_space<semaphore_mem>>)
      %dma_wait3A_98 = tpu.memref_slice %arg4[%mul3A_2] : memref<212992xi32, #tpu.memory_space<hbm>> -> memref<6656xi32, #tpu.memory_space<hbm>>
      %dma_wait3A_99 = tpu.memref_slice %arg4[%mul3A_2] : memref<212992xi32, #tpu.memory_space<hbm>> -> memref<6656xi32, #tpu.memory_space<hbm>>
      tpu.wait_dma2 semaphore(%run_scoped3A : memref<!tpu.dma_semaphore, #tpu.memory_space<semaphore_mem>>) src(%dma_wait3A_99 : memref<6656xi32, #tpu.memory_space<hbm>>) dst(%arg7 : memref<6656xi32, #tpu.memory_space<vmem>>)
      tpu.yield
    }) : () -> ()
    %iota3A = tpu.iota {dimensions = array<i32: 0>} : vector<16xi32>
    %dma_start3A = arith.constant 0 : i32
    %dma_start3A_3 = tpu.memref_slice %arg7[%dma_start3A] : memref<6656xi32, #tpu.memory_space<vmem>> -> memref<1664xi32, #tpu.memory_space<vmem>>
    %dma_start3A_4 = arith.constant 0 : i32
    %dma_start3A_5 = arith.constant 0 : i32
    %dma_start3A_6 = tpu.memref_slice %arg2[%dma_start3A_4, %dma_start3A_5] : memref<1000000x16xf32, #tpu.memory_space<hbm>> -> memref<1000000x16xf32, #tpu.memory_space<hbm>>
    tpu.enqueue_indirect_dma source(%dma_start3A_6 : memref<1000000x16xf32, #tpu.memory_space<hbm>>) target(%arg8 : memref<1664x16xf32, #tpu.memory_space<vmem>>) offsets(%dma_start3A_3 : memref<1664xi32, #tpu.memory_space<vmem>>) semaphore(%arg12 : memref<!tpu.dma_semaphore, #tpu.memory_space<semaphore_mem>>)
    %parallel_loop3A = arith.constant 0 : i32
    %parallel_loop3A_7 = arith.constant 104 : i32
    %parallel_loop3A_8 = arith.constant 1 : i32
    scf.for %parallel_loop3A_96 = %parallel_loop3A to %parallel_loop3A_7 step %parallel_loop3A_8  : i32 {
      %parallel_loop3A_97 = arith.constant 16 : i32
      %parallel_loop3A_98 = arith.muli %parallel_loop3A_96, %parallel_loop3A_97 : i32
      %parallel_loop3A_99 = arith.constant 0 : i32
      %parallel_loop3A_100 = arith.addi %parallel_loop3A_99, %parallel_loop3A_98 : i32
      %parallel_loop3A_101 = arith.index_cast %parallel_loop3A_100 : i32 to index
      %parallel_loop3A_102 = tpu.vector_load %arg7[%parallel_loop3A_101] {strides = array<i32>} : memref<6656xi32, #tpu.memory_space<vmem>>, vector<16xi32>,
      %parallel_loop3A_103 = arith.constant 4 : i32
      %parallel_loop3A_104 = vector.broadcast %parallel_loop3A_103 : i32 to vector<16xi32>
      %parallel_loop3A_105 = arith.shrui %parallel_loop3A_102, %parallel_loop3A_104 : vector<16xi32>
      %parallel_loop3A_106 = arith.constant 16 : i32
      %parallel_loop3A_107 = arith.muli %parallel_loop3A_96, %parallel_loop3A_106 : i32
      %parallel_loop3A_108 = arith.index_cast %parallel_loop3A_107 : i32 to index
      %parallel_loop3A_109 = tpu.vector_load %arg10[%parallel_loop3A_108] {strides = array<i32>} : memref<1664xi32, #tpu.memory_space<vmem>>, vector<16xi32>,
      tpu.vector_store %arg10[%parallel_loop3A_108], %parallel_loop3A_105 {strides = array<i32>} : memref<1664xi32, #tpu.memory_space<vmem>>, vector<16xi32>,
    } {sc.loop_unroll_factor = 4 : i64, sc.parallel_access}
    %dma_start3A_9 = arith.constant 0 : i32
    %dma_start3A_10 = arith.constant 0 : i32
    %dma_start3A_11 = tpu.memref_slice %arg3[%dma_start3A_9, %dma_start3A_10] : memref<62500x16xf32, #tpu.memory_space<hbm>> -> memref<62500x16xf32, #tpu.memory_space<hbm>>
    tpu.enqueue_indirect_dma source(%dma_start3A_11 : memref<62500x16xf32, #tpu.memory_space<hbm>>) target(%arg9 : memref<1664x16xf32, #tpu.memory_space<vmem>>) offsets(%arg10 : memref<1664xi32, #tpu.memory_space<vmem>>) semaphore(%arg13 : memref<!tpu.dma_semaphore, #tpu.memory_space<semaphore_mem>>)
    %dma_wait3A = arith.constant 0 : i32
    %dma_wait3A_12 = arith.constant 0 : i32
    %dma_wait3A_13 = tpu.memref_slice %arg3[%dma_wait3A, %dma_wait3A_12] : memref<62500x16xf32, #tpu.memory_space<hbm>> -> memref<62500x16xf32, #tpu.memory_space<hbm>>
    tpu.wait_indirect_dma semaphore(%arg13 : memref<!tpu.dma_semaphore, #tpu.memory_space<semaphore_mem>>) src(%dma_wait3A_13 : memref<62500x16xf32, #tpu.memory_space<hbm>>) dst(%arg9 : memref<1664x16xf32, #tpu.memory_space<vmem>>)
    %parallel_loop3A_14 = arith.constant 0 : i32
    %parallel_loop3A_15 = arith.constant 104 : i32
    %parallel_loop3A_16 = arith.constant 1 : i32
    scf.for %parallel_loop3A_96 = %parallel_loop3A_14 to %parallel_loop3A_15 step %parallel_loop3A_16  : i32 {
      %parallel_loop3A_97 = arith.constant 16 : i32
      %parallel_loop3A_98 = arith.muli %parallel_loop3A_96, %parallel_loop3A_97 : i32
      %parallel_loop3A_99 = arith.constant 0 : i32
      %parallel_loop3A_100 = arith.addi %parallel_loop3A_99, %parallel_loop3A_98 : i32
      %parallel_loop3A_101 = arith.index_cast %parallel_loop3A_100 : i32 to index
      %parallel_loop3A_102 = tpu.vector_load %arg7[%parallel_loop3A_101] {strides = array<i32>} : memref<6656xi32, #tpu.memory_space<vmem>>, vector<16xi32>,
      %parallel_loop3A_103 = arith.constant 16 : i32
      %parallel_loop3A_104 = arith.muli %parallel_loop3A_96, %parallel_loop3A_103 : i32
      %parallel_loop3A_105 = vector.broadcast %parallel_loop3A_104 : i32 to vector<16xi32>
      %parallel_loop3A_106 = arith.addi %parallel_loop3A_105, %iota3A : vector<16xi32>
      %parallel_loop3A_107 = arith.constant 15 : i32
      %parallel_loop3A_108 = vector.broadcast %parallel_loop3A_107 : i32 to vector<16xi32>
      %parallel_loop3A_109 = arith.andi %parallel_loop3A_102, %parallel_loop3A_108 : vector<16xi32>
      %parallel_loop3A_110 = tpu.vector_load_idx %arg9[%parallel_loop3A_106, %parallel_loop3A_109] : memref<1664x16xf32, #tpu.memory_space<vmem>>[vector<16xi32>, vector<16xi32>], vector<16xf32>,
      %parallel_loop3A_111 = arith.constant 16 : i32
      %parallel_loop3A_112 = arith.muli %parallel_loop3A_96, %parallel_loop3A_111 : i32
      %parallel_loop3A_113 = arith.index_cast %parallel_loop3A_112 : i32 to index
      %parallel_loop3A_114 = tpu.vector_load %arg11[%parallel_loop3A_113] {strides = array<i32>} : memref<1664xf32, #tpu.memory_space<vmem>>, vector<16xf32>,
      tpu.vector_store %arg11[%parallel_loop3A_113], %parallel_loop3A_110 {strides = array<i32>} : memref<1664xf32, #tpu.memory_space<vmem>>, vector<16xf32>,
    } {sc.loop_unroll_factor = 4 : i64, sc.parallel_access}
    %dma_wait3A_17 = arith.constant 0 : i32
    %dma_wait3A_18 = tpu.memref_slice %arg7[%dma_wait3A_17] : memref<6656xi32, #tpu.memory_space<vmem>> -> memref<1664xi32, #tpu.memory_space<vmem>>
    %dma_wait3A_19 = arith.constant 0 : i32
    %dma_wait3A_20 = arith.constant 0 : i32
    %dma_wait3A_21 = tpu.memref_slice %arg2[%dma_wait3A_19, %dma_wait3A_20] : memref<1000000x16xf32, #tpu.memory_space<hbm>> -> memref<1000000x16xf32, #tpu.memory_space<hbm>>
    tpu.wait_indirect_dma semaphore(%arg12 : memref<!tpu.dma_semaphore, #tpu.memory_space<semaphore_mem>>) src(%dma_wait3A_21 : memref<1000000x16xf32, #tpu.memory_space<hbm>>) dst(%arg8 : memref<1664x16xf32, #tpu.memory_space<vmem>>)
    %add3A_22 = arith.constant 0 : i32
    %add3A_23 = arith.addi %mul3A_2, %add3A_22 : i32
    "tpu.region"() ({
      %run_scoped3A = tpu.sem_alloc : memref<!tpu.dma_semaphore, #tpu.memory_space<semaphore_mem>>
      %dma_start3A_96 = arith.constant 0 : i32
      %dma_start3A_97 = tpu.memref_slice %arg5[%add3A_23, %dma_start3A_96] : memref<212992x16xf32, #tpu.memory_space<hbm>> -> memref<1664x16xf32, #tpu.memory_space<hbm>>
      %dma_start3A_98 = arith.constant 0 : i32
      %dma_start3A_99 = tpu.memref_slice %arg5[%add3A_23, %dma_start3A_98] : memref<212992x16xf32, #tpu.memory_space<hbm>> -> memref<1664x16xf32, #tpu.memory_space<hbm>>
      tpu.enqueue_dma source(%arg8 : memref<1664x16xf32, #tpu.memory_space<vmem>>) target(%dma_start3A_99 : memref<1664x16xf32, #tpu.memory_space<hbm>>) target_semaphore(%run_scoped3A : memref<!tpu.dma_semaphore, #tpu.memory_space<semaphore_mem>>)
      %dma_wait3A_100 = arith.constant 0 : i32
      %dma_wait3A_101 = tpu.memref_slice %arg5[%add3A_23, %dma_wait3A_100] : memref<212992x16xf32, #tpu.memory_space<hbm>> -> memref<1664x16xf32, #tpu.memory_space<hbm>>
      %dma_wait3A_102 = arith.constant 0 : i32
      %dma_wait3A_103 = tpu.memref_slice %arg5[%add3A_23, %dma_wait3A_102] : memref<212992x16xf32, #tpu.memory_space<hbm>> -> memref<1664x16xf32, #tpu.memory_space<hbm>>
      tpu.wait_dma2 semaphore(%run_scoped3A : memref<!tpu.dma_semaphore, #tpu.memory_space<semaphore_mem>>) src(%arg8 : memref<1664x16xf32, #tpu.memory_space<vmem>>) dst(%dma_wait3A_103 : memref<1664x16xf32, #tpu.memory_space<hbm>>)
      tpu.yield
    }) : () -> ()
    "tpu.region"() ({
      %run_scoped3A = tpu.sem_alloc : memref<!tpu.dma_semaphore, #tpu.memory_space<semaphore_mem>>
      %dma_start3A_96 = tpu.memref_slice %arg6[%add3A_23] : memref<212992xf32, #tpu.memory_space<hbm>> -> memref<1664xf32, #tpu.memory_space<hbm>>
      %dma_start3A_97 = tpu.memref_slice %arg6[%add3A_23] : memref<212992xf32, #tpu.memory_space<hbm>> -> memref<1664xf32, #tpu.memory_space<hbm>>
      tpu.enqueue_dma source(%arg11 : memref<1664xf32, #tpu.memory_space<vmem>>) target(%dma_start3A_97 : memref<1664xf32, #tpu.memory_space<hbm>>) target_semaphore(%run_scoped3A : memref<!tpu.dma_semaphore, #tpu.memory_space<semaphore_mem>>)
      %dma_wait3A_98 = tpu.memref_slice %arg6[%add3A_23] : memref<212992xf32, #tpu.memory_space<hbm>> -> memref<1664xf32, #tpu.memory_space<hbm>>
      %dma_wait3A_99 = tpu.memref_slice %arg6[%add3A_23] : memref<212992xf32, #tpu.memory_space<hbm>> -> memref<1664xf32, #tpu.memory_space<hbm>>
      tpu.wait_dma2 semaphore(%run_scoped3A : memref<!tpu.dma_semaphore, #tpu.memory_space<semaphore_mem>>) src(%arg11 : memref<1664xf32, #tpu.memory_space<vmem>>) dst(%dma_wait3A_99 : memref<1664xf32, #tpu.memory_space<hbm>>)
      tpu.yield
    }) : () -> ()
    %dma_start3A_24 = arith.constant 1664 : i32
    %dma_start3A_25 = tpu.memref_slice %arg7[%dma_start3A_24] : memref<6656xi32, #tpu.memory_space<vmem>> -> memref<1664xi32, #tpu.memory_space<vmem>>
    %dma_start3A_26 = arith.constant 0 : i32
    %dma_start3A_27 = arith.constant 0 : i32
    %dma_start3A_28 = tpu.memref_slice %arg2[%dma_start3A_26, %dma_start3A_27] : memref<1000000x16xf32, #tpu.memory_space<hbm>> -> memref<1000000x16xf32, #tpu.memory_space<hbm>>
    tpu.enqueue_indirect_dma source(%dma_start3A_28 : memref<1000000x16xf32, #tpu.memory_space<hbm>>) target(%arg8 : memref<1664x16xf32, #tpu.memory_space<vmem>>) offsets(%dma_start3A_25 : memref<1664xi32, #tpu.memory_space<vmem>>) semaphore(%arg12 : memref<!tpu.dma_semaphore, #tpu.memory_space<semaphore_mem>>)
    %parallel_loop3A_29 = arith.constant 0 : i32
    %parallel_loop3A_30 = arith.constant 104 : i32
    %parallel_loop3A_31 = arith.constant 1 : i32
    scf.for %parallel_loop3A_96 = %parallel_loop3A_29 to %parallel_loop3A_30 step %parallel_loop3A_31  : i32 {
      %parallel_loop3A_97 = arith.constant 16 : i32
      %parallel_loop3A_98 = arith.muli %parallel_loop3A_96, %parallel_loop3A_97 : i32
      %parallel_loop3A_99 = arith.constant 1664 : i32
      %parallel_loop3A_100 = arith.addi %parallel_loop3A_99, %parallel_loop3A_98 : i32
      %parallel_loop3A_101 = arith.index_cast %parallel_loop3A_100 : i32 to index
      %parallel_loop3A_102 = tpu.vector_load %arg7[%parallel_loop3A_101] {strides = array<i32>} : memref<6656xi32, #tpu.memory_space<vmem>>, vector<16xi32>,
      %parallel_loop3A_103 = arith.constant 4 : i32
      %parallel_loop3A_104 = vector.broadcast %parallel_loop3A_103 : i32 to vector<16xi32>
      %parallel_loop3A_105 = arith.shrui %parallel_loop3A_102, %parallel_loop3A_104 : vector<16xi32>
      %parallel_loop3A_106 = arith.constant 16 : i32
      %parallel_loop3A_107 = arith.muli %parallel_loop3A_96, %parallel_loop3A_106 : i32
      %parallel_loop3A_108 = arith.index_cast %parallel_loop3A_107 : i32 to index
      %parallel_loop3A_109 = tpu.vector_load %arg10[%parallel_loop3A_108] {strides = array<i32>} : memref<1664xi32, #tpu.memory_space<vmem>>, vector<16xi32>,
      tpu.vector_store %arg10[%parallel_loop3A_108], %parallel_loop3A_105 {strides = array<i32>} : memref<1664xi32, #tpu.memory_space<vmem>>, vector<16xi32>,
    } {sc.loop_unroll_factor = 4 : i64, sc.parallel_access}
    %dma_start3A_32 = arith.constant 0 : i32
    %dma_start3A_33 = arith.constant 0 : i32
    %dma_start3A_34 = tpu.memref_slice %arg3[%dma_start3A_32, %dma_start3A_33] : memref<62500x16xf32, #tpu.memory_space<hbm>> -> memref<62500x16xf32, #tpu.memory_space<hbm>>
    tpu.enqueue_indirect_dma source(%dma_start3A_34 : memref<62500x16xf32, #tpu.memory_space<hbm>>) target(%arg9 : memref<1664x16xf32, #tpu.memory_space<vmem>>) offsets(%arg10 : memref<1664xi32, #tpu.memory_space<vmem>>) semaphore(%arg13 : memref<!tpu.dma_semaphore, #tpu.memory_space<semaphore_mem>>)
    %dma_wait3A_35 = arith.constant 0 : i32
    %dma_wait3A_36 = arith.constant 0 : i32
    %dma_wait3A_37 = tpu.memref_slice %arg3[%dma_wait3A_35, %dma_wait3A_36] : memref<62500x16xf32, #tpu.memory_space<hbm>> -> memref<62500x16xf32, #tpu.memory_space<hbm>>
    tpu.wait_indirect_dma semaphore(%arg13 : memref<!tpu.dma_semaphore, #tpu.memory_space<semaphore_mem>>) src(%dma_wait3A_37 : memref<62500x16xf32, #tpu.memory_space<hbm>>) dst(%arg9 : memref<1664x16xf32, #tpu.memory_space<vmem>>)
    %parallel_loop3A_38 = arith.constant 0 : i32
    %parallel_loop3A_39 = arith.constant 104 : i32
    %parallel_loop3A_40 = arith.constant 1 : i32
    scf.for %parallel_loop3A_96 = %parallel_loop3A_38 to %parallel_loop3A_39 step %parallel_loop3A_40  : i32 {
      %parallel_loop3A_97 = arith.constant 16 : i32
      %parallel_loop3A_98 = arith.muli %parallel_loop3A_96, %parallel_loop3A_97 : i32
      %parallel_loop3A_99 = arith.constant 1664 : i32
      %parallel_loop3A_100 = arith.addi %parallel_loop3A_99, %parallel_loop3A_98 : i32
      %parallel_loop3A_101 = arith.index_cast %parallel_loop3A_100 : i32 to index
      %parallel_loop3A_102 = tpu.vector_load %arg7[%parallel_loop3A_101] {strides = array<i32>} : memref<6656xi32, #tpu.memory_space<vmem>>, vector<16xi32>,
      %parallel_loop3A_103 = arith.constant 16 : i32
      %parallel_loop3A_104 = arith.muli %parallel_loop3A_96, %parallel_loop3A_103 : i32
      %parallel_loop3A_105 = vector.broadcast %parallel_loop3A_104 : i32 to vector<16xi32>
      %parallel_loop3A_106 = arith.addi %parallel_loop3A_105, %iota3A : vector<16xi32>
      %parallel_loop3A_107 = arith.constant 15 : i32
      %parallel_loop3A_108 = vector.broadcast %parallel_loop3A_107 : i32 to vector<16xi32>
      %parallel_loop3A_109 = arith.andi %parallel_loop3A_102, %parallel_loop3A_108 : vector<16xi32>
      %parallel_loop3A_110 = tpu.vector_load_idx %arg9[%parallel_loop3A_106, %parallel_loop3A_109] : memref<1664x16xf32, #tpu.memory_space<vmem>>[vector<16xi32>, vector<16xi32>], vector<16xf32>,
      %parallel_loop3A_111 = arith.constant 16 : i32
      %parallel_loop3A_112 = arith.muli %parallel_loop3A_96, %parallel_loop3A_111 : i32
      %parallel_loop3A_113 = arith.index_cast %parallel_loop3A_112 : i32 to index
      %parallel_loop3A_114 = tpu.vector_load %arg11[%parallel_loop3A_113] {strides = array<i32>} : memref<1664xf32, #tpu.memory_space<vmem>>, vector<16xf32>,
      tpu.vector_store %arg11[%parallel_loop3A_113], %parallel_loop3A_110 {strides = array<i32>} : memref<1664xf32, #tpu.memory_space<vmem>>, vector<16xf32>,
    } {sc.loop_unroll_factor = 4 : i64, sc.parallel_access}
    %dma_wait3A_41 = arith.constant 1664 : i32
    %dma_wait3A_42 = tpu.memref_slice %arg7[%dma_wait3A_41] : memref<6656xi32, #tpu.memory_space<vmem>> -> memref<1664xi32, #tpu.memory_space<vmem>>
    %dma_wait3A_43 = arith.constant 0 : i32
    %dma_wait3A_44 = arith.constant 0 : i32
    %dma_wait3A_45 = tpu.memref_slice %arg2[%dma_wait3A_43, %dma_wait3A_44] : memref<1000000x16xf32, #tpu.memory_space<hbm>> -> memref<1000000x16xf32, #tpu.memory_space<hbm>>
    tpu.wait_indirect_dma semaphore(%arg12 : memref<!tpu.dma_semaphore, #tpu.memory_space<semaphore_mem>>) src(%dma_wait3A_45 : memref<1000000x16xf32, #tpu.memory_space<hbm>>) dst(%arg8 : memref<1664x16xf32, #tpu.memory_space<vmem>>)
    %add3A_46 = arith.constant 1664 : i32
    %add3A_47 = arith.addi %mul3A_2, %add3A_46 : i32
    "tpu.region"() ({
      %run_scoped3A = tpu.sem_alloc : memref<!tpu.dma_semaphore, #tpu.memory_space<semaphore_mem>>
      %dma_start3A_96 = arith.constant 0 : i32
      %dma_start3A_97 = tpu.memref_slice %arg5[%add3A_47, %dma_start3A_96] : memref<212992x16xf32, #tpu.memory_space<hbm>> -> memref<1664x16xf32, #tpu.memory_space<hbm>>
      %dma_start3A_98 = arith.constant 0 : i32
      %dma_start3A_99 = tpu.memref_slice %arg5[%add3A_47, %dma_start3A_98] : memref<212992x16xf32, #tpu.memory_space<hbm>> -> memref<1664x16xf32, #tpu.memory_space<hbm>>
      tpu.enqueue_dma source(%arg8 : memref<1664x16xf32, #tpu.memory_space<vmem>>) target(%dma_start3A_99 : memref<1664x16xf32, #tpu.memory_space<hbm>>) target_semaphore(%run_scoped3A : memref<!tpu.dma_semaphore, #tpu.memory_space<semaphore_mem>>)
      %dma_wait3A_100 = arith.constant 0 : i32
      %dma_wait3A_101 = tpu.memref_slice %arg5[%add3A_47, %dma_wait3A_100] : memref<212992x16xf32, #tpu.memory_space<hbm>> -> memref<1664x16xf32, #tpu.memory_space<hbm>>
      %dma_wait3A_102 = arith.constant 0 : i32
      %dma_wait3A_103 = tpu.memref_slice %arg5[%add3A_47, %dma_wait3A_102] : memref<212992x16xf32, #tpu.memory_space<hbm>> -> memref<1664x16xf32, #tpu.memory_space<hbm>>
      tpu.wait_dma2 semaphore(%run_scoped3A : memref<!tpu.dma_semaphore, #tpu.memory_space<semaphore_mem>>) src(%arg8 : memref<1664x16xf32, #tpu.memory_space<vmem>>) dst(%dma_wait3A_103 : memref<1664x16xf32, #tpu.memory_space<hbm>>)
      tpu.yield
    }) : () -> ()
    "tpu.region"() ({
      %run_scoped3A = tpu.sem_alloc : memref<!tpu.dma_semaphore, #tpu.memory_space<semaphore_mem>>
      %dma_start3A_96 = tpu.memref_slice %arg6[%add3A_47] : memref<212992xf32, #tpu.memory_space<hbm>> -> memref<1664xf32, #tpu.memory_space<hbm>>
      %dma_start3A_97 = tpu.memref_slice %arg6[%add3A_47] : memref<212992xf32, #tpu.memory_space<hbm>> -> memref<1664xf32, #tpu.memory_space<hbm>>
      tpu.enqueue_dma source(%arg11 : memref<1664xf32, #tpu.memory_space<vmem>>) target(%dma_start3A_97 : memref<1664xf32, #tpu.memory_space<hbm>>) target_semaphore(%run_scoped3A : memref<!tpu.dma_semaphore, #tpu.memory_space<semaphore_mem>>)
      %dma_wait3A_98 = tpu.memref_slice %arg6[%add3A_47] : memref<212992xf32, #tpu.memory_space<hbm>> -> memref<1664xf32, #tpu.memory_space<hbm>>
      %dma_wait3A_99 = tpu.memref_slice %arg6[%add3A_47] : memref<212992xf32, #tpu.memory_space<hbm>> -> memref<1664xf32, #tpu.memory_space<hbm>>
      tpu.wait_dma2 semaphore(%run_scoped3A : memref<!tpu.dma_semaphore, #tpu.memory_space<semaphore_mem>>) src(%arg11 : memref<1664xf32, #tpu.memory_space<vmem>>) dst(%dma_wait3A_99 : memref<1664xf32, #tpu.memory_space<hbm>>)
      tpu.yield
    }) : () -> ()
    %dma_start3A_48 = arith.constant 3328 : i32
    %dma_start3A_49 = tpu.memref_slice %arg7[%dma_start3A_48] : memref<6656xi32, #tpu.memory_space<vmem>> -> memref<1664xi32, #tpu.memory_space<vmem>>
    %dma_start3A_50 = arith.constant 0 : i32
    %dma_start3A_51 = arith.constant 0 : i32
    %dma_start3A_52 = tpu.memref_slice %arg2[%dma_start3A_50, %dma_start3A_51] : memref<1000000x16xf32, #tpu.memory_space<hbm>> -> memref<1000000x16xf32, #tpu.memory_space<hbm>>
    tpu.enqueue_indirect_dma source(%dma_start3A_52 : memref<1000000x16xf32, #tpu.memory_space<hbm>>) target(%arg8 : memref<1664x16xf32, #tpu.memory_space<vmem>>) offsets(%dma_start3A_49 : memref<1664xi32, #tpu.memory_space<vmem>>) semaphore(%arg12 : memref<!tpu.dma_semaphore, #tpu.memory_space<semaphore_mem>>)
    %parallel_loop3A_53 = arith.constant 0 : i32
    %parallel_loop3A_54 = arith.constant 104 : i32
    %parallel_loop3A_55 = arith.constant 1 : i32
    scf.for %parallel_loop3A_96 = %parallel_loop3A_53 to %parallel_loop3A_54 step %parallel_loop3A_55  : i32 {
      %parallel_loop3A_97 = arith.constant 16 : i32
      %parallel_loop3A_98 = arith.muli %parallel_loop3A_96, %parallel_loop3A_97 : i32
      %parallel_loop3A_99 = arith.constant 3328 : i32
      %parallel_loop3A_100 = arith.addi %parallel_loop3A_99, %parallel_loop3A_98 : i32
      %parallel_loop3A_101 = arith.index_cast %parallel_loop3A_100 : i32 to index
      %parallel_loop3A_102 = tpu.vector_load %arg7[%parallel_loop3A_101] {strides = array<i32>} : memref<6656xi32, #tpu.memory_space<vmem>>, vector<16xi32>,
      %parallel_loop3A_103 = arith.constant 4 : i32
      %parallel_loop3A_104 = vector.broadcast %parallel_loop3A_103 : i32 to vector<16xi32>
      %parallel_loop3A_105 = arith.shrui %parallel_loop3A_102, %parallel_loop3A_104 : vector<16xi32>
      %parallel_loop3A_106 = arith.constant 16 : i32
      %parallel_loop3A_107 = arith.muli %parallel_loop3A_96, %parallel_loop3A_106 : i32
      %parallel_loop3A_108 = arith.index_cast %parallel_loop3A_107 : i32 to index
      %parallel_loop3A_109 = tpu.vector_load %arg10[%parallel_loop3A_108] {strides = array<i32>} : memref<1664xi32, #tpu.memory_space<vmem>>, vector<16xi32>,
      tpu.vector_store %arg10[%parallel_loop3A_108], %parallel_loop3A_105 {strides = array<i32>} : memref<1664xi32, #tpu.memory_space<vmem>>, vector<16xi32>,
    } {sc.loop_unroll_factor = 4 : i64, sc.parallel_access}
    %dma_start3A_56 = arith.constant 0 : i32
    %dma_start3A_57 = arith.constant 0 : i32
    %dma_start3A_58 = tpu.memref_slice %arg3[%dma_start3A_56, %dma_start3A_57] : memref<62500x16xf32, #tpu.memory_space<hbm>> -> memref<62500x16xf32, #tpu.memory_space<hbm>>
    tpu.enqueue_indirect_dma source(%dma_start3A_58 : memref<62500x16xf32, #tpu.memory_space<hbm>>) target(%arg9 : memref<1664x16xf32, #tpu.memory_space<vmem>>) offsets(%arg10 : memref<1664xi32, #tpu.memory_space<vmem>>) semaphore(%arg13 : memref<!tpu.dma_semaphore, #tpu.memory_space<semaphore_mem>>)
    %dma_wait3A_59 = arith.constant 0 : i32
    %dma_wait3A_60 = arith.constant 0 : i32
    %dma_wait3A_61 = tpu.memref_slice %arg3[%dma_wait3A_59, %dma_wait3A_60] : memref<62500x16xf32, #tpu.memory_space<hbm>> -> memref<62500x16xf32, #tpu.memory_space<hbm>>
    tpu.wait_indirect_dma semaphore(%arg13 : memref<!tpu.dma_semaphore, #tpu.memory_space<semaphore_mem>>) src(%dma_wait3A_61 : memref<62500x16xf32, #tpu.memory_space<hbm>>) dst(%arg9 : memref<1664x16xf32, #tpu.memory_space<vmem>>)
    %parallel_loop3A_62 = arith.constant 0 : i32
    %parallel_loop3A_63 = arith.constant 104 : i32
    %parallel_loop3A_64 = arith.constant 1 : i32
    scf.for %parallel_loop3A_96 = %parallel_loop3A_62 to %parallel_loop3A_63 step %parallel_loop3A_64  : i32 {
      %parallel_loop3A_97 = arith.constant 16 : i32
      %parallel_loop3A_98 = arith.muli %parallel_loop3A_96, %parallel_loop3A_97 : i32
      %parallel_loop3A_99 = arith.constant 3328 : i32
      %parallel_loop3A_100 = arith.addi %parallel_loop3A_99, %parallel_loop3A_98 : i32
      %parallel_loop3A_101 = arith.index_cast %parallel_loop3A_100 : i32 to index
      %parallel_loop3A_102 = tpu.vector_load %arg7[%parallel_loop3A_101] {strides = array<i32>} : memref<6656xi32, #tpu.memory_space<vmem>>, vector<16xi32>,
      %parallel_loop3A_103 = arith.constant 16 : i32
      %parallel_loop3A_104 = arith.muli %parallel_loop3A_96, %parallel_loop3A_103 : i32
      %parallel_loop3A_105 = vector.broadcast %parallel_loop3A_104 : i32 to vector<16xi32>
      %parallel_loop3A_106 = arith.addi %parallel_loop3A_105, %iota3A : vector<16xi32>
      %parallel_loop3A_107 = arith.constant 15 : i32
      %parallel_loop3A_108 = vector.broadcast %parallel_loop3A_107 : i32 to vector<16xi32>
      %parallel_loop3A_109 = arith.andi %parallel_loop3A_102, %parallel_loop3A_108 : vector<16xi32>
      %parallel_loop3A_110 = tpu.vector_load_idx %arg9[%parallel_loop3A_106, %parallel_loop3A_109] : memref<1664x16xf32, #tpu.memory_space<vmem>>[vector<16xi32>, vector<16xi32>], vector<16xf32>,
      %parallel_loop3A_111 = arith.constant 16 : i32
      %parallel_loop3A_112 = arith.muli %parallel_loop3A_96, %parallel_loop3A_111 : i32
      %parallel_loop3A_113 = arith.index_cast %parallel_loop3A_112 : i32 to index
      %parallel_loop3A_114 = tpu.vector_load %arg11[%parallel_loop3A_113] {strides = array<i32>} : memref<1664xf32, #tpu.memory_space<vmem>>, vector<16xf32>,
      tpu.vector_store %arg11[%parallel_loop3A_113], %parallel_loop3A_110 {strides = array<i32>} : memref<1664xf32, #tpu.memory_space<vmem>>, vector<16xf32>,
    } {sc.loop_unroll_factor = 4 : i64, sc.parallel_access}
    %dma_wait3A_65 = arith.constant 3328 : i32
    %dma_wait3A_66 = tpu.memref_slice %arg7[%dma_wait3A_65] : memref<6656xi32, #tpu.memory_space<vmem>> -> memref<1664xi32, #tpu.memory_space<vmem>>
    %dma_wait3A_67 = arith.constant 0 : i32
    %dma_wait3A_68 = arith.constant 0 : i32
    %dma_wait3A_69 = tpu.memref_slice %arg2[%dma_wait3A_67, %dma_wait3A_68] : memref<1000000x16xf32, #tpu.memory_space<hbm>> -> memref<1000000x16xf32, #tpu.memory_space<hbm>>
    tpu.wait_indirect_dma semaphore(%arg12 : memref<!tpu.dma_semaphore, #tpu.memory_space<semaphore_mem>>) src(%dma_wait3A_69 : memref<1000000x16xf32, #tpu.memory_space<hbm>>) dst(%arg8 : memref<1664x16xf32, #tpu.memory_space<vmem>>)
    %add3A_70 = arith.constant 3328 : i32
    %add3A_71 = arith.addi %mul3A_2, %add3A_70 : i32
    "tpu.region"() ({
      %run_scoped3A = tpu.sem_alloc : memref<!tpu.dma_semaphore, #tpu.memory_space<semaphore_mem>>
      %dma_start3A_96 = arith.constant 0 : i32
      %dma_start3A_97 = tpu.memref_slice %arg5[%add3A_71, %dma_start3A_96] : memref<212992x16xf32, #tpu.memory_space<hbm>> -> memref<1664x16xf32, #tpu.memory_space<hbm>>
      %dma_start3A_98 = arith.constant 0 : i32
      %dma_start3A_99 = tpu.memref_slice %arg5[%add3A_71, %dma_start3A_98] : memref<212992x16xf32, #tpu.memory_space<hbm>> -> memref<1664x16xf32, #tpu.memory_space<hbm>>
      tpu.enqueue_dma source(%arg8 : memref<1664x16xf32, #tpu.memory_space<vmem>>) target(%dma_start3A_99 : memref<1664x16xf32, #tpu.memory_space<hbm>>) target_semaphore(%run_scoped3A : memref<!tpu.dma_semaphore, #tpu.memory_space<semaphore_mem>>)
      %dma_wait3A_100 = arith.constant 0 : i32
      %dma_wait3A_101 = tpu.memref_slice %arg5[%add3A_71, %dma_wait3A_100] : memref<212992x16xf32, #tpu.memory_space<hbm>> -> memref<1664x16xf32, #tpu.memory_space<hbm>>
      %dma_wait3A_102 = arith.constant 0 : i32
      %dma_wait3A_103 = tpu.memref_slice %arg5[%add3A_71, %dma_wait3A_102] : memref<212992x16xf32, #tpu.memory_space<hbm>> -> memref<1664x16xf32, #tpu.memory_space<hbm>>
      tpu.wait_dma2 semaphore(%run_scoped3A : memref<!tpu.dma_semaphore, #tpu.memory_space<semaphore_mem>>) src(%arg8 : memref<1664x16xf32, #tpu.memory_space<vmem>>) dst(%dma_wait3A_103 : memref<1664x16xf32, #tpu.memory_space<hbm>>)
      tpu.yield
    }) : () -> ()
    "tpu.region"() ({
      %run_scoped3A = tpu.sem_alloc : memref<!tpu.dma_semaphore, #tpu.memory_space<semaphore_mem>>
      %dma_start3A_96 = tpu.memref_slice %arg6[%add3A_71] : memref<212992xf32, #tpu.memory_space<hbm>> -> memref<1664xf32, #tpu.memory_space<hbm>>
      %dma_start3A_97 = tpu.memref_slice %arg6[%add3A_71] : memref<212992xf32, #tpu.memory_space<hbm>> -> memref<1664xf32, #tpu.memory_space<hbm>>
      tpu.enqueue_dma source(%arg11 : memref<1664xf32, #tpu.memory_space<vmem>>) target(%dma_start3A_97 : memref<1664xf32, #tpu.memory_space<hbm>>) target_semaphore(%run_scoped3A : memref<!tpu.dma_semaphore, #tpu.memory_space<semaphore_mem>>)
      %dma_wait3A_98 = tpu.memref_slice %arg6[%add3A_71] : memref<212992xf32, #tpu.memory_space<hbm>> -> memref<1664xf32, #tpu.memory_space<hbm>>
      %dma_wait3A_99 = tpu.memref_slice %arg6[%add3A_71] : memref<212992xf32, #tpu.memory_space<hbm>> -> memref<1664xf32, #tpu.memory_space<hbm>>
      tpu.wait_dma2 semaphore(%run_scoped3A : memref<!tpu.dma_semaphore, #tpu.memory_space<semaphore_mem>>) src(%arg11 : memref<1664xf32, #tpu.memory_space<vmem>>) dst(%dma_wait3A_99 : memref<1664xf32, #tpu.memory_space<hbm>>)
      tpu.yield
    }) : () -> ()
    %dma_start3A_72 = arith.constant 4992 : i32
    %dma_start3A_73 = tpu.memref_slice %arg7[%dma_start3A_72] : memref<6656xi32, #tpu.memory_space<vmem>> -> memref<1664xi32, #tpu.memory_space<vmem>>
    %dma_start3A_74 = arith.constant 0 : i32
    %dma_start3A_75 = arith.constant 0 : i32
    %dma_start3A_76 = tpu.memref_slice %arg2[%dma_start3A_74, %dma_start3A_75] : memref<1000000x16xf32, #tpu.memory_space<hbm>> -> memref<1000000x16xf32, #tpu.memory_space<hbm>>
    tpu.enqueue_indirect_dma source(%dma_start3A_76 : memref<1000000x16xf32, #tpu.memory_space<hbm>>) target(%arg8 : memref<1664x16xf32, #tpu.memory_space<vmem>>) offsets(%dma_start3A_73 : memref<1664xi32, #tpu.memory_space<vmem>>) semaphore(%arg12 : memref<!tpu.dma_semaphore, #tpu.memory_space<semaphore_mem>>)
    %parallel_loop3A_77 = arith.constant 0 : i32
    %parallel_loop3A_78 = arith.constant 104 : i32
    %parallel_loop3A_79 = arith.constant 1 : i32
    scf.for %parallel_loop3A_96 = %parallel_loop3A_77 to %parallel_loop3A_78 step %parallel_loop3A_79  : i32 {
      %parallel_loop3A_97 = arith.constant 16 : i32
      %parallel_loop3A_98 = arith.muli %parallel_loop3A_96, %parallel_loop3A_97 : i32
      %parallel_loop3A_99 = arith.constant 4992 : i32
      %parallel_loop3A_100 = arith.addi %parallel_loop3A_99, %parallel_loop3A_98 : i32
      %parallel_loop3A_101 = arith.index_cast %parallel_loop3A_100 : i32 to index
      %parallel_loop3A_102 = tpu.vector_load %arg7[%parallel_loop3A_101] {strides = array<i32>} : memref<6656xi32, #tpu.memory_space<vmem>>, vector<16xi32>,
      %parallel_loop3A_103 = arith.constant 4 : i32
      %parallel_loop3A_104 = vector.broadcast %parallel_loop3A_103 : i32 to vector<16xi32>
      %parallel_loop3A_105 = arith.shrui %parallel_loop3A_102, %parallel_loop3A_104 : vector<16xi32>
      %parallel_loop3A_106 = arith.constant 16 : i32
      %parallel_loop3A_107 = arith.muli %parallel_loop3A_96, %parallel_loop3A_106 : i32
      %parallel_loop3A_108 = arith.index_cast %parallel_loop3A_107 : i32 to index
      %parallel_loop3A_109 = tpu.vector_load %arg10[%parallel_loop3A_108] {strides = array<i32>} : memref<1664xi32, #tpu.memory_space<vmem>>, vector<16xi32>,
      tpu.vector_store %arg10[%parallel_loop3A_108], %parallel_loop3A_105 {strides = array<i32>} : memref<1664xi32, #tpu.memory_space<vmem>>, vector<16xi32>,
    } {sc.loop_unroll_factor = 4 : i64, sc.parallel_access}
    %dma_start3A_80 = arith.constant 0 : i32
    %dma_start3A_81 = arith.constant 0 : i32
    %dma_start3A_82 = tpu.memref_slice %arg3[%dma_start3A_80, %dma_start3A_81] : memref<62500x16xf32, #tpu.memory_space<hbm>> -> memref<62500x16xf32, #tpu.memory_space<hbm>>
    tpu.enqueue_indirect_dma source(%dma_start3A_82 : memref<62500x16xf32, #tpu.memory_space<hbm>>) target(%arg9 : memref<1664x16xf32, #tpu.memory_space<vmem>>) offsets(%arg10 : memref<1664xi32, #tpu.memory_space<vmem>>) semaphore(%arg13 : memref<!tpu.dma_semaphore, #tpu.memory_space<semaphore_mem>>)
    %dma_wait3A_83 = arith.constant 0 : i32
    %dma_wait3A_84 = arith.constant 0 : i32
    %dma_wait3A_85 = tpu.memref_slice %arg3[%dma_wait3A_83, %dma_wait3A_84] : memref<62500x16xf32, #tpu.memory_space<hbm>> -> memref<62500x16xf32, #tpu.memory_space<hbm>>
    tpu.wait_indirect_dma semaphore(%arg13 : memref<!tpu.dma_semaphore, #tpu.memory_space<semaphore_mem>>) src(%dma_wait3A_85 : memref<62500x16xf32, #tpu.memory_space<hbm>>) dst(%arg9 : memref<1664x16xf32, #tpu.memory_space<vmem>>)
    %parallel_loop3A_86 = arith.constant 0 : i32
    %parallel_loop3A_87 = arith.constant 104 : i32
    %parallel_loop3A_88 = arith.constant 1 : i32
    scf.for %parallel_loop3A_96 = %parallel_loop3A_86 to %parallel_loop3A_87 step %parallel_loop3A_88  : i32 {
      %parallel_loop3A_97 = arith.constant 16 : i32
      %parallel_loop3A_98 = arith.muli %parallel_loop3A_96, %parallel_loop3A_97 : i32
      %parallel_loop3A_99 = arith.constant 4992 : i32
      %parallel_loop3A_100 = arith.addi %parallel_loop3A_99, %parallel_loop3A_98 : i32
      %parallel_loop3A_101 = arith.index_cast %parallel_loop3A_100 : i32 to index
      %parallel_loop3A_102 = tpu.vector_load %arg7[%parallel_loop3A_101] {strides = array<i32>} : memref<6656xi32, #tpu.memory_space<vmem>>, vector<16xi32>,
      %parallel_loop3A_103 = arith.constant 16 : i32
      %parallel_loop3A_104 = arith.muli %parallel_loop3A_96, %parallel_loop3A_103 : i32
      %parallel_loop3A_105 = vector.broadcast %parallel_loop3A_104 : i32 to vector<16xi32>
      %parallel_loop3A_106 = arith.addi %parallel_loop3A_105, %iota3A : vector<16xi32>
      %parallel_loop3A_107 = arith.constant 15 : i32
      %parallel_loop3A_108 = vector.broadcast %parallel_loop3A_107 : i32 to vector<16xi32>
      %parallel_loop3A_109 = arith.andi %parallel_loop3A_102, %parallel_loop3A_108 : vector<16xi32>
      %parallel_loop3A_110 = tpu.vector_load_idx %arg9[%parallel_loop3A_106, %parallel_loop3A_109] : memref<1664x16xf32, #tpu.memory_space<vmem>>[vector<16xi32>, vector<16xi32>], vector<16xf32>,
      %parallel_loop3A_111 = arith.constant 16 : i32
      %parallel_loop3A_112 = arith.muli %parallel_loop3A_96, %parallel_loop3A_111 : i32
      %parallel_loop3A_113 = arith.index_cast %parallel_loop3A_112 : i32 to index
      %parallel_loop3A_114 = tpu.vector_load %arg11[%parallel_loop3A_113] {strides = array<i32>} : memref<1664xf32, #tpu.memory_space<vmem>>, vector<16xf32>,
      tpu.vector_store %arg11[%parallel_loop3A_113], %parallel_loop3A_110 {strides = array<i32>} : memref<1664xf32, #tpu.memory_space<vmem>>, vector<16xf32>,
    } {sc.loop_unroll_factor = 4 : i64, sc.parallel_access}
    %dma_wait3A_89 = arith.constant 4992 : i32
    %dma_wait3A_90 = tpu.memref_slice %arg7[%dma_wait3A_89] : memref<6656xi32, #tpu.memory_space<vmem>> -> memref<1664xi32, #tpu.memory_space<vmem>>
    %dma_wait3A_91 = arith.constant 0 : i32
    %dma_wait3A_92 = arith.constant 0 : i32
    %dma_wait3A_93 = tpu.memref_slice %arg2[%dma_wait3A_91, %dma_wait3A_92] : memref<1000000x16xf32, #tpu.memory_space<hbm>> -> memref<1000000x16xf32, #tpu.memory_space<hbm>>
    tpu.wait_indirect_dma semaphore(%arg12 : memref<!tpu.dma_semaphore, #tpu.memory_space<semaphore_mem>>) src(%dma_wait3A_93 : memref<1000000x16xf32, #tpu.memory_space<hbm>>) dst(%arg8 : memref<1664x16xf32, #tpu.memory_space<vmem>>)
    %add3A_94 = arith.constant 4992 : i32
    %add3A_95 = arith.addi %mul3A_2, %add3A_94 : i32
    "tpu.region"() ({
      %run_scoped3A = tpu.sem_alloc : memref<!tpu.dma_semaphore, #tpu.memory_space<semaphore_mem>>
      %dma_start3A_96 = arith.constant 0 : i32
      %dma_start3A_97 = tpu.memref_slice %arg5[%add3A_95, %dma_start3A_96] : memref<212992x16xf32, #tpu.memory_space<hbm>> -> memref<1664x16xf32, #tpu.memory_space<hbm>>
      %dma_start3A_98 = arith.constant 0 : i32
      %dma_start3A_99 = tpu.memref_slice %arg5[%add3A_95, %dma_start3A_98] : memref<212992x16xf32, #tpu.memory_space<hbm>> -> memref<1664x16xf32, #tpu.memory_space<hbm>>
      tpu.enqueue_dma source(%arg8 : memref<1664x16xf32, #tpu.memory_space<vmem>>) target(%dma_start3A_99 : memref<1664x16xf32, #tpu.memory_space<hbm>>) target_semaphore(%run_scoped3A : memref<!tpu.dma_semaphore, #tpu.memory_space<semaphore_mem>>)
      %dma_wait3A_100 = arith.constant 0 : i32
      %dma_wait3A_101 = tpu.memref_slice %arg5[%add3A_95, %dma_wait3A_100] : memref<212992x16xf32, #tpu.memory_space<hbm>> -> memref<1664x16xf32, #tpu.memory_space<hbm>>
      %dma_wait3A_102 = arith.constant 0 : i32
      %dma_wait3A_103 = tpu.memref_slice %arg5[%add3A_95, %dma_wait3A_102] : memref<212992x16xf32, #tpu.memory_space<hbm>> -> memref<1664x16xf32, #tpu.memory_space<hbm>>
      tpu.wait_dma2 semaphore(%run_scoped3A : memref<!tpu.dma_semaphore, #tpu.memory_space<semaphore_mem>>) src(%arg8 : memref<1664x16xf32, #tpu.memory_space<vmem>>) dst(%dma_wait3A_103 : memref<1664x16xf32, #tpu.memory_space<hbm>>)
      tpu.yield
    }) : () -> ()
    "tpu.region"() ({
      %run_scoped3A = tpu.sem_alloc : memref<!tpu.dma_semaphore, #tpu.memory_space<semaphore_mem>>
      %dma_start3A_96 = tpu.memref_slice %arg6[%add3A_95] : memref<212992xf32, #tpu.memory_space<hbm>> -> memref<1664xf32, #tpu.memory_space<hbm>>
      %dma_start3A_97 = tpu.memref_slice %arg6[%add3A_95] : memref<212992xf32, #tpu.memory_space<hbm>> -> memref<1664xf32, #tpu.memory_space<hbm>>
      tpu.enqueue_dma source(%arg11 : memref<1664xf32, #tpu.memory_space<vmem>>) target(%dma_start3A_97 : memref<1664xf32, #tpu.memory_space<hbm>>) target_semaphore(%run_scoped3A : memref<!tpu.dma_semaphore, #tpu.memory_space<semaphore_mem>>)
      %dma_wait3A_98 = tpu.memref_slice %arg6[%add3A_95] : memref<212992xf32, #tpu.memory_space<hbm>> -> memref<1664xf32, #tpu.memory_space<hbm>>
      %dma_wait3A_99 = tpu.memref_slice %arg6[%add3A_95] : memref<212992xf32, #tpu.memory_space<hbm>> -> memref<1664xf32, #tpu.memory_space<hbm>>
      tpu.wait_dma2 semaphore(%run_scoped3A : memref<!tpu.dma_semaphore, #tpu.memory_space<semaphore_mem>>) src(%arg11 : memref<1664xf32, #tpu.memory_space<vmem>>) dst(%dma_wait3A_99 : memref<1664xf32, #tpu.memory_space<hbm>>)
      tpu.yield
    }) : () -> ()
    return
  }
}

#map = affine_map<(d0, d1) -> (0, 0)>
#map1 = affine_map<(d0, d1) -> (0)>
module attributes {stable_mosaic.version = 14 : i64} {
  func.func @tr_kernel(%arg0: i32, %arg1: i32, %arg2: memref<16x1000000xf32, #tpu.memory_space<hbm>>, %arg3: memref<1024xf32, #tpu.memory_space<hbm>>, %arg4: memref<16000000xf32, #tpu.memory_space<hbm>>, %arg5: memref<16x1024xf32, #tpu.memory_space<vmem>>, %arg6: memref<16x1024xf32, #tpu.memory_space<vmem>>, %arg7: memref<16384xf32, #tpu.memory_space<vmem>>, %arg8: memref<16384xf32, #tpu.memory_space<vmem>>, %arg9: memref<!tpu.dma_semaphore, #tpu.memory_space<semaphore_mem>>, %arg10: memref<!tpu.dma_semaphore, #tpu.memory_space<semaphore_mem>>, %arg11: memref<!tpu.dma_semaphore, #tpu.memory_space<semaphore_mem>>, %arg12: memref<!tpu.dma_semaphore, #tpu.memory_space<semaphore_mem>>) attributes {dimension_semantics = [#tpu.dimension_semantics<core_parallel>, #tpu.dimension_semantics<subcore_parallel>], iteration_bounds = array<i64: 2, 16>, scalar_prefetch = 0 : i64, scratch_operands = 8 : i64, tpu.core_type = #tpu.core_type<sc_vector_subcore>, window_params = [{transform_indices = #map}, {transform_indices = #map1}, {transform_indices = #map1}]} {
    %mul3A = arith.constant 2 : i32
    %mul3A_0 = arith.muli %arg1, %mul3A : i32
    %add3A = arith.addi %mul3A_0, %arg0 : i32
    %iota3A = tpu.iota {dimensions = array<i32: 0>} : vector<16xi32>
    %sub3A = arith.constant 976 : i32
    %sub3A_1 = arith.subi %sub3A, %add3A : i32
    %add3A_2 = arith.constant 32 : i32
    %add3A_3 = arith.addi %sub3A_1, %add3A_2 : i32
    %sub3A_4 = arith.constant 1 : i32
    %sub3A_5 = arith.subi %add3A_3, %sub3A_4 : i32
    %jit3A = arith.constant 32 : i32
    %div3A = arith.divsi %sub3A_5, %jit3A : i32
    %sign3A = arith.constant 0 : i32
    %sign3A_6 = arith.cmpi sgt, %sub3A_5, %sign3A : i32
    %sign3A_7 = arith.extui %sign3A_6 : i1 to i32
    %sign3A_8 = arith.constant 0 : i32
    %sign3A_9 = arith.cmpi slt, %sub3A_5, %sign3A_8 : i32
    %sign3A_10 = arith.extui %sign3A_9 : i1 to i32
    %sign3A_11 = arith.subi %sign3A_7, %sign3A_10 : i32
    %sign3A_12 = arith.constant 0 : i32
    %sign3A_13 = arith.cmpi sgt, %jit3A, %sign3A_12 : i32
    %sign3A_14 = arith.extui %sign3A_13 : i1 to i32
    %sign3A_15 = arith.constant 0 : i32
    %sign3A_16 = arith.cmpi slt, %jit3A, %sign3A_15 : i32
    %sign3A_17 = arith.extui %sign3A_16 : i1 to i32
    %sign3A_18 = arith.subi %sign3A_14, %sign3A_17 : i32
    %ne3A = arith.cmpi ne, %sign3A_11, %sign3A_18 : i32
    %rem3A = arith.remsi %sub3A_5, %jit3A : i32
    %ne3A_19 = arith.constant 0 : i32
    %ne3A_20 = arith.cmpi ne, %rem3A, %ne3A_19 : i32
    %and3A = arith.andi %ne3A, %ne3A_20 : i1
    %sub3A_21 = arith.constant 1 : i32
    %sub3A_22 = arith.subi %div3A, %sub3A_21 : i32
    %select_n3A = arith.select %and3A, %sub3A_22, %div3A : i32
    %mul3A_23 = arith.constant 16 : i32
    %mul3A_24 = vector.broadcast %mul3A_23 : i32 to vector<16xi32>
    %mul3A_25 = arith.muli %iota3A, %mul3A_24 : vector<16xi32>
    %add3A_26 = arith.constant 0 : i32
    %add3A_27 = arith.addi %add3A, %add3A_26 : i32
    %mul3A_28 = arith.constant 1024 : i32
    %mul3A_29 = arith.muli %add3A_27, %mul3A_28 : i32
    %dma_start3A = arith.constant 0 : i32
    %dma_start3A_30 = tpu.memref_slice %arg2[%dma_start3A, %mul3A_29] : memref<16x1000000xf32, #tpu.memory_space<hbm>> -> memref<16x1024xf32, #tpu.memory_space<hbm>>
    %dma_start3A_31 = arith.constant 0 : i32
    %dma_start3A_32 = tpu.memref_slice %arg2[%dma_start3A_31, %mul3A_29] : memref<16x1000000xf32, #tpu.memory_space<hbm>> -> memref<16x1024xf32, #tpu.memory_space<hbm>>
    tpu.enqueue_dma source(%dma_start3A_32 : memref<16x1024xf32, #tpu.memory_space<hbm>>) target(%arg5 : memref<16x1024xf32, #tpu.memory_space<vmem>>) target_semaphore(%arg9 : memref<!tpu.dma_semaphore, #tpu.memory_space<semaphore_mem>>)
    %add3A_33 = arith.constant 1 : i32
    %add3A_34 = arith.addi %select_n3A, %add3A_33 : i32
    %jit3A_35 = arith.constant 2 : i32
    %div3A_36 = arith.divsi %add3A_34, %jit3A_35 : i32
    %sign3A_37 = arith.constant 0 : i32
    %sign3A_38 = arith.cmpi sgt, %add3A_34, %sign3A_37 : i32
    %sign3A_39 = arith.extui %sign3A_38 : i1 to i32
    %sign3A_40 = arith.constant 0 : i32
    %sign3A_41 = arith.cmpi slt, %add3A_34, %sign3A_40 : i32
    %sign3A_42 = arith.extui %sign3A_41 : i1 to i32
    %sign3A_43 = arith.subi %sign3A_39, %sign3A_42 : i32
    %sign3A_44 = arith.constant 0 : i32
    %sign3A_45 = arith.cmpi sgt, %jit3A_35, %sign3A_44 : i32
    %sign3A_46 = arith.extui %sign3A_45 : i1 to i32
    %sign3A_47 = arith.constant 0 : i32
    %sign3A_48 = arith.cmpi slt, %jit3A_35, %sign3A_47 : i32
    %sign3A_49 = arith.extui %sign3A_48 : i1 to i32
    %sign3A_50 = arith.subi %sign3A_46, %sign3A_49 : i32
    %ne3A_51 = arith.cmpi ne, %sign3A_43, %sign3A_50 : i32
    %rem3A_52 = arith.remsi %add3A_34, %jit3A_35 : i32
    %ne3A_53 = arith.constant 0 : i32
    %ne3A_54 = arith.cmpi ne, %rem3A_52, %ne3A_53 : i32
    %and3A_55 = arith.andi %ne3A_51, %ne3A_54 : i1
    %sub3A_56 = arith.constant 1 : i32
    %sub3A_57 = arith.subi %div3A_36, %sub3A_56 : i32
    %select_n3A_58 = arith.select %and3A_55, %sub3A_57, %div3A_36 : i32
    %while3A = arith.constant 0 : i32
    %while3A_59 = arith.constant 0 : i32
    %while3A_60 = arith.subi %select_n3A_58, %while3A_59 : i32
    %while3A_61 = arith.addi %while3A_59, %while3A_60 : i32
    %while3A_62 = arith.constant 1 : i32
    %while3A_63 = arith.divsi %while3A_60, %while3A_62 : i32
    %while3A_64 = arith.muli %while3A_63, %while3A_62 : i32
    %while3A_65 = arith.addi %while3A_59, %while3A_64 : i32
    %while3A_66 = arith.constant 1 : i32
    scf.for %while3A_82 = %while3A_59 to %while3A_65 step %while3A_66  : i32 {
      %mul3A_83 = arith.constant 2 : i32
      %mul3A_84 = arith.muli %mul3A_83, %while3A_82 : i32
      %add3A_85 = arith.constant 1 : i32
      %add3A_86 = arith.addi %mul3A_84, %add3A_85 : i32
      %lt3A = arith.cmpi slt, %add3A_86, %select_n3A : i32
      %convert_element_type3A_87 = arith.extui %lt3A : i1 to i32
      %cond3A_88 = arith.constant 0 : i32
      %cond3A_89 = arith.cmpi ne, %convert_element_type3A_87, %cond3A_88 : i32
      scf.if %cond3A_89 {
        %add3A_117 = arith.constant 1 : i32
        %add3A_118 = arith.addi %mul3A_84, %add3A_117 : i32
        %mul3A_119 = arith.constant 32 : i32
        %mul3A_120 = arith.muli %mul3A_119, %add3A_118 : i32
        %add3A_121 = arith.addi %add3A, %mul3A_120 : i32
        %mul3A_122 = arith.constant 1024 : i32
        %mul3A_123 = arith.muli %add3A_121, %mul3A_122 : i32
        %dma_start3A_124 = arith.constant 0 : i32
        %dma_start3A_125 = tpu.memref_slice %arg2[%dma_start3A_124, %mul3A_123] : memref<16x1000000xf32, #tpu.memory_space<hbm>> -> memref<16x1024xf32, #tpu.memory_space<hbm>>
        %dma_start3A_126 = arith.constant 0 : i32
        %dma_start3A_127 = tpu.memref_slice %arg2[%dma_start3A_126, %mul3A_123] : memref<16x1000000xf32, #tpu.memory_space<hbm>> -> memref<16x1024xf32, #tpu.memory_space<hbm>>
        tpu.enqueue_dma source(%dma_start3A_127 : memref<16x1024xf32, #tpu.memory_space<hbm>>) target(%arg6 : memref<16x1024xf32, #tpu.memory_space<vmem>>) target_semaphore(%arg10 : memref<!tpu.dma_semaphore, #tpu.memory_space<semaphore_mem>>)
      } else {
      }
      %dma_wait3A_90 = arith.constant 0 : i32
      %dma_wait3A_91 = arith.constant 0 : i32
      %dma_wait3A_92 = tpu.memref_slice %arg2[%dma_wait3A_90, %dma_wait3A_91] : memref<16x1000000xf32, #tpu.memory_space<hbm>> -> memref<16x1024xf32, #tpu.memory_space<hbm>>
      %dma_wait3A_93 = arith.constant 0 : i32
      %dma_wait3A_94 = arith.constant 0 : i32
      %dma_wait3A_95 = tpu.memref_slice %arg2[%dma_wait3A_93, %dma_wait3A_94] : memref<16x1000000xf32, #tpu.memory_space<hbm>> -> memref<16x1024xf32, #tpu.memory_space<hbm>>
      tpu.wait_dma2 semaphore(%arg9 : memref<!tpu.dma_semaphore, #tpu.memory_space<semaphore_mem>>) src(%dma_wait3A_95 : memref<16x1024xf32, #tpu.memory_space<hbm>>) dst(%arg5 : memref<16x1024xf32, #tpu.memory_space<vmem>>)
      %ge3A = arith.constant 1 : i32
      %ge3A_96 = arith.cmpi sge, %while3A_82, %ge3A : i32
      %convert_element_type3A_97 = arith.extui %ge3A_96 : i1 to i32
      %cond3A_98 = arith.constant 0 : i32
      %cond3A_99 = arith.cmpi ne, %convert_element_type3A_97, %cond3A_98 : i32
      scf.if %cond3A_99 {
        %dma_wait3A_117 = arith.constant 0 : i32
        %dma_wait3A_118 = tpu.memref_slice %arg4[%dma_wait3A_117] : memref<16000000xf32, #tpu.memory_space<hbm>> -> memref<16384xf32, #tpu.memory_space<hbm>>
        %dma_wait3A_119 = arith.constant 0 : i32
        %dma_wait3A_120 = tpu.memref_slice %arg4[%dma_wait3A_119] : memref<16000000xf32, #tpu.memory_space<hbm>> -> memref<16384xf32, #tpu.memory_space<hbm>>
        tpu.wait_dma2 semaphore(%arg11 : memref<!tpu.dma_semaphore, #tpu.memory_space<semaphore_mem>>) src(%arg7 : memref<16384xf32, #tpu.memory_space<vmem>>) dst(%dma_wait3A_120 : memref<16384xf32, #tpu.memory_space<hbm>>)
      } else {
      }
      %parallel_loop3A = arith.constant 0 : i32
      %parallel_loop3A_100 = arith.constant 64 : i32
      %parallel_loop3A_101 = arith.constant 1 : i32
      scf.for %parallel_loop3A_117 = %parallel_loop3A to %parallel_loop3A_100 step %parallel_loop3A_101  : i32 {
        %parallel_loop3A_118 = arith.constant 256 : i32
        %parallel_loop3A_119 = arith.muli %parallel_loop3A_117, %parallel_loop3A_118 : i32
        %parallel_loop3A_120 = vector.broadcast %parallel_loop3A_119 : i32 to vector<16xi32>
        %parallel_loop3A_121 = arith.addi %mul3A_25, %parallel_loop3A_120 : vector<16xi32>
        %parallel_loop3A_122 = arith.constant 16 : i32
        %parallel_loop3A_123 = arith.muli %parallel_loop3A_117, %parallel_loop3A_122 : i32
        %parallel_loop3A_124 = arith.constant 0 : i32
        %parallel_loop3A_125 = arith.index_cast %parallel_loop3A_124 : i32 to index
        %parallel_loop3A_126 = arith.index_cast %parallel_loop3A_123 : i32 to index
        %parallel_loop3A_127 = tpu.vector_load %arg5[%parallel_loop3A_125, %parallel_loop3A_126] {strides = array<i32>} : memref<16x1024xf32, #tpu.memory_space<vmem>>, vector<16xf32>,
        %parallel_loop3A_128 = arith.constant 0 : i32
        %parallel_loop3A_129 = vector.broadcast %parallel_loop3A_128 : i32 to vector<16xi32>
        %parallel_loop3A_130 = arith.addi %parallel_loop3A_121, %parallel_loop3A_129 : vector<16xi32>
        tpu.vector_store_idx %arg7[%parallel_loop3A_130], %parallel_loop3A_127 : memref<16384xf32, #tpu.memory_space<vmem>>[vector<16xi32>], vector<16xf32>,
        %parallel_loop3A_131 = arith.constant 16 : i32
        %parallel_loop3A_132 = arith.muli %parallel_loop3A_117, %parallel_loop3A_131 : i32
        %parallel_loop3A_133 = arith.constant 1 : i32
        %parallel_loop3A_134 = arith.index_cast %parallel_loop3A_133 : i32 to index
        %parallel_loop3A_135 = arith.index_cast %parallel_loop3A_132 : i32 to index
        %parallel_loop3A_136 = tpu.vector_load %arg5[%parallel_loop3A_134, %parallel_loop3A_135] {strides = array<i32>} : memref<16x1024xf32, #tpu.memory_space<vmem>>, vector<16xf32>,
        %parallel_loop3A_137 = arith.constant 1 : i32
        %parallel_loop3A_138 = vector.broadcast %parallel_loop3A_137 : i32 to vector<16xi32>
        %parallel_loop3A_139 = arith.addi %parallel_loop3A_121, %parallel_loop3A_138 : vector<16xi32>
        tpu.vector_store_idx %arg7[%parallel_loop3A_139], %parallel_loop3A_136 : memref<16384xf32, #tpu.memory_space<vmem>>[vector<16xi32>], vector<16xf32>,
        %parallel_loop3A_140 = arith.constant 16 : i32
        %parallel_loop3A_141 = arith.muli %parallel_loop3A_117, %parallel_loop3A_140 : i32
        %parallel_loop3A_142 = arith.constant 2 : i32
        %parallel_loop3A_143 = arith.index_cast %parallel_loop3A_142 : i32 to index
        %parallel_loop3A_144 = arith.index_cast %parallel_loop3A_141 : i32 to index
        %parallel_loop3A_145 = tpu.vector_load %arg5[%parallel_loop3A_143, %parallel_loop3A_144] {strides = array<i32>} : memref<16x1024xf32, #tpu.memory_space<vmem>>, vector<16xf32>,
        %parallel_loop3A_146 = arith.constant 2 : i32
        %parallel_loop3A_147 = vector.broadcast %parallel_loop3A_146 : i32 to vector<16xi32>
        %parallel_loop3A_148 = arith.addi %parallel_loop3A_121, %parallel_loop3A_147 : vector<16xi32>
        tpu.vector_store_idx %arg7[%parallel_loop3A_148], %parallel_loop3A_145 : memref<16384xf32, #tpu.memory_space<vmem>>[vector<16xi32>], vector<16xf32>,
        %parallel_loop3A_149 = arith.constant 16 : i32
        %parallel_loop3A_150 = arith.muli %parallel_loop3A_117, %parallel_loop3A_149 : i32
        %parallel_loop3A_151 = arith.constant 3 : i32
        %parallel_loop3A_152 = arith.index_cast %parallel_loop3A_151 : i32 to index
        %parallel_loop3A_153 = arith.index_cast %parallel_loop3A_150 : i32 to index
        %parallel_loop3A_154 = tpu.vector_load %arg5[%parallel_loop3A_152, %parallel_loop3A_153] {strides = array<i32>} : memref<16x1024xf32, #tpu.memory_space<vmem>>, vector<16xf32>,
        %parallel_loop3A_155 = arith.constant 3 : i32
        %parallel_loop3A_156 = vector.broadcast %parallel_loop3A_155 : i32 to vector<16xi32>
        %parallel_loop3A_157 = arith.addi %parallel_loop3A_121, %parallel_loop3A_156 : vector<16xi32>
        tpu.vector_store_idx %arg7[%parallel_loop3A_157], %parallel_loop3A_154 : memref<16384xf32, #tpu.memory_space<vmem>>[vector<16xi32>], vector<16xf32>,
        %parallel_loop3A_158 = arith.constant 16 : i32
        %parallel_loop3A_159 = arith.muli %parallel_loop3A_117, %parallel_loop3A_158 : i32
        %parallel_loop3A_160 = arith.constant 4 : i32
        %parallel_loop3A_161 = arith.index_cast %parallel_loop3A_160 : i32 to index
        %parallel_loop3A_162 = arith.index_cast %parallel_loop3A_159 : i32 to index
        %parallel_loop3A_163 = tpu.vector_load %arg5[%parallel_loop3A_161, %parallel_loop3A_162] {strides = array<i32>} : memref<16x1024xf32, #tpu.memory_space<vmem>>, vector<16xf32>,
        %parallel_loop3A_164 = arith.constant 4 : i32
        %parallel_loop3A_165 = vector.broadcast %parallel_loop3A_164 : i32 to vector<16xi32>
        %parallel_loop3A_166 = arith.addi %parallel_loop3A_121, %parallel_loop3A_165 : vector<16xi32>
        tpu.vector_store_idx %arg7[%parallel_loop3A_166], %parallel_loop3A_163 : memref<16384xf32, #tpu.memory_space<vmem>>[vector<16xi32>], vector<16xf32>,
        %parallel_loop3A_167 = arith.constant 16 : i32
        %parallel_loop3A_168 = arith.muli %parallel_loop3A_117, %parallel_loop3A_167 : i32
        %parallel_loop3A_169 = arith.constant 5 : i32
        %parallel_loop3A_170 = arith.index_cast %parallel_loop3A_169 : i32 to index
        %parallel_loop3A_171 = arith.index_cast %parallel_loop3A_168 : i32 to index
        %parallel_loop3A_172 = tpu.vector_load %arg5[%parallel_loop3A_170, %parallel_loop3A_171] {strides = array<i32>} : memref<16x1024xf32, #tpu.memory_space<vmem>>, vector<16xf32>,
        %parallel_loop3A_173 = arith.constant 5 : i32
        %parallel_loop3A_174 = vector.broadcast %parallel_loop3A_173 : i32 to vector<16xi32>
        %parallel_loop3A_175 = arith.addi %parallel_loop3A_121, %parallel_loop3A_174 : vector<16xi32>
        tpu.vector_store_idx %arg7[%parallel_loop3A_175], %parallel_loop3A_172 : memref<16384xf32, #tpu.memory_space<vmem>>[vector<16xi32>], vector<16xf32>,
        %parallel_loop3A_176 = arith.constant 16 : i32
        %parallel_loop3A_177 = arith.muli %parallel_loop3A_117, %parallel_loop3A_176 : i32
        %parallel_loop3A_178 = arith.constant 6 : i32
        %parallel_loop3A_179 = arith.index_cast %parallel_loop3A_178 : i32 to index
        %parallel_loop3A_180 = arith.index_cast %parallel_loop3A_177 : i32 to index
        %parallel_loop3A_181 = tpu.vector_load %arg5[%parallel_loop3A_179, %parallel_loop3A_180] {strides = array<i32>} : memref<16x1024xf32, #tpu.memory_space<vmem>>, vector<16xf32>,
        %parallel_loop3A_182 = arith.constant 6 : i32
        %parallel_loop3A_183 = vector.broadcast %parallel_loop3A_182 : i32 to vector<16xi32>
        %parallel_loop3A_184 = arith.addi %parallel_loop3A_121, %parallel_loop3A_183 : vector<16xi32>
        tpu.vector_store_idx %arg7[%parallel_loop3A_184], %parallel_loop3A_181 : memref<16384xf32, #tpu.memory_space<vmem>>[vector<16xi32>], vector<16xf32>,
        %parallel_loop3A_185 = arith.constant 16 : i32
        %parallel_loop3A_186 = arith.muli %parallel_loop3A_117, %parallel_loop3A_185 : i32
        %parallel_loop3A_187 = arith.constant 7 : i32
        %parallel_loop3A_188 = arith.index_cast %parallel_loop3A_187 : i32 to index
        %parallel_loop3A_189 = arith.index_cast %parallel_loop3A_186 : i32 to index
        %parallel_loop3A_190 = tpu.vector_load %arg5[%parallel_loop3A_188, %parallel_loop3A_189] {strides = array<i32>} : memref<16x1024xf32, #tpu.memory_space<vmem>>, vector<16xf32>,
        %parallel_loop3A_191 = arith.constant 7 : i32
        %parallel_loop3A_192 = vector.broadcast %parallel_loop3A_191 : i32 to vector<16xi32>
        %parallel_loop3A_193 = arith.addi %parallel_loop3A_121, %parallel_loop3A_192 : vector<16xi32>
        tpu.vector_store_idx %arg7[%parallel_loop3A_193], %parallel_loop3A_190 : memref<16384xf32, #tpu.memory_space<vmem>>[vector<16xi32>], vector<16xf32>,
        %parallel_loop3A_194 = arith.constant 16 : i32
        %parallel_loop3A_195 = arith.muli %parallel_loop3A_117, %parallel_loop3A_194 : i32
        %parallel_loop3A_196 = arith.constant 8 : i32
        %parallel_loop3A_197 = arith.index_cast %parallel_loop3A_196 : i32 to index
        %parallel_loop3A_198 = arith.index_cast %parallel_loop3A_195 : i32 to index
        %parallel_loop3A_199 = tpu.vector_load %arg5[%parallel_loop3A_197, %parallel_loop3A_198] {strides = array<i32>} : memref<16x1024xf32, #tpu.memory_space<vmem>>, vector<16xf32>,
        %parallel_loop3A_200 = arith.constant 8 : i32
        %parallel_loop3A_201 = vector.broadcast %parallel_loop3A_200 : i32 to vector<16xi32>
        %parallel_loop3A_202 = arith.addi %parallel_loop3A_121, %parallel_loop3A_201 : vector<16xi32>
        tpu.vector_store_idx %arg7[%parallel_loop3A_202], %parallel_loop3A_199 : memref<16384xf32, #tpu.memory_space<vmem>>[vector<16xi32>], vector<16xf32>,
        %parallel_loop3A_203 = arith.constant 16 : i32
        %parallel_loop3A_204 = arith.muli %parallel_loop3A_117, %parallel_loop3A_203 : i32
        %parallel_loop3A_205 = arith.constant 9 : i32
        %parallel_loop3A_206 = arith.index_cast %parallel_loop3A_205 : i32 to index
        %parallel_loop3A_207 = arith.index_cast %parallel_loop3A_204 : i32 to index
        %parallel_loop3A_208 = tpu.vector_load %arg5[%parallel_loop3A_206, %parallel_loop3A_207] {strides = array<i32>} : memref<16x1024xf32, #tpu.memory_space<vmem>>, vector<16xf32>,
        %parallel_loop3A_209 = arith.constant 9 : i32
        %parallel_loop3A_210 = vector.broadcast %parallel_loop3A_209 : i32 to vector<16xi32>
        %parallel_loop3A_211 = arith.addi %parallel_loop3A_121, %parallel_loop3A_210 : vector<16xi32>
        tpu.vector_store_idx %arg7[%parallel_loop3A_211], %parallel_loop3A_208 : memref<16384xf32, #tpu.memory_space<vmem>>[vector<16xi32>], vector<16xf32>,
        %parallel_loop3A_212 = arith.constant 16 : i32
        %parallel_loop3A_213 = arith.muli %parallel_loop3A_117, %parallel_loop3A_212 : i32
        %parallel_loop3A_214 = arith.constant 10 : i32
        %parallel_loop3A_215 = arith.index_cast %parallel_loop3A_214 : i32 to index
        %parallel_loop3A_216 = arith.index_cast %parallel_loop3A_213 : i32 to index
        %parallel_loop3A_217 = tpu.vector_load %arg5[%parallel_loop3A_215, %parallel_loop3A_216] {strides = array<i32>} : memref<16x1024xf32, #tpu.memory_space<vmem>>, vector<16xf32>,
        %parallel_loop3A_218 = arith.constant 10 : i32
        %parallel_loop3A_219 = vector.broadcast %parallel_loop3A_218 : i32 to vector<16xi32>
        %parallel_loop3A_220 = arith.addi %parallel_loop3A_121, %parallel_loop3A_219 : vector<16xi32>
        tpu.vector_store_idx %arg7[%parallel_loop3A_220], %parallel_loop3A_217 : memref<16384xf32, #tpu.memory_space<vmem>>[vector<16xi32>], vector<16xf32>,
        %parallel_loop3A_221 = arith.constant 16 : i32
        %parallel_loop3A_222 = arith.muli %parallel_loop3A_117, %parallel_loop3A_221 : i32
        %parallel_loop3A_223 = arith.constant 11 : i32
        %parallel_loop3A_224 = arith.index_cast %parallel_loop3A_223 : i32 to index
        %parallel_loop3A_225 = arith.index_cast %parallel_loop3A_222 : i32 to index
        %parallel_loop3A_226 = tpu.vector_load %arg5[%parallel_loop3A_224, %parallel_loop3A_225] {strides = array<i32>} : memref<16x1024xf32, #tpu.memory_space<vmem>>, vector<16xf32>,
        %parallel_loop3A_227 = arith.constant 11 : i32
        %parallel_loop3A_228 = vector.broadcast %parallel_loop3A_227 : i32 to vector<16xi32>
        %parallel_loop3A_229 = arith.addi %parallel_loop3A_121, %parallel_loop3A_228 : vector<16xi32>
        tpu.vector_store_idx %arg7[%parallel_loop3A_229], %parallel_loop3A_226 : memref<16384xf32, #tpu.memory_space<vmem>>[vector<16xi32>], vector<16xf32>,
        %parallel_loop3A_230 = arith.constant 16 : i32
        %parallel_loop3A_231 = arith.muli %parallel_loop3A_117, %parallel_loop3A_230 : i32
        %parallel_loop3A_232 = arith.constant 12 : i32
        %parallel_loop3A_233 = arith.index_cast %parallel_loop3A_232 : i32 to index
        %parallel_loop3A_234 = arith.index_cast %parallel_loop3A_231 : i32 to index
        %parallel_loop3A_235 = tpu.vector_load %arg5[%parallel_loop3A_233, %parallel_loop3A_234] {strides = array<i32>} : memref<16x1024xf32, #tpu.memory_space<vmem>>, vector<16xf32>,
        %parallel_loop3A_236 = arith.constant 12 : i32
        %parallel_loop3A_237 = vector.broadcast %parallel_loop3A_236 : i32 to vector<16xi32>
        %parallel_loop3A_238 = arith.addi %parallel_loop3A_121, %parallel_loop3A_237 : vector<16xi32>
        tpu.vector_store_idx %arg7[%parallel_loop3A_238], %parallel_loop3A_235 : memref<16384xf32, #tpu.memory_space<vmem>>[vector<16xi32>], vector<16xf32>,
        %parallel_loop3A_239 = arith.constant 16 : i32
        %parallel_loop3A_240 = arith.muli %parallel_loop3A_117, %parallel_loop3A_239 : i32
        %parallel_loop3A_241 = arith.constant 13 : i32
        %parallel_loop3A_242 = arith.index_cast %parallel_loop3A_241 : i32 to index
        %parallel_loop3A_243 = arith.index_cast %parallel_loop3A_240 : i32 to index
        %parallel_loop3A_244 = tpu.vector_load %arg5[%parallel_loop3A_242, %parallel_loop3A_243] {strides = array<i32>} : memref<16x1024xf32, #tpu.memory_space<vmem>>, vector<16xf32>,
        %parallel_loop3A_245 = arith.constant 13 : i32
        %parallel_loop3A_246 = vector.broadcast %parallel_loop3A_245 : i32 to vector<16xi32>
        %parallel_loop3A_247 = arith.addi %parallel_loop3A_121, %parallel_loop3A_246 : vector<16xi32>
        tpu.vector_store_idx %arg7[%parallel_loop3A_247], %parallel_loop3A_244 : memref<16384xf32, #tpu.memory_space<vmem>>[vector<16xi32>], vector<16xf32>,
        %parallel_loop3A_248 = arith.constant 16 : i32
        %parallel_loop3A_249 = arith.muli %parallel_loop3A_117, %parallel_loop3A_248 : i32
        %parallel_loop3A_250 = arith.constant 14 : i32
        %parallel_loop3A_251 = arith.index_cast %parallel_loop3A_250 : i32 to index
        %parallel_loop3A_252 = arith.index_cast %parallel_loop3A_249 : i32 to index
        %parallel_loop3A_253 = tpu.vector_load %arg5[%parallel_loop3A_251, %parallel_loop3A_252] {strides = array<i32>} : memref<16x1024xf32, #tpu.memory_space<vmem>>, vector<16xf32>,
        %parallel_loop3A_254 = arith.constant 14 : i32
        %parallel_loop3A_255 = vector.broadcast %parallel_loop3A_254 : i32 to vector<16xi32>
        %parallel_loop3A_256 = arith.addi %parallel_loop3A_121, %parallel_loop3A_255 : vector<16xi32>
        tpu.vector_store_idx %arg7[%parallel_loop3A_256], %parallel_loop3A_253 : memref<16384xf32, #tpu.memory_space<vmem>>[vector<16xi32>], vector<16xf32>,
        %parallel_loop3A_257 = arith.constant 16 : i32
        %parallel_loop3A_258 = arith.muli %parallel_loop3A_117, %parallel_loop3A_257 : i32
        %parallel_loop3A_259 = arith.constant 15 : i32
        %parallel_loop3A_260 = arith.index_cast %parallel_loop3A_259 : i32 to index
        %parallel_loop3A_261 = arith.index_cast %parallel_loop3A_258 : i32 to index
        %parallel_loop3A_262 = tpu.vector_load %arg5[%parallel_loop3A_260, %parallel_loop3A_261] {strides = array<i32>} : memref<16x1024xf32, #tpu.memory_space<vmem>>, vector<16xf32>,
        %parallel_loop3A_263 = arith.constant 15 : i32
        %parallel_loop3A_264 = vector.broadcast %parallel_loop3A_263 : i32 to vector<16xi32>
        %parallel_loop3A_265 = arith.addi %parallel_loop3A_121, %parallel_loop3A_264 : vector<16xi32>
        tpu.vector_store_idx %arg7[%parallel_loop3A_265], %parallel_loop3A_262 : memref<16384xf32, #tpu.memory_space<vmem>>[vector<16xi32>], vector<16xf32>,
      } {sc.loop_unroll_factor = 2 : i64, sc.parallel_access}
      %mul3A_102 = arith.constant 32 : i32
      %mul3A_103 = arith.muli %mul3A_102, %mul3A_84 : i32
      %add3A_104 = arith.addi %add3A, %mul3A_103 : i32
      %mul3A_105 = arith.constant 1024 : i32
      %mul3A_106 = arith.muli %add3A_104, %mul3A_105 : i32
      %mul3A_107 = arith.constant 16 : i32
      %mul3A_108 = arith.muli %mul3A_106, %mul3A_107 : i32
      %dma_start3A_109 = tpu.memref_slice %arg4[%mul3A_108] : memref<16000000xf32, #tpu.memory_space<hbm>> -> memref<16384xf32, #tpu.memory_space<hbm>>
      %dma_start3A_110 = tpu.memref_slice %arg4[%mul3A_108] : memref<16000000xf32, #tpu.memory_space<hbm>> -> memref<16384xf32, #tpu.memory_space<hbm>>
      tpu.enqueue_dma source(%arg7 : memref<16384xf32, #tpu.memory_space<vmem>>) target(%dma_start3A_110 : memref<16384xf32, #tpu.memory_space<hbm>>) target_semaphore(%arg11 : memref<!tpu.dma_semaphore, #tpu.memory_space<semaphore_mem>>)
      %add3A_111 = arith.constant 1 : i32
      %add3A_112 = arith.addi %mul3A_84, %add3A_111 : i32
      %lt3A_113 = arith.cmpi slt, %add3A_112, %select_n3A : i32
      %convert_element_type3A_114 = arith.extui %lt3A_113 : i1 to i32
      %cond3A_115 = arith.constant 0 : i32
      %cond3A_116 = arith.cmpi ne, %convert_element_type3A_114, %cond3A_115 : i32
      scf.if %cond3A_116 {
        %add3A_117 = arith.constant 2 : i32
        %add3A_118 = arith.addi %mul3A_84, %add3A_117 : i32
        %lt3A_119 = arith.cmpi slt, %add3A_118, %select_n3A : i32
        %convert_element_type3A_120 = arith.extui %lt3A_119 : i1 to i32
        %cond3A_121 = arith.constant 0 : i32
        %cond3A_122 = arith.cmpi ne, %convert_element_type3A_120, %cond3A_121 : i32
        scf.if %cond3A_122 {
          %add3A_148 = arith.constant 2 : i32
          %add3A_149 = arith.addi %mul3A_84, %add3A_148 : i32
          %mul3A_150 = arith.constant 32 : i32
          %mul3A_151 = arith.muli %mul3A_150, %add3A_149 : i32
          %add3A_152 = arith.addi %add3A, %mul3A_151 : i32
          %mul3A_153 = arith.constant 1024 : i32
          %mul3A_154 = arith.muli %add3A_152, %mul3A_153 : i32
          %dma_start3A_155 = arith.constant 0 : i32
          %dma_start3A_156 = tpu.memref_slice %arg2[%dma_start3A_155, %mul3A_154] : memref<16x1000000xf32, #tpu.memory_space<hbm>> -> memref<16x1024xf32, #tpu.memory_space<hbm>>
          %dma_start3A_157 = arith.constant 0 : i32
          %dma_start3A_158 = tpu.memref_slice %arg2[%dma_start3A_157, %mul3A_154] : memref<16x1000000xf32, #tpu.memory_space<hbm>> -> memref<16x1024xf32, #tpu.memory_space<hbm>>
          tpu.enqueue_dma source(%dma_start3A_158 : memref<16x1024xf32, #tpu.memory_space<hbm>>) target(%arg5 : memref<16x1024xf32, #tpu.memory_space<vmem>>) target_semaphore(%arg9 : memref<!tpu.dma_semaphore, #tpu.memory_space<semaphore_mem>>)
        } else {
        }
        %dma_wait3A_123 = arith.constant 0 : i32
        %dma_wait3A_124 = arith.constant 0 : i32
        %dma_wait3A_125 = tpu.memref_slice %arg2[%dma_wait3A_123, %dma_wait3A_124] : memref<16x1000000xf32, #tpu.memory_space<hbm>> -> memref<16x1024xf32, #tpu.memory_space<hbm>>
        %dma_wait3A_126 = arith.constant 0 : i32
        %dma_wait3A_127 = arith.constant 0 : i32
        %dma_wait3A_128 = tpu.memref_slice %arg2[%dma_wait3A_126, %dma_wait3A_127] : memref<16x1000000xf32, #tpu.memory_space<hbm>> -> memref<16x1024xf32, #tpu.memory_space<hbm>>
        tpu.wait_dma2 semaphore(%arg10 : memref<!tpu.dma_semaphore, #tpu.memory_space<semaphore_mem>>) src(%dma_wait3A_128 : memref<16x1024xf32, #tpu.memory_space<hbm>>) dst(%arg6 : memref<16x1024xf32, #tpu.memory_space<vmem>>)
        %ge3A_129 = arith.constant 1 : i32
        %ge3A_130 = arith.cmpi sge, %while3A_82, %ge3A_129 : i32
        %convert_element_type3A_131 = arith.extui %ge3A_130 : i1 to i32
        %cond3A_132 = arith.constant 0 : i32
        %cond3A_133 = arith.cmpi ne, %convert_element_type3A_131, %cond3A_132 : i32
        scf.if %cond3A_133 {
          %dma_wait3A_148 = arith.constant 0 : i32
          %dma_wait3A_149 = tpu.memref_slice %arg4[%dma_wait3A_148] : memref<16000000xf32, #tpu.memory_space<hbm>> -> memref<16384xf32, #tpu.memory_space<hbm>>
          %dma_wait3A_150 = arith.constant 0 : i32
          %dma_wait3A_151 = tpu.memref_slice %arg4[%dma_wait3A_150] : memref<16000000xf32, #tpu.memory_space<hbm>> -> memref<16384xf32, #tpu.memory_space<hbm>>
          tpu.wait_dma2 semaphore(%arg12 : memref<!tpu.dma_semaphore, #tpu.memory_space<semaphore_mem>>) src(%arg8 : memref<16384xf32, #tpu.memory_space<vmem>>) dst(%dma_wait3A_151 : memref<16384xf32, #tpu.memory_space<hbm>>)
        } else {
        }
        %parallel_loop3A_134 = arith.constant 0 : i32
        %parallel_loop3A_135 = arith.constant 64 : i32
        %parallel_loop3A_136 = arith.constant 1 : i32
        scf.for %parallel_loop3A_148 = %parallel_loop3A_134 to %parallel_loop3A_135 step %parallel_loop3A_136  : i32 {
          %parallel_loop3A_149 = arith.constant 256 : i32
          %parallel_loop3A_150 = arith.muli %parallel_loop3A_148, %parallel_loop3A_149 : i32
          %parallel_loop3A_151 = vector.broadcast %parallel_loop3A_150 : i32 to vector<16xi32>
          %parallel_loop3A_152 = arith.addi %mul3A_25, %parallel_loop3A_151 : vector<16xi32>
          %parallel_loop3A_153 = arith.constant 16 : i32
          %parallel_loop3A_154 = arith.muli %parallel_loop3A_148, %parallel_loop3A_153 : i32
          %parallel_loop3A_155 = arith.constant 0 : i32
          %parallel_loop3A_156 = arith.index_cast %parallel_loop3A_155 : i32 to index
          %parallel_loop3A_157 = arith.index_cast %parallel_loop3A_154 : i32 to index
          %parallel_loop3A_158 = tpu.vector_load %arg6[%parallel_loop3A_156, %parallel_loop3A_157] {strides = array<i32>} : memref<16x1024xf32, #tpu.memory_space<vmem>>, vector<16xf32>,
          %parallel_loop3A_159 = arith.constant 0 : i32
          %parallel_loop3A_160 = vector.broadcast %parallel_loop3A_159 : i32 to vector<16xi32>
          %parallel_loop3A_161 = arith.addi %parallel_loop3A_152, %parallel_loop3A_160 : vector<16xi32>
          tpu.vector_store_idx %arg8[%parallel_loop3A_161], %parallel_loop3A_158 : memref<16384xf32, #tpu.memory_space<vmem>>[vector<16xi32>], vector<16xf32>,
          %parallel_loop3A_162 = arith.constant 16 : i32
          %parallel_loop3A_163 = arith.muli %parallel_loop3A_148, %parallel_loop3A_162 : i32
          %parallel_loop3A_164 = arith.constant 1 : i32
          %parallel_loop3A_165 = arith.index_cast %parallel_loop3A_164 : i32 to index
          %parallel_loop3A_166 = arith.index_cast %parallel_loop3A_163 : i32 to index
          %parallel_loop3A_167 = tpu.vector_load %arg6[%parallel_loop3A_165, %parallel_loop3A_166] {strides = array<i32>} : memref<16x1024xf32, #tpu.memory_space<vmem>>, vector<16xf32>,
          %parallel_loop3A_168 = arith.constant 1 : i32
          %parallel_loop3A_169 = vector.broadcast %parallel_loop3A_168 : i32 to vector<16xi32>
          %parallel_loop3A_170 = arith.addi %parallel_loop3A_152, %parallel_loop3A_169 : vector<16xi32>
          tpu.vector_store_idx %arg8[%parallel_loop3A_170], %parallel_loop3A_167 : memref<16384xf32, #tpu.memory_space<vmem>>[vector<16xi32>], vector<16xf32>,
          %parallel_loop3A_171 = arith.constant 16 : i32
          %parallel_loop3A_172 = arith.muli %parallel_loop3A_148, %parallel_loop3A_171 : i32
          %parallel_loop3A_173 = arith.constant 2 : i32
          %parallel_loop3A_174 = arith.index_cast %parallel_loop3A_173 : i32 to index
          %parallel_loop3A_175 = arith.index_cast %parallel_loop3A_172 : i32 to index
          %parallel_loop3A_176 = tpu.vector_load %arg6[%parallel_loop3A_174, %parallel_loop3A_175] {strides = array<i32>} : memref<16x1024xf32, #tpu.memory_space<vmem>>, vector<16xf32>,
          %parallel_loop3A_177 = arith.constant 2 : i32
          %parallel_loop3A_178 = vector.broadcast %parallel_loop3A_177 : i32 to vector<16xi32>
          %parallel_loop3A_179 = arith.addi %parallel_loop3A_152, %parallel_loop3A_178 : vector<16xi32>
          tpu.vector_store_idx %arg8[%parallel_loop3A_179], %parallel_loop3A_176 : memref<16384xf32, #tpu.memory_space<vmem>>[vector<16xi32>], vector<16xf32>,
          %parallel_loop3A_180 = arith.constant 16 : i32
          %parallel_loop3A_181 = arith.muli %parallel_loop3A_148, %parallel_loop3A_180 : i32
          %parallel_loop3A_182 = arith.constant 3 : i32
          %parallel_loop3A_183 = arith.index_cast %parallel_loop3A_182 : i32 to index
          %parallel_loop3A_184 = arith.index_cast %parallel_loop3A_181 : i32 to index
          %parallel_loop3A_185 = tpu.vector_load %arg6[%parallel_loop3A_183, %parallel_loop3A_184] {strides = array<i32>} : memref<16x1024xf32, #tpu.memory_space<vmem>>, vector<16xf32>,
          %parallel_loop3A_186 = arith.constant 3 : i32
          %parallel_loop3A_187 = vector.broadcast %parallel_loop3A_186 : i32 to vector<16xi32>
          %parallel_loop3A_188 = arith.addi %parallel_loop3A_152, %parallel_loop3A_187 : vector<16xi32>
          tpu.vector_store_idx %arg8[%parallel_loop3A_188], %parallel_loop3A_185 : memref<16384xf32, #tpu.memory_space<vmem>>[vector<16xi32>], vector<16xf32>,
          %parallel_loop3A_189 = arith.constant 16 : i32
          %parallel_loop3A_190 = arith.muli %parallel_loop3A_148, %parallel_loop3A_189 : i32
          %parallel_loop3A_191 = arith.constant 4 : i32
          %parallel_loop3A_192 = arith.index_cast %parallel_loop3A_191 : i32 to index
          %parallel_loop3A_193 = arith.index_cast %parallel_loop3A_190 : i32 to index
          %parallel_loop3A_194 = tpu.vector_load %arg6[%parallel_loop3A_192, %parallel_loop3A_193] {strides = array<i32>} : memref<16x1024xf32, #tpu.memory_space<vmem>>, vector<16xf32>,
          %parallel_loop3A_195 = arith.constant 4 : i32
          %parallel_loop3A_196 = vector.broadcast %parallel_loop3A_195 : i32 to vector<16xi32>
          %parallel_loop3A_197 = arith.addi %parallel_loop3A_152, %parallel_loop3A_196 : vector<16xi32>
          tpu.vector_store_idx %arg8[%parallel_loop3A_197], %parallel_loop3A_194 : memref<16384xf32, #tpu.memory_space<vmem>>[vector<16xi32>], vector<16xf32>,
          %parallel_loop3A_198 = arith.constant 16 : i32
          %parallel_loop3A_199 = arith.muli %parallel_loop3A_148, %parallel_loop3A_198 : i32
          %parallel_loop3A_200 = arith.constant 5 : i32
          %parallel_loop3A_201 = arith.index_cast %parallel_loop3A_200 : i32 to index
          %parallel_loop3A_202 = arith.index_cast %parallel_loop3A_199 : i32 to index
          %parallel_loop3A_203 = tpu.vector_load %arg6[%parallel_loop3A_201, %parallel_loop3A_202] {strides = array<i32>} : memref<16x1024xf32, #tpu.memory_space<vmem>>, vector<16xf32>,
          %parallel_loop3A_204 = arith.constant 5 : i32
          %parallel_loop3A_205 = vector.broadcast %parallel_loop3A_204 : i32 to vector<16xi32>
          %parallel_loop3A_206 = arith.addi %parallel_loop3A_152, %parallel_loop3A_205 : vector<16xi32>
          tpu.vector_store_idx %arg8[%parallel_loop3A_206], %parallel_loop3A_203 : memref<16384xf32, #tpu.memory_space<vmem>>[vector<16xi32>], vector<16xf32>,
          %parallel_loop3A_207 = arith.constant 16 : i32
          %parallel_loop3A_208 = arith.muli %parallel_loop3A_148, %parallel_loop3A_207 : i32
          %parallel_loop3A_209 = arith.constant 6 : i32
          %parallel_loop3A_210 = arith.index_cast %parallel_loop3A_209 : i32 to index
          %parallel_loop3A_211 = arith.index_cast %parallel_loop3A_208 : i32 to index
          %parallel_loop3A_212 = tpu.vector_load %arg6[%parallel_loop3A_210, %parallel_loop3A_211] {strides = array<i32>} : memref<16x1024xf32, #tpu.memory_space<vmem>>, vector<16xf32>,
          %parallel_loop3A_213 = arith.constant 6 : i32
          %parallel_loop3A_214 = vector.broadcast %parallel_loop3A_213 : i32 to vector<16xi32>
          %parallel_loop3A_215 = arith.addi %parallel_loop3A_152, %parallel_loop3A_214 : vector<16xi32>
          tpu.vector_store_idx %arg8[%parallel_loop3A_215], %parallel_loop3A_212 : memref<16384xf32, #tpu.memory_space<vmem>>[vector<16xi32>], vector<16xf32>,
          %parallel_loop3A_216 = arith.constant 16 : i32
          %parallel_loop3A_217 = arith.muli %parallel_loop3A_148, %parallel_loop3A_216 : i32
          %parallel_loop3A_218 = arith.constant 7 : i32
          %parallel_loop3A_219 = arith.index_cast %parallel_loop3A_218 : i32 to index
          %parallel_loop3A_220 = arith.index_cast %parallel_loop3A_217 : i32 to index
          %parallel_loop3A_221 = tpu.vector_load %arg6[%parallel_loop3A_219, %parallel_loop3A_220] {strides = array<i32>} : memref<16x1024xf32, #tpu.memory_space<vmem>>, vector<16xf32>,
          %parallel_loop3A_222 = arith.constant 7 : i32
          %parallel_loop3A_223 = vector.broadcast %parallel_loop3A_222 : i32 to vector<16xi32>
          %parallel_loop3A_224 = arith.addi %parallel_loop3A_152, %parallel_loop3A_223 : vector<16xi32>
          tpu.vector_store_idx %arg8[%parallel_loop3A_224], %parallel_loop3A_221 : memref<16384xf32, #tpu.memory_space<vmem>>[vector<16xi32>], vector<16xf32>,
          %parallel_loop3A_225 = arith.constant 16 : i32
          %parallel_loop3A_226 = arith.muli %parallel_loop3A_148, %parallel_loop3A_225 : i32
          %parallel_loop3A_227 = arith.constant 8 : i32
          %parallel_loop3A_228 = arith.index_cast %parallel_loop3A_227 : i32 to index
          %parallel_loop3A_229 = arith.index_cast %parallel_loop3A_226 : i32 to index
          %parallel_loop3A_230 = tpu.vector_load %arg6[%parallel_loop3A_228, %parallel_loop3A_229] {strides = array<i32>} : memref<16x1024xf32, #tpu.memory_space<vmem>>, vector<16xf32>,
          %parallel_loop3A_231 = arith.constant 8 : i32
          %parallel_loop3A_232 = vector.broadcast %parallel_loop3A_231 : i32 to vector<16xi32>
          %parallel_loop3A_233 = arith.addi %parallel_loop3A_152, %parallel_loop3A_232 : vector<16xi32>
          tpu.vector_store_idx %arg8[%parallel_loop3A_233], %parallel_loop3A_230 : memref<16384xf32, #tpu.memory_space<vmem>>[vector<16xi32>], vector<16xf32>,
          %parallel_loop3A_234 = arith.constant 16 : i32
          %parallel_loop3A_235 = arith.muli %parallel_loop3A_148, %parallel_loop3A_234 : i32
          %parallel_loop3A_236 = arith.constant 9 : i32
          %parallel_loop3A_237 = arith.index_cast %parallel_loop3A_236 : i32 to index
          %parallel_loop3A_238 = arith.index_cast %parallel_loop3A_235 : i32 to index
          %parallel_loop3A_239 = tpu.vector_load %arg6[%parallel_loop3A_237, %parallel_loop3A_238] {strides = array<i32>} : memref<16x1024xf32, #tpu.memory_space<vmem>>, vector<16xf32>,
          %parallel_loop3A_240 = arith.constant 9 : i32
          %parallel_loop3A_241 = vector.broadcast %parallel_loop3A_240 : i32 to vector<16xi32>
          %parallel_loop3A_242 = arith.addi %parallel_loop3A_152, %parallel_loop3A_241 : vector<16xi32>
          tpu.vector_store_idx %arg8[%parallel_loop3A_242], %parallel_loop3A_239 : memref<16384xf32, #tpu.memory_space<vmem>>[vector<16xi32>], vector<16xf32>,
          %parallel_loop3A_243 = arith.constant 16 : i32
          %parallel_loop3A_244 = arith.muli %parallel_loop3A_148, %parallel_loop3A_243 : i32
          %parallel_loop3A_245 = arith.constant 10 : i32
          %parallel_loop3A_246 = arith.index_cast %parallel_loop3A_245 : i32 to index
          %parallel_loop3A_247 = arith.index_cast %parallel_loop3A_244 : i32 to index
          %parallel_loop3A_248 = tpu.vector_load %arg6[%parallel_loop3A_246, %parallel_loop3A_247] {strides = array<i32>} : memref<16x1024xf32, #tpu.memory_space<vmem>>, vector<16xf32>,
          %parallel_loop3A_249 = arith.constant 10 : i32
          %parallel_loop3A_250 = vector.broadcast %parallel_loop3A_249 : i32 to vector<16xi32>
          %parallel_loop3A_251 = arith.addi %parallel_loop3A_152, %parallel_loop3A_250 : vector<16xi32>
          tpu.vector_store_idx %arg8[%parallel_loop3A_251], %parallel_loop3A_248 : memref<16384xf32, #tpu.memory_space<vmem>>[vector<16xi32>], vector<16xf32>,
          %parallel_loop3A_252 = arith.constant 16 : i32
          %parallel_loop3A_253 = arith.muli %parallel_loop3A_148, %parallel_loop3A_252 : i32
          %parallel_loop3A_254 = arith.constant 11 : i32
          %parallel_loop3A_255 = arith.index_cast %parallel_loop3A_254 : i32 to index
          %parallel_loop3A_256 = arith.index_cast %parallel_loop3A_253 : i32 to index
          %parallel_loop3A_257 = tpu.vector_load %arg6[%parallel_loop3A_255, %parallel_loop3A_256] {strides = array<i32>} : memref<16x1024xf32, #tpu.memory_space<vmem>>, vector<16xf32>,
          %parallel_loop3A_258 = arith.constant 11 : i32
          %parallel_loop3A_259 = vector.broadcast %parallel_loop3A_258 : i32 to vector<16xi32>
          %parallel_loop3A_260 = arith.addi %parallel_loop3A_152, %parallel_loop3A_259 : vector<16xi32>
          tpu.vector_store_idx %arg8[%parallel_loop3A_260], %parallel_loop3A_257 : memref<16384xf32, #tpu.memory_space<vmem>>[vector<16xi32>], vector<16xf32>,
          %parallel_loop3A_261 = arith.constant 16 : i32
          %parallel_loop3A_262 = arith.muli %parallel_loop3A_148, %parallel_loop3A_261 : i32
          %parallel_loop3A_263 = arith.constant 12 : i32
          %parallel_loop3A_264 = arith.index_cast %parallel_loop3A_263 : i32 to index
          %parallel_loop3A_265 = arith.index_cast %parallel_loop3A_262 : i32 to index
          %parallel_loop3A_266 = tpu.vector_load %arg6[%parallel_loop3A_264, %parallel_loop3A_265] {strides = array<i32>} : memref<16x1024xf32, #tpu.memory_space<vmem>>, vector<16xf32>,
          %parallel_loop3A_267 = arith.constant 12 : i32
          %parallel_loop3A_268 = vector.broadcast %parallel_loop3A_267 : i32 to vector<16xi32>
          %parallel_loop3A_269 = arith.addi %parallel_loop3A_152, %parallel_loop3A_268 : vector<16xi32>
          tpu.vector_store_idx %arg8[%parallel_loop3A_269], %parallel_loop3A_266 : memref<16384xf32, #tpu.memory_space<vmem>>[vector<16xi32>], vector<16xf32>,
          %parallel_loop3A_270 = arith.constant 16 : i32
          %parallel_loop3A_271 = arith.muli %parallel_loop3A_148, %parallel_loop3A_270 : i32
          %parallel_loop3A_272 = arith.constant 13 : i32
          %parallel_loop3A_273 = arith.index_cast %parallel_loop3A_272 : i32 to index
          %parallel_loop3A_274 = arith.index_cast %parallel_loop3A_271 : i32 to index
          %parallel_loop3A_275 = tpu.vector_load %arg6[%parallel_loop3A_273, %parallel_loop3A_274] {strides = array<i32>} : memref<16x1024xf32, #tpu.memory_space<vmem>>, vector<16xf32>,
          %parallel_loop3A_276 = arith.constant 13 : i32
          %parallel_loop3A_277 = vector.broadcast %parallel_loop3A_276 : i32 to vector<16xi32>
          %parallel_loop3A_278 = arith.addi %parallel_loop3A_152, %parallel_loop3A_277 : vector<16xi32>
          tpu.vector_store_idx %arg8[%parallel_loop3A_278], %parallel_loop3A_275 : memref<16384xf32, #tpu.memory_space<vmem>>[vector<16xi32>], vector<16xf32>,
          %parallel_loop3A_279 = arith.constant 16 : i32
          %parallel_loop3A_280 = arith.muli %parallel_loop3A_148, %parallel_loop3A_279 : i32
          %parallel_loop3A_281 = arith.constant 14 : i32
          %parallel_loop3A_282 = arith.index_cast %parallel_loop3A_281 : i32 to index
          %parallel_loop3A_283 = arith.index_cast %parallel_loop3A_280 : i32 to index
          %parallel_loop3A_284 = tpu.vector_load %arg6[%parallel_loop3A_282, %parallel_loop3A_283] {strides = array<i32>} : memref<16x1024xf32, #tpu.memory_space<vmem>>, vector<16xf32>,
          %parallel_loop3A_285 = arith.constant 14 : i32
          %parallel_loop3A_286 = vector.broadcast %parallel_loop3A_285 : i32 to vector<16xi32>
          %parallel_loop3A_287 = arith.addi %parallel_loop3A_152, %parallel_loop3A_286 : vector<16xi32>
          tpu.vector_store_idx %arg8[%parallel_loop3A_287], %parallel_loop3A_284 : memref<16384xf32, #tpu.memory_space<vmem>>[vector<16xi32>], vector<16xf32>,
          %parallel_loop3A_288 = arith.constant 16 : i32
          %parallel_loop3A_289 = arith.muli %parallel_loop3A_148, %parallel_loop3A_288 : i32
          %parallel_loop3A_290 = arith.constant 15 : i32
          %parallel_loop3A_291 = arith.index_cast %parallel_loop3A_290 : i32 to index
          %parallel_loop3A_292 = arith.index_cast %parallel_loop3A_289 : i32 to index
          %parallel_loop3A_293 = tpu.vector_load %arg6[%parallel_loop3A_291, %parallel_loop3A_292] {strides = array<i32>} : memref<16x1024xf32, #tpu.memory_space<vmem>>, vector<16xf32>,
          %parallel_loop3A_294 = arith.constant 15 : i32
          %parallel_loop3A_295 = vector.broadcast %parallel_loop3A_294 : i32 to vector<16xi32>
          %parallel_loop3A_296 = arith.addi %parallel_loop3A_152, %parallel_loop3A_295 : vector<16xi32>
          tpu.vector_store_idx %arg8[%parallel_loop3A_296], %parallel_loop3A_293 : memref<16384xf32, #tpu.memory_space<vmem>>[vector<16xi32>], vector<16xf32>,
        } {sc.loop_unroll_factor = 2 : i64, sc.parallel_access}
        %add3A_137 = arith.constant 1 : i32
        %add3A_138 = arith.addi %mul3A_84, %add3A_137 : i32
        %mul3A_139 = arith.constant 32 : i32
        %mul3A_140 = arith.muli %mul3A_139, %add3A_138 : i32
        %add3A_141 = arith.addi %add3A, %mul3A_140 : i32
        %mul3A_142 = arith.constant 1024 : i32
        %mul3A_143 = arith.muli %add3A_141, %mul3A_142 : i32
        %mul3A_144 = arith.constant 16 : i32
        %mul3A_145 = arith.muli %mul3A_143, %mul3A_144 : i32
        %dma_start3A_146 = tpu.memref_slice %arg4[%mul3A_145] : memref<16000000xf32, #tpu.memory_space<hbm>> -> memref<16384xf32, #tpu.memory_space<hbm>>
        %dma_start3A_147 = tpu.memref_slice %arg4[%mul3A_145] : memref<16000000xf32, #tpu.memory_space<hbm>> -> memref<16384xf32, #tpu.memory_space<hbm>>
        tpu.enqueue_dma source(%arg8 : memref<16384xf32, #tpu.memory_space<vmem>>) target(%dma_start3A_147 : memref<16384xf32, #tpu.memory_space<hbm>>) target_semaphore(%arg12 : memref<!tpu.dma_semaphore, #tpu.memory_space<semaphore_mem>>)
      } else {
      }
    }
    %while3A_67 = arith.constant 1 : i32
    scf.for %while3A_82 = %while3A_65 to %while3A_61 step %while3A_67  : i32 {
      %mul3A_83 = arith.constant 2 : i32
      %mul3A_84 = arith.muli %mul3A_83, %while3A_82 : i32
      %add3A_85 = arith.constant 1 : i32
      %add3A_86 = arith.addi %mul3A_84, %add3A_85 : i32
      %lt3A = arith.cmpi slt, %add3A_86, %select_n3A : i32
      %convert_element_type3A_87 = arith.extui %lt3A : i1 to i32
      %cond3A_88 = arith.constant 0 : i32
      %cond3A_89 = arith.cmpi ne, %convert_element_type3A_87, %cond3A_88 : i32
      scf.if %cond3A_89 {
        %add3A_117 = arith.constant 1 : i32
        %add3A_118 = arith.addi %mul3A_84, %add3A_117 : i32
        %mul3A_119 = arith.constant 32 : i32
        %mul3A_120 = arith.muli %mul3A_119, %add3A_118 : i32
        %add3A_121 = arith.addi %add3A, %mul3A_120 : i32
        %mul3A_122 = arith.constant 1024 : i32
        %mul3A_123 = arith.muli %add3A_121, %mul3A_122 : i32
        %dma_start3A_124 = arith.constant 0 : i32
        %dma_start3A_125 = tpu.memref_slice %arg2[%dma_start3A_124, %mul3A_123] : memref<16x1000000xf32, #tpu.memory_space<hbm>> -> memref<16x1024xf32, #tpu.memory_space<hbm>>
        %dma_start3A_126 = arith.constant 0 : i32
        %dma_start3A_127 = tpu.memref_slice %arg2[%dma_start3A_126, %mul3A_123] : memref<16x1000000xf32, #tpu.memory_space<hbm>> -> memref<16x1024xf32, #tpu.memory_space<hbm>>
        tpu.enqueue_dma source(%dma_start3A_127 : memref<16x1024xf32, #tpu.memory_space<hbm>>) target(%arg6 : memref<16x1024xf32, #tpu.memory_space<vmem>>) target_semaphore(%arg10 : memref<!tpu.dma_semaphore, #tpu.memory_space<semaphore_mem>>)
      } else {
      }
      %dma_wait3A_90 = arith.constant 0 : i32
      %dma_wait3A_91 = arith.constant 0 : i32
      %dma_wait3A_92 = tpu.memref_slice %arg2[%dma_wait3A_90, %dma_wait3A_91] : memref<16x1000000xf32, #tpu.memory_space<hbm>> -> memref<16x1024xf32, #tpu.memory_space<hbm>>
      %dma_wait3A_93 = arith.constant 0 : i32
      %dma_wait3A_94 = arith.constant 0 : i32
      %dma_wait3A_95 = tpu.memref_slice %arg2[%dma_wait3A_93, %dma_wait3A_94] : memref<16x1000000xf32, #tpu.memory_space<hbm>> -> memref<16x1024xf32, #tpu.memory_space<hbm>>
      tpu.wait_dma2 semaphore(%arg9 : memref<!tpu.dma_semaphore, #tpu.memory_space<semaphore_mem>>) src(%dma_wait3A_95 : memref<16x1024xf32, #tpu.memory_space<hbm>>) dst(%arg5 : memref<16x1024xf32, #tpu.memory_space<vmem>>)
      %ge3A = arith.constant 1 : i32
      %ge3A_96 = arith.cmpi sge, %while3A_82, %ge3A : i32
      %convert_element_type3A_97 = arith.extui %ge3A_96 : i1 to i32
      %cond3A_98 = arith.constant 0 : i32
      %cond3A_99 = arith.cmpi ne, %convert_element_type3A_97, %cond3A_98 : i32
      scf.if %cond3A_99 {
        %dma_wait3A_117 = arith.constant 0 : i32
        %dma_wait3A_118 = tpu.memref_slice %arg4[%dma_wait3A_117] : memref<16000000xf32, #tpu.memory_space<hbm>> -> memref<16384xf32, #tpu.memory_space<hbm>>
        %dma_wait3A_119 = arith.constant 0 : i32
        %dma_wait3A_120 = tpu.memref_slice %arg4[%dma_wait3A_119] : memref<16000000xf32, #tpu.memory_space<hbm>> -> memref<16384xf32, #tpu.memory_space<hbm>>
        tpu.wait_dma2 semaphore(%arg11 : memref<!tpu.dma_semaphore, #tpu.memory_space<semaphore_mem>>) src(%arg7 : memref<16384xf32, #tpu.memory_space<vmem>>) dst(%dma_wait3A_120 : memref<16384xf32, #tpu.memory_space<hbm>>)
      } else {
      }
      %parallel_loop3A = arith.constant 0 : i32
      %parallel_loop3A_100 = arith.constant 64 : i32
      %parallel_loop3A_101 = arith.constant 1 : i32
      scf.for %parallel_loop3A_117 = %parallel_loop3A to %parallel_loop3A_100 step %parallel_loop3A_101  : i32 {
        %parallel_loop3A_118 = arith.constant 256 : i32
        %parallel_loop3A_119 = arith.muli %parallel_loop3A_117, %parallel_loop3A_118 : i32
        %parallel_loop3A_120 = vector.broadcast %parallel_loop3A_119 : i32 to vector<16xi32>
        %parallel_loop3A_121 = arith.addi %mul3A_25, %parallel_loop3A_120 : vector<16xi32>
        %parallel_loop3A_122 = arith.constant 16 : i32
        %parallel_loop3A_123 = arith.muli %parallel_loop3A_117, %parallel_loop3A_122 : i32
        %parallel_loop3A_124 = arith.constant 0 : i32
        %parallel_loop3A_125 = arith.index_cast %parallel_loop3A_124 : i32 to index
        %parallel_loop3A_126 = arith.index_cast %parallel_loop3A_123 : i32 to index
        %parallel_loop3A_127 = tpu.vector_load %arg5[%parallel_loop3A_125, %parallel_loop3A_126] {strides = array<i32>} : memref<16x1024xf32, #tpu.memory_space<vmem>>, vector<16xf32>,
        %parallel_loop3A_128 = arith.constant 0 : i32
        %parallel_loop3A_129 = vector.broadcast %parallel_loop3A_128 : i32 to vector<16xi32>
        %parallel_loop3A_130 = arith.addi %parallel_loop3A_121, %parallel_loop3A_129 : vector<16xi32>
        tpu.vector_store_idx %arg7[%parallel_loop3A_130], %parallel_loop3A_127 : memref<16384xf32, #tpu.memory_space<vmem>>[vector<16xi32>], vector<16xf32>,
        %parallel_loop3A_131 = arith.constant 16 : i32
        %parallel_loop3A_132 = arith.muli %parallel_loop3A_117, %parallel_loop3A_131 : i32
        %parallel_loop3A_133 = arith.constant 1 : i32
        %parallel_loop3A_134 = arith.index_cast %parallel_loop3A_133 : i32 to index
        %parallel_loop3A_135 = arith.index_cast %parallel_loop3A_132 : i32 to index
        %parallel_loop3A_136 = tpu.vector_load %arg5[%parallel_loop3A_134, %parallel_loop3A_135] {strides = array<i32>} : memref<16x1024xf32, #tpu.memory_space<vmem>>, vector<16xf32>,
        %parallel_loop3A_137 = arith.constant 1 : i32
        %parallel_loop3A_138 = vector.broadcast %parallel_loop3A_137 : i32 to vector<16xi32>
        %parallel_loop3A_139 = arith.addi %parallel_loop3A_121, %parallel_loop3A_138 : vector<16xi32>
        tpu.vector_store_idx %arg7[%parallel_loop3A_139], %parallel_loop3A_136 : memref<16384xf32, #tpu.memory_space<vmem>>[vector<16xi32>], vector<16xf32>,
        %parallel_loop3A_140 = arith.constant 16 : i32
        %parallel_loop3A_141 = arith.muli %parallel_loop3A_117, %parallel_loop3A_140 : i32
        %parallel_loop3A_142 = arith.constant 2 : i32
        %parallel_loop3A_143 = arith.index_cast %parallel_loop3A_142 : i32 to index
        %parallel_loop3A_144 = arith.index_cast %parallel_loop3A_141 : i32 to index
        %parallel_loop3A_145 = tpu.vector_load %arg5[%parallel_loop3A_143, %parallel_loop3A_144] {strides = array<i32>} : memref<16x1024xf32, #tpu.memory_space<vmem>>, vector<16xf32>,
        %parallel_loop3A_146 = arith.constant 2 : i32
        %parallel_loop3A_147 = vector.broadcast %parallel_loop3A_146 : i32 to vector<16xi32>
        %parallel_loop3A_148 = arith.addi %parallel_loop3A_121, %parallel_loop3A_147 : vector<16xi32>
        tpu.vector_store_idx %arg7[%parallel_loop3A_148], %parallel_loop3A_145 : memref<16384xf32, #tpu.memory_space<vmem>>[vector<16xi32>], vector<16xf32>,
        %parallel_loop3A_149 = arith.constant 16 : i32
        %parallel_loop3A_150 = arith.muli %parallel_loop3A_117, %parallel_loop3A_149 : i32
        %parallel_loop3A_151 = arith.constant 3 : i32
        %parallel_loop3A_152 = arith.index_cast %parallel_loop3A_151 : i32 to index
        %parallel_loop3A_153 = arith.index_cast %parallel_loop3A_150 : i32 to index
        %parallel_loop3A_154 = tpu.vector_load %arg5[%parallel_loop3A_152, %parallel_loop3A_153] {strides = array<i32>} : memref<16x1024xf32, #tpu.memory_space<vmem>>, vector<16xf32>,
        %parallel_loop3A_155 = arith.constant 3 : i32
        %parallel_loop3A_156 = vector.broadcast %parallel_loop3A_155 : i32 to vector<16xi32>
        %parallel_loop3A_157 = arith.addi %parallel_loop3A_121, %parallel_loop3A_156 : vector<16xi32>
        tpu.vector_store_idx %arg7[%parallel_loop3A_157], %parallel_loop3A_154 : memref<16384xf32, #tpu.memory_space<vmem>>[vector<16xi32>], vector<16xf32>,
        %parallel_loop3A_158 = arith.constant 16 : i32
        %parallel_loop3A_159 = arith.muli %parallel_loop3A_117, %parallel_loop3A_158 : i32
        %parallel_loop3A_160 = arith.constant 4 : i32
        %parallel_loop3A_161 = arith.index_cast %parallel_loop3A_160 : i32 to index
        %parallel_loop3A_162 = arith.index_cast %parallel_loop3A_159 : i32 to index
        %parallel_loop3A_163 = tpu.vector_load %arg5[%parallel_loop3A_161, %parallel_loop3A_162] {strides = array<i32>} : memref<16x1024xf32, #tpu.memory_space<vmem>>, vector<16xf32>,
        %parallel_loop3A_164 = arith.constant 4 : i32
        %parallel_loop3A_165 = vector.broadcast %parallel_loop3A_164 : i32 to vector<16xi32>
        %parallel_loop3A_166 = arith.addi %parallel_loop3A_121, %parallel_loop3A_165 : vector<16xi32>
        tpu.vector_store_idx %arg7[%parallel_loop3A_166], %parallel_loop3A_163 : memref<16384xf32, #tpu.memory_space<vmem>>[vector<16xi32>], vector<16xf32>,
        %parallel_loop3A_167 = arith.constant 16 : i32
        %parallel_loop3A_168 = arith.muli %parallel_loop3A_117, %parallel_loop3A_167 : i32
        %parallel_loop3A_169 = arith.constant 5 : i32
        %parallel_loop3A_170 = arith.index_cast %parallel_loop3A_169 : i32 to index
        %parallel_loop3A_171 = arith.index_cast %parallel_loop3A_168 : i32 to index
        %parallel_loop3A_172 = tpu.vector_load %arg5[%parallel_loop3A_170, %parallel_loop3A_171] {strides = array<i32>} : memref<16x1024xf32, #tpu.memory_space<vmem>>, vector<16xf32>,
        %parallel_loop3A_173 = arith.constant 5 : i32
        %parallel_loop3A_174 = vector.broadcast %parallel_loop3A_173 : i32 to vector<16xi32>
        %parallel_loop3A_175 = arith.addi %parallel_loop3A_121, %parallel_loop3A_174 : vector<16xi32>
        tpu.vector_store_idx %arg7[%parallel_loop3A_175], %parallel_loop3A_172 : memref<16384xf32, #tpu.memory_space<vmem>>[vector<16xi32>], vector<16xf32>,
        %parallel_loop3A_176 = arith.constant 16 : i32
        %parallel_loop3A_177 = arith.muli %parallel_loop3A_117, %parallel_loop3A_176 : i32
        %parallel_loop3A_178 = arith.constant 6 : i32
        %parallel_loop3A_179 = arith.index_cast %parallel_loop3A_178 : i32 to index
        %parallel_loop3A_180 = arith.index_cast %parallel_loop3A_177 : i32 to index
        %parallel_loop3A_181 = tpu.vector_load %arg5[%parallel_loop3A_179, %parallel_loop3A_180] {strides = array<i32>} : memref<16x1024xf32, #tpu.memory_space<vmem>>, vector<16xf32>,
        %parallel_loop3A_182 = arith.constant 6 : i32
        %parallel_loop3A_183 = vector.broadcast %parallel_loop3A_182 : i32 to vector<16xi32>
        %parallel_loop3A_184 = arith.addi %parallel_loop3A_121, %parallel_loop3A_183 : vector<16xi32>
        tpu.vector_store_idx %arg7[%parallel_loop3A_184], %parallel_loop3A_181 : memref<16384xf32, #tpu.memory_space<vmem>>[vector<16xi32>], vector<16xf32>,
        %parallel_loop3A_185 = arith.constant 16 : i32
        %parallel_loop3A_186 = arith.muli %parallel_loop3A_117, %parallel_loop3A_185 : i32
        %parallel_loop3A_187 = arith.constant 7 : i32
        %parallel_loop3A_188 = arith.index_cast %parallel_loop3A_187 : i32 to index
        %parallel_loop3A_189 = arith.index_cast %parallel_loop3A_186 : i32 to index
        %parallel_loop3A_190 = tpu.vector_load %arg5[%parallel_loop3A_188, %parallel_loop3A_189] {strides = array<i32>} : memref<16x1024xf32, #tpu.memory_space<vmem>>, vector<16xf32>,
        %parallel_loop3A_191 = arith.constant 7 : i32
        %parallel_loop3A_192 = vector.broadcast %parallel_loop3A_191 : i32 to vector<16xi32>
        %parallel_loop3A_193 = arith.addi %parallel_loop3A_121, %parallel_loop3A_192 : vector<16xi32>
        tpu.vector_store_idx %arg7[%parallel_loop3A_193], %parallel_loop3A_190 : memref<16384xf32, #tpu.memory_space<vmem>>[vector<16xi32>], vector<16xf32>,
        %parallel_loop3A_194 = arith.constant 16 : i32
        %parallel_loop3A_195 = arith.muli %parallel_loop3A_117, %parallel_loop3A_194 : i32
        %parallel_loop3A_196 = arith.constant 8 : i32
        %parallel_loop3A_197 = arith.index_cast %parallel_loop3A_196 : i32 to index
        %parallel_loop3A_198 = arith.index_cast %parallel_loop3A_195 : i32 to index
        %parallel_loop3A_199 = tpu.vector_load %arg5[%parallel_loop3A_197, %parallel_loop3A_198] {strides = array<i32>} : memref<16x1024xf32, #tpu.memory_space<vmem>>, vector<16xf32>,
        %parallel_loop3A_200 = arith.constant 8 : i32
        %parallel_loop3A_201 = vector.broadcast %parallel_loop3A_200 : i32 to vector<16xi32>
        %parallel_loop3A_202 = arith.addi %parallel_loop3A_121, %parallel_loop3A_201 : vector<16xi32>
        tpu.vector_store_idx %arg7[%parallel_loop3A_202], %parallel_loop3A_199 : memref<16384xf32, #tpu.memory_space<vmem>>[vector<16xi32>], vector<16xf32>,
        %parallel_loop3A_203 = arith.constant 16 : i32
        %parallel_loop3A_204 = arith.muli %parallel_loop3A_117, %parallel_loop3A_203 : i32
        %parallel_loop3A_205 = arith.constant 9 : i32
        %parallel_loop3A_206 = arith.index_cast %parallel_loop3A_205 : i32 to index
        %parallel_loop3A_207 = arith.index_cast %parallel_loop3A_204 : i32 to index
        %parallel_loop3A_208 = tpu.vector_load %arg5[%parallel_loop3A_206, %parallel_loop3A_207] {strides = array<i32>} : memref<16x1024xf32, #tpu.memory_space<vmem>>, vector<16xf32>,
        %parallel_loop3A_209 = arith.constant 9 : i32
        %parallel_loop3A_210 = vector.broadcast %parallel_loop3A_209 : i32 to vector<16xi32>
        %parallel_loop3A_211 = arith.addi %parallel_loop3A_121, %parallel_loop3A_210 : vector<16xi32>
        tpu.vector_store_idx %arg7[%parallel_loop3A_211], %parallel_loop3A_208 : memref<16384xf32, #tpu.memory_space<vmem>>[vector<16xi32>], vector<16xf32>,
        %parallel_loop3A_212 = arith.constant 16 : i32
        %parallel_loop3A_213 = arith.muli %parallel_loop3A_117, %parallel_loop3A_212 : i32
        %parallel_loop3A_214 = arith.constant 10 : i32
        %parallel_loop3A_215 = arith.index_cast %parallel_loop3A_214 : i32 to index
        %parallel_loop3A_216 = arith.index_cast %parallel_loop3A_213 : i32 to index
        %parallel_loop3A_217 = tpu.vector_load %arg5[%parallel_loop3A_215, %parallel_loop3A_216] {strides = array<i32>} : memref<16x1024xf32, #tpu.memory_space<vmem>>, vector<16xf32>,
        %parallel_loop3A_218 = arith.constant 10 : i32
        %parallel_loop3A_219 = vector.broadcast %parallel_loop3A_218 : i32 to vector<16xi32>
        %parallel_loop3A_220 = arith.addi %parallel_loop3A_121, %parallel_loop3A_219 : vector<16xi32>
        tpu.vector_store_idx %arg7[%parallel_loop3A_220], %parallel_loop3A_217 : memref<16384xf32, #tpu.memory_space<vmem>>[vector<16xi32>], vector<16xf32>,
        %parallel_loop3A_221 = arith.constant 16 : i32
        %parallel_loop3A_222 = arith.muli %parallel_loop3A_117, %parallel_loop3A_221 : i32
        %parallel_loop3A_223 = arith.constant 11 : i32
        %parallel_loop3A_224 = arith.index_cast %parallel_loop3A_223 : i32 to index
        %parallel_loop3A_225 = arith.index_cast %parallel_loop3A_222 : i32 to index
        %parallel_loop3A_226 = tpu.vector_load %arg5[%parallel_loop3A_224, %parallel_loop3A_225] {strides = array<i32>} : memref<16x1024xf32, #tpu.memory_space<vmem>>, vector<16xf32>,
        %parallel_loop3A_227 = arith.constant 11 : i32
        %parallel_loop3A_228 = vector.broadcast %parallel_loop3A_227 : i32 to vector<16xi32>
        %parallel_loop3A_229 = arith.addi %parallel_loop3A_121, %parallel_loop3A_228 : vector<16xi32>
        tpu.vector_store_idx %arg7[%parallel_loop3A_229], %parallel_loop3A_226 : memref<16384xf32, #tpu.memory_space<vmem>>[vector<16xi32>], vector<16xf32>,
        %parallel_loop3A_230 = arith.constant 16 : i32
        %parallel_loop3A_231 = arith.muli %parallel_loop3A_117, %parallel_loop3A_230 : i32
        %parallel_loop3A_232 = arith.constant 12 : i32
        %parallel_loop3A_233 = arith.index_cast %parallel_loop3A_232 : i32 to index
        %parallel_loop3A_234 = arith.index_cast %parallel_loop3A_231 : i32 to index
        %parallel_loop3A_235 = tpu.vector_load %arg5[%parallel_loop3A_233, %parallel_loop3A_234] {strides = array<i32>} : memref<16x1024xf32, #tpu.memory_space<vmem>>, vector<16xf32>,
        %parallel_loop3A_236 = arith.constant 12 : i32
        %parallel_loop3A_237 = vector.broadcast %parallel_loop3A_236 : i32 to vector<16xi32>
        %parallel_loop3A_238 = arith.addi %parallel_loop3A_121, %parallel_loop3A_237 : vector<16xi32>
        tpu.vector_store_idx %arg7[%parallel_loop3A_238], %parallel_loop3A_235 : memref<16384xf32, #tpu.memory_space<vmem>>[vector<16xi32>], vector<16xf32>,
        %parallel_loop3A_239 = arith.constant 16 : i32
        %parallel_loop3A_240 = arith.muli %parallel_loop3A_117, %parallel_loop3A_239 : i32
        %parallel_loop3A_241 = arith.constant 13 : i32
        %parallel_loop3A_242 = arith.index_cast %parallel_loop3A_241 : i32 to index
        %parallel_loop3A_243 = arith.index_cast %parallel_loop3A_240 : i32 to index
        %parallel_loop3A_244 = tpu.vector_load %arg5[%parallel_loop3A_242, %parallel_loop3A_243] {strides = array<i32>} : memref<16x1024xf32, #tpu.memory_space<vmem>>, vector<16xf32>,
        %parallel_loop3A_245 = arith.constant 13 : i32
        %parallel_loop3A_246 = vector.broadcast %parallel_loop3A_245 : i32 to vector<16xi32>
        %parallel_loop3A_247 = arith.addi %parallel_loop3A_121, %parallel_loop3A_246 : vector<16xi32>
        tpu.vector_store_idx %arg7[%parallel_loop3A_247], %parallel_loop3A_244 : memref<16384xf32, #tpu.memory_space<vmem>>[vector<16xi32>], vector<16xf32>,
        %parallel_loop3A_248 = arith.constant 16 : i32
        %parallel_loop3A_249 = arith.muli %parallel_loop3A_117, %parallel_loop3A_248 : i32
        %parallel_loop3A_250 = arith.constant 14 : i32
        %parallel_loop3A_251 = arith.index_cast %parallel_loop3A_250 : i32 to index
        %parallel_loop3A_252 = arith.index_cast %parallel_loop3A_249 : i32 to index
        %parallel_loop3A_253 = tpu.vector_load %arg5[%parallel_loop3A_251, %parallel_loop3A_252] {strides = array<i32>} : memref<16x1024xf32, #tpu.memory_space<vmem>>, vector<16xf32>,
        %parallel_loop3A_254 = arith.constant 14 : i32
        %parallel_loop3A_255 = vector.broadcast %parallel_loop3A_254 : i32 to vector<16xi32>
        %parallel_loop3A_256 = arith.addi %parallel_loop3A_121, %parallel_loop3A_255 : vector<16xi32>
        tpu.vector_store_idx %arg7[%parallel_loop3A_256], %parallel_loop3A_253 : memref<16384xf32, #tpu.memory_space<vmem>>[vector<16xi32>], vector<16xf32>,
        %parallel_loop3A_257 = arith.constant 16 : i32
        %parallel_loop3A_258 = arith.muli %parallel_loop3A_117, %parallel_loop3A_257 : i32
        %parallel_loop3A_259 = arith.constant 15 : i32
        %parallel_loop3A_260 = arith.index_cast %parallel_loop3A_259 : i32 to index
        %parallel_loop3A_261 = arith.index_cast %parallel_loop3A_258 : i32 to index
        %parallel_loop3A_262 = tpu.vector_load %arg5[%parallel_loop3A_260, %parallel_loop3A_261] {strides = array<i32>} : memref<16x1024xf32, #tpu.memory_space<vmem>>, vector<16xf32>,
        %parallel_loop3A_263 = arith.constant 15 : i32
        %parallel_loop3A_264 = vector.broadcast %parallel_loop3A_263 : i32 to vector<16xi32>
        %parallel_loop3A_265 = arith.addi %parallel_loop3A_121, %parallel_loop3A_264 : vector<16xi32>
        tpu.vector_store_idx %arg7[%parallel_loop3A_265], %parallel_loop3A_262 : memref<16384xf32, #tpu.memory_space<vmem>>[vector<16xi32>], vector<16xf32>,
      } {sc.loop_unroll_factor = 2 : i64, sc.parallel_access}
      %mul3A_102 = arith.constant 32 : i32
      %mul3A_103 = arith.muli %mul3A_102, %mul3A_84 : i32
      %add3A_104 = arith.addi %add3A, %mul3A_103 : i32
      %mul3A_105 = arith.constant 1024 : i32
      %mul3A_106 = arith.muli %add3A_104, %mul3A_105 : i32
      %mul3A_107 = arith.constant 16 : i32
      %mul3A_108 = arith.muli %mul3A_106, %mul3A_107 : i32
      %dma_start3A_109 = tpu.memref_slice %arg4[%mul3A_108] : memref<16000000xf32, #tpu.memory_space<hbm>> -> memref<16384xf32, #tpu.memory_space<hbm>>
      %dma_start3A_110 = tpu.memref_slice %arg4[%mul3A_108] : memref<16000000xf32, #tpu.memory_space<hbm>> -> memref<16384xf32, #tpu.memory_space<hbm>>
      tpu.enqueue_dma source(%arg7 : memref<16384xf32, #tpu.memory_space<vmem>>) target(%dma_start3A_110 : memref<16384xf32, #tpu.memory_space<hbm>>) target_semaphore(%arg11 : memref<!tpu.dma_semaphore, #tpu.memory_space<semaphore_mem>>)
      %add3A_111 = arith.constant 1 : i32
      %add3A_112 = arith.addi %mul3A_84, %add3A_111 : i32
      %lt3A_113 = arith.cmpi slt, %add3A_112, %select_n3A : i32
      %convert_element_type3A_114 = arith.extui %lt3A_113 : i1 to i32
      %cond3A_115 = arith.constant 0 : i32
      %cond3A_116 = arith.cmpi ne, %convert_element_type3A_114, %cond3A_115 : i32
      scf.if %cond3A_116 {
        %add3A_117 = arith.constant 2 : i32
        %add3A_118 = arith.addi %mul3A_84, %add3A_117 : i32
        %lt3A_119 = arith.cmpi slt, %add3A_118, %select_n3A : i32
        %convert_element_type3A_120 = arith.extui %lt3A_119 : i1 to i32
        %cond3A_121 = arith.constant 0 : i32
        %cond3A_122 = arith.cmpi ne, %convert_element_type3A_120, %cond3A_121 : i32
        scf.if %cond3A_122 {
          %add3A_148 = arith.constant 2 : i32
          %add3A_149 = arith.addi %mul3A_84, %add3A_148 : i32
          %mul3A_150 = arith.constant 32 : i32
          %mul3A_151 = arith.muli %mul3A_150, %add3A_149 : i32
          %add3A_152 = arith.addi %add3A, %mul3A_151 : i32
          %mul3A_153 = arith.constant 1024 : i32
          %mul3A_154 = arith.muli %add3A_152, %mul3A_153 : i32
          %dma_start3A_155 = arith.constant 0 : i32
          %dma_start3A_156 = tpu.memref_slice %arg2[%dma_start3A_155, %mul3A_154] : memref<16x1000000xf32, #tpu.memory_space<hbm>> -> memref<16x1024xf32, #tpu.memory_space<hbm>>
          %dma_start3A_157 = arith.constant 0 : i32
          %dma_start3A_158 = tpu.memref_slice %arg2[%dma_start3A_157, %mul3A_154] : memref<16x1000000xf32, #tpu.memory_space<hbm>> -> memref<16x1024xf32, #tpu.memory_space<hbm>>
          tpu.enqueue_dma source(%dma_start3A_158 : memref<16x1024xf32, #tpu.memory_space<hbm>>) target(%arg5 : memref<16x1024xf32, #tpu.memory_space<vmem>>) target_semaphore(%arg9 : memref<!tpu.dma_semaphore, #tpu.memory_space<semaphore_mem>>)
        } else {
        }
        %dma_wait3A_123 = arith.constant 0 : i32
        %dma_wait3A_124 = arith.constant 0 : i32
        %dma_wait3A_125 = tpu.memref_slice %arg2[%dma_wait3A_123, %dma_wait3A_124] : memref<16x1000000xf32, #tpu.memory_space<hbm>> -> memref<16x1024xf32, #tpu.memory_space<hbm>>
        %dma_wait3A_126 = arith.constant 0 : i32
        %dma_wait3A_127 = arith.constant 0 : i32
        %dma_wait3A_128 = tpu.memref_slice %arg2[%dma_wait3A_126, %dma_wait3A_127] : memref<16x1000000xf32, #tpu.memory_space<hbm>> -> memref<16x1024xf32, #tpu.memory_space<hbm>>
        tpu.wait_dma2 semaphore(%arg10 : memref<!tpu.dma_semaphore, #tpu.memory_space<semaphore_mem>>) src(%dma_wait3A_128 : memref<16x1024xf32, #tpu.memory_space<hbm>>) dst(%arg6 : memref<16x1024xf32, #tpu.memory_space<vmem>>)
        %ge3A_129 = arith.constant 1 : i32
        %ge3A_130 = arith.cmpi sge, %while3A_82, %ge3A_129 : i32
        %convert_element_type3A_131 = arith.extui %ge3A_130 : i1 to i32
        %cond3A_132 = arith.constant 0 : i32
        %cond3A_133 = arith.cmpi ne, %convert_element_type3A_131, %cond3A_132 : i32
        scf.if %cond3A_133 {
          %dma_wait3A_148 = arith.constant 0 : i32
          %dma_wait3A_149 = tpu.memref_slice %arg4[%dma_wait3A_148] : memref<16000000xf32, #tpu.memory_space<hbm>> -> memref<16384xf32, #tpu.memory_space<hbm>>
          %dma_wait3A_150 = arith.constant 0 : i32
          %dma_wait3A_151 = tpu.memref_slice %arg4[%dma_wait3A_150] : memref<16000000xf32, #tpu.memory_space<hbm>> -> memref<16384xf32, #tpu.memory_space<hbm>>
          tpu.wait_dma2 semaphore(%arg12 : memref<!tpu.dma_semaphore, #tpu.memory_space<semaphore_mem>>) src(%arg8 : memref<16384xf32, #tpu.memory_space<vmem>>) dst(%dma_wait3A_151 : memref<16384xf32, #tpu.memory_space<hbm>>)
        } else {
        }
        %parallel_loop3A_134 = arith.constant 0 : i32
        %parallel_loop3A_135 = arith.constant 64 : i32
        %parallel_loop3A_136 = arith.constant 1 : i32
        scf.for %parallel_loop3A_148 = %parallel_loop3A_134 to %parallel_loop3A_135 step %parallel_loop3A_136  : i32 {
          %parallel_loop3A_149 = arith.constant 256 : i32
          %parallel_loop3A_150 = arith.muli %parallel_loop3A_148, %parallel_loop3A_149 : i32
          %parallel_loop3A_151 = vector.broadcast %parallel_loop3A_150 : i32 to vector<16xi32>
          %parallel_loop3A_152 = arith.addi %mul3A_25, %parallel_loop3A_151 : vector<16xi32>
          %parallel_loop3A_153 = arith.constant 16 : i32
          %parallel_loop3A_154 = arith.muli %parallel_loop3A_148, %parallel_loop3A_153 : i32
          %parallel_loop3A_155 = arith.constant 0 : i32
          %parallel_loop3A_156 = arith.index_cast %parallel_loop3A_155 : i32 to index
          %parallel_loop3A_157 = arith.index_cast %parallel_loop3A_154 : i32 to index
          %parallel_loop3A_158 = tpu.vector_load %arg6[%parallel_loop3A_156, %parallel_loop3A_157] {strides = array<i32>} : memref<16x1024xf32, #tpu.memory_space<vmem>>, vector<16xf32>,
          %parallel_loop3A_159 = arith.constant 0 : i32
          %parallel_loop3A_160 = vector.broadcast %parallel_loop3A_159 : i32 to vector<16xi32>
          %parallel_loop3A_161 = arith.addi %parallel_loop3A_152, %parallel_loop3A_160 : vector<16xi32>
          tpu.vector_store_idx %arg8[%parallel_loop3A_161], %parallel_loop3A_158 : memref<16384xf32, #tpu.memory_space<vmem>>[vector<16xi32>], vector<16xf32>,
          %parallel_loop3A_162 = arith.constant 16 : i32
          %parallel_loop3A_163 = arith.muli %parallel_loop3A_148, %parallel_loop3A_162 : i32
          %parallel_loop3A_164 = arith.constant 1 : i32
          %parallel_loop3A_165 = arith.index_cast %parallel_loop3A_164 : i32 to index
          %parallel_loop3A_166 = arith.index_cast %parallel_loop3A_163 : i32 to index
          %parallel_loop3A_167 = tpu.vector_load %arg6[%parallel_loop3A_165, %parallel_loop3A_166] {strides = array<i32>} : memref<16x1024xf32, #tpu.memory_space<vmem>>, vector<16xf32>,
          %parallel_loop3A_168 = arith.constant 1 : i32
          %parallel_loop3A_169 = vector.broadcast %parallel_loop3A_168 : i32 to vector<16xi32>
          %parallel_loop3A_170 = arith.addi %parallel_loop3A_152, %parallel_loop3A_169 : vector<16xi32>
          tpu.vector_store_idx %arg8[%parallel_loop3A_170], %parallel_loop3A_167 : memref<16384xf32, #tpu.memory_space<vmem>>[vector<16xi32>], vector<16xf32>,
          %parallel_loop3A_171 = arith.constant 16 : i32
          %parallel_loop3A_172 = arith.muli %parallel_loop3A_148, %parallel_loop3A_171 : i32
          %parallel_loop3A_173 = arith.constant 2 : i32
          %parallel_loop3A_174 = arith.index_cast %parallel_loop3A_173 : i32 to index
          %parallel_loop3A_175 = arith.index_cast %parallel_loop3A_172 : i32 to index
          %parallel_loop3A_176 = tpu.vector_load %arg6[%parallel_loop3A_174, %parallel_loop3A_175] {strides = array<i32>} : memref<16x1024xf32, #tpu.memory_space<vmem>>, vector<16xf32>,
          %parallel_loop3A_177 = arith.constant 2 : i32
          %parallel_loop3A_178 = vector.broadcast %parallel_loop3A_177 : i32 to vector<16xi32>
          %parallel_loop3A_179 = arith.addi %parallel_loop3A_152, %parallel_loop3A_178 : vector<16xi32>
          tpu.vector_store_idx %arg8[%parallel_loop3A_179], %parallel_loop3A_176 : memref<16384xf32, #tpu.memory_space<vmem>>[vector<16xi32>], vector<16xf32>,
          %parallel_loop3A_180 = arith.constant 16 : i32
          %parallel_loop3A_181 = arith.muli %parallel_loop3A_148, %parallel_loop3A_180 : i32
          %parallel_loop3A_182 = arith.constant 3 : i32
          %parallel_loop3A_183 = arith.index_cast %parallel_loop3A_182 : i32 to index
          %parallel_loop3A_184 = arith.index_cast %parallel_loop3A_181 : i32 to index
          %parallel_loop3A_185 = tpu.vector_load %arg6[%parallel_loop3A_183, %parallel_loop3A_184] {strides = array<i32>} : memref<16x1024xf32, #tpu.memory_space<vmem>>, vector<16xf32>,
          %parallel_loop3A_186 = arith.constant 3 : i32
          %parallel_loop3A_187 = vector.broadcast %parallel_loop3A_186 : i32 to vector<16xi32>
          %parallel_loop3A_188 = arith.addi %parallel_loop3A_152, %parallel_loop3A_187 : vector<16xi32>
          tpu.vector_store_idx %arg8[%parallel_loop3A_188], %parallel_loop3A_185 : memref<16384xf32, #tpu.memory_space<vmem>>[vector<16xi32>], vector<16xf32>,
          %parallel_loop3A_189 = arith.constant 16 : i32
          %parallel_loop3A_190 = arith.muli %parallel_loop3A_148, %parallel_loop3A_189 : i32
          %parallel_loop3A_191 = arith.constant 4 : i32
          %parallel_loop3A_192 = arith.index_cast %parallel_loop3A_191 : i32 to index
          %parallel_loop3A_193 = arith.index_cast %parallel_loop3A_190 : i32 to index
          %parallel_loop3A_194 = tpu.vector_load %arg6[%parallel_loop3A_192, %parallel_loop3A_193] {strides = array<i32>} : memref<16x1024xf32, #tpu.memory_space<vmem>>, vector<16xf32>,
          %parallel_loop3A_195 = arith.constant 4 : i32
          %parallel_loop3A_196 = vector.broadcast %parallel_loop3A_195 : i32 to vector<16xi32>
          %parallel_loop3A_197 = arith.addi %parallel_loop3A_152, %parallel_loop3A_196 : vector<16xi32>
          tpu.vector_store_idx %arg8[%parallel_loop3A_197], %parallel_loop3A_194 : memref<16384xf32, #tpu.memory_space<vmem>>[vector<16xi32>], vector<16xf32>,
          %parallel_loop3A_198 = arith.constant 16 : i32
          %parallel_loop3A_199 = arith.muli %parallel_loop3A_148, %parallel_loop3A_198 : i32
          %parallel_loop3A_200 = arith.constant 5 : i32
          %parallel_loop3A_201 = arith.index_cast %parallel_loop3A_200 : i32 to index
          %parallel_loop3A_202 = arith.index_cast %parallel_loop3A_199 : i32 to index
          %parallel_loop3A_203 = tpu.vector_load %arg6[%parallel_loop3A_201, %parallel_loop3A_202] {strides = array<i32>} : memref<16x1024xf32, #tpu.memory_space<vmem>>, vector<16xf32>,
          %parallel_loop3A_204 = arith.constant 5 : i32
          %parallel_loop3A_205 = vector.broadcast %parallel_loop3A_204 : i32 to vector<16xi32>
          %parallel_loop3A_206 = arith.addi %parallel_loop3A_152, %parallel_loop3A_205 : vector<16xi32>
          tpu.vector_store_idx %arg8[%parallel_loop3A_206], %parallel_loop3A_203 : memref<16384xf32, #tpu.memory_space<vmem>>[vector<16xi32>], vector<16xf32>,
          %parallel_loop3A_207 = arith.constant 16 : i32
          %parallel_loop3A_208 = arith.muli %parallel_loop3A_148, %parallel_loop3A_207 : i32
          %parallel_loop3A_209 = arith.constant 6 : i32
          %parallel_loop3A_210 = arith.index_cast %parallel_loop3A_209 : i32 to index
          %parallel_loop3A_211 = arith.index_cast %parallel_loop3A_208 : i32 to index
          %parallel_loop3A_212 = tpu.vector_load %arg6[%parallel_loop3A_210, %parallel_loop3A_211] {strides = array<i32>} : memref<16x1024xf32, #tpu.memory_space<vmem>>, vector<16xf32>,
          %parallel_loop3A_213 = arith.constant 6 : i32
          %parallel_loop3A_214 = vector.broadcast %parallel_loop3A_213 : i32 to vector<16xi32>
          %parallel_loop3A_215 = arith.addi %parallel_loop3A_152, %parallel_loop3A_214 : vector<16xi32>
          tpu.vector_store_idx %arg8[%parallel_loop3A_215], %parallel_loop3A_212 : memref<16384xf32, #tpu.memory_space<vmem>>[vector<16xi32>], vector<16xf32>,
          %parallel_loop3A_216 = arith.constant 16 : i32
          %parallel_loop3A_217 = arith.muli %parallel_loop3A_148, %parallel_loop3A_216 : i32
          %parallel_loop3A_218 = arith.constant 7 : i32
          %parallel_loop3A_219 = arith.index_cast %parallel_loop3A_218 : i32 to index
          %parallel_loop3A_220 = arith.index_cast %parallel_loop3A_217 : i32 to index
          %parallel_loop3A_221 = tpu.vector_load %arg6[%parallel_loop3A_219, %parallel_loop3A_220] {strides = array<i32>} : memref<16x1024xf32, #tpu.memory_space<vmem>>, vector<16xf32>,
          %parallel_loop3A_222 = arith.constant 7 : i32
          %parallel_loop3A_223 = vector.broadcast %parallel_loop3A_222 : i32 to vector<16xi32>
          %parallel_loop3A_224 = arith.addi %parallel_loop3A_152, %parallel_loop3A_223 : vector<16xi32>
          tpu.vector_store_idx %arg8[%parallel_loop3A_224], %parallel_loop3A_221 : memref<16384xf32, #tpu.memory_space<vmem>>[vector<16xi32>], vector<16xf32>,
          %parallel_loop3A_225 = arith.constant 16 : i32
          %parallel_loop3A_226 = arith.muli %parallel_loop3A_148, %parallel_loop3A_225 : i32
          %parallel_loop3A_227 = arith.constant 8 : i32
          %parallel_loop3A_228 = arith.index_cast %parallel_loop3A_227 : i32 to index
          %parallel_loop3A_229 = arith.index_cast %parallel_loop3A_226 : i32 to index
          %parallel_loop3A_230 = tpu.vector_load %arg6[%parallel_loop3A_228, %parallel_loop3A_229] {strides = array<i32>} : memref<16x1024xf32, #tpu.memory_space<vmem>>, vector<16xf32>,
          %parallel_loop3A_231 = arith.constant 8 : i32
          %parallel_loop3A_232 = vector.broadcast %parallel_loop3A_231 : i32 to vector<16xi32>
          %parallel_loop3A_233 = arith.addi %parallel_loop3A_152, %parallel_loop3A_232 : vector<16xi32>
          tpu.vector_store_idx %arg8[%parallel_loop3A_233], %parallel_loop3A_230 : memref<16384xf32, #tpu.memory_space<vmem>>[vector<16xi32>], vector<16xf32>,
          %parallel_loop3A_234 = arith.constant 16 : i32
          %parallel_loop3A_235 = arith.muli %parallel_loop3A_148, %parallel_loop3A_234 : i32
          %parallel_loop3A_236 = arith.constant 9 : i32
          %parallel_loop3A_237 = arith.index_cast %parallel_loop3A_236 : i32 to index
          %parallel_loop3A_238 = arith.index_cast %parallel_loop3A_235 : i32 to index
          %parallel_loop3A_239 = tpu.vector_load %arg6[%parallel_loop3A_237, %parallel_loop3A_238] {strides = array<i32>} : memref<16x1024xf32, #tpu.memory_space<vmem>>, vector<16xf32>,
          %parallel_loop3A_240 = arith.constant 9 : i32
          %parallel_loop3A_241 = vector.broadcast %parallel_loop3A_240 : i32 to vector<16xi32>
          %parallel_loop3A_242 = arith.addi %parallel_loop3A_152, %parallel_loop3A_241 : vector<16xi32>
          tpu.vector_store_idx %arg8[%parallel_loop3A_242], %parallel_loop3A_239 : memref<16384xf32, #tpu.memory_space<vmem>>[vector<16xi32>], vector<16xf32>,
          %parallel_loop3A_243 = arith.constant 16 : i32
          %parallel_loop3A_244 = arith.muli %parallel_loop3A_148, %parallel_loop3A_243 : i32
          %parallel_loop3A_245 = arith.constant 10 : i32
          %parallel_loop3A_246 = arith.index_cast %parallel_loop3A_245 : i32 to index
          %parallel_loop3A_247 = arith.index_cast %parallel_loop3A_244 : i32 to index
          %parallel_loop3A_248 = tpu.vector_load %arg6[%parallel_loop3A_246, %parallel_loop3A_247] {strides = array<i32>} : memref<16x1024xf32, #tpu.memory_space<vmem>>, vector<16xf32>,
          %parallel_loop3A_249 = arith.constant 10 : i32
          %parallel_loop3A_250 = vector.broadcast %parallel_loop3A_249 : i32 to vector<16xi32>
          %parallel_loop3A_251 = arith.addi %parallel_loop3A_152, %parallel_loop3A_250 : vector<16xi32>
          tpu.vector_store_idx %arg8[%parallel_loop3A_251], %parallel_loop3A_248 : memref<16384xf32, #tpu.memory_space<vmem>>[vector<16xi32>], vector<16xf32>,
          %parallel_loop3A_252 = arith.constant 16 : i32
          %parallel_loop3A_253 = arith.muli %parallel_loop3A_148, %parallel_loop3A_252 : i32
          %parallel_loop3A_254 = arith.constant 11 : i32
          %parallel_loop3A_255 = arith.index_cast %parallel_loop3A_254 : i32 to index
          %parallel_loop3A_256 = arith.index_cast %parallel_loop3A_253 : i32 to index
          %parallel_loop3A_257 = tpu.vector_load %arg6[%parallel_loop3A_255, %parallel_loop3A_256] {strides = array<i32>} : memref<16x1024xf32, #tpu.memory_space<vmem>>, vector<16xf32>,
          %parallel_loop3A_258 = arith.constant 11 : i32
          %parallel_loop3A_259 = vector.broadcast %parallel_loop3A_258 : i32 to vector<16xi32>
          %parallel_loop3A_260 = arith.addi %parallel_loop3A_152, %parallel_loop3A_259 : vector<16xi32>
          tpu.vector_store_idx %arg8[%parallel_loop3A_260], %parallel_loop3A_257 : memref<16384xf32, #tpu.memory_space<vmem>>[vector<16xi32>], vector<16xf32>,
          %parallel_loop3A_261 = arith.constant 16 : i32
          %parallel_loop3A_262 = arith.muli %parallel_loop3A_148, %parallel_loop3A_261 : i32
          %parallel_loop3A_263 = arith.constant 12 : i32
          %parallel_loop3A_264 = arith.index_cast %parallel_loop3A_263 : i32 to index
          %parallel_loop3A_265 = arith.index_cast %parallel_loop3A_262 : i32 to index
          %parallel_loop3A_266 = tpu.vector_load %arg6[%parallel_loop3A_264, %parallel_loop3A_265] {strides = array<i32>} : memref<16x1024xf32, #tpu.memory_space<vmem>>, vector<16xf32>,
          %parallel_loop3A_267 = arith.constant 12 : i32
          %parallel_loop3A_268 = vector.broadcast %parallel_loop3A_267 : i32 to vector<16xi32>
          %parallel_loop3A_269 = arith.addi %parallel_loop3A_152, %parallel_loop3A_268 : vector<16xi32>
          tpu.vector_store_idx %arg8[%parallel_loop3A_269], %parallel_loop3A_266 : memref<16384xf32, #tpu.memory_space<vmem>>[vector<16xi32>], vector<16xf32>,
          %parallel_loop3A_270 = arith.constant 16 : i32
          %parallel_loop3A_271 = arith.muli %parallel_loop3A_148, %parallel_loop3A_270 : i32
          %parallel_loop3A_272 = arith.constant 13 : i32
          %parallel_loop3A_273 = arith.index_cast %parallel_loop3A_272 : i32 to index
          %parallel_loop3A_274 = arith.index_cast %parallel_loop3A_271 : i32 to index
          %parallel_loop3A_275 = tpu.vector_load %arg6[%parallel_loop3A_273, %parallel_loop3A_274] {strides = array<i32>} : memref<16x1024xf32, #tpu.memory_space<vmem>>, vector<16xf32>,
          %parallel_loop3A_276 = arith.constant 13 : i32
          %parallel_loop3A_277 = vector.broadcast %parallel_loop3A_276 : i32 to vector<16xi32>
          %parallel_loop3A_278 = arith.addi %parallel_loop3A_152, %parallel_loop3A_277 : vector<16xi32>
          tpu.vector_store_idx %arg8[%parallel_loop3A_278], %parallel_loop3A_275 : memref<16384xf32, #tpu.memory_space<vmem>>[vector<16xi32>], vector<16xf32>,
          %parallel_loop3A_279 = arith.constant 16 : i32
          %parallel_loop3A_280 = arith.muli %parallel_loop3A_148, %parallel_loop3A_279 : i32
          %parallel_loop3A_281 = arith.constant 14 : i32
          %parallel_loop3A_282 = arith.index_cast %parallel_loop3A_281 : i32 to index
          %parallel_loop3A_283 = arith.index_cast %parallel_loop3A_280 : i32 to index
          %parallel_loop3A_284 = tpu.vector_load %arg6[%parallel_loop3A_282, %parallel_loop3A_283] {strides = array<i32>} : memref<16x1024xf32, #tpu.memory_space<vmem>>, vector<16xf32>,
          %parallel_loop3A_285 = arith.constant 14 : i32
          %parallel_loop3A_286 = vector.broadcast %parallel_loop3A_285 : i32 to vector<16xi32>
          %parallel_loop3A_287 = arith.addi %parallel_loop3A_152, %parallel_loop3A_286 : vector<16xi32>
          tpu.vector_store_idx %arg8[%parallel_loop3A_287], %parallel_loop3A_284 : memref<16384xf32, #tpu.memory_space<vmem>>[vector<16xi32>], vector<16xf32>,
          %parallel_loop3A_288 = arith.constant 16 : i32
          %parallel_loop3A_289 = arith.muli %parallel_loop3A_148, %parallel_loop3A_288 : i32
          %parallel_loop3A_290 = arith.constant 15 : i32
          %parallel_loop3A_291 = arith.index_cast %parallel_loop3A_290 : i32 to index
          %parallel_loop3A_292 = arith.index_cast %parallel_loop3A_289 : i32 to index
          %parallel_loop3A_293 = tpu.vector_load %arg6[%parallel_loop3A_291, %parallel_loop3A_292] {strides = array<i32>} : memref<16x1024xf32, #tpu.memory_space<vmem>>, vector<16xf32>,
          %parallel_loop3A_294 = arith.constant 15 : i32
          %parallel_loop3A_295 = vector.broadcast %parallel_loop3A_294 : i32 to vector<16xi32>
          %parallel_loop3A_296 = arith.addi %parallel_loop3A_152, %parallel_loop3A_295 : vector<16xi32>
          tpu.vector_store_idx %arg8[%parallel_loop3A_296], %parallel_loop3A_293 : memref<16384xf32, #tpu.memory_space<vmem>>[vector<16xi32>], vector<16xf32>,
        } {sc.loop_unroll_factor = 2 : i64, sc.parallel_access}
        %add3A_137 = arith.constant 1 : i32
        %add3A_138 = arith.addi %mul3A_84, %add3A_137 : i32
        %mul3A_139 = arith.constant 32 : i32
        %mul3A_140 = arith.muli %mul3A_139, %add3A_138 : i32
        %add3A_141 = arith.addi %add3A, %mul3A_140 : i32
        %mul3A_142 = arith.constant 1024 : i32
        %mul3A_143 = arith.muli %add3A_141, %mul3A_142 : i32
        %mul3A_144 = arith.constant 16 : i32
        %mul3A_145 = arith.muli %mul3A_143, %mul3A_144 : i32
        %dma_start3A_146 = tpu.memref_slice %arg4[%mul3A_145] : memref<16000000xf32, #tpu.memory_space<hbm>> -> memref<16384xf32, #tpu.memory_space<hbm>>
        %dma_start3A_147 = tpu.memref_slice %arg4[%mul3A_145] : memref<16000000xf32, #tpu.memory_space<hbm>> -> memref<16384xf32, #tpu.memory_space<hbm>>
        tpu.enqueue_dma source(%arg8 : memref<16384xf32, #tpu.memory_space<vmem>>) target(%dma_start3A_147 : memref<16384xf32, #tpu.memory_space<hbm>>) target_semaphore(%arg12 : memref<!tpu.dma_semaphore, #tpu.memory_space<semaphore_mem>>)
      } else {
      }
    }
    %dma_wait3A = arith.constant 0 : i32
    %dma_wait3A_68 = tpu.memref_slice %arg4[%dma_wait3A] : memref<16000000xf32, #tpu.memory_space<hbm>> -> memref<16384xf32, #tpu.memory_space<hbm>>
    %dma_wait3A_69 = arith.constant 0 : i32
    %dma_wait3A_70 = tpu.memref_slice %arg4[%dma_wait3A_69] : memref<16000000xf32, #tpu.memory_space<hbm>> -> memref<16384xf32, #tpu.memory_space<hbm>>
    tpu.wait_dma2 semaphore(%arg11 : memref<!tpu.dma_semaphore, #tpu.memory_space<semaphore_mem>>) src(%arg7 : memref<16384xf32, #tpu.memory_space<vmem>>) dst(%dma_wait3A_70 : memref<16384xf32, #tpu.memory_space<hbm>>)
    %dma_wait3A_71 = arith.constant 0 : i32
    %dma_wait3A_72 = tpu.memref_slice %arg4[%dma_wait3A_71] : memref<16000000xf32, #tpu.memory_space<hbm>> -> memref<16384xf32, #tpu.memory_space<hbm>>
    %dma_wait3A_73 = arith.constant 0 : i32
    %dma_wait3A_74 = tpu.memref_slice %arg4[%dma_wait3A_73] : memref<16000000xf32, #tpu.memory_space<hbm>> -> memref<16384xf32, #tpu.memory_space<hbm>>
    tpu.wait_dma2 semaphore(%arg12 : memref<!tpu.dma_semaphore, #tpu.memory_space<semaphore_mem>>) src(%arg8 : memref<16384xf32, #tpu.memory_space<vmem>>) dst(%dma_wait3A_74 : memref<16384xf32, #tpu.memory_space<hbm>>)
    %eq3A = arith.constant 0 : i32
    %eq3A_75 = arith.cmpi eq, %add3A, %eq3A : i32
    %convert_element_type3A = arith.extui %eq3A_75 : i1 to i32
    %cond3A = arith.constant 0 : i32
    %cond3A_76 = arith.cmpi ne, %convert_element_type3A, %cond3A : i32
    scf.if %cond3A_76 {
      "tpu.region"() ({
        %run_scoped3A = tpu.sem_alloc : memref<!tpu.dma_semaphore, #tpu.memory_space<semaphore_mem>>
        %dma_start3A_84 = arith.constant 0 : i32
        %dma_start3A_85 = arith.constant 0 : i32
        %dma_start3A_86 = tpu.memref_slice %arg5[%dma_start3A_84, %dma_start3A_85] : memref<16x1024xf32, #tpu.memory_space<vmem>> -> memref<16x512xf32, #tpu.memory_space<vmem>>
        %dma_start3A_87 = arith.constant 0 : i32
        %dma_start3A_88 = arith.constant 999424 : i32
        %dma_start3A_89 = tpu.memref_slice %arg2[%dma_start3A_87, %dma_start3A_88] : memref<16x1000000xf32, #tpu.memory_space<hbm>> -> memref<16x512xf32, #tpu.memory_space<hbm>>
        %dma_start3A_90 = arith.constant 0 : i32
        %dma_start3A_91 = arith.constant 0 : i32
        %dma_start3A_92 = tpu.memref_slice %arg5[%dma_start3A_90, %dma_start3A_91] : memref<16x1024xf32, #tpu.memory_space<vmem>> -> memref<16x512xf32, #tpu.memory_space<vmem>>
        %dma_start3A_93 = arith.constant 0 : i32
        %dma_start3A_94 = arith.constant 999424 : i32
        %dma_start3A_95 = tpu.memref_slice %arg2[%dma_start3A_93, %dma_start3A_94] : memref<16x1000000xf32, #tpu.memory_space<hbm>> -> memref<16x512xf32, #tpu.memory_space<hbm>>
        tpu.enqueue_dma source(%dma_start3A_95 : memref<16x512xf32, #tpu.memory_space<hbm>>) target(%dma_start3A_92 : memref<16x512xf32, #tpu.memory_space<vmem>>) target_semaphore(%run_scoped3A : memref<!tpu.dma_semaphore, #tpu.memory_space<semaphore_mem>>)
        %dma_wait3A_96 = arith.constant 0 : i32
        %dma_wait3A_97 = arith.constant 0 : i32
        %dma_wait3A_98 = tpu.memref_slice %arg5[%dma_wait3A_96, %dma_wait3A_97] : memref<16x1024xf32, #tpu.memory_space<vmem>> -> memref<16x512xf32, #tpu.memory_space<vmem>>
        %dma_wait3A_99 = arith.constant 0 : i32
        %dma_wait3A_100 = arith.constant 999424 : i32
        %dma_wait3A_101 = tpu.memref_slice %arg2[%dma_wait3A_99, %dma_wait3A_100] : memref<16x1000000xf32, #tpu.memory_space<hbm>> -> memref<16x512xf32, #tpu.memory_space<hbm>>
        %dma_wait3A_102 = arith.constant 0 : i32
        %dma_wait3A_103 = arith.constant 0 : i32
        %dma_wait3A_104 = tpu.memref_slice %arg5[%dma_wait3A_102, %dma_wait3A_103] : memref<16x1024xf32, #tpu.memory_space<vmem>> -> memref<16x512xf32, #tpu.memory_space<vmem>>
        %dma_wait3A_105 = arith.constant 0 : i32
        %dma_wait3A_106 = arith.constant 999424 : i32
        %dma_wait3A_107 = tpu.memref_slice %arg2[%dma_wait3A_105, %dma_wait3A_106] : memref<16x1000000xf32, #tpu.memory_space<hbm>> -> memref<16x512xf32, #tpu.memory_space<hbm>>
        tpu.wait_dma2 semaphore(%run_scoped3A : memref<!tpu.dma_semaphore, #tpu.memory_space<semaphore_mem>>) src(%dma_wait3A_107 : memref<16x512xf32, #tpu.memory_space<hbm>>) dst(%dma_wait3A_104 : memref<16x512xf32, #tpu.memory_space<vmem>>)
        tpu.yield
      }) : () -> ()
      %parallel_loop3A = arith.constant 0 : i32
      %parallel_loop3A_82 = arith.constant 32 : i32
      %parallel_loop3A_83 = arith.constant 1 : i32
      scf.for %parallel_loop3A_84 = %parallel_loop3A to %parallel_loop3A_82 step %parallel_loop3A_83  : i32 {
        %parallel_loop3A_85 = arith.constant 256 : i32
        %parallel_loop3A_86 = arith.muli %parallel_loop3A_84, %parallel_loop3A_85 : i32
        %parallel_loop3A_87 = vector.broadcast %parallel_loop3A_86 : i32 to vector<16xi32>
        %parallel_loop3A_88 = arith.addi %mul3A_25, %parallel_loop3A_87 : vector<16xi32>
        %parallel_loop3A_89 = arith.constant 16 : i32
        %parallel_loop3A_90 = arith.muli %parallel_loop3A_84, %parallel_loop3A_89 : i32
        %parallel_loop3A_91 = arith.constant 0 : i32
        %parallel_loop3A_92 = arith.index_cast %parallel_loop3A_91 : i32 to index
        %parallel_loop3A_93 = arith.index_cast %parallel_loop3A_90 : i32 to index
        %parallel_loop3A_94 = tpu.vector_load %arg5[%parallel_loop3A_92, %parallel_loop3A_93] {strides = array<i32>} : memref<16x1024xf32, #tpu.memory_space<vmem>>, vector<16xf32>,
        %parallel_loop3A_95 = arith.constant 0 : i32
        %parallel_loop3A_96 = vector.broadcast %parallel_loop3A_95 : i32 to vector<16xi32>
        %parallel_loop3A_97 = arith.addi %parallel_loop3A_88, %parallel_loop3A_96 : vector<16xi32>
        tpu.vector_store_idx %arg7[%parallel_loop3A_97], %parallel_loop3A_94 : memref<16384xf32, #tpu.memory_space<vmem>>[vector<16xi32>], vector<16xf32>,
        %parallel_loop3A_98 = arith.constant 16 : i32
        %parallel_loop3A_99 = arith.muli %parallel_loop3A_84, %parallel_loop3A_98 : i32
        %parallel_loop3A_100 = arith.constant 1 : i32
        %parallel_loop3A_101 = arith.index_cast %parallel_loop3A_100 : i32 to index
        %parallel_loop3A_102 = arith.index_cast %parallel_loop3A_99 : i32 to index
        %parallel_loop3A_103 = tpu.vector_load %arg5[%parallel_loop3A_101, %parallel_loop3A_102] {strides = array<i32>} : memref<16x1024xf32, #tpu.memory_space<vmem>>, vector<16xf32>,
        %parallel_loop3A_104 = arith.constant 1 : i32
        %parallel_loop3A_105 = vector.broadcast %parallel_loop3A_104 : i32 to vector<16xi32>
        %parallel_loop3A_106 = arith.addi %parallel_loop3A_88, %parallel_loop3A_105 : vector<16xi32>
        tpu.vector_store_idx %arg7[%parallel_loop3A_106], %parallel_loop3A_103 : memref<16384xf32, #tpu.memory_space<vmem>>[vector<16xi32>], vector<16xf32>,
        %parallel_loop3A_107 = arith.constant 16 : i32
        %parallel_loop3A_108 = arith.muli %parallel_loop3A_84, %parallel_loop3A_107 : i32
        %parallel_loop3A_109 = arith.constant 2 : i32
        %parallel_loop3A_110 = arith.index_cast %parallel_loop3A_109 : i32 to index
        %parallel_loop3A_111 = arith.index_cast %parallel_loop3A_108 : i32 to index
        %parallel_loop3A_112 = tpu.vector_load %arg5[%parallel_loop3A_110, %parallel_loop3A_111] {strides = array<i32>} : memref<16x1024xf32, #tpu.memory_space<vmem>>, vector<16xf32>,
        %parallel_loop3A_113 = arith.constant 2 : i32
        %parallel_loop3A_114 = vector.broadcast %parallel_loop3A_113 : i32 to vector<16xi32>
        %parallel_loop3A_115 = arith.addi %parallel_loop3A_88, %parallel_loop3A_114 : vector<16xi32>
        tpu.vector_store_idx %arg7[%parallel_loop3A_115], %parallel_loop3A_112 : memref<16384xf32, #tpu.memory_space<vmem>>[vector<16xi32>], vector<16xf32>,
        %parallel_loop3A_116 = arith.constant 16 : i32
        %parallel_loop3A_117 = arith.muli %parallel_loop3A_84, %parallel_loop3A_116 : i32
        %parallel_loop3A_118 = arith.constant 3 : i32
        %parallel_loop3A_119 = arith.index_cast %parallel_loop3A_118 : i32 to index
        %parallel_loop3A_120 = arith.index_cast %parallel_loop3A_117 : i32 to index
        %parallel_loop3A_121 = tpu.vector_load %arg5[%parallel_loop3A_119, %parallel_loop3A_120] {strides = array<i32>} : memref<16x1024xf32, #tpu.memory_space<vmem>>, vector<16xf32>,
        %parallel_loop3A_122 = arith.constant 3 : i32
        %parallel_loop3A_123 = vector.broadcast %parallel_loop3A_122 : i32 to vector<16xi32>
        %parallel_loop3A_124 = arith.addi %parallel_loop3A_88, %parallel_loop3A_123 : vector<16xi32>
        tpu.vector_store_idx %arg7[%parallel_loop3A_124], %parallel_loop3A_121 : memref<16384xf32, #tpu.memory_space<vmem>>[vector<16xi32>], vector<16xf32>,
        %parallel_loop3A_125 = arith.constant 16 : i32
        %parallel_loop3A_126 = arith.muli %parallel_loop3A_84, %parallel_loop3A_125 : i32
        %parallel_loop3A_127 = arith.constant 4 : i32
        %parallel_loop3A_128 = arith.index_cast %parallel_loop3A_127 : i32 to index
        %parallel_loop3A_129 = arith.index_cast %parallel_loop3A_126 : i32 to index
        %parallel_loop3A_130 = tpu.vector_load %arg5[%parallel_loop3A_128, %parallel_loop3A_129] {strides = array<i32>} : memref<16x1024xf32, #tpu.memory_space<vmem>>, vector<16xf32>,
        %parallel_loop3A_131 = arith.constant 4 : i32
        %parallel_loop3A_132 = vector.broadcast %parallel_loop3A_131 : i32 to vector<16xi32>
        %parallel_loop3A_133 = arith.addi %parallel_loop3A_88, %parallel_loop3A_132 : vector<16xi32>
        tpu.vector_store_idx %arg7[%parallel_loop3A_133], %parallel_loop3A_130 : memref<16384xf32, #tpu.memory_space<vmem>>[vector<16xi32>], vector<16xf32>,
        %parallel_loop3A_134 = arith.constant 16 : i32
        %parallel_loop3A_135 = arith.muli %parallel_loop3A_84, %parallel_loop3A_134 : i32
        %parallel_loop3A_136 = arith.constant 5 : i32
        %parallel_loop3A_137 = arith.index_cast %parallel_loop3A_136 : i32 to index
        %parallel_loop3A_138 = arith.index_cast %parallel_loop3A_135 : i32 to index
        %parallel_loop3A_139 = tpu.vector_load %arg5[%parallel_loop3A_137, %parallel_loop3A_138] {strides = array<i32>} : memref<16x1024xf32, #tpu.memory_space<vmem>>, vector<16xf32>,
        %parallel_loop3A_140 = arith.constant 5 : i32
        %parallel_loop3A_141 = vector.broadcast %parallel_loop3A_140 : i32 to vector<16xi32>
        %parallel_loop3A_142 = arith.addi %parallel_loop3A_88, %parallel_loop3A_141 : vector<16xi32>
        tpu.vector_store_idx %arg7[%parallel_loop3A_142], %parallel_loop3A_139 : memref<16384xf32, #tpu.memory_space<vmem>>[vector<16xi32>], vector<16xf32>,
        %parallel_loop3A_143 = arith.constant 16 : i32
        %parallel_loop3A_144 = arith.muli %parallel_loop3A_84, %parallel_loop3A_143 : i32
        %parallel_loop3A_145 = arith.constant 6 : i32
        %parallel_loop3A_146 = arith.index_cast %parallel_loop3A_145 : i32 to index
        %parallel_loop3A_147 = arith.index_cast %parallel_loop3A_144 : i32 to index
        %parallel_loop3A_148 = tpu.vector_load %arg5[%parallel_loop3A_146, %parallel_loop3A_147] {strides = array<i32>} : memref<16x1024xf32, #tpu.memory_space<vmem>>, vector<16xf32>,
        %parallel_loop3A_149 = arith.constant 6 : i32
        %parallel_loop3A_150 = vector.broadcast %parallel_loop3A_149 : i32 to vector<16xi32>
        %parallel_loop3A_151 = arith.addi %parallel_loop3A_88, %parallel_loop3A_150 : vector<16xi32>
        tpu.vector_store_idx %arg7[%parallel_loop3A_151], %parallel_loop3A_148 : memref<16384xf32, #tpu.memory_space<vmem>>[vector<16xi32>], vector<16xf32>,
        %parallel_loop3A_152 = arith.constant 16 : i32
        %parallel_loop3A_153 = arith.muli %parallel_loop3A_84, %parallel_loop3A_152 : i32
        %parallel_loop3A_154 = arith.constant 7 : i32
        %parallel_loop3A_155 = arith.index_cast %parallel_loop3A_154 : i32 to index
        %parallel_loop3A_156 = arith.index_cast %parallel_loop3A_153 : i32 to index
        %parallel_loop3A_157 = tpu.vector_load %arg5[%parallel_loop3A_155, %parallel_loop3A_156] {strides = array<i32>} : memref<16x1024xf32, #tpu.memory_space<vmem>>, vector<16xf32>,
        %parallel_loop3A_158 = arith.constant 7 : i32
        %parallel_loop3A_159 = vector.broadcast %parallel_loop3A_158 : i32 to vector<16xi32>
        %parallel_loop3A_160 = arith.addi %parallel_loop3A_88, %parallel_loop3A_159 : vector<16xi32>
        tpu.vector_store_idx %arg7[%parallel_loop3A_160], %parallel_loop3A_157 : memref<16384xf32, #tpu.memory_space<vmem>>[vector<16xi32>], vector<16xf32>,
        %parallel_loop3A_161 = arith.constant 16 : i32
        %parallel_loop3A_162 = arith.muli %parallel_loop3A_84, %parallel_loop3A_161 : i32
        %parallel_loop3A_163 = arith.constant 8 : i32
        %parallel_loop3A_164 = arith.index_cast %parallel_loop3A_163 : i32 to index
        %parallel_loop3A_165 = arith.index_cast %parallel_loop3A_162 : i32 to index
        %parallel_loop3A_166 = tpu.vector_load %arg5[%parallel_loop3A_164, %parallel_loop3A_165] {strides = array<i32>} : memref<16x1024xf32, #tpu.memory_space<vmem>>, vector<16xf32>,
        %parallel_loop3A_167 = arith.constant 8 : i32
        %parallel_loop3A_168 = vector.broadcast %parallel_loop3A_167 : i32 to vector<16xi32>
        %parallel_loop3A_169 = arith.addi %parallel_loop3A_88, %parallel_loop3A_168 : vector<16xi32>
        tpu.vector_store_idx %arg7[%parallel_loop3A_169], %parallel_loop3A_166 : memref<16384xf32, #tpu.memory_space<vmem>>[vector<16xi32>], vector<16xf32>,
        %parallel_loop3A_170 = arith.constant 16 : i32
        %parallel_loop3A_171 = arith.muli %parallel_loop3A_84, %parallel_loop3A_170 : i32
        %parallel_loop3A_172 = arith.constant 9 : i32
        %parallel_loop3A_173 = arith.index_cast %parallel_loop3A_172 : i32 to index
        %parallel_loop3A_174 = arith.index_cast %parallel_loop3A_171 : i32 to index
        %parallel_loop3A_175 = tpu.vector_load %arg5[%parallel_loop3A_173, %parallel_loop3A_174] {strides = array<i32>} : memref<16x1024xf32, #tpu.memory_space<vmem>>, vector<16xf32>,
        %parallel_loop3A_176 = arith.constant 9 : i32
        %parallel_loop3A_177 = vector.broadcast %parallel_loop3A_176 : i32 to vector<16xi32>
        %parallel_loop3A_178 = arith.addi %parallel_loop3A_88, %parallel_loop3A_177 : vector<16xi32>
        tpu.vector_store_idx %arg7[%parallel_loop3A_178], %parallel_loop3A_175 : memref<16384xf32, #tpu.memory_space<vmem>>[vector<16xi32>], vector<16xf32>,
        %parallel_loop3A_179 = arith.constant 16 : i32
        %parallel_loop3A_180 = arith.muli %parallel_loop3A_84, %parallel_loop3A_179 : i32
        %parallel_loop3A_181 = arith.constant 10 : i32
        %parallel_loop3A_182 = arith.index_cast %parallel_loop3A_181 : i32 to index
        %parallel_loop3A_183 = arith.index_cast %parallel_loop3A_180 : i32 to index
        %parallel_loop3A_184 = tpu.vector_load %arg5[%parallel_loop3A_182, %parallel_loop3A_183] {strides = array<i32>} : memref<16x1024xf32, #tpu.memory_space<vmem>>, vector<16xf32>,
        %parallel_loop3A_185 = arith.constant 10 : i32
        %parallel_loop3A_186 = vector.broadcast %parallel_loop3A_185 : i32 to vector<16xi32>
        %parallel_loop3A_187 = arith.addi %parallel_loop3A_88, %parallel_loop3A_186 : vector<16xi32>
        tpu.vector_store_idx %arg7[%parallel_loop3A_187], %parallel_loop3A_184 : memref<16384xf32, #tpu.memory_space<vmem>>[vector<16xi32>], vector<16xf32>,
        %parallel_loop3A_188 = arith.constant 16 : i32
        %parallel_loop3A_189 = arith.muli %parallel_loop3A_84, %parallel_loop3A_188 : i32
        %parallel_loop3A_190 = arith.constant 11 : i32
        %parallel_loop3A_191 = arith.index_cast %parallel_loop3A_190 : i32 to index
        %parallel_loop3A_192 = arith.index_cast %parallel_loop3A_189 : i32 to index
        %parallel_loop3A_193 = tpu.vector_load %arg5[%parallel_loop3A_191, %parallel_loop3A_192] {strides = array<i32>} : memref<16x1024xf32, #tpu.memory_space<vmem>>, vector<16xf32>,
        %parallel_loop3A_194 = arith.constant 11 : i32
        %parallel_loop3A_195 = vector.broadcast %parallel_loop3A_194 : i32 to vector<16xi32>
        %parallel_loop3A_196 = arith.addi %parallel_loop3A_88, %parallel_loop3A_195 : vector<16xi32>
        tpu.vector_store_idx %arg7[%parallel_loop3A_196], %parallel_loop3A_193 : memref<16384xf32, #tpu.memory_space<vmem>>[vector<16xi32>], vector<16xf32>,
        %parallel_loop3A_197 = arith.constant 16 : i32
        %parallel_loop3A_198 = arith.muli %parallel_loop3A_84, %parallel_loop3A_197 : i32
        %parallel_loop3A_199 = arith.constant 12 : i32
        %parallel_loop3A_200 = arith.index_cast %parallel_loop3A_199 : i32 to index
        %parallel_loop3A_201 = arith.index_cast %parallel_loop3A_198 : i32 to index
        %parallel_loop3A_202 = tpu.vector_load %arg5[%parallel_loop3A_200, %parallel_loop3A_201] {strides = array<i32>} : memref<16x1024xf32, #tpu.memory_space<vmem>>, vector<16xf32>,
        %parallel_loop3A_203 = arith.constant 12 : i32
        %parallel_loop3A_204 = vector.broadcast %parallel_loop3A_203 : i32 to vector<16xi32>
        %parallel_loop3A_205 = arith.addi %parallel_loop3A_88, %parallel_loop3A_204 : vector<16xi32>
        tpu.vector_store_idx %arg7[%parallel_loop3A_205], %parallel_loop3A_202 : memref<16384xf32, #tpu.memory_space<vmem>>[vector<16xi32>], vector<16xf32>,
        %parallel_loop3A_206 = arith.constant 16 : i32
        %parallel_loop3A_207 = arith.muli %parallel_loop3A_84, %parallel_loop3A_206 : i32
        %parallel_loop3A_208 = arith.constant 13 : i32
        %parallel_loop3A_209 = arith.index_cast %parallel_loop3A_208 : i32 to index
        %parallel_loop3A_210 = arith.index_cast %parallel_loop3A_207 : i32 to index
        %parallel_loop3A_211 = tpu.vector_load %arg5[%parallel_loop3A_209, %parallel_loop3A_210] {strides = array<i32>} : memref<16x1024xf32, #tpu.memory_space<vmem>>, vector<16xf32>,
        %parallel_loop3A_212 = arith.constant 13 : i32
        %parallel_loop3A_213 = vector.broadcast %parallel_loop3A_212 : i32 to vector<16xi32>
        %parallel_loop3A_214 = arith.addi %parallel_loop3A_88, %parallel_loop3A_213 : vector<16xi32>
        tpu.vector_store_idx %arg7[%parallel_loop3A_214], %parallel_loop3A_211 : memref<16384xf32, #tpu.memory_space<vmem>>[vector<16xi32>], vector<16xf32>,
        %parallel_loop3A_215 = arith.constant 16 : i32
        %parallel_loop3A_216 = arith.muli %parallel_loop3A_84, %parallel_loop3A_215 : i32
        %parallel_loop3A_217 = arith.constant 14 : i32
        %parallel_loop3A_218 = arith.index_cast %parallel_loop3A_217 : i32 to index
        %parallel_loop3A_219 = arith.index_cast %parallel_loop3A_216 : i32 to index
        %parallel_loop3A_220 = tpu.vector_load %arg5[%parallel_loop3A_218, %parallel_loop3A_219] {strides = array<i32>} : memref<16x1024xf32, #tpu.memory_space<vmem>>, vector<16xf32>,
        %parallel_loop3A_221 = arith.constant 14 : i32
        %parallel_loop3A_222 = vector.broadcast %parallel_loop3A_221 : i32 to vector<16xi32>
        %parallel_loop3A_223 = arith.addi %parallel_loop3A_88, %parallel_loop3A_222 : vector<16xi32>
        tpu.vector_store_idx %arg7[%parallel_loop3A_223], %parallel_loop3A_220 : memref<16384xf32, #tpu.memory_space<vmem>>[vector<16xi32>], vector<16xf32>,
        %parallel_loop3A_224 = arith.constant 16 : i32
        %parallel_loop3A_225 = arith.muli %parallel_loop3A_84, %parallel_loop3A_224 : i32
        %parallel_loop3A_226 = arith.constant 15 : i32
        %parallel_loop3A_227 = arith.index_cast %parallel_loop3A_226 : i32 to index
        %parallel_loop3A_228 = arith.index_cast %parallel_loop3A_225 : i32 to index
        %parallel_loop3A_229 = tpu.vector_load %arg5[%parallel_loop3A_227, %parallel_loop3A_228] {strides = array<i32>} : memref<16x1024xf32, #tpu.memory_space<vmem>>, vector<16xf32>,
        %parallel_loop3A_230 = arith.constant 15 : i32
        %parallel_loop3A_231 = vector.broadcast %parallel_loop3A_230 : i32 to vector<16xi32>
        %parallel_loop3A_232 = arith.addi %parallel_loop3A_88, %parallel_loop3A_231 : vector<16xi32>
        tpu.vector_store_idx %arg7[%parallel_loop3A_232], %parallel_loop3A_229 : memref<16384xf32, #tpu.memory_space<vmem>>[vector<16xi32>], vector<16xf32>,
      } {sc.loop_unroll_factor = 2 : i64, sc.parallel_access}
      "tpu.region"() ({
        %run_scoped3A = tpu.sem_alloc : memref<!tpu.dma_semaphore, #tpu.memory_space<semaphore_mem>>
        %dma_start3A_84 = arith.constant 0 : i32
        %dma_start3A_85 = tpu.memref_slice %arg7[%dma_start3A_84] : memref<16384xf32, #tpu.memory_space<vmem>> -> memref<8192xf32, #tpu.memory_space<vmem>>
        %dma_start3A_86 = arith.constant 15990784 : i32
        %dma_start3A_87 = tpu.memref_slice %arg4[%dma_start3A_86] : memref<16000000xf32, #tpu.memory_space<hbm>> -> memref<8192xf32, #tpu.memory_space<hbm>>
        %dma_start3A_88 = arith.constant 15990784 : i32
        %dma_start3A_89 = tpu.memref_slice %arg4[%dma_start3A_88] : memref<16000000xf32, #tpu.memory_space<hbm>> -> memref<8192xf32, #tpu.memory_space<hbm>>
        %dma_start3A_90 = arith.constant 0 : i32
        %dma_start3A_91 = tpu.memref_slice %arg7[%dma_start3A_90] : memref<16384xf32, #tpu.memory_space<vmem>> -> memref<8192xf32, #tpu.memory_space<vmem>>
        tpu.enqueue_dma source(%dma_start3A_91 : memref<8192xf32, #tpu.memory_space<vmem>>) target(%dma_start3A_89 : memref<8192xf32, #tpu.memory_space<hbm>>) target_semaphore(%run_scoped3A : memref<!tpu.dma_semaphore, #tpu.memory_space<semaphore_mem>>)
        %dma_wait3A_92 = arith.constant 0 : i32
        %dma_wait3A_93 = tpu.memref_slice %arg7[%dma_wait3A_92] : memref<16384xf32, #tpu.memory_space<vmem>> -> memref<8192xf32, #tpu.memory_space<vmem>>
        %dma_wait3A_94 = arith.constant 15990784 : i32
        %dma_wait3A_95 = tpu.memref_slice %arg4[%dma_wait3A_94] : memref<16000000xf32, #tpu.memory_space<hbm>> -> memref<8192xf32, #tpu.memory_space<hbm>>
        %dma_wait3A_96 = arith.constant 15990784 : i32
        %dma_wait3A_97 = tpu.memref_slice %arg4[%dma_wait3A_96] : memref<16000000xf32, #tpu.memory_space<hbm>> -> memref<8192xf32, #tpu.memory_space<hbm>>
        %dma_wait3A_98 = arith.constant 0 : i32
        %dma_wait3A_99 = tpu.memref_slice %arg7[%dma_wait3A_98] : memref<16384xf32, #tpu.memory_space<vmem>> -> memref<8192xf32, #tpu.memory_space<vmem>>
        tpu.wait_dma2 semaphore(%run_scoped3A : memref<!tpu.dma_semaphore, #tpu.memory_space<semaphore_mem>>) src(%dma_wait3A_99 : memref<8192xf32, #tpu.memory_space<vmem>>) dst(%dma_wait3A_97 : memref<8192xf32, #tpu.memory_space<hbm>>)
        tpu.yield
      }) : () -> ()
    } else {
    }
    %eq3A_77 = arith.constant 1 : i32
    %eq3A_78 = arith.cmpi eq, %add3A, %eq3A_77 : i32
    %convert_element_type3A_79 = arith.extui %eq3A_78 : i1 to i32
    %cond3A_80 = arith.constant 0 : i32
    %cond3A_81 = arith.cmpi ne, %convert_element_type3A_79, %cond3A_80 : i32
    scf.if %cond3A_81 {
      "tpu.region"() ({
        %run_scoped3A = tpu.sem_alloc : memref<!tpu.dma_semaphore, #tpu.memory_space<semaphore_mem>>
        %dma_start3A_82 = arith.constant 15998976 : i32
        %dma_start3A_83 = tpu.memref_slice %arg4[%dma_start3A_82] : memref<16000000xf32, #tpu.memory_space<hbm>> -> memref<1024xf32, #tpu.memory_space<hbm>>
        tpu.enqueue_dma source(%arg3 : memref<1024xf32, #tpu.memory_space<hbm>>) target(%dma_start3A_83 : memref<1024xf32, #tpu.memory_space<hbm>>) target_semaphore(%run_scoped3A : memref<!tpu.dma_semaphore, #tpu.memory_space<semaphore_mem>>)
        %dma_wait3A_84 = arith.constant 15998976 : i32
        %dma_wait3A_85 = tpu.memref_slice %arg4[%dma_wait3A_84] : memref<16000000xf32, #tpu.memory_space<hbm>> -> memref<1024xf32, #tpu.memory_space<hbm>>
        tpu.wait_dma2 semaphore(%run_scoped3A : memref<!tpu.dma_semaphore, #tpu.memory_space<semaphore_mem>>) src(%arg3 : memref<1024xf32, #tpu.memory_space<hbm>>) dst(%dma_wait3A_85 : memref<1024xf32, #tpu.memory_space<hbm>>)
        tpu.yield
      }) : () -> ()
    } else {
    }
    return
  }
}

#map = affine_map<(d0, d1) -> (0, 0)>
#map1 = affine_map<(d0, d1) -> (0)>
module attributes {stable_mosaic.version = 14 : i64} {
  func.func @gather_kernel(%arg0: i32, %arg1: i32, %arg2: memref<1000000x16xf32, #tpu.memory_space<hbm>>, %arg3: memref<62500x16xf32, #tpu.memory_space<hbm>>, %arg4: memref<212992xi32, #tpu.memory_space<hbm>>, %arg5: memref<212992x16xf32, #tpu.memory_space<hbm>>, %arg6: memref<212992xf32, #tpu.memory_space<hbm>>, %arg7: memref<6656xi32, #tpu.memory_space<vmem>>, %arg8: memref<1664x16xf32, #tpu.memory_space<vmem>>, %arg9: memref<1664x16xf32, #tpu.memory_space<vmem>>, %arg10: memref<1664xi32, #tpu.memory_space<vmem>>, %arg11: memref<1664xf32, #tpu.memory_space<vmem>>, %arg12: memref<!tpu.dma_semaphore, #tpu.memory_space<semaphore_mem>>, %arg13: memref<!tpu.dma_semaphore, #tpu.memory_space<semaphore_mem>>) attributes {dimension_semantics = [#tpu.dimension_semantics<core_parallel>, #tpu.dimension_semantics<subcore_parallel>], iteration_bounds = array<i64: 2, 16>, scalar_prefetch = 0 : i64, scratch_operands = 7 : i64, tpu.core_type = #tpu.core_type<sc_vector_subcore>, window_params = [{transform_indices = #map}, {transform_indices = #map}, {transform_indices = #map1}, {transform_indices = #map}, {transform_indices = #map1}]} {
    %mul3A = arith.constant 2 : i32
    %mul3A_0 = arith.muli %arg1, %mul3A : i32
    %add3A = arith.addi %mul3A_0, %arg0 : i32
    %mul3A_1 = arith.constant 6656 : i32
    %mul3A_2 = arith.muli %add3A, %mul3A_1 : i32
    "tpu.region"() ({
      %run_scoped3A = tpu.sem_alloc : memref<!tpu.dma_semaphore, #tpu.memory_space<semaphore_mem>>
      %dma_start3A_96 = tpu.memref_slice %arg4[%mul3A_2] : memref<212992xi32, #tpu.memory_space<hbm>> -> memref<6656xi32, #tpu.memory_space<hbm>>
      %dma_start3A_97 = tpu.memref_slice %arg4[%mul3A_2] : memref<212992xi32, #tpu.memory_space<hbm>> -> memref<6656xi32, #tpu.memory_space<hbm>>
      tpu.enqueue_dma source(%dma_start3A_97 : memref<6656xi32, #tpu.memory_space<hbm>>) target(%arg7 : memref<6656xi32, #tpu.memory_space<vmem>>) target_semaphore(%run_scoped3A : memref<!tpu.dma_semaphore, #tpu.memory_space<semaphore_mem>>)
      %dma_wait3A_98 = tpu.memref_slice %arg4[%mul3A_2] : memref<212992xi32, #tpu.memory_space<hbm>> -> memref<6656xi32, #tpu.memory_space<hbm>>
      %dma_wait3A_99 = tpu.memref_slice %arg4[%mul3A_2] : memref<212992xi32, #tpu.memory_space<hbm>> -> memref<6656xi32, #tpu.memory_space<hbm>>
      tpu.wait_dma2 semaphore(%run_scoped3A : memref<!tpu.dma_semaphore, #tpu.memory_space<semaphore_mem>>) src(%dma_wait3A_99 : memref<6656xi32, #tpu.memory_space<hbm>>) dst(%arg7 : memref<6656xi32, #tpu.memory_space<vmem>>)
      tpu.yield
    }) : () -> ()
    %iota3A = tpu.iota {dimensions = array<i32: 0>} : vector<16xi32>
    %dma_start3A = arith.constant 0 : i32
    %dma_start3A_3 = tpu.memref_slice %arg7[%dma_start3A] : memref<6656xi32, #tpu.memory_space<vmem>> -> memref<1664xi32, #tpu.memory_space<vmem>>
    %dma_start3A_4 = arith.constant 0 : i32
    %dma_start3A_5 = arith.constant 0 : i32
    %dma_start3A_6 = tpu.memref_slice %arg2[%dma_start3A_4, %dma_start3A_5] : memref<1000000x16xf32, #tpu.memory_space<hbm>> -> memref<1000000x16xf32, #tpu.memory_space<hbm>>
    tpu.enqueue_indirect_dma source(%dma_start3A_6 : memref<1000000x16xf32, #tpu.memory_space<hbm>>) target(%arg8 : memref<1664x16xf32, #tpu.memory_space<vmem>>) offsets(%dma_start3A_3 : memref<1664xi32, #tpu.memory_space<vmem>>) semaphore(%arg12 : memref<!tpu.dma_semaphore, #tpu.memory_space<semaphore_mem>>)
    %parallel_loop3A = arith.constant 0 : i32
    %parallel_loop3A_7 = arith.constant 104 : i32
    %parallel_loop3A_8 = arith.constant 1 : i32
    scf.for %parallel_loop3A_96 = %parallel_loop3A to %parallel_loop3A_7 step %parallel_loop3A_8  : i32 {
      %parallel_loop3A_97 = arith.constant 16 : i32
      %parallel_loop3A_98 = arith.muli %parallel_loop3A_96, %parallel_loop3A_97 : i32
      %parallel_loop3A_99 = arith.constant 0 : i32
      %parallel_loop3A_100 = arith.addi %parallel_loop3A_99, %parallel_loop3A_98 : i32
      %parallel_loop3A_101 = arith.index_cast %parallel_loop3A_100 : i32 to index
      %parallel_loop3A_102 = tpu.vector_load %arg7[%parallel_loop3A_101] {strides = array<i32>} : memref<6656xi32, #tpu.memory_space<vmem>>, vector<16xi32>,
      %parallel_loop3A_103 = arith.constant 4 : i32
      %parallel_loop3A_104 = vector.broadcast %parallel_loop3A_103 : i32 to vector<16xi32>
      %parallel_loop3A_105 = arith.shrui %parallel_loop3A_102, %parallel_loop3A_104 : vector<16xi32>
      %parallel_loop3A_106 = arith.constant 16 : i32
      %parallel_loop3A_107 = arith.muli %parallel_loop3A_96, %parallel_loop3A_106 : i32
      %parallel_loop3A_108 = arith.index_cast %parallel_loop3A_107 : i32 to index
      %parallel_loop3A_109 = tpu.vector_load %arg10[%parallel_loop3A_108] {strides = array<i32>} : memref<1664xi32, #tpu.memory_space<vmem>>, vector<16xi32>,
      tpu.vector_store %arg10[%parallel_loop3A_108], %parallel_loop3A_105 {strides = array<i32>} : memref<1664xi32, #tpu.memory_space<vmem>>, vector<16xi32>,
    } {sc.loop_unroll_factor = 4 : i64, sc.parallel_access}
    %dma_start3A_9 = arith.constant 0 : i32
    %dma_start3A_10 = arith.constant 0 : i32
    %dma_start3A_11 = tpu.memref_slice %arg3[%dma_start3A_9, %dma_start3A_10] : memref<62500x16xf32, #tpu.memory_space<hbm>> -> memref<62500x16xf32, #tpu.memory_space<hbm>>
    tpu.enqueue_indirect_dma source(%dma_start3A_11 : memref<62500x16xf32, #tpu.memory_space<hbm>>) target(%arg9 : memref<1664x16xf32, #tpu.memory_space<vmem>>) offsets(%arg10 : memref<1664xi32, #tpu.memory_space<vmem>>) semaphore(%arg13 : memref<!tpu.dma_semaphore, #tpu.memory_space<semaphore_mem>>)
    %dma_wait3A = arith.constant 0 : i32
    %dma_wait3A_12 = arith.constant 0 : i32
    %dma_wait3A_13 = tpu.memref_slice %arg3[%dma_wait3A, %dma_wait3A_12] : memref<62500x16xf32, #tpu.memory_space<hbm>> -> memref<62500x16xf32, #tpu.memory_space<hbm>>
    tpu.wait_indirect_dma semaphore(%arg13 : memref<!tpu.dma_semaphore, #tpu.memory_space<semaphore_mem>>) src(%dma_wait3A_13 : memref<62500x16xf32, #tpu.memory_space<hbm>>) dst(%arg9 : memref<1664x16xf32, #tpu.memory_space<vmem>>)
    %parallel_loop3A_14 = arith.constant 0 : i32
    %parallel_loop3A_15 = arith.constant 104 : i32
    %parallel_loop3A_16 = arith.constant 1 : i32
    scf.for %parallel_loop3A_96 = %parallel_loop3A_14 to %parallel_loop3A_15 step %parallel_loop3A_16  : i32 {
      %parallel_loop3A_97 = arith.constant 16 : i32
      %parallel_loop3A_98 = arith.muli %parallel_loop3A_96, %parallel_loop3A_97 : i32
      %parallel_loop3A_99 = arith.constant 0 : i32
      %parallel_loop3A_100 = arith.addi %parallel_loop3A_99, %parallel_loop3A_98 : i32
      %parallel_loop3A_101 = arith.index_cast %parallel_loop3A_100 : i32 to index
      %parallel_loop3A_102 = tpu.vector_load %arg7[%parallel_loop3A_101] {strides = array<i32>} : memref<6656xi32, #tpu.memory_space<vmem>>, vector<16xi32>,
      %parallel_loop3A_103 = arith.constant 16 : i32
      %parallel_loop3A_104 = arith.muli %parallel_loop3A_96, %parallel_loop3A_103 : i32
      %parallel_loop3A_105 = vector.broadcast %parallel_loop3A_104 : i32 to vector<16xi32>
      %parallel_loop3A_106 = arith.addi %parallel_loop3A_105, %iota3A : vector<16xi32>
      %parallel_loop3A_107 = arith.constant 15 : i32
      %parallel_loop3A_108 = vector.broadcast %parallel_loop3A_107 : i32 to vector<16xi32>
      %parallel_loop3A_109 = arith.andi %parallel_loop3A_102, %parallel_loop3A_108 : vector<16xi32>
      %parallel_loop3A_110 = tpu.vector_load_idx %arg9[%parallel_loop3A_106, %parallel_loop3A_109] : memref<1664x16xf32, #tpu.memory_space<vmem>>[vector<16xi32>, vector<16xi32>], vector<16xf32>,
      %parallel_loop3A_111 = arith.constant 16 : i32
      %parallel_loop3A_112 = arith.muli %parallel_loop3A_96, %parallel_loop3A_111 : i32
      %parallel_loop3A_113 = arith.index_cast %parallel_loop3A_112 : i32 to index
      %parallel_loop3A_114 = tpu.vector_load %arg11[%parallel_loop3A_113] {strides = array<i32>} : memref<1664xf32, #tpu.memory_space<vmem>>, vector<16xf32>,
      tpu.vector_store %arg11[%parallel_loop3A_113], %parallel_loop3A_110 {strides = array<i32>} : memref<1664xf32, #tpu.memory_space<vmem>>, vector<16xf32>,
    } {sc.loop_unroll_factor = 4 : i64, sc.parallel_access}
    %dma_wait3A_17 = arith.constant 0 : i32
    %dma_wait3A_18 = tpu.memref_slice %arg7[%dma_wait3A_17] : memref<6656xi32, #tpu.memory_space<vmem>> -> memref<1664xi32, #tpu.memory_space<vmem>>
    %dma_wait3A_19 = arith.constant 0 : i32
    %dma_wait3A_20 = arith.constant 0 : i32
    %dma_wait3A_21 = tpu.memref_slice %arg2[%dma_wait3A_19, %dma_wait3A_20] : memref<1000000x16xf32, #tpu.memory_space<hbm>> -> memref<1000000x16xf32, #tpu.memory_space<hbm>>
    tpu.wait_indirect_dma semaphore(%arg12 : memref<!tpu.dma_semaphore, #tpu.memory_space<semaphore_mem>>) src(%dma_wait3A_21 : memref<1000000x16xf32, #tpu.memory_space<hbm>>) dst(%arg8 : memref<1664x16xf32, #tpu.memory_space<vmem>>)
    %add3A_22 = arith.constant 0 : i32
    %add3A_23 = arith.addi %mul3A_2, %add3A_22 : i32
    "tpu.region"() ({
      %run_scoped3A = tpu.sem_alloc : memref<!tpu.dma_semaphore, #tpu.memory_space<semaphore_mem>>
      %dma_start3A_96 = arith.constant 0 : i32
      %dma_start3A_97 = tpu.memref_slice %arg5[%add3A_23, %dma_start3A_96] : memref<212992x16xf32, #tpu.memory_space<hbm>> -> memref<1664x16xf32, #tpu.memory_space<hbm>>
      %dma_start3A_98 = arith.constant 0 : i32
      %dma_start3A_99 = tpu.memref_slice %arg5[%add3A_23, %dma_start3A_98] : memref<212992x16xf32, #tpu.memory_space<hbm>> -> memref<1664x16xf32, #tpu.memory_space<hbm>>
      tpu.enqueue_dma source(%arg8 : memref<1664x16xf32, #tpu.memory_space<vmem>>) target(%dma_start3A_99 : memref<1664x16xf32, #tpu.memory_space<hbm>>) target_semaphore(%run_scoped3A : memref<!tpu.dma_semaphore, #tpu.memory_space<semaphore_mem>>)
      %dma_wait3A_100 = arith.constant 0 : i32
      %dma_wait3A_101 = tpu.memref_slice %arg5[%add3A_23, %dma_wait3A_100] : memref<212992x16xf32, #tpu.memory_space<hbm>> -> memref<1664x16xf32, #tpu.memory_space<hbm>>
      %dma_wait3A_102 = arith.constant 0 : i32
      %dma_wait3A_103 = tpu.memref_slice %arg5[%add3A_23, %dma_wait3A_102] : memref<212992x16xf32, #tpu.memory_space<hbm>> -> memref<1664x16xf32, #tpu.memory_space<hbm>>
      tpu.wait_dma2 semaphore(%run_scoped3A : memref<!tpu.dma_semaphore, #tpu.memory_space<semaphore_mem>>) src(%arg8 : memref<1664x16xf32, #tpu.memory_space<vmem>>) dst(%dma_wait3A_103 : memref<1664x16xf32, #tpu.memory_space<hbm>>)
      tpu.yield
    }) : () -> ()
    "tpu.region"() ({
      %run_scoped3A = tpu.sem_alloc : memref<!tpu.dma_semaphore, #tpu.memory_space<semaphore_mem>>
      %dma_start3A_96 = tpu.memref_slice %arg6[%add3A_23] : memref<212992xf32, #tpu.memory_space<hbm>> -> memref<1664xf32, #tpu.memory_space<hbm>>
      %dma_start3A_97 = tpu.memref_slice %arg6[%add3A_23] : memref<212992xf32, #tpu.memory_space<hbm>> -> memref<1664xf32, #tpu.memory_space<hbm>>
      tpu.enqueue_dma source(%arg11 : memref<1664xf32, #tpu.memory_space<vmem>>) target(%dma_start3A_97 : memref<1664xf32, #tpu.memory_space<hbm>>) target_semaphore(%run_scoped3A : memref<!tpu.dma_semaphore, #tpu.memory_space<semaphore_mem>>)
      %dma_wait3A_98 = tpu.memref_slice %arg6[%add3A_23] : memref<212992xf32, #tpu.memory_space<hbm>> -> memref<1664xf32, #tpu.memory_space<hbm>>
      %dma_wait3A_99 = tpu.memref_slice %arg6[%add3A_23] : memref<212992xf32, #tpu.memory_space<hbm>> -> memref<1664xf32, #tpu.memory_space<hbm>>
      tpu.wait_dma2 semaphore(%run_scoped3A : memref<!tpu.dma_semaphore, #tpu.memory_space<semaphore_mem>>) src(%arg11 : memref<1664xf32, #tpu.memory_space<vmem>>) dst(%dma_wait3A_99 : memref<1664xf32, #tpu.memory_space<hbm>>)
      tpu.yield
    }) : () -> ()
    %dma_start3A_24 = arith.constant 1664 : i32
    %dma_start3A_25 = tpu.memref_slice %arg7[%dma_start3A_24] : memref<6656xi32, #tpu.memory_space<vmem>> -> memref<1664xi32, #tpu.memory_space<vmem>>
    %dma_start3A_26 = arith.constant 0 : i32
    %dma_start3A_27 = arith.constant 0 : i32
    %dma_start3A_28 = tpu.memref_slice %arg2[%dma_start3A_26, %dma_start3A_27] : memref<1000000x16xf32, #tpu.memory_space<hbm>> -> memref<1000000x16xf32, #tpu.memory_space<hbm>>
    tpu.enqueue_indirect_dma source(%dma_start3A_28 : memref<1000000x16xf32, #tpu.memory_space<hbm>>) target(%arg8 : memref<1664x16xf32, #tpu.memory_space<vmem>>) offsets(%dma_start3A_25 : memref<1664xi32, #tpu.memory_space<vmem>>) semaphore(%arg12 : memref<!tpu.dma_semaphore, #tpu.memory_space<semaphore_mem>>)
    %parallel_loop3A_29 = arith.constant 0 : i32
    %parallel_loop3A_30 = arith.constant 104 : i32
    %parallel_loop3A_31 = arith.constant 1 : i32
    scf.for %parallel_loop3A_96 = %parallel_loop3A_29 to %parallel_loop3A_30 step %parallel_loop3A_31  : i32 {
      %parallel_loop3A_97 = arith.constant 16 : i32
      %parallel_loop3A_98 = arith.muli %parallel_loop3A_96, %parallel_loop3A_97 : i32
      %parallel_loop3A_99 = arith.constant 1664 : i32
      %parallel_loop3A_100 = arith.addi %parallel_loop3A_99, %parallel_loop3A_98 : i32
      %parallel_loop3A_101 = arith.index_cast %parallel_loop3A_100 : i32 to index
      %parallel_loop3A_102 = tpu.vector_load %arg7[%parallel_loop3A_101] {strides = array<i32>} : memref<6656xi32, #tpu.memory_space<vmem>>, vector<16xi32>,
      %parallel_loop3A_103 = arith.constant 4 : i32
      %parallel_loop3A_104 = vector.broadcast %parallel_loop3A_103 : i32 to vector<16xi32>
      %parallel_loop3A_105 = arith.shrui %parallel_loop3A_102, %parallel_loop3A_104 : vector<16xi32>
      %parallel_loop3A_106 = arith.constant 16 : i32
      %parallel_loop3A_107 = arith.muli %parallel_loop3A_96, %parallel_loop3A_106 : i32
      %parallel_loop3A_108 = arith.index_cast %parallel_loop3A_107 : i32 to index
      %parallel_loop3A_109 = tpu.vector_load %arg10[%parallel_loop3A_108] {strides = array<i32>} : memref<1664xi32, #tpu.memory_space<vmem>>, vector<16xi32>,
      tpu.vector_store %arg10[%parallel_loop3A_108], %parallel_loop3A_105 {strides = array<i32>} : memref<1664xi32, #tpu.memory_space<vmem>>, vector<16xi32>,
    } {sc.loop_unroll_factor = 4 : i64, sc.parallel_access}
    %dma_start3A_32 = arith.constant 0 : i32
    %dma_start3A_33 = arith.constant 0 : i32
    %dma_start3A_34 = tpu.memref_slice %arg3[%dma_start3A_32, %dma_start3A_33] : memref<62500x16xf32, #tpu.memory_space<hbm>> -> memref<62500x16xf32, #tpu.memory_space<hbm>>
    tpu.enqueue_indirect_dma source(%dma_start3A_34 : memref<62500x16xf32, #tpu.memory_space<hbm>>) target(%arg9 : memref<1664x16xf32, #tpu.memory_space<vmem>>) offsets(%arg10 : memref<1664xi32, #tpu.memory_space<vmem>>) semaphore(%arg13 : memref<!tpu.dma_semaphore, #tpu.memory_space<semaphore_mem>>)
    %dma_wait3A_35 = arith.constant 0 : i32
    %dma_wait3A_36 = arith.constant 0 : i32
    %dma_wait3A_37 = tpu.memref_slice %arg3[%dma_wait3A_35, %dma_wait3A_36] : memref<62500x16xf32, #tpu.memory_space<hbm>> -> memref<62500x16xf32, #tpu.memory_space<hbm>>
    tpu.wait_indirect_dma semaphore(%arg13 : memref<!tpu.dma_semaphore, #tpu.memory_space<semaphore_mem>>) src(%dma_wait3A_37 : memref<62500x16xf32, #tpu.memory_space<hbm>>) dst(%arg9 : memref<1664x16xf32, #tpu.memory_space<vmem>>)
    %parallel_loop3A_38 = arith.constant 0 : i32
    %parallel_loop3A_39 = arith.constant 104 : i32
    %parallel_loop3A_40 = arith.constant 1 : i32
    scf.for %parallel_loop3A_96 = %parallel_loop3A_38 to %parallel_loop3A_39 step %parallel_loop3A_40  : i32 {
      %parallel_loop3A_97 = arith.constant 16 : i32
      %parallel_loop3A_98 = arith.muli %parallel_loop3A_96, %parallel_loop3A_97 : i32
      %parallel_loop3A_99 = arith.constant 1664 : i32
      %parallel_loop3A_100 = arith.addi %parallel_loop3A_99, %parallel_loop3A_98 : i32
      %parallel_loop3A_101 = arith.index_cast %parallel_loop3A_100 : i32 to index
      %parallel_loop3A_102 = tpu.vector_load %arg7[%parallel_loop3A_101] {strides = array<i32>} : memref<6656xi32, #tpu.memory_space<vmem>>, vector<16xi32>,
      %parallel_loop3A_103 = arith.constant 16 : i32
      %parallel_loop3A_104 = arith.muli %parallel_loop3A_96, %parallel_loop3A_103 : i32
      %parallel_loop3A_105 = vector.broadcast %parallel_loop3A_104 : i32 to vector<16xi32>
      %parallel_loop3A_106 = arith.addi %parallel_loop3A_105, %iota3A : vector<16xi32>
      %parallel_loop3A_107 = arith.constant 15 : i32
      %parallel_loop3A_108 = vector.broadcast %parallel_loop3A_107 : i32 to vector<16xi32>
      %parallel_loop3A_109 = arith.andi %parallel_loop3A_102, %parallel_loop3A_108 : vector<16xi32>
      %parallel_loop3A_110 = tpu.vector_load_idx %arg9[%parallel_loop3A_106, %parallel_loop3A_109] : memref<1664x16xf32, #tpu.memory_space<vmem>>[vector<16xi32>, vector<16xi32>], vector<16xf32>,
      %parallel_loop3A_111 = arith.constant 16 : i32
      %parallel_loop3A_112 = arith.muli %parallel_loop3A_96, %parallel_loop3A_111 : i32
      %parallel_loop3A_113 = arith.index_cast %parallel_loop3A_112 : i32 to index
      %parallel_loop3A_114 = tpu.vector_load %arg11[%parallel_loop3A_113] {strides = array<i32>} : memref<1664xf32, #tpu.memory_space<vmem>>, vector<16xf32>,
      tpu.vector_store %arg11[%parallel_loop3A_113], %parallel_loop3A_110 {strides = array<i32>} : memref<1664xf32, #tpu.memory_space<vmem>>, vector<16xf32>,
    } {sc.loop_unroll_factor = 4 : i64, sc.parallel_access}
    %dma_wait3A_41 = arith.constant 1664 : i32
    %dma_wait3A_42 = tpu.memref_slice %arg7[%dma_wait3A_41] : memref<6656xi32, #tpu.memory_space<vmem>> -> memref<1664xi32, #tpu.memory_space<vmem>>
    %dma_wait3A_43 = arith.constant 0 : i32
    %dma_wait3A_44 = arith.constant 0 : i32
    %dma_wait3A_45 = tpu.memref_slice %arg2[%dma_wait3A_43, %dma_wait3A_44] : memref<1000000x16xf32, #tpu.memory_space<hbm>> -> memref<1000000x16xf32, #tpu.memory_space<hbm>>
    tpu.wait_indirect_dma semaphore(%arg12 : memref<!tpu.dma_semaphore, #tpu.memory_space<semaphore_mem>>) src(%dma_wait3A_45 : memref<1000000x16xf32, #tpu.memory_space<hbm>>) dst(%arg8 : memref<1664x16xf32, #tpu.memory_space<vmem>>)
    %add3A_46 = arith.constant 1664 : i32
    %add3A_47 = arith.addi %mul3A_2, %add3A_46 : i32
    "tpu.region"() ({
      %run_scoped3A = tpu.sem_alloc : memref<!tpu.dma_semaphore, #tpu.memory_space<semaphore_mem>>
      %dma_start3A_96 = arith.constant 0 : i32
      %dma_start3A_97 = tpu.memref_slice %arg5[%add3A_47, %dma_start3A_96] : memref<212992x16xf32, #tpu.memory_space<hbm>> -> memref<1664x16xf32, #tpu.memory_space<hbm>>
      %dma_start3A_98 = arith.constant 0 : i32
      %dma_start3A_99 = tpu.memref_slice %arg5[%add3A_47, %dma_start3A_98] : memref<212992x16xf32, #tpu.memory_space<hbm>> -> memref<1664x16xf32, #tpu.memory_space<hbm>>
      tpu.enqueue_dma source(%arg8 : memref<1664x16xf32, #tpu.memory_space<vmem>>) target(%dma_start3A_99 : memref<1664x16xf32, #tpu.memory_space<hbm>>) target_semaphore(%run_scoped3A : memref<!tpu.dma_semaphore, #tpu.memory_space<semaphore_mem>>)
      %dma_wait3A_100 = arith.constant 0 : i32
      %dma_wait3A_101 = tpu.memref_slice %arg5[%add3A_47, %dma_wait3A_100] : memref<212992x16xf32, #tpu.memory_space<hbm>> -> memref<1664x16xf32, #tpu.memory_space<hbm>>
      %dma_wait3A_102 = arith.constant 0 : i32
      %dma_wait3A_103 = tpu.memref_slice %arg5[%add3A_47, %dma_wait3A_102] : memref<212992x16xf32, #tpu.memory_space<hbm>> -> memref<1664x16xf32, #tpu.memory_space<hbm>>
      tpu.wait_dma2 semaphore(%run_scoped3A : memref<!tpu.dma_semaphore, #tpu.memory_space<semaphore_mem>>) src(%arg8 : memref<1664x16xf32, #tpu.memory_space<vmem>>) dst(%dma_wait3A_103 : memref<1664x16xf32, #tpu.memory_space<hbm>>)
      tpu.yield
    }) : () -> ()
    "tpu.region"() ({
      %run_scoped3A = tpu.sem_alloc : memref<!tpu.dma_semaphore, #tpu.memory_space<semaphore_mem>>
      %dma_start3A_96 = tpu.memref_slice %arg6[%add3A_47] : memref<212992xf32, #tpu.memory_space<hbm>> -> memref<1664xf32, #tpu.memory_space<hbm>>
      %dma_start3A_97 = tpu.memref_slice %arg6[%add3A_47] : memref<212992xf32, #tpu.memory_space<hbm>> -> memref<1664xf32, #tpu.memory_space<hbm>>
      tpu.enqueue_dma source(%arg11 : memref<1664xf32, #tpu.memory_space<vmem>>) target(%dma_start3A_97 : memref<1664xf32, #tpu.memory_space<hbm>>) target_semaphore(%run_scoped3A : memref<!tpu.dma_semaphore, #tpu.memory_space<semaphore_mem>>)
      %dma_wait3A_98 = tpu.memref_slice %arg6[%add3A_47] : memref<212992xf32, #tpu.memory_space<hbm>> -> memref<1664xf32, #tpu.memory_space<hbm>>
      %dma_wait3A_99 = tpu.memref_slice %arg6[%add3A_47] : memref<212992xf32, #tpu.memory_space<hbm>> -> memref<1664xf32, #tpu.memory_space<hbm>>
      tpu.wait_dma2 semaphore(%run_scoped3A : memref<!tpu.dma_semaphore, #tpu.memory_space<semaphore_mem>>) src(%arg11 : memref<1664xf32, #tpu.memory_space<vmem>>) dst(%dma_wait3A_99 : memref<1664xf32, #tpu.memory_space<hbm>>)
      tpu.yield
    }) : () -> ()
    %dma_start3A_48 = arith.constant 3328 : i32
    %dma_start3A_49 = tpu.memref_slice %arg7[%dma_start3A_48] : memref<6656xi32, #tpu.memory_space<vmem>> -> memref<1664xi32, #tpu.memory_space<vmem>>
    %dma_start3A_50 = arith.constant 0 : i32
    %dma_start3A_51 = arith.constant 0 : i32
    %dma_start3A_52 = tpu.memref_slice %arg2[%dma_start3A_50, %dma_start3A_51] : memref<1000000x16xf32, #tpu.memory_space<hbm>> -> memref<1000000x16xf32, #tpu.memory_space<hbm>>
    tpu.enqueue_indirect_dma source(%dma_start3A_52 : memref<1000000x16xf32, #tpu.memory_space<hbm>>) target(%arg8 : memref<1664x16xf32, #tpu.memory_space<vmem>>) offsets(%dma_start3A_49 : memref<1664xi32, #tpu.memory_space<vmem>>) semaphore(%arg12 : memref<!tpu.dma_semaphore, #tpu.memory_space<semaphore_mem>>)
    %parallel_loop3A_53 = arith.constant 0 : i32
    %parallel_loop3A_54 = arith.constant 104 : i32
    %parallel_loop3A_55 = arith.constant 1 : i32
    scf.for %parallel_loop3A_96 = %parallel_loop3A_53 to %parallel_loop3A_54 step %parallel_loop3A_55  : i32 {
      %parallel_loop3A_97 = arith.constant 16 : i32
      %parallel_loop3A_98 = arith.muli %parallel_loop3A_96, %parallel_loop3A_97 : i32
      %parallel_loop3A_99 = arith.constant 3328 : i32
      %parallel_loop3A_100 = arith.addi %parallel_loop3A_99, %parallel_loop3A_98 : i32
      %parallel_loop3A_101 = arith.index_cast %parallel_loop3A_100 : i32 to index
      %parallel_loop3A_102 = tpu.vector_load %arg7[%parallel_loop3A_101] {strides = array<i32>} : memref<6656xi32, #tpu.memory_space<vmem>>, vector<16xi32>,
      %parallel_loop3A_103 = arith.constant 4 : i32
      %parallel_loop3A_104 = vector.broadcast %parallel_loop3A_103 : i32 to vector<16xi32>
      %parallel_loop3A_105 = arith.shrui %parallel_loop3A_102, %parallel_loop3A_104 : vector<16xi32>
      %parallel_loop3A_106 = arith.constant 16 : i32
      %parallel_loop3A_107 = arith.muli %parallel_loop3A_96, %parallel_loop3A_106 : i32
      %parallel_loop3A_108 = arith.index_cast %parallel_loop3A_107 : i32 to index
      %parallel_loop3A_109 = tpu.vector_load %arg10[%parallel_loop3A_108] {strides = array<i32>} : memref<1664xi32, #tpu.memory_space<vmem>>, vector<16xi32>,
      tpu.vector_store %arg10[%parallel_loop3A_108], %parallel_loop3A_105 {strides = array<i32>} : memref<1664xi32, #tpu.memory_space<vmem>>, vector<16xi32>,
    } {sc.loop_unroll_factor = 4 : i64, sc.parallel_access}
    %dma_start3A_56 = arith.constant 0 : i32
    %dma_start3A_57 = arith.constant 0 : i32
    %dma_start3A_58 = tpu.memref_slice %arg3[%dma_start3A_56, %dma_start3A_57] : memref<62500x16xf32, #tpu.memory_space<hbm>> -> memref<62500x16xf32, #tpu.memory_space<hbm>>
    tpu.enqueue_indirect_dma source(%dma_start3A_58 : memref<62500x16xf32, #tpu.memory_space<hbm>>) target(%arg9 : memref<1664x16xf32, #tpu.memory_space<vmem>>) offsets(%arg10 : memref<1664xi32, #tpu.memory_space<vmem>>) semaphore(%arg13 : memref<!tpu.dma_semaphore, #tpu.memory_space<semaphore_mem>>)
    %dma_wait3A_59 = arith.constant 0 : i32
    %dma_wait3A_60 = arith.constant 0 : i32
    %dma_wait3A_61 = tpu.memref_slice %arg3[%dma_wait3A_59, %dma_wait3A_60] : memref<62500x16xf32, #tpu.memory_space<hbm>> -> memref<62500x16xf32, #tpu.memory_space<hbm>>
    tpu.wait_indirect_dma semaphore(%arg13 : memref<!tpu.dma_semaphore, #tpu.memory_space<semaphore_mem>>) src(%dma_wait3A_61 : memref<62500x16xf32, #tpu.memory_space<hbm>>) dst(%arg9 : memref<1664x16xf32, #tpu.memory_space<vmem>>)
    %parallel_loop3A_62 = arith.constant 0 : i32
    %parallel_loop3A_63 = arith.constant 104 : i32
    %parallel_loop3A_64 = arith.constant 1 : i32
    scf.for %parallel_loop3A_96 = %parallel_loop3A_62 to %parallel_loop3A_63 step %parallel_loop3A_64  : i32 {
      %parallel_loop3A_97 = arith.constant 16 : i32
      %parallel_loop3A_98 = arith.muli %parallel_loop3A_96, %parallel_loop3A_97 : i32
      %parallel_loop3A_99 = arith.constant 3328 : i32
      %parallel_loop3A_100 = arith.addi %parallel_loop3A_99, %parallel_loop3A_98 : i32
      %parallel_loop3A_101 = arith.index_cast %parallel_loop3A_100 : i32 to index
      %parallel_loop3A_102 = tpu.vector_load %arg7[%parallel_loop3A_101] {strides = array<i32>} : memref<6656xi32, #tpu.memory_space<vmem>>, vector<16xi32>,
      %parallel_loop3A_103 = arith.constant 16 : i32
      %parallel_loop3A_104 = arith.muli %parallel_loop3A_96, %parallel_loop3A_103 : i32
      %parallel_loop3A_105 = vector.broadcast %parallel_loop3A_104 : i32 to vector<16xi32>
      %parallel_loop3A_106 = arith.addi %parallel_loop3A_105, %iota3A : vector<16xi32>
      %parallel_loop3A_107 = arith.constant 15 : i32
      %parallel_loop3A_108 = vector.broadcast %parallel_loop3A_107 : i32 to vector<16xi32>
      %parallel_loop3A_109 = arith.andi %parallel_loop3A_102, %parallel_loop3A_108 : vector<16xi32>
      %parallel_loop3A_110 = tpu.vector_load_idx %arg9[%parallel_loop3A_106, %parallel_loop3A_109] : memref<1664x16xf32, #tpu.memory_space<vmem>>[vector<16xi32>, vector<16xi32>], vector<16xf32>,
      %parallel_loop3A_111 = arith.constant 16 : i32
      %parallel_loop3A_112 = arith.muli %parallel_loop3A_96, %parallel_loop3A_111 : i32
      %parallel_loop3A_113 = arith.index_cast %parallel_loop3A_112 : i32 to index
      %parallel_loop3A_114 = tpu.vector_load %arg11[%parallel_loop3A_113] {strides = array<i32>} : memref<1664xf32, #tpu.memory_space<vmem>>, vector<16xf32>,
      tpu.vector_store %arg11[%parallel_loop3A_113], %parallel_loop3A_110 {strides = array<i32>} : memref<1664xf32, #tpu.memory_space<vmem>>, vector<16xf32>,
    } {sc.loop_unroll_factor = 4 : i64, sc.parallel_access}
    %dma_wait3A_65 = arith.constant 3328 : i32
    %dma_wait3A_66 = tpu.memref_slice %arg7[%dma_wait3A_65] : memref<6656xi32, #tpu.memory_space<vmem>> -> memref<1664xi32, #tpu.memory_space<vmem>>
    %dma_wait3A_67 = arith.constant 0 : i32
    %dma_wait3A_68 = arith.constant 0 : i32
    %dma_wait3A_69 = tpu.memref_slice %arg2[%dma_wait3A_67, %dma_wait3A_68] : memref<1000000x16xf32, #tpu.memory_space<hbm>> -> memref<1000000x16xf32, #tpu.memory_space<hbm>>
    tpu.wait_indirect_dma semaphore(%arg12 : memref<!tpu.dma_semaphore, #tpu.memory_space<semaphore_mem>>) src(%dma_wait3A_69 : memref<1000000x16xf32, #tpu.memory_space<hbm>>) dst(%arg8 : memref<1664x16xf32, #tpu.memory_space<vmem>>)
    %add3A_70 = arith.constant 3328 : i32
    %add3A_71 = arith.addi %mul3A_2, %add3A_70 : i32
    "tpu.region"() ({
      %run_scoped3A = tpu.sem_alloc : memref<!tpu.dma_semaphore, #tpu.memory_space<semaphore_mem>>
      %dma_start3A_96 = arith.constant 0 : i32
      %dma_start3A_97 = tpu.memref_slice %arg5[%add3A_71, %dma_start3A_96] : memref<212992x16xf32, #tpu.memory_space<hbm>> -> memref<1664x16xf32, #tpu.memory_space<hbm>>
      %dma_start3A_98 = arith.constant 0 : i32
      %dma_start3A_99 = tpu.memref_slice %arg5[%add3A_71, %dma_start3A_98] : memref<212992x16xf32, #tpu.memory_space<hbm>> -> memref<1664x16xf32, #tpu.memory_space<hbm>>
      tpu.enqueue_dma source(%arg8 : memref<1664x16xf32, #tpu.memory_space<vmem>>) target(%dma_start3A_99 : memref<1664x16xf32, #tpu.memory_space<hbm>>) target_semaphore(%run_scoped3A : memref<!tpu.dma_semaphore, #tpu.memory_space<semaphore_mem>>)
      %dma_wait3A_100 = arith.constant 0 : i32
      %dma_wait3A_101 = tpu.memref_slice %arg5[%add3A_71, %dma_wait3A_100] : memref<212992x16xf32, #tpu.memory_space<hbm>> -> memref<1664x16xf32, #tpu.memory_space<hbm>>
      %dma_wait3A_102 = arith.constant 0 : i32
      %dma_wait3A_103 = tpu.memref_slice %arg5[%add3A_71, %dma_wait3A_102] : memref<212992x16xf32, #tpu.memory_space<hbm>> -> memref<1664x16xf32, #tpu.memory_space<hbm>>
      tpu.wait_dma2 semaphore(%run_scoped3A : memref<!tpu.dma_semaphore, #tpu.memory_space<semaphore_mem>>) src(%arg8 : memref<1664x16xf32, #tpu.memory_space<vmem>>) dst(%dma_wait3A_103 : memref<1664x16xf32, #tpu.memory_space<hbm>>)
      tpu.yield
    }) : () -> ()
    "tpu.region"() ({
      %run_scoped3A = tpu.sem_alloc : memref<!tpu.dma_semaphore, #tpu.memory_space<semaphore_mem>>
      %dma_start3A_96 = tpu.memref_slice %arg6[%add3A_71] : memref<212992xf32, #tpu.memory_space<hbm>> -> memref<1664xf32, #tpu.memory_space<hbm>>
      %dma_start3A_97 = tpu.memref_slice %arg6[%add3A_71] : memref<212992xf32, #tpu.memory_space<hbm>> -> memref<1664xf32, #tpu.memory_space<hbm>>
      tpu.enqueue_dma source(%arg11 : memref<1664xf32, #tpu.memory_space<vmem>>) target(%dma_start3A_97 : memref<1664xf32, #tpu.memory_space<hbm>>) target_semaphore(%run_scoped3A : memref<!tpu.dma_semaphore, #tpu.memory_space<semaphore_mem>>)
      %dma_wait3A_98 = tpu.memref_slice %arg6[%add3A_71] : memref<212992xf32, #tpu.memory_space<hbm>> -> memref<1664xf32, #tpu.memory_space<hbm>>
      %dma_wait3A_99 = tpu.memref_slice %arg6[%add3A_71] : memref<212992xf32, #tpu.memory_space<hbm>> -> memref<1664xf32, #tpu.memory_space<hbm>>
      tpu.wait_dma2 semaphore(%run_scoped3A : memref<!tpu.dma_semaphore, #tpu.memory_space<semaphore_mem>>) src(%arg11 : memref<1664xf32, #tpu.memory_space<vmem>>) dst(%dma_wait3A_99 : memref<1664xf32, #tpu.memory_space<hbm>>)
      tpu.yield
    }) : () -> ()
    %dma_start3A_72 = arith.constant 4992 : i32
    %dma_start3A_73 = tpu.memref_slice %arg7[%dma_start3A_72] : memref<6656xi32, #tpu.memory_space<vmem>> -> memref<1664xi32, #tpu.memory_space<vmem>>
    %dma_start3A_74 = arith.constant 0 : i32
    %dma_start3A_75 = arith.constant 0 : i32
    %dma_start3A_76 = tpu.memref_slice %arg2[%dma_start3A_74, %dma_start3A_75] : memref<1000000x16xf32, #tpu.memory_space<hbm>> -> memref<1000000x16xf32, #tpu.memory_space<hbm>>
    tpu.enqueue_indirect_dma source(%dma_start3A_76 : memref<1000000x16xf32, #tpu.memory_space<hbm>>) target(%arg8 : memref<1664x16xf32, #tpu.memory_space<vmem>>) offsets(%dma_start3A_73 : memref<1664xi32, #tpu.memory_space<vmem>>) semaphore(%arg12 : memref<!tpu.dma_semaphore, #tpu.memory_space<semaphore_mem>>)
    %parallel_loop3A_77 = arith.constant 0 : i32
    %parallel_loop3A_78 = arith.constant 104 : i32
    %parallel_loop3A_79 = arith.constant 1 : i32
    scf.for %parallel_loop3A_96 = %parallel_loop3A_77 to %parallel_loop3A_78 step %parallel_loop3A_79  : i32 {
      %parallel_loop3A_97 = arith.constant 16 : i32
      %parallel_loop3A_98 = arith.muli %parallel_loop3A_96, %parallel_loop3A_97 : i32
      %parallel_loop3A_99 = arith.constant 4992 : i32
      %parallel_loop3A_100 = arith.addi %parallel_loop3A_99, %parallel_loop3A_98 : i32
      %parallel_loop3A_101 = arith.index_cast %parallel_loop3A_100 : i32 to index
      %parallel_loop3A_102 = tpu.vector_load %arg7[%parallel_loop3A_101] {strides = array<i32>} : memref<6656xi32, #tpu.memory_space<vmem>>, vector<16xi32>,
      %parallel_loop3A_103 = arith.constant 4 : i32
      %parallel_loop3A_104 = vector.broadcast %parallel_loop3A_103 : i32 to vector<16xi32>
      %parallel_loop3A_105 = arith.shrui %parallel_loop3A_102, %parallel_loop3A_104 : vector<16xi32>
      %parallel_loop3A_106 = arith.constant 16 : i32
      %parallel_loop3A_107 = arith.muli %parallel_loop3A_96, %parallel_loop3A_106 : i32
      %parallel_loop3A_108 = arith.index_cast %parallel_loop3A_107 : i32 to index
      %parallel_loop3A_109 = tpu.vector_load %arg10[%parallel_loop3A_108] {strides = array<i32>} : memref<1664xi32, #tpu.memory_space<vmem>>, vector<16xi32>,
      tpu.vector_store %arg10[%parallel_loop3A_108], %parallel_loop3A_105 {strides = array<i32>} : memref<1664xi32, #tpu.memory_space<vmem>>, vector<16xi32>,
    } {sc.loop_unroll_factor = 4 : i64, sc.parallel_access}
    %dma_start3A_80 = arith.constant 0 : i32
    %dma_start3A_81 = arith.constant 0 : i32
    %dma_start3A_82 = tpu.memref_slice %arg3[%dma_start3A_80, %dma_start3A_81] : memref<62500x16xf32, #tpu.memory_space<hbm>> -> memref<62500x16xf32, #tpu.memory_space<hbm>>
    tpu.enqueue_indirect_dma source(%dma_start3A_82 : memref<62500x16xf32, #tpu.memory_space<hbm>>) target(%arg9 : memref<1664x16xf32, #tpu.memory_space<vmem>>) offsets(%arg10 : memref<1664xi32, #tpu.memory_space<vmem>>) semaphore(%arg13 : memref<!tpu.dma_semaphore, #tpu.memory_space<semaphore_mem>>)
    %dma_wait3A_83 = arith.constant 0 : i32
    %dma_wait3A_84 = arith.constant 0 : i32
    %dma_wait3A_85 = tpu.memref_slice %arg3[%dma_wait3A_83, %dma_wait3A_84] : memref<62500x16xf32, #tpu.memory_space<hbm>> -> memref<62500x16xf32, #tpu.memory_space<hbm>>
    tpu.wait_indirect_dma semaphore(%arg13 : memref<!tpu.dma_semaphore, #tpu.memory_space<semaphore_mem>>) src(%dma_wait3A_85 : memref<62500x16xf32, #tpu.memory_space<hbm>>) dst(%arg9 : memref<1664x16xf32, #tpu.memory_space<vmem>>)
    %parallel_loop3A_86 = arith.constant 0 : i32
    %parallel_loop3A_87 = arith.constant 104 : i32
    %parallel_loop3A_88 = arith.constant 1 : i32
    scf.for %parallel_loop3A_96 = %parallel_loop3A_86 to %parallel_loop3A_87 step %parallel_loop3A_88  : i32 {
      %parallel_loop3A_97 = arith.constant 16 : i32
      %parallel_loop3A_98 = arith.muli %parallel_loop3A_96, %parallel_loop3A_97 : i32
      %parallel_loop3A_99 = arith.constant 4992 : i32
      %parallel_loop3A_100 = arith.addi %parallel_loop3A_99, %parallel_loop3A_98 : i32
      %parallel_loop3A_101 = arith.index_cast %parallel_loop3A_100 : i32 to index
      %parallel_loop3A_102 = tpu.vector_load %arg7[%parallel_loop3A_101] {strides = array<i32>} : memref<6656xi32, #tpu.memory_space<vmem>>, vector<16xi32>,
      %parallel_loop3A_103 = arith.constant 16 : i32
      %parallel_loop3A_104 = arith.muli %parallel_loop3A_96, %parallel_loop3A_103 : i32
      %parallel_loop3A_105 = vector.broadcast %parallel_loop3A_104 : i32 to vector<16xi32>
      %parallel_loop3A_106 = arith.addi %parallel_loop3A_105, %iota3A : vector<16xi32>
      %parallel_loop3A_107 = arith.constant 15 : i32
      %parallel_loop3A_108 = vector.broadcast %parallel_loop3A_107 : i32 to vector<16xi32>
      %parallel_loop3A_109 = arith.andi %parallel_loop3A_102, %parallel_loop3A_108 : vector<16xi32>
      %parallel_loop3A_110 = tpu.vector_load_idx %arg9[%parallel_loop3A_106, %parallel_loop3A_109] : memref<1664x16xf32, #tpu.memory_space<vmem>>[vector<16xi32>, vector<16xi32>], vector<16xf32>,
      %parallel_loop3A_111 = arith.constant 16 : i32
      %parallel_loop3A_112 = arith.muli %parallel_loop3A_96, %parallel_loop3A_111 : i32
      %parallel_loop3A_113 = arith.index_cast %parallel_loop3A_112 : i32 to index
      %parallel_loop3A_114 = tpu.vector_load %arg11[%parallel_loop3A_113] {strides = array<i32>} : memref<1664xf32, #tpu.memory_space<vmem>>, vector<16xf32>,
      tpu.vector_store %arg11[%parallel_loop3A_113], %parallel_loop3A_110 {strides = array<i32>} : memref<1664xf32, #tpu.memory_space<vmem>>, vector<16xf32>,
    } {sc.loop_unroll_factor = 4 : i64, sc.parallel_access}
    %dma_wait3A_89 = arith.constant 4992 : i32
    %dma_wait3A_90 = tpu.memref_slice %arg7[%dma_wait3A_89] : memref<6656xi32, #tpu.memory_space<vmem>> -> memref<1664xi32, #tpu.memory_space<vmem>>
    %dma_wait3A_91 = arith.constant 0 : i32
    %dma_wait3A_92 = arith.constant 0 : i32
    %dma_wait3A_93 = tpu.memref_slice %arg2[%dma_wait3A_91, %dma_wait3A_92] : memref<1000000x16xf32, #tpu.memory_space<hbm>> -> memref<1000000x16xf32, #tpu.memory_space<hbm>>
    tpu.wait_indirect_dma semaphore(%arg12 : memref<!tpu.dma_semaphore, #tpu.memory_space<semaphore_mem>>) src(%dma_wait3A_93 : memref<1000000x16xf32, #tpu.memory_space<hbm>>) dst(%arg8 : memref<1664x16xf32, #tpu.memory_space<vmem>>)
    %add3A_94 = arith.constant 4992 : i32
    %add3A_95 = arith.addi %mul3A_2, %add3A_94 : i32
    "tpu.region"() ({
      %run_scoped3A = tpu.sem_alloc : memref<!tpu.dma_semaphore, #tpu.memory_space<semaphore_mem>>
      %dma_start3A_96 = arith.constant 0 : i32
      %dma_start3A_97 = tpu.memref_slice %arg5[%add3A_95, %dma_start3A_96] : memref<212992x16xf32, #tpu.memory_space<hbm>> -> memref<1664x16xf32, #tpu.memory_space<hbm>>
      %dma_start3A_98 = arith.constant 0 : i32
      %dma_start3A_99 = tpu.memref_slice %arg5[%add3A_95, %dma_start3A_98] : memref<212992x16xf32, #tpu.memory_space<hbm>> -> memref<1664x16xf32, #tpu.memory_space<hbm>>
      tpu.enqueue_dma source(%arg8 : memref<1664x16xf32, #tpu.memory_space<vmem>>) target(%dma_start3A_99 : memref<1664x16xf32, #tpu.memory_space<hbm>>) target_semaphore(%run_scoped3A : memref<!tpu.dma_semaphore, #tpu.memory_space<semaphore_mem>>)
      %dma_wait3A_100 = arith.constant 0 : i32
      %dma_wait3A_101 = tpu.memref_slice %arg5[%add3A_95, %dma_wait3A_100] : memref<212992x16xf32, #tpu.memory_space<hbm>> -> memref<1664x16xf32, #tpu.memory_space<hbm>>
      %dma_wait3A_102 = arith.constant 0 : i32
      %dma_wait3A_103 = tpu.memref_slice %arg5[%add3A_95, %dma_wait3A_102] : memref<212992x16xf32, #tpu.memory_space<hbm>> -> memref<1664x16xf32, #tpu.memory_space<hbm>>
      tpu.wait_dma2 semaphore(%run_scoped3A : memref<!tpu.dma_semaphore, #tpu.memory_space<semaphore_mem>>) src(%arg8 : memref<1664x16xf32, #tpu.memory_space<vmem>>) dst(%dma_wait3A_103 : memref<1664x16xf32, #tpu.memory_space<hbm>>)
      tpu.yield
    }) : () -> ()
    "tpu.region"() ({
      %run_scoped3A = tpu.sem_alloc : memref<!tpu.dma_semaphore, #tpu.memory_space<semaphore_mem>>
      %dma_start3A_96 = tpu.memref_slice %arg6[%add3A_95] : memref<212992xf32, #tpu.memory_space<hbm>> -> memref<1664xf32, #tpu.memory_space<hbm>>
      %dma_start3A_97 = tpu.memref_slice %arg6[%add3A_95] : memref<212992xf32, #tpu.memory_space<hbm>> -> memref<1664xf32, #tpu.memory_space<hbm>>
      tpu.enqueue_dma source(%arg11 : memref<1664xf32, #tpu.memory_space<vmem>>) target(%dma_start3A_97 : memref<1664xf32, #tpu.memory_space<hbm>>) target_semaphore(%run_scoped3A : memref<!tpu.dma_semaphore, #tpu.memory_space<semaphore_mem>>)
      %dma_wait3A_98 = tpu.memref_slice %arg6[%add3A_95] : memref<212992xf32, #tpu.memory_space<hbm>> -> memref<1664xf32, #tpu.memory_space<hbm>>
      %dma_wait3A_99 = tpu.memref_slice %arg6[%add3A_95] : memref<212992xf32, #tpu.memory_space<hbm>> -> memref<1664xf32, #tpu.memory_space<hbm>>
      tpu.wait_dma2 semaphore(%run_scoped3A : memref<!tpu.dma_semaphore, #tpu.memory_space<semaphore_mem>>) src(%arg11 : memref<1664xf32, #tpu.memory_space<vmem>>) dst(%dma_wait3A_99 : memref<1664xf32, #tpu.memory_space<hbm>>)
      tpu.yield
    }) : () -> ()
    return
  }
}

module attributes {stable_mosaic.version = 14 : i64} {
  func.func @body(%arg0: i32, %arg1: memref<1x1xf32, #tpu.memory_space<smem>>, %arg2: memref<512x416xf32, #tpu.memory_space<vmem>>, %arg3: memref<512x26xf32, #tpu.memory_space<vmem>>, %arg4: memref<416x416xf32, #tpu.memory_space<vmem>>, %arg5: memref<512xf32, #tpu.memory_space<vmem>>) attributes {dimension_semantics = [#tpu.dimension_semantics<arbitrary>], iteration_bounds = array<i64: 16>, scalar_prefetch = 0 : i64, scratch_operands = 0 : i64, tpu.core_type = #tpu.core_type<tc>, window_params = [{transform_indices = @transform_0, window_bounds = array<i64: 1, 1>}, {transform_indices = @transform_1, window_bounds = array<i64: 512, 416>}, {transform_indices = @transform_2, window_bounds = array<i64: 512, 26>}, {pipeline_mode = #tpu.pipeline_mode<synchronous>, transform_indices = @transform_3, window_bounds = array<i64: 416, 416>}, {transform_indices = @transform_4, window_bounds = array<i64: 512>}]} {
    %get3A = arith.constant 0 : index
    %get3A_0 = arith.constant 0 : index
    %get3A_1 = vector.load %arg2[%get3A, %get3A_0] : memref<512x416xf32, #tpu.memory_space<vmem>>, vector<512x416xf32>
    %get3A_2 = arith.constant 0 : index
    %get3A_3 = arith.constant 0 : index
    %get3A_4 = vector.load %arg4[%get3A_2, %get3A_3] : memref<416x416xf32, #tpu.memory_space<vmem>>, vector<416x416xf32>
    %dot_general3A = arith.constant dense<0.000000e+00> : vector<512x416xf32>
    %dot_general3A_5 = tpu.matmul %get3A_1, %get3A_4, %dot_general3A {dimension_numbers = #tpu.dot_dimension_numbers<[1], [0], [0], [1], [0, 0, 1, 1], [], []>, transpose_lhs_hint = false} : vector<512x416xf32>, vector<416x416xf32>, vector<512x416xf32> -> vector<512x416xf32>
    %mul3A = arith.mulf %dot_general3A_5, %get3A_1 : vector<512x416xf32>
    %reduce_sum3A = arith.constant dense<0.000000e+00> : vector<512xf32>
    %reduce_sum3A_6 = vector.multi_reduction <add>, %mul3A, %reduce_sum3A [1] : vector<512x416xf32> to vector<512xf32>
    %get3A_7 = arith.constant 0 : index
    %get3A_8 = arith.constant 0 : index
    %get3A_9 = vector.load %arg3[%get3A_7, %get3A_8] : memref<512x26xf32, #tpu.memory_space<vmem>>, vector<512x26xf32>
    %reduce_sum3A_10 = arith.constant dense<0.000000e+00> : vector<512xf32>
    %reduce_sum3A_11 = vector.multi_reduction <add>, %get3A_9, %reduce_sum3A_10 [1] : vector<512x26xf32> to vector<512xf32>
    %get3A_12 = arith.constant 0 : index
    %get3A_13 = arith.constant 0 : index
    %get3A_14 = memref.load %arg1[%get3A_12, %get3A_13] : memref<1x1xf32, #tpu.memory_space<smem>>
    %add3A = vector.broadcast %get3A_14 : f32 to vector<512xf32>
    %add3A_15 = arith.addf %reduce_sum3A_11, %add3A : vector<512xf32>
    %add3A_16 = arith.addf %reduce_sum3A_6, %add3A_15 : vector<512xf32>
    %swap3A = arith.constant 0 : index
    %swap3A_17 = vector.load %arg5[%swap3A] : memref<512xf32, #tpu.memory_space<vmem>>, vector<512xf32>
    tpu.vector_store %arg5[%swap3A], %add3A_16 {strides = array<i32>} : memref<512xf32, #tpu.memory_space<vmem>>, vector<512xf32>,
    return
  }
  func.func @transform_0(%arg0: i32) -> (i32, i32) {
    %c0_i32 = arith.constant 0 : i32
    %c0_i32_0 = arith.constant 0 : i32
    %c0_i32_1 = arith.constant 0 : i32
    return %c0_i32, %c0_i32_0 : i32, i32
  }
  func.func @transform_1(%arg0: i32) -> (i32, i32) {
    %c0_i32 = arith.constant 0 : i32
    %c0_i32_0 = arith.constant 0 : i32
    return %arg0, %c0_i32 : i32, i32
  }
  func.func @transform_2(%arg0: i32) -> (i32, i32) {
    %c0_i32 = arith.constant 0 : i32
    %c0_i32_0 = arith.constant 0 : i32
    return %arg0, %c0_i32 : i32, i32
  }
  func.func @transform_3(%arg0: i32) -> (i32, i32) {
    %c0_i32 = arith.constant 0 : i32
    %c0_i32_0 = arith.constant 0 : i32
    %c0_i32_1 = arith.constant 0 : i32
    return %c0_i32, %c0_i32_0 : i32, i32
  }
  func.func @transform_4(%arg0: i32) -> i32 {
    %c0_i32 = arith.constant 0 : i32
    return %arg0 : i32
  }
}

</mosaic_0001>

<sc_bundles>
// kernel: kernel.10.cloned.1.call-start
scs
__scs_entry_jumppad:
0x0: {  	(pc) =	sbr.rel $0x88, $3  }
0x1: {  	(tag) =	ssettag $0x0;
	lr =	simm.s32 $0x1  }
0x2: {  	[smem:$0x3F9C] =	sst lr;
	_ =	strace $0xD0000000  }
0x3: {  	_ = 	snop  }
0x4: {  	_ = 	snop  }
0x5: {  	_ = 	snop  }
0x6: {  	_ = 	snop  }
0x7: {  	_ = 	snop  }
__scs_overlays_trampoline_lowered:
0x8: {  	[smem:$0x3FAB] =	sst s0  }
0x9: {  	[smem:$0x3FAC] =	sst s1  }
0xa: {  	[smem:$0x3FAD] =	sst s2  }
0xb: {  	[smem:$0x3FAE] =	sst s3  }
0xc: {  	[smem:$0x3FAF] =	sst s4  }
0xd: {  	[smem:$0x3FB0] =	sst s5  }
0xe: {  	[smem:$0x3FB1] =	sst s6  }
0xf: {  	[smem:$0x3FB2] =	sst s7  }
0x10: {  	[smem:$0x3FB3] =	sst s8  }
0x11: {  	[smem:$0x3FB4] =	sst s9;
	s0 =	simm.s32 @!p0 $0x0  }
0x12: {  	s1 =	sld [smem:$0x3F9A];
	s0 =	simm.s32 @p0 $0x1  }
0x13: {  	[smem:$0x3FB5] =	sst s0;
	s0 =	simm.s32 @!p1 $0x0  }
0x14: {  	s2 =	sld [smem:$0x3F99];
	s0 =	simm.s32 @p1 $0x1  }
0x15: {  	[smem:$0x3FB6] =	sst s0;
	s0 =	simm.s32 @!p2 $0x0  }
0x16: {  	s3 =	sld [smem:$0x3FDB];
	s0 =	simm.s32 @p2 $0x1  }
0x17: {  	s4 =	simm.s32 $0x1BF5;
	[smem:$0x3FB8] =	sst s0  }
0x18: {  	s0 =	sld [smem:$0x3F9B];
	_ =	swait.ge [sflag:s4], $0x0  }
0x19: {  	s7 =	sld [smem:$0x3F9C]  }
0x1a: {  	s8 =	sadd.s32 $0xFFFFE003, lr  }
0x1b: {  	s9 =	sadd.s32 $0xFFFFFEF7, lr;
	s5 =	simm.s32 $0xFFFFFFFF;
	p2 =	slt.u32 s8, $0xFFFFF086  }
0x1c: {  	p1 =	slt.u32 s9, $0xF7A;
	s5 =	simm.s32 @!p2 $0x0  }
0x1d: {  	s5 =	simm.s32 @p1 $0x1;
	p0 =	seq.s32 s7, s2  }
0x1e: {  	s7 =	smul.u32 @!p0 $0xF7A, s2;
	p2 =	seq.s32 @!p0 s5, $0x0  }
0x1f: {  	s9 =	smul.u32 $0xF7A, s1;
	s8 =	simm.s32 @!p0 $0x1BF5;
	p2 =	por !p2, p0  }
0x20: {  	[sflag:s8] =	ssyncset.s32 @!p0 $0xFFFFF086;
	s6 =	sadd.s32 @!p0 s3, s7;
	s7 =	simm.s32 @!p0 $0x108  }
0x21: {  	s3 =	sadd.s32 s3, s9;
	s6 =	sadd.s32 @!p0 $0x88, s6;
	s7 =	simm.s32 @p2 $0x1082  }
0x22: {  	[simem:s7], [sflag:s8] =	dma.local @!p0 [hbm:s6], $0xF7A  }
0x23: {  	s9 =	sor.u32 $0xD0000000, s2;
	s6 =	simm.s32 $0x108;
	_ =	swait.ge @!p0 [sflag:s8], $0x0  }
0x24: {  	s3 =	sadd.s32 $0x88, s3;
	s6 =	simm.s32 @!p1 $0x1082;
	[sflag:s4] =	ssyncset.s32 $0xFFFFF086  }
0x25: {  	[simem:s6], [sflag:s4] =	dma.local [hbm:s3], $0xF7A  }
0x26: {  	[smem:$0x3F9C] =	sst s1;
	(tag) =	ssettag s2;
	_ =	strace s9  }
0x27: {  	s1 =	sld [smem:$0x3FAC]  }
0x28: {  	s2 =	sld [smem:$0x3FAD]  }
0x29: {  	s4 =	sld [smem:$0x3FAF]  }
0x2a: {  	p0 =	seq.s32 s5, $0x0;
	s5 =	sld [smem:$0x3FB0]  }
0x2b: {  	s6 =	sld [smem:$0x3FB1]  }
0x2c: {  	s7 =	sld [smem:$0x3FB2]  }
0x2d: {  	s3 =	simm.s32 $0x108;
	s8 =	sld [smem:$0x3FB3]  }
0x2e: {  	s3 =	simm.s32 @!p0 $0x1082;
	s9 =	sld [smem:$0x3FB4]  }
0x2f: {  	lr =	sadd.s32 s0, s3;
	s0 =	sld [smem:$0x3FAB]  }
0x30: {  	s3 =	sld [smem:$0x3FAE]  }
0x31: {  	[smem:$0x3FB7] =	sst s10  }
0x32: {  	s10 =	sld [smem:$0x3FB5];
	_ =	sdelay $0x3  }
0x33: {  	p0 =	seq.s32 s10, $0x1;
	s10 =	sld [smem:$0x3FB7];
	_ =	sdelay $0x3  }
0x34: {  	[smem:$0x3FB7] =	sst s10  }
0x35: {  	s10 =	sld [smem:$0x3FB6];
	_ =	sdelay $0x3  }
0x36: {  	p1 =	seq.s32 s10, $0x1;
	s10 =	sld [smem:$0x3FB7];
	_ =	sdelay $0x3  }
0x37: {  	[smem:$0x3FB7] =	sst s10  }
0x38: {  	s10 =	sld [smem:$0x3FB8]  }
0x39: {  	_ = 	snop;
	(pc) =	sbr.ind lr, $3  }
0x3a: {  	_ = 	snop  }
0x3b: {  	_ = 	snop  }
0x3c: {  	p2 =	seq.s32 s10, $0x1;
	s10 =	sld [smem:$0x3FB7]  }
0x3d: {  	_ =	shalt  }
0x3e: {  	_ =	shalt  }
0x3f: {  	_ =	shalt  }
0x40: {  	_ =	shalt  }
0x41: {  	_ =	shalt  }
0x42: {  	_ =	shalt  }
0x43: {  	_ =	shalt  }
0x44: {  	_ =	shalt  }
0x45: {  	_ =	shalt  }
0x46: {  	_ =	shalt  }
0x47: {  	_ =	shalt  }
0x48: {  	_ =	shalt  }
0x49: {  	_ =	shalt  }
0x4a: {  	_ =	shalt  }
0x4b: {  	_ =	shalt  }
0x4c: {  	_ =	shalt  }
0x4d: {  	_ =	shalt  }
0x4e: {  	_ =	shalt  }
0x4f: {  	_ =	shalt  }
0x50: {  	_ =	shalt  }
0x51: {  	_ =	shalt  }
0x52: {  	_ =	shalt  }
0x53: {  	_ =	shalt  }
0x54: {  	_ =	shalt  }
0x55: {  	_ =	shalt  }
0x56: {  	_ =	shalt  }
0x57: {  	_ =	shalt  }
0x58: {  	_ =	shalt  }
0x59: {  	_ =	shalt  }
0x5a: {  	_ =	shalt  }
0x5b: {  	_ =	shalt  }
0x5c: {  	_ =	shalt  }
0x5d: {  	_ =	shalt  }
0x5e: {  	_ =	shalt  }
0x5f: {  	_ =	shalt  }
0x60: {  	_ =	shalt  }
0x61: {  	_ =	shalt  }
0x62: {  	_ =	shalt  }
0x63: {  	_ =	shalt  }
0x64: {  	_ =	shalt  }
0x65: {  	_ =	shalt  }
0x66: {  	_ =	shalt  }
0x67: {  	_ =	shalt  }
0x68: {  	_ =	shalt  }
0x69: {  	_ =	shalt  }
0x6a: {  	_ =	shalt  }
0x6b: {  	_ =	shalt  }
0x6c: {  	_ =	shalt  }
0x6d: {  	_ =	shalt  }
0x6e: {  	_ =	shalt  }
0x6f: {  	_ =	shalt  }
0x70: {  	_ =	shalt  }
0x71: {  	_ =	shalt  }
0x72: {  	_ =	shalt  }
0x73: {  	_ =	shalt  }
0x74: {  	_ =	shalt  }
0x75: {  	_ =	shalt  }
0x76: {  	_ =	shalt  }
0x77: {  	_ =	shalt  }
0x78: {  	_ =	shalt  }
0x79: {  	_ =	shalt  }
0x7a: {  	_ =	shalt  }
0x7b: {  	_ =	shalt  }
0x7c: {  	_ =	shalt  }
0x7d: {  	_ =	shalt  }
0x7e: {  	_ =	shalt  }
0x7f: {  	_ =	shalt  }
0x80: {  	_ =	shalt  }
0x81: {  	_ =	shalt  }
0x82: {  	_ =	shalt  }
0x83: {  	_ =	shalt  }
0x84: {  	_ =	shalt  }
0x85: {  	_ =	shalt  }
0x86: {  	_ =	shalt  }
0x87: {  	_ =	shalt  }
.Lfunc_end0:
.L_simem_size_0:
called_computation.1_lowered:
.L_overlay_start_0:
0x88: {  	s2 =	sld [smem:$0x3FD9]  }
0x89: {  	s3 =	sld [smem:$0x3FFE];
	_ =	sdelay $0x1  }
0x8a: {  	s1 =	srdreg.scid  }
0x8b: {  	s0 =	sand.u32 $0x1, s1  }
0x8c: {  	s16 =	sshll.u32 s0, $0xA;
	s2 =	sadd.s32 s3, s2  }
0x8d: {  	s2 =	sadd.s32 s2, s16  }
0x8e: {  	[smem:$0x3FC3] =	sst s2  }
0x8f: {  	_ = 	snop  }
0x90: {  	(tm) =	ssettm $0x1  }
0x91: {  	s17 =	sld [smem:$0x3FFB];
	_ =	sdelay $0x3  }
0x92: {  	_ =	strace s17  }
0x93: {  	s2 =	sld [smem:$0x3FFC];
	_ =	sdelay $0x3  }
0x94: {  	_ =	strace s2  }
0x95: {  	s2 =	sld [smem:$0x3FFD];
	_ =	sdelay $0x3  }
0x96: {  	_ =	strace s2  }
0x97: {  	_ =	strace $0x8FFFFFFF  }
0x98: {  	s18 =	sld [smem:$0x3FDB];
	_ =	sdelay $0x1  }
0x99: {  	s19 =	simm.s32 $_scs_section_size  }
0x9a: {  	s4 =	simm.s32 $_size__tile_overlayer_lowered;
	s5 =	simm.s32 $_tile_overlayer_lowered  }
0x9b: {  	s22 =	simm.s32 $0x1BFF;
	s21 =	sshll.u32 s5, $0x1;
	s2 =	sadd.s32 s19, s18  }
0x9c: {  	s6 =	simm.s32 $0x0;
	s20 =	sshll.u32 s4, $0x1;
	s4 =	sadd.s32 s21, s2  }
0x9d: {  	[timem:s6], [sflag:s22] =	dma.local [hbm:s4], s20  }
0x9e: {  	_ =	swait.ge [sflag:s22], s20  }
0x9f: {  	s3 =	ssub.s32 $0x0, s20;
	[sflag:s22] =	ssyncset.done $0x0  }
0xa0: {  	[sflag:s22] =	ssyncadd.s32 s3;
	_ =	sdelay $0x1  }
0xa1: {  	s23 =	simm.s32 $0x1B8B  }
0xa2: {  	_ =	swait.ge [sflag:s23], $0x1  }
0xa3: {  	[sflag:s23] =	ssyncset.done $0x0  }
0xa4: {  	s25 =	simm.s32 $0x1B8E;
	s24 =	sld [smem:$0x3FFE];
	[sflag:s23] =	ssyncadd.s32 $0xFFFFFFFF  }
0xa5: {  	s26 =	simm.s32 $execute0_lowered;
	[smem:$0x3FD2] =	sst s25  }
0xa6: {  	s4 =	sshll.u32 s26, $0x1;
	_ =	strace $0x80000049;
	[dreg:$0x1] =	wrdreg $0xFFFFFFFF  }
0xa7: {  	s28 =	simm.s32 $_size_execute0_lowered;
	s2 =	sadd.s32 s2, s4;
	[dreg:$0x0] =	wrdreg $0x0  }
0xa8: {  	s4 =	sshll.u32 s28, $0x1;
	[dreg:$0x2] =	wrdreg s2  }
0xa9: {  	[dreg:$0x3] =	wrdreg s4  }
0xaa: {  	[dreg:$0x4] =	wrdreg $0xC0  }
0xab: {  	_ =	task [dreg:s6], $0x5FFFF  }
0xac: {  	[dreg:$0x1] =	wrdreg $0xFFFFFFFF  }
0xad: {  	[dreg:$0x0] =	wrdreg $0x60  }
0xae: {  	[dreg:$0x2] =	wrdreg s24  }
0xaf: {  	[dreg:$0x3] =	wrdreg $0x9  }
0xb0: {  	_ =	task.clear_ibuf [dreg:s6], $0x4FFFF;
	_ =	strace $0x90000049  }
0xb1: {  	s29 =	simm.s32 $0x9;
	_ =	strace $0x8000004B  }
0xb2: {  	_ =	swait.ge [sflag:s29], $0x1  }
0xb3: {  	[sflag:s29] =	ssyncadd.s32 $0xFFFFFFFF  }
0xb4: {  	_ =	strace $0x9000004B  }
0xb5: {  	_ =	sfence  }
0xb6: {  	s30 =	sld [smem:$0x0];
	_ =	sdelay $0x2  }
0xb7: {  	s31 =	sshll.u32 s1, $0xD;
	s1 =	sshrl.u32 s1, $0x2  }
0xb8: {  	s3 =	sand.u32 $0x4000, s31;
	s1 =	sadd.s32 s1, s30  }
0xb9: {  	s0 =	sor.u32 s3, s0;
	s1 =	sshll.u32 s1, $0x11  }
0xba: {  	s0 =	sor.u32 s1, s0  }
0xbb: {  	s0 =	sadd.s32 $0x8F2B, s0  }
0xbc: {  	[sflag:s0] =	ssyncadd.remote.s32 $0x1  }
0xbd: {  	_ =	sfence.sel $0xFFFF  }
0xbe: {  	[dreg:$0x0] =	wrdreg $0xFFFFFFFF;
	(pc) =	sbr.abs _section_cstart, $3  }
0xbf: {  	[dreg:$0x1] =	wrdreg $0xFFFFFFFF  }
0xc0: {  	_ =	task.clear_ibuf [dreg:s6], $0x2FFFF;
	_ =	strace $0x9FFFFFFF  }
0xc1: {  	(tm) =	ssettm $0x7FFFFFFF  }
tec
execute0_lowered:
.L_overlay_start_1:
0x0: {  	(tag) =	ssettag $0x1  }
0x1: {  	s1 =	srdreg.scid;
	s0 =	stileid.u32  }
0x2: {  	s5 =	rddreg [dreg:$0x0];
	s2 =	simm.s32 $0x0;
	s18 =	simm.s32 $0xEA00  }
0x3: {  	s19 =	simm.s32 $0x8200;
	s20 =	simm.s32 $0x2;
	s21 =	simm.s32 $0x1  }
0x4: {  	s22 =	simm.s32 $0xF080;
	s23 =	simm.s32 $0xD00;
	s24 =	simm.s32 $0x1380  }
0x5: {  	s25 =	simm.s32 $0x0;
	s6 =	sand.u32 $0x1, s1;
	s3 =	sshll.u32 s0, $0x1  }
0x6: {  	[smem:$0x7FF] =	sst s2;
	s4 =	sadd.s32 $0x1F0E00, s5;
	s7 =	sor.u32 s6, s3  }
0x7: {  	s12 =	sadd.s32 $0x20F800, s5;
	s6 =	ssub.s32 $0x2, s6;
	s11 =	smul.u32 $0x1A00, s7  }
0x8: {  	s13 =	sadd.s32 $0x277800, s5;
	s10 =	sshrl.u32 s6, $0x1;
	s7 =	smul.u32 $0x3400, s7  }
0x9: {  	_ =	strace $0x8000004A;
	s3 =	sadd.s32 $0x2000, s5;
	s14 =	ssub.s32 s6, s10  }
0xa: {  	s8 =	sshrl.u32 s11, $0x3;
	s6 =	sadd.s32 s12, s7;
	s29 =	sadd.s32 $0x680, s11  }
0xb: {  	s15 =	sadd.s32 $0xD00, s11;
	s11 =	sadd.s32 $0x1380, s11;
	s14 =	smax.u32 s14, $0x1  }
0xc: {  	s9 =	sadd.s32 s8, s5;
	s7 =	sadd.s32 s13, s8;
	s30 =	sshll.u32 s29, $0x1  }
0xd: {  	s31 =	sshll.u32 s15, $0x1;
	s15 =	sshrl.u32 s15, $0x3;
	s16 =	sshll.u32 s11, $0x1  }
0xe: {  	s17 =	sshrl.u32 s11, $0x3;
	s5 =	sadd.s32 $0x1EA600, s9;
	s8 =	sadd.s32 s12, s30  }
0xf: {  	s9 =	sshrl.u32 s29, $0x3;
	s10 =	sadd.s32 s12, s31;
	s11 =	sadd.s32 s13, s15  }
0x10: {  	v0 =	vlaneseq.u32;
	s12 =	sadd.s32 s12, s16;
	s15 =	simm.s32 $0x3;
	s16 =	simm.s32 $0x680  }
0x11: {  	v0 =	vmul.u32 $0x10, v0;
	s9 =	sadd.s32 s13, s9;
	s13 =	sadd.s32 s13, s17;
	s17 =	simm.s32 $0x1A00  }
.LBB2_1:
0x12: {  	[tilespmem:s2], [sflag:$0x3] =	stream.linear.gather [hbm4b:s5+s2], $0x1A00, $0x38;
	[tilespmem:$0xF700] =	vst v63  }
0x13: {  	_ =	swait.ge [sflag:s15], $0x1A00  }
0x14: {  	[sflag:s15] =	ssyncset.done $0x0  }
0x15: {  	s26 =	simm.s32 $0x20;
	[sflag:s15] =	ssyncadd.s32 $0xFFFFE600  }
0x16: {  	[tilespmem:s17], [sflag:$0x1] =	stream.indirect.gather [hbm4b:s3+s16], $0x10, s2, s16, $0xb8;
	[tilespmem:$0xF700] =	vst v63  }
0x17: {  	v1 =	vld [tilespmem:s26+$0xFFFFFFE0]  }
0x18: {  	v3 =	vld [tilespmem:s26+$0x0]  }
0x19: {  	v2 =	vld [tilespmem:s26+$0x10]  }
0x1a: {  	v4 =	vld [tilespmem:s26+$0xFFFFFFF0];
	_ =	sdelay $0x1  }
0x1b: {  	s28 =	simm.s32 $0x60;
	s26 =	simm.s32 $0xEA20;
	v5 =	vshrl.u32 v1, $0x4  }
0x1c: {  	v1 =	vld [tilespmem:s28+$0xFFFFFFE0];
	v6 =	vshrl.u32 v3, $0x4;
	[tilespmem:s26+$0xFFFFFFE0] =	vst v5  }
0x1d: {  	v3 =	vld [tilespmem:s28+$0x0];
	v5 =	vshrl.u32 v2, $0x4;
	[tilespmem:s26+$0x0] =	vst v6  }
0x1e: {  	s29 =	simm.s32 $0x4;
	v4 =	vshrl.u32 v4, $0x4;
	v2 =	vld [tilespmem:s28+$0x10];
	[tilespmem:s26+$0x10] =	vst v5  }
.LBB2_2:
0x1f: {  	s29 =	sadd.s32 $0x4, s29  }
0x20: {  	v5 =	vld [tilespmem:s28+$0xFFFFFFF0];
	[tilespmem:s26+$0xFFFFFFF0] =	vst v4;
	s26 =	sadd.s32 $0x40, s26;
	p0 =	slt.u32 s29, $0x64  }
.Ltmp0:
0x21: {  	(pc) =	sbr.rel @p0 .LBB2_2-.Ltmp0, $4  }
0x22: {  	s28 =	sadd.s32 $0x40, s28;
	v4 =	vshrl.u32 v1, $0x4  }
0x23: {  	v1 =	vld [tilespmem:s28+$0xFFFFFFE0];
	[tilespmem:s26+$0xFFFFFFE0] =	vst v4;
	v4 =	vshrl.u32 v2, $0x4  }
0x24: {  	v2 =	vld [tilespmem:s28+$0x10];
	v6 =	vshrl.u32 v3, $0x4;
	[tilespmem:s26+$0x10] =	vst v4  }
0x25: {  	v3 =	vld [tilespmem:s28+$0x0];
	v4 =	vshrl.u32 v5, $0x4;
	[tilespmem:s26+$0x0] =	vst v6  }
0x26: {  	v5 =	vld [tilespmem:s28+$0xFFFFFFF0];
	_ =	sdelay $0x1  }
0x27: {  	[tilespmem:s26+$0xFFFFFFF0] =	vst v4;
	s0 =	sadd.s32 $0x40, s26;
	v1 =	vshrl.u32 v1, $0x4  }
0x28: {  	[tilespmem:s0+$0xFFFFFFE0] =	vst v1;
	v1 =	vshrl.u32 v2, $0x4  }
0x29: {  	v2 =	vshrl.u32 v3, $0x4;
	[tilespmem:s0+$0x10] =	vst v1  }
0x2a: {  	v1 =	vshrl.u32 v5, $0x4;
	[tilespmem:s0+$0x0] =	vst v2  }
0x2b: {  	[tilespmem:s0+$0xFFFFFFF0] =	vst v1  }
0x2c: {  	[tilespmem:s19], [sflag:$0x2] =	stream.indirect.gather [hbm4b:s4+s16], $0x10, s18, s16, $0xb8;
	[tilespmem:$0xF700] =	vst v63  }
0x2d: {  	_ =	swait.ge [sflag:s20], $0x6800  }
0x2e: {  	[sflag:s20] =	ssyncset.done $0x0  }
0x2f: {  	s1 =	simm.s32 $0x20;
	[sflag:s20] =	ssyncadd.s32 $0xFFFF9800  }
0x30: {  	v1 =	vld [tilespmem:s1+$0x10]  }
0x31: {  	v2 =	vld [tilespmem:s1+$0xFFFFFFF0]  }
0x32: {  	s28 =	simm.s32 $0x30  }
0x33: {  	s30 =	simm.s32 $0x10;
	v4 =	vmov s28;
	s28 =	simm.s32 $0x20;
	v3 =	vld [tilespmem:s1+$0x0]  }
0x34: {  	v6 =	vmov s30;
	v4 =	vshll.u32 v4, $0x4;
	v8 =	vmov s28  }
0x35: {  	s29 =	simm.s32 $0x0;
	v6 =	vshll.u32 v6, $0x4;
	v4 =	vor.u32 v0, v4;
	v8 =	vshll.u32 v8, $0x4;
	v7 =	vld [tilespmem:s1+$0xFFFFFFE0]  }
0x36: {  	v5 =	vmov s29;
	v1 =	vand.u32 $0xF, v1;
	v2 =	vand.u32 $0xF, v2  }
0x37: {  	s31 =	simm.s32 $0x60;
	v1 =	vor.u32 v4, v1;
	v4 =	vshll.u32 v5, $0x4;
	v5 =	vor.u32 v0, v6  }
0x38: {  	v3 =	vand.u32 $0xF, v3;
	v6 =	vor.u32 v0, v8;
	v8 =	vld [tilespmem:s31+$0x10];
	v2 =	vor.u32 v5, v2  }
0x39: {  	v11 =	vld [tilespmem:s31+$0xFFFFFFE0];
	v3 =	vor.u32 v6, v3  }
0x3a: {  	s28 =	simm.s32 $0x70;
	v4 =	vor.u32 v0, v4;
	v5 =	vld [tilespmem:s31+$0xFFFFFFF0];
	v6 =	vand.u32 $0xF, v7  }
0x3b: {  	s30 =	simm.s32 $0x50;
	s29 =	simm.s32 $0x40;
	v7 =	vld [tilespmem:s31+$0x0];
	v4 =	vor.u32 v4, v6;
	v6 =	vmov s28  }
0x3c: {  	v10 =	vmov s30;
	v9 =	vmov s29;
	s28 =	simm.s32 $0x60;
	v6 =	vshll.u32 v6, $0x4;
	v1 =	vld.idx.msk [tilespmem:v1+s19+$0x0], $0xffff  }
0x3d: {  	v12 =	vmov s28;
	v6 =	vor.u32 v0, v6;
	v8 =	vand.u32 $0xF, v8;
	v13 =	vld.idx.msk [tilespmem:v2+s19+$0x0], $0xffff  }
0x3e: {  	s29 =	simm.s32 $0xA0;
	v2 =	vshll.u32 v10, $0x4;
	v10 =	vshll.u32 v12, $0x4;
	v6 =	vor.u32 v6, v8;
	v62 =	vld.idx.msk [tilespmem:v3+s19+$0x0], $0xffff  }
0x3f: {  	v3 =	vshll.u32 v9, $0x4;
	v5 =	vand.u32 $0xF, v5;
	v9 =	vld [tilespmem:s29+$0x10];
	v2 =	vor.u32 v0, v2  }
0x40: {  	v7 =	vand.u32 $0xF, v7;
	v8 =	vld.idx.msk [tilespmem:v4+s19+$0x0], $0xffff;
	v4 =	vor.u32 v0, v10;
	v5 =	vor.u32 v2, v5  }
0x41: {  	s31 =	simm.s32 $0xA0;
	v10 =	vld [tilespmem:s29+$0xFFFFFFF0];
	v2 =	vor.u32 v0, v3;
	v7 =	vor.u32 v4, v7;
	v3 =	vand.u32 $0xF, v11  }
0x42: {  	s30 =	simm.s32 $0x90;
	v14 =	vld [tilespmem:s29+$0x0];
	s1 =	simm.s32 $0xB0;
	v16 =	vmov s31;
	v15 =	vor.u32 v2, v3  }
0x43: {  	s26 =	simm.s32 $0x80;
	v17 =	vmov s1;
	s28 =	simm.s32 $0xF0A0;
	v16 =	vshll.u32 v16, $0x4;
	v4 =	vld [tilespmem:s29+$0xFFFFFFE0];
	v3 =	vmov s30  }
0x44: {  	v11 =	vmov s26;
	[tilespmem:s28+$0x10] =	vst v1;
	v1 =	vshll.u32 v3, $0x4;
	v3 =	vshll.u32 v17, $0x4;
	v2 =	vld.idx.msk [tilespmem:v6+s19+$0x0], $0xffff  }
0x45: {  	v11 =	vshll.u32 v11, $0x4;
	[tilespmem:s28+$0xFFFFFFF0] =	vst v13;
	v6 =	vor.u32 v0, v3;
	v63 =	vand.u32 $0xF, v9;
	v3 =	vld.idx.msk [tilespmem:v5+s19+$0x0], $0xffff  }
0x46: {  	[tilespmem:s28+$0xFFFFFFE0] =	vst v8;
	v8 =	vor.u32 v0, v1;
	v9 =	vand.u32 $0xF, v10;
	v6 =	vor.u32 v6, v63;
	v1 =	vld.idx.msk [tilespmem:v7+s19+$0x0], $0xffff  }
0x47: {  	s29 =	simm.s32 $0x8;
	s30 =	simm.s32 $0xE0;
	[tilespmem:s28+$0x0] =	vst v62;
	v10 =	vor.u32 v0, v16;
	v7 =	vor.u32 v0, v11;
	v11 =	vand.u32 $0xF, v14;
	v5 =	vld.idx.msk [tilespmem:v15+s19+$0x0], $0xffff  }
.LBB2_4:
0x48: {  	v12 =	vld [tilespmem:s30+$0x10];
	s29 =	sadd.s32 $0x4, s29;
	v8 =	vor.u32 v8, v9;
	v10 =	vor.u32 v10, v11;
	s28 =	sadd.s32 $0x40, s28  }
0x49: {  	s26 =	sadd.s32 $0x40, s26;
	v9 =	vld [tilespmem:s30+$0xFFFFFFF0];
	p0 =	slt.u32 s29, $0x64;
	v4 =	vand.u32 $0xF, v4;
	[tilespmem:s28+$0x10] =	vst v2  }
0x4a: {  	v11 =	vmov s26;
	s1 =	sadd.s32 $0x10, s26;
	s31 =	sadd.s32 $0x20, s26;
	s0 =	sadd.s32 $0x30, s26;
	v13 =	vld [tilespmem:s30+$0x0];
	v14 =	vor.u32 v7, v4  }
.Ltmp1:
0x4b: {  	v7 =	vmov s1;
	v15 =	vmov s31;
	v16 =	vmov s0;
	v2 =	vld.idx.msk [tilespmem:v6+s19+$0x0], $0xffff;
	(pc) =	sbr.rel @p0 .LBB2_4-.Ltmp1, $4  }
0x4c: {  	v6 =	vshll.u32 v7, $0x4;
	v15 =	vshll.u32 v15, $0x4;
	v7 =	vshll.u32 v16, $0x4;
	v4 =	vld [tilespmem:s30+$0xFFFFFFE0];
	[tilespmem:s28+$0xFFFFFFF0] =	vst v3  }
0x4d: {  	v11 =	vshll.u32 v11, $0x4;
	v7 =	vor.u32 v0, v7;
	v12 =	vand.u32 $0xF, v12;
	v3 =	vld.idx.msk [tilespmem:v8+s19+$0x0], $0xffff;
	[tilespmem:s28+$0xFFFFFFE0] =	vst v5  }
0x4e: {  	v8 =	vor.u32 v0, v6;
	v9 =	vand.u32 $0xF, v9;
	v6 =	vor.u32 v7, v12;
	[tilespmem:s28+$0x0] =	vst v1;
	v1 =	vld.idx.msk [tilespmem:v10+s19+$0x0], $0xffff  }
0x4f: {  	s30 =	sadd.s32 $0x40, s30;
	v7 =	vor.u32 v0, v11;
	v10 =	vor.u32 v0, v15;
	v11 =	vand.u32 $0xF, v13;
	v5 =	vld.idx.msk [tilespmem:v14+s19+$0x0], $0xffff  }
0x50: {  	_ = 	snop  }
0x51: {  	v8 =	vor.u32 v8, v9;
	v4 =	vand.u32 $0xF, v4  }
0x52: {  	v4 =	vor.u32 v7, v4  }
0x53: {  	v7 =	vor.u32 v10, v11;
	_ =	sdelay $0x1  }
0x54: {  	s0 =	sadd.s32 $0x40, s28;
	v6 =	vld.idx.msk [tilespmem:v6+s19+$0x0], $0xffff  }
0x55: {  	[tilespmem:s0+$0x10] =	vst v2;
	v2 =	vld.idx.msk [tilespmem:v8+s19+$0x0], $0xffff  }
0x56: {  	[tilespmem:s0+$0xFFFFFFF0] =	vst v3;
	v3 =	vld.idx.msk [tilespmem:v4+s19+$0x0], $0xffff  }
0x57: {  	[tilespmem:s0+$0x0] =	vst v1;
	v4 =	vld.idx.msk [tilespmem:v7+s19+$0x0], $0xffff  }
0x58: {  	[tilespmem:s0+$0xFFFFFFE0] =	vst v5;
	s0 =	sadd.s32 $0x40, s0  }
0x59: {  	[tilespmem:s0+$0x10] =	vst v6  }
0x5a: {  	[tilespmem:s0+$0xFFFFFFF0] =	vst v2  }
0x5b: {  	[tilespmem:s0+$0xFFFFFFE0] =	vst v3  }
0x5c: {  	[tilespmem:s0+$0x0] =	vst v4  }
0x5d: {  	_ =	swait.ge [sflag:s21], $0x6800  }
0x5e: {  	[sflag:s21] =	ssyncset.done $0x0  }
0x5f: {  	[sflag:s21] =	ssyncadd.s32 $0xFFFF9800  }
0x60: {  	[hbm4b:s6+s2] =	stream.linear.scatter [tilespmem:s17], [sflag:$0x3], $0x6800, $0x38;
	[tilespmem:$0xF700] =	vst v63  }
0x61: {  	_ =	swait.ge [sflag:s15], $0x6800  }
0x62: {  	[sflag:s15] =	ssyncset.done $0x0  }
0x63: {  	[sflag:s15] =	ssyncadd.s32 $0xFFFF9800  }
0x64: {  	[hbm4b:s7+s2] =	stream.linear.scatter [tilespmem:s22], [sflag:$0x3], $0x680, $0x38;
	[tilespmem:$0xF700] =	vst v63  }
0x65: {  	_ =	swait.ge [sflag:s15], $0x680  }
0x66: {  	[sflag:s15] =	ssyncset.done $0x0  }
0x67: {  	s31 =	simm.s32 $0x6B0;
	[sflag:s15] =	ssyncadd.s32 $0xFFFFF980  }
0x68: {  	[tilespmem:s17], [sflag:$0x1] =	stream.indirect.gather [hbm4b:s3+s16], $0x10, s16, s16, $0xb8;
	[tilespmem:$0xF700] =	vst v63  }
0x69: {  	v1 =	vld [tilespmem:s31+$0xFFFFFFD0]  }
0x6a: {  	v3 =	vld [tilespmem:s31+$0xFFFFFFF0]  }
0x6b: {  	v2 =	vld [tilespmem:s31+$0x0]  }
0x6c: {  	v4 =	vld [tilespmem:s31+$0xFFFFFFE0];
	_ =	sdelay $0x1  }
0x6d: {  	s26 =	simm.s32 $0xEA20;
	s28 =	simm.s32 $0x6F0;
	v5 =	vshrl.u32 v1, $0x4  }
0x6e: {  	v1 =	vld [tilespmem:s28+$0xFFFFFFD0];
	v6 =	vshrl.u32 v3, $0x4;
	[tilespmem:s26+$0xFFFFFFE0] =	vst v5  }
0x6f: {  	v3 =	vld [tilespmem:s28+$0xFFFFFFF0];
	v5 =	vshrl.u32 v2, $0x4;
	[tilespmem:s26+$0x0] =	vst v6  }
0x70: {  	s29 =	simm.s32 $0x4;
	v4 =	vshrl.u32 v4, $0x4;
	v2 =	vld [tilespmem:s28+$0x0];
	[tilespmem:s26+$0x10] =	vst v5  }
.LBB2_6:
0x71: {  	s29 =	sadd.s32 $0x4, s29  }
0x72: {  	v5 =	vld [tilespmem:s28+$0xFFFFFFE0];
	[tilespmem:s26+$0xFFFFFFF0] =	vst v4;
	s26 =	sadd.s32 $0x40, s26;
	p0 =	slt.u32 s29, $0x64  }
.Ltmp2:
0x73: {  	(pc) =	sbr.rel @p0 .LBB2_6-.Ltmp2, $4  }
0x74: {  	s28 =	sadd.s32 $0x40, s28;
	v4 =	vshrl.u32 v1, $0x4  }
0x75: {  	v1 =	vld [tilespmem:s28+$0xFFFFFFD0];
	[tilespmem:s26+$0xFFFFFFE0] =	vst v4;
	v4 =	vshrl.u32 v2, $0x4  }
0x76: {  	v2 =	vld [tilespmem:s28+$0x0];
	v6 =	vshrl.u32 v3, $0x4;
	[tilespmem:s26+$0x10] =	vst v4  }
0x77: {  	v3 =	vld [tilespmem:s28+$0xFFFFFFF0];
	v4 =	vshrl.u32 v5, $0x4;
	[tilespmem:s26+$0x0] =	vst v6  }
0x78: {  	v5 =	vld [tilespmem:s28+$0xFFFFFFE0];
	_ =	sdelay $0x1  }
0x79: {  	[tilespmem:s26+$0xFFFFFFF0] =	vst v4;
	s0 =	sadd.s32 $0x40, s26;
	v1 =	vshrl.u32 v1, $0x4  }
0x7a: {  	[tilespmem:s0+$0xFFFFFFE0] =	vst v1;
	v1 =	vshrl.u32 v2, $0x4  }
0x7b: {  	v2 =	vshrl.u32 v3, $0x4;
	[tilespmem:s0+$0x10] =	vst v1  }
0x7c: {  	v1 =	vshrl.u32 v5, $0x4;
	[tilespmem:s0+$0x0] =	vst v2  }
0x7d: {  	[tilespmem:s0+$0xFFFFFFF0] =	vst v1  }
0x7e: {  	[tilespmem:s19], [sflag:$0x2] =	stream.indirect.gather [hbm4b:s4+s16], $0x10, s18, s16, $0xb8;
	[tilespmem:$0xF700] =	vst v63  }
0x7f: {  	_ =	swait.ge [sflag:s20], $0x6800  }
0x80: {  	[sflag:s20] =	ssyncset.done $0x0  }
0x81: {  	s0 =	simm.s32 $0x6B0;
	[sflag:s20] =	ssyncadd.s32 $0xFFFF9800  }
0x82: {  	v1 =	vld [tilespmem:s0+$0x0]  }
0x83: {  	v2 =	vld [tilespmem:s0+$0xFFFFFFE0]  }
0x84: {  	s1 =	simm.s32 $0x30  }
0x85: {  	s31 =	simm.s32 $0x0;
	s28 =	simm.s32 $0x10;
	v4 =	vmov s1;
	v3 =	vld [tilespmem:s0+$0xFFFFFFF0]  }
0x86: {  	v6 =	vmov s28;
	v4 =	vshll.u32 v4, $0x4;
	v5 =	vmov s31;
	s31 =	simm.s32 $0x20  }
0x87: {  	v6 =	vshll.u32 v6, $0x4;
	v4 =	vor.u32 v0, v4;
	v8 =	vmov s31;
	v7 =	vld [tilespmem:s0+$0xFFFFFFD0]  }
0x88: {  	v8 =	vshll.u32 v8, $0x4;
	v1 =	vand.u32 $0xF, v1;
	v2 =	vand.u32 $0xF, v2  }
0x89: {  	s0 =	simm.s32 $0x6F0;
	v1 =	vor.u32 v4, v1;
	v4 =	vshll.u32 v5, $0x4;
	v5 =	vor.u32 v0, v6  }
0x8a: {  	v3 =	vand.u32 $0xF, v3;
	v6 =	vor.u32 v0, v8;
	v8 =	vld [tilespmem:s0+$0x0];
	v2 =	vor.u32 v5, v2  }
0x8b: {  	v11 =	vld [tilespmem:s0+$0xFFFFFFD0];
	v3 =	vor.u32 v6, v3  }
0x8c: {  	s26 =	simm.s32 $0x70;
	v4 =	vor.u32 v0, v4;
	v5 =	vld [tilespmem:s0+$0xFFFFFFE0];
	v6 =	vand.u32 $0xF, v7  }
0x8d: {  	s28 =	simm.s32 $0x50;
	s31 =	simm.s32 $0x40;
	v7 =	vld [tilespmem:s0+$0xFFFFFFF0];
	v4 =	vor.u32 v4, v6;
	v6 =	vmov s26  }
0x8e: {  	v10 =	vmov s28;
	v9 =	vmov s31;
	s26 =	simm.s32 $0x60;
	v6 =	vshll.u32 v6, $0x4;
	v1 =	vld.idx.msk [tilespmem:v1+s19+$0x0], $0xffff  }
0x8f: {  	v12 =	vmov s26;
	v6 =	vor.u32 v0, v6;
	v8 =	vand.u32 $0xF, v8;
	v13 =	vld.idx.msk [tilespmem:v2+s19+$0x0], $0xffff  }
0x90: {  	s0 =	simm.s32 $0x730;
	v2 =	vshll.u32 v10, $0x4;
	v10 =	vshll.u32 v12, $0x4;
	v6 =	vor.u32 v6, v8;
	v62 =	vld.idx.msk [tilespmem:v3+s19+$0x0], $0xffff  }
0x91: {  	v3 =	vshll.u32 v9, $0x4;
	v5 =	vand.u32 $0xF, v5;
	v9 =	vld [tilespmem:s0+$0x0];
	v2 =	vor.u32 v0, v2  }
0x92: {  	v7 =	vand.u32 $0xF, v7;
	v8 =	vld.idx.msk [tilespmem:v4+s19+$0x0], $0xffff;
	v4 =	vor.u32 v0, v10;
	v5 =	vor.u32 v2, v5  }
0x93: {  	s29 =	simm.s32 $0xA0;
	v10 =	vld [tilespmem:s0+$0xFFFFFFE0];
	v2 =	vor.u32 v0, v3;
	v7 =	vor.u32 v4, v7;
	v3 =	vand.u32 $0xF, v11  }
0x94: {  	s30 =	simm.s32 $0xB0;
	v16 =	vmov s29;
	s31 =	simm.s32 $0x90;
	v14 =	vld [tilespmem:s0+$0xFFFFFFF0];
	v15 =	vor.u32 v2, v3  }
0x95: {  	v17 =	vmov s30;
	s28 =	simm.s32 $0xF0A0;
	v16 =	vshll.u32 v16, $0x4;
	s26 =	simm.s32 $0x80;
	v4 =	vld [tilespmem:s0+$0xFFFFFFD0];
	v3 =	vmov s31  }
0x96: {  	v11 =	vmov s26;
	[tilespmem:s28+$0x10] =	vst v1;
	v1 =	vshll.u32 v3, $0x4;
	v3 =	vshll.u32 v17, $0x4;
	v2 =	vld.idx.msk [tilespmem:v6+s19+$0x0], $0xffff  }
0x97: {  	v11 =	vshll.u32 v11, $0x4;
	[tilespmem:s28+$0xFFFFFFF0] =	vst v13;
	v6 =	vor.u32 v0, v3;
	v63 =	vand.u32 $0xF, v9;
	v3 =	vld.idx.msk [tilespmem:v5+s19+$0x0], $0xffff  }
0x98: {  	[tilespmem:s28+$0xFFFFFFE0] =	vst v8;
	v8 =	vor.u32 v0, v1;
	v9 =	vand.u32 $0xF, v10;
	v6 =	vor.u32 v6, v63;
	v1 =	vld.idx.msk [tilespmem:v7+s19+$0x0], $0xffff  }
0x99: {  	s29 =	simm.s32 $0x8;
	s30 =	simm.s32 $0x770;
	[tilespmem:s28+$0x0] =	vst v62;
	v10 =	vor.u32 v0, v16;
	v7 =	vor.u32 v0, v11;
	v11 =	vand.u32 $0xF, v14;
	v5 =	vld.idx.msk [tilespmem:v15+s19+$0x0], $0xffff  }
.LBB2_8:
0x9a: {  	v12 =	vld [tilespmem:s30+$0x0];
	s29 =	sadd.s32 $0x4, s29;
	v8 =	vor.u32 v8, v9;
	v10 =	vor.u32 v10, v11;
	s28 =	sadd.s32 $0x40, s28  }
0x9b: {  	s26 =	sadd.s32 $0x40, s26;
	v9 =	vld [tilespmem:s30+$0xFFFFFFE0];
	p0 =	slt.u32 s29, $0x64;
	v4 =	vand.u32 $0xF, v4;
	[tilespmem:s28+$0x10] =	vst v2  }
0x9c: {  	v11 =	vmov s26;
	s0 =	sadd.s32 $0x10, s26;
	s1 =	sadd.s32 $0x20, s26;
	s31 =	sadd.s32 $0x30, s26;
	v13 =	vld [tilespmem:s30+$0xFFFFFFF0];
	v14 =	vor.u32 v7, v4  }
.Ltmp3:
0x9d: {  	v7 =	vmov s0;
	v15 =	vmov s1;
	v16 =	vmov s31;
	v2 =	vld.idx.msk [tilespmem:v6+s19+$0x0], $0xffff;
	(pc) =	sbr.rel @p0 .LBB2_8-.Ltmp3, $4  }
0x9e: {  	v6 =	vshll.u32 v7, $0x4;
	v15 =	vshll.u32 v15, $0x4;
	v7 =	vshll.u32 v16, $0x4;
	v4 =	vld [tilespmem:s30+$0xFFFFFFD0];
	[tilespmem:s28+$0xFFFFFFF0] =	vst v3  }
0x9f: {  	v11 =	vshll.u32 v11, $0x4;
	v7 =	vor.u32 v0, v7;
	v12 =	vand.u32 $0xF, v12;
	v3 =	vld.idx.msk [tilespmem:v8+s19+$0x0], $0xffff;
	[tilespmem:s28+$0xFFFFFFE0] =	vst v5  }
0xa0: {  	v8 =	vor.u32 v0, v6;
	v9 =	vand.u32 $0xF, v9;
	v6 =	vor.u32 v7, v12;
	[tilespmem:s28+$0x0] =	vst v1;
	v1 =	vld.idx.msk [tilespmem:v10+s19+$0x0], $0xffff  }
0xa1: {  	s30 =	sadd.s32 $0x40, s30;
	v7 =	vor.u32 v0, v11;
	v10 =	vor.u32 v0, v15;
	v11 =	vand.u32 $0xF, v13;
	v5 =	vld.idx.msk [tilespmem:v14+s19+$0x0], $0xffff  }
0xa2: {  	_ = 	snop  }
0xa3: {  	v8 =	vor.u32 v8, v9;
	v4 =	vand.u32 $0xF, v4  }
0xa4: {  	v4 =	vor.u32 v7, v4  }
0xa5: {  	v7 =	vor.u32 v10, v11;
	_ =	sdelay $0x1  }
0xa6: {  	s0 =	sadd.s32 $0x40, s28;
	v6 =	vld.idx.msk [tilespmem:v6+s19+$0x0], $0xffff  }
0xa7: {  	[tilespmem:s0+$0x10] =	vst v2;
	v2 =	vld.idx.msk [tilespmem:v8+s19+$0x0], $0xffff  }
0xa8: {  	[tilespmem:s0+$0xFFFFFFF0] =	vst v3;
	v3 =	vld.idx.msk [tilespmem:v4+s19+$0x0], $0xffff  }
0xa9: {  	[tilespmem:s0+$0x0] =	vst v1;
	v4 =	vld.idx.msk [tilespmem:v7+s19+$0x0], $0xffff  }
0xaa: {  	[tilespmem:s0+$0xFFFFFFE0] =	vst v5;
	s0 =	sadd.s32 $0x40, s0  }
0xab: {  	[tilespmem:s0+$0x10] =	vst v6  }
0xac: {  	[tilespmem:s0+$0xFFFFFFF0] =	vst v2  }
0xad: {  	[tilespmem:s0+$0xFFFFFFE0] =	vst v3  }
0xae: {  	[tilespmem:s0+$0x0] =	vst v4  }
0xaf: {  	_ =	swait.ge [sflag:s21], $0x6800  }
0xb0: {  	[sflag:s21] =	ssyncset.done $0x0  }
0xb1: {  	[sflag:s21] =	ssyncadd.s32 $0xFFFF9800  }
0xb2: {  	[hbm4b:s8+s2] =	stream.linear.scatter [tilespmem:s17], [sflag:$0x3], $0x6800, $0x38;
	[tilespmem:$0xF700] =	vst v63  }
0xb3: {  	_ =	swait.ge [sflag:s15], $0x6800  }
0xb4: {  	[sflag:s15] =	ssyncset.done $0x0  }
0xb5: {  	[sflag:s15] =	ssyncadd.s32 $0xFFFF9800  }
0xb6: {  	[hbm4b:s9+s2] =	stream.linear.scatter [tilespmem:s22], [sflag:$0x3], $0x680, $0x38;
	[tilespmem:$0xF700] =	vst v63  }
0xb7: {  	_ =	swait.ge [sflag:s15], $0x680  }
0xb8: {  	[sflag:s15] =	ssyncset.done $0x0  }
0xb9: {  	s31 =	simm.s32 $0xD30;
	[sflag:s15] =	ssyncadd.s32 $0xFFFFF980  }
0xba: {  	[tilespmem:s17], [sflag:$0x1] =	stream.indirect.gather [hbm4b:s3+s16], $0x10, s23, s16, $0xb8;
	[tilespmem:$0xF700] =	vst v63  }
0xbb: {  	v1 =	vld [tilespmem:s31+$0xFFFFFFD0]  }
0xbc: {  	v3 =	vld [tilespmem:s31+$0xFFFFFFF0]  }
0xbd: {  	v2 =	vld [tilespmem:s31+$0x0]  }
0xbe: {  	v4 =	vld [tilespmem:s31+$0xFFFFFFE0];
	_ =	sdelay $0x1  }
0xbf: {  	s26 =	simm.s32 $0xEA20;
	s28 =	simm.s32 $0xD70;
	v5 =	vshrl.u32 v1, $0x4  }
0xc0: {  	v1 =	vld [tilespmem:s28+$0xFFFFFFD0];
	v6 =	vshrl.u32 v3, $0x4;
	[tilespmem:s26+$0xFFFFFFE0] =	vst v5  }
0xc1: {  	v3 =	vld [tilespmem:s28+$0xFFFFFFF0];
	v5 =	vshrl.u32 v2, $0x4;
	[tilespmem:s26+$0x0] =	vst v6  }
0xc2: {  	s29 =	simm.s32 $0x4;
	v4 =	vshrl.u32 v4, $0x4;
	v2 =	vld [tilespmem:s28+$0x0];
	[tilespmem:s26+$0x10] =	vst v5  }
.LBB2_10:
0xc3: {  	s29 =	sadd.s32 $0x4, s29  }
0xc4: {  	v5 =	vld [tilespmem:s28+$0xFFFFFFE0];
	[tilespmem:s26+$0xFFFFFFF0] =	vst v4;
	s26 =	sadd.s32 $0x40, s26;
	p0 =	slt.u32 s29, $0x64  }
.Ltmp4:
0xc5: {  	(pc) =	sbr.rel @p0 .LBB2_10-.Ltmp4, $4  }
0xc6: {  	s28 =	sadd.s32 $0x40, s28;
	v4 =	vshrl.u32 v1, $0x4  }
0xc7: {  	v1 =	vld [tilespmem:s28+$0xFFFFFFD0];
	[tilespmem:s26+$0xFFFFFFE0] =	vst v4;
	v4 =	vshrl.u32 v2, $0x4  }
0xc8: {  	v2 =	vld [tilespmem:s28+$0x0];
	v6 =	vshrl.u32 v3, $0x4;
	[tilespmem:s26+$0x10] =	vst v4  }
0xc9: {  	v3 =	vld [tilespmem:s28+$0xFFFFFFF0];
	v4 =	vshrl.u32 v5, $0x4;
	[tilespmem:s26+$0x0] =	vst v6  }
0xca: {  	v5 =	vld [tilespmem:s28+$0xFFFFFFE0];
	_ =	sdelay $0x1  }
0xcb: {  	[tilespmem:s26+$0xFFFFFFF0] =	vst v4;
	s0 =	sadd.s32 $0x40, s26;
	v1 =	vshrl.u32 v1, $0x4  }
0xcc: {  	[tilespmem:s0+$0xFFFFFFE0] =	vst v1;
	v1 =	vshrl.u32 v2, $0x4  }
0xcd: {  	v2 =	vshrl.u32 v3, $0x4;
	[tilespmem:s0+$0x10] =	vst v1  }
0xce: {  	v1 =	vshrl.u32 v5, $0x4;
	[tilespmem:s0+$0x0] =	vst v2  }
0xcf: {  	[tilespmem:s0+$0xFFFFFFF0] =	vst v1  }
0xd0: {  	[tilespmem:s19], [sflag:$0x2] =	stream.indirect.gather [hbm4b:s4+s16], $0x10, s18, s16, $0xb8;
	[tilespmem:$0xF700] =	vst v63  }
0xd1: {  	_ =	swait.ge [sflag:s20], $0x6800  }
0xd2: {  	[sflag:s20] =	ssyncset.done $0x0  }
0xd3: {  	s0 =	simm.s32 $0xD30;
	[sflag:s20] =	ssyncadd.s32 $0xFFFF9800  }
0xd4: {  	v1 =	vld [tilespmem:s0+$0x0]  }
0xd5: {  	v2 =	vld [tilespmem:s0+$0xFFFFFFE0]  }
0xd6: {  	s1 =	simm.s32 $0x30  }
0xd7: {  	s31 =	simm.s32 $0x0;
	s28 =	simm.s32 $0x10;
	v4 =	vmov s1;
	v3 =	vld [tilespmem:s0+$0xFFFFFFF0]  }
0xd8: {  	v6 =	vmov s28;
	v4 =	vshll.u32 v4, $0x4;
	v5 =	vmov s31;
	s31 =	simm.s32 $0x20  }
0xd9: {  	v6 =	vshll.u32 v6, $0x4;
	v4 =	vor.u32 v0, v4;
	v8 =	vmov s31;
	v7 =	vld [tilespmem:s0+$0xFFFFFFD0]  }
0xda: {  	v8 =	vshll.u32 v8, $0x4;
	v1 =	vand.u32 $0xF, v1;
	v2 =	vand.u32 $0xF, v2  }
0xdb: {  	s0 =	simm.s32 $0xD70;
	v1 =	vor.u32 v4, v1;
	v4 =	vshll.u32 v5, $0x4;
	v5 =	vor.u32 v0, v6  }
0xdc: {  	v3 =	vand.u32 $0xF, v3;
	v6 =	vor.u32 v0, v8;
	v8 =	vld [tilespmem:s0+$0x0];
	v2 =	vor.u32 v5, v2  }
0xdd: {  	v11 =	vld [tilespmem:s0+$0xFFFFFFD0];
	v3 =	vor.u32 v6, v3  }
0xde: {  	s26 =	simm.s32 $0x70;
	v4 =	vor.u32 v0, v4;
	v5 =	vld [tilespmem:s0+$0xFFFFFFE0];
	v6 =	vand.u32 $0xF, v7  }
0xdf: {  	s28 =	simm.s32 $0x50;
	s31 =	simm.s32 $0x40;
	v7 =	vld [tilespmem:s0+$0xFFFFFFF0];
	v4 =	vor.u32 v4, v6;
	v6 =	vmov s26  }
0xe0: {  	v10 =	vmov s28;
	v9 =	vmov s31;
	s26 =	simm.s32 $0x60;
	v6 =	vshll.u32 v6, $0x4;
	v1 =	vld.idx.msk [tilespmem:v1+s19+$0x0], $0xffff  }
0xe1: {  	v12 =	vmov s26;
	v6 =	vor.u32 v0, v6;
	v8 =	vand.u32 $0xF, v8;
	v13 =	vld.idx.msk [tilespmem:v2+s19+$0x0], $0xffff  }
0xe2: {  	s0 =	simm.s32 $0xDB0;
	v2 =	vshll.u32 v10, $0x4;
	v10 =	vshll.u32 v12, $0x4;
	v6 =	vor.u32 v6, v8;
	v62 =	vld.idx.msk [tilespmem:v3+s19+$0x0], $0xffff  }
0xe3: {  	v3 =	vshll.u32 v9, $0x4;
	v5 =	vand.u32 $0xF, v5;
	v9 =	vld [tilespmem:s0+$0x0];
	v2 =	vor.u32 v0, v2  }
0xe4: {  	v7 =	vand.u32 $0xF, v7;
	v8 =	vld.idx.msk [tilespmem:v4+s19+$0x0], $0xffff;
	v4 =	vor.u32 v0, v10;
	v5 =	vor.u32 v2, v5  }
0xe5: {  	s29 =	simm.s32 $0xA0;
	v10 =	vld [tilespmem:s0+$0xFFFFFFE0];
	v2 =	vor.u32 v0, v3;
	v7 =	vor.u32 v4, v7;
	v3 =	vand.u32 $0xF, v11  }
0xe6: {  	s30 =	simm.s32 $0xB0;
	v16 =	vmov s29;
	s31 =	simm.s32 $0x90;
	v14 =	vld [tilespmem:s0+$0xFFFFFFF0];
	v15 =	vor.u32 v2, v3  }
0xe7: {  	v17 =	vmov s30;
	s28 =	simm.s32 $0xF0A0;
	v16 =	vshll.u32 v16, $0x4;
	s26 =	simm.s32 $0x80;
	v4 =	vld [tilespmem:s0+$0xFFFFFFD0];
	v3 =	vmov s31  }
0xe8: {  	v11 =	vmov s26;
	[tilespmem:s28+$0x10] =	vst v1;
	v1 =	vshll.u32 v3, $0x4;
	v3 =	vshll.u32 v17, $0x4;
	v2 =	vld.idx.msk [tilespmem:v6+s19+$0x0], $0xffff  }
0xe9: {  	v11 =	vshll.u32 v11, $0x4;
	[tilespmem:s28+$0xFFFFFFF0] =	vst v13;
	v6 =	vor.u32 v0, v3;
	v63 =	vand.u32 $0xF, v9;
	v3 =	vld.idx.msk [tilespmem:v5+s19+$0x0], $0xffff  }
0xea: {  	[tilespmem:s28+$0xFFFFFFE0] =	vst v8;
	v8 =	vor.u32 v0, v1;
	v9 =	vand.u32 $0xF, v10;
	v6 =	vor.u32 v6, v63;
	v1 =	vld.idx.msk [tilespmem:v7+s19+$0x0], $0xffff  }
0xeb: {  	s29 =	simm.s32 $0x8;
	s30 =	simm.s32 $0xDF0;
	[tilespmem:s28+$0x0] =	vst v62;
	v10 =	vor.u32 v0, v16;
	v7 =	vor.u32 v0, v11;
	v11 =	vand.u32 $0xF, v14;
	v5 =	vld.idx.msk [tilespmem:v15+s19+$0x0], $0xffff  }
.LBB2_12:
0xec: {  	v12 =	vld [tilespmem:s30+$0x0];
	s29 =	sadd.s32 $0x4, s29;
	v8 =	vor.u32 v8, v9;
	v10 =	vor.u32 v10, v11;
	s28 =	sadd.s32 $0x40, s28  }
0xed: {  	s26 =	sadd.s32 $0x40, s26;
	v9 =	vld [tilespmem:s30+$0xFFFFFFE0];
	p0 =	slt.u32 s29, $0x64;
	v4 =	vand.u32 $0xF, v4;
	[tilespmem:s28+$0x10] =	vst v2  }
0xee: {  	v11 =	vmov s26;
	s0 =	sadd.s32 $0x10, s26;
	s1 =	sadd.s32 $0x20, s26;
	s31 =	sadd.s32 $0x30, s26;
	v13 =	vld [tilespmem:s30+$0xFFFFFFF0];
	v14 =	vor.u32 v7, v4  }
.Ltmp5:
0xef: {  	v7 =	vmov s0;
	v15 =	vmov s1;
	v16 =	vmov s31;
	v2 =	vld.idx.msk [tilespmem:v6+s19+$0x0], $0xffff;
	(pc) =	sbr.rel @p0 .LBB2_12-.Ltmp5, $4  }
0xf0: {  	v6 =	vshll.u32 v7, $0x4;
	v15 =	vshll.u32 v15, $0x4;
	v7 =	vshll.u32 v16, $0x4;
	v4 =	vld [tilespmem:s30+$0xFFFFFFD0];
	[tilespmem:s28+$0xFFFFFFF0] =	vst v3  }
0xf1: {  	v11 =	vshll.u32 v11, $0x4;
	v7 =	vor.u32 v0, v7;
	v12 =	vand.u32 $0xF, v12;
	v3 =	vld.idx.msk [tilespmem:v8+s19+$0x0], $0xffff;
	[tilespmem:s28+$0xFFFFFFE0] =	vst v5  }
0xf2: {  	v8 =	vor.u32 v0, v6;
	v9 =	vand.u32 $0xF, v9;
	v6 =	vor.u32 v7, v12;
	[tilespmem:s28+$0x0] =	vst v1;
	v1 =	vld.idx.msk [tilespmem:v10+s19+$0x0], $0xffff  }
0xf3: {  	s30 =	sadd.s32 $0x40, s30;
	v7 =	vor.u32 v0, v11;
	v10 =	vor.u32 v0, v15;
	v11 =	vand.u32 $0xF, v13;
	v5 =	vld.idx.msk [tilespmem:v14+s19+$0x0], $0xffff  }
0xf4: {  	_ = 	snop  }
0xf5: {  	v8 =	vor.u32 v8, v9;
	v4 =	vand.u32 $0xF, v4  }
0xf6: {  	v4 =	vor.u32 v7, v4  }
0xf7: {  	v7 =	vor.u32 v10, v11;
	_ =	sdelay $0x1  }
0xf8: {  	s0 =	sadd.s32 $0x40, s28;
	v6 =	vld.idx.msk [tilespmem:v6+s19+$0x0], $0xffff  }
0xf9: {  	[tilespmem:s0+$0x10] =	vst v2;
	v2 =	vld.idx.msk [tilespmem:v8+s19+$0x0], $0xffff  }
0xfa: {  	[tilespmem:s0+$0xFFFFFFF0] =	vst v3;
	v3 =	vld.idx.msk [tilespmem:v4+s19+$0x0], $0xffff  }
0xfb: {  	[tilespmem:s0+$0x0] =	vst v1;
	v4 =	vld.idx.msk [tilespmem:v7+s19+$0x0], $0xffff  }
0xfc: {  	[tilespmem:s0+$0xFFFFFFE0] =	vst v5;
	s0 =	sadd.s32 $0x40, s0  }
0xfd: {  	[tilespmem:s0+$0x10] =	vst v6  }
0xfe: {  	[tilespmem:s0+$0xFFFFFFF0] =	vst v2  }
0xff: {  	[tilespmem:s0+$0xFFFFFFE0] =	vst v3  }
0x100: {  	[tilespmem:s0+$0x0] =	vst v4  }
0x101: {  	_ =	swait.ge [sflag:s21], $0x6800  }
0x102: {  	[sflag:s21] =	ssyncset.done $0x0  }
0x103: {  	[sflag:s21] =	ssyncadd.s32 $0xFFFF9800  }
0x104: {  	[hbm4b:s10+s2] =	stream.linear.scatter [tilespmem:s17], [sflag:$0x3], $0x6800, $0x38;
	[tilespmem:$0xF700] =	vst v63  }
0x105: {  	_ =	swait.ge [sflag:s15], $0x6800  }
0x106: {  	[sflag:s15] =	ssyncset.done $0x0  }
0x107: {  	[sflag:s15] =	ssyncadd.s32 $0xFFFF9800  }
0x108: {  	[hbm4b:s11+s2] =	stream.linear.scatter [tilespmem:s22], [sflag:$0x3], $0x680, $0x38;
	[tilespmem:$0xF700] =	vst v63  }
0x109: {  	_ =	swait.ge [sflag:s15], $0x680  }
0x10a: {  	[sflag:s15] =	ssyncset.done $0x0  }
0x10b: {  	s31 =	simm.s32 $0x13B0;
	[sflag:s15] =	ssyncadd.s32 $0xFFFFF980  }
0x10c: {  	[tilespmem:s17], [sflag:$0x1] =	stream.indirect.gather [hbm4b:s3+s16], $0x10, s24, s16, $0xb8;
	[tilespmem:$0xF700] =	vst v63  }
0x10d: {  	v1 =	vld [tilespmem:s31+$0xFFFFFFD0]  }
0x10e: {  	v3 =	vld [tilespmem:s31+$0xFFFFFFF0]  }
0x10f: {  	v2 =	vld [tilespmem:s31+$0x0]  }
0x110: {  	v4 =	vld [tilespmem:s31+$0xFFFFFFE0];
	_ =	sdelay $0x1  }
0x111: {  	s26 =	simm.s32 $0xEA20;
	s28 =	simm.s32 $0x13F0;
	v5 =	vshrl.u32 v1, $0x4  }
0x112: {  	v1 =	vld [tilespmem:s28+$0xFFFFFFD0];
	v6 =	vshrl.u32 v3, $0x4;
	[tilespmem:s26+$0xFFFFFFE0] =	vst v5  }
0x113: {  	v3 =	vld [tilespmem:s28+$0xFFFFFFF0];
	v5 =	vshrl.u32 v2, $0x4;
	[tilespmem:s26+$0x0] =	vst v6  }
0x114: {  	s29 =	simm.s32 $0x4;
	v4 =	vshrl.u32 v4, $0x4;
	v2 =	vld [tilespmem:s28+$0x0];
	[tilespmem:s26+$0x10] =	vst v5  }
.LBB2_14:
0x115: {  	s29 =	sadd.s32 $0x4, s29  }
0x116: {  	v5 =	vld [tilespmem:s28+$0xFFFFFFE0];
	[tilespmem:s26+$0xFFFFFFF0] =	vst v4;
	s26 =	sadd.s32 $0x40, s26;
	p0 =	slt.u32 s29, $0x64  }
.Ltmp6:
0x117: {  	(pc) =	sbr.rel @p0 .LBB2_14-.Ltmp6, $4  }
0x118: {  	s28 =	sadd.s32 $0x40, s28;
	v4 =	vshrl.u32 v1, $0x4  }
0x119: {  	v1 =	vld [tilespmem:s28+$0xFFFFFFD0];
	[tilespmem:s26+$0xFFFFFFE0] =	vst v4;
	v4 =	vshrl.u32 v2, $0x4  }
0x11a: {  	v2 =	vld [tilespmem:s28+$0x0];
	v6 =	vshrl.u32 v3, $0x4;
	[tilespmem:s26+$0x10] =	vst v4  }
0x11b: {  	v3 =	vld [tilespmem:s28+$0xFFFFFFF0];
	v4 =	vshrl.u32 v5, $0x4;
	[tilespmem:s26+$0x0] =	vst v6  }
0x11c: {  	v5 =	vld [tilespmem:s28+$0xFFFFFFE0];
	_ =	sdelay $0x1  }
0x11d: {  	[tilespmem:s26+$0xFFFFFFF0] =	vst v4;
	s0 =	sadd.s32 $0x40, s26;
	v1 =	vshrl.u32 v1, $0x4  }
0x11e: {  	[tilespmem:s0+$0xFFFFFFE0] =	vst v1;
	v1 =	vshrl.u32 v2, $0x4  }
0x11f: {  	v2 =	vshrl.u32 v3, $0x4;
	[tilespmem:s0+$0x10] =	vst v1  }
0x120: {  	v1 =	vshrl.u32 v5, $0x4;
	[tilespmem:s0+$0x0] =	vst v2  }
0x121: {  	[tilespmem:s0+$0xFFFFFFF0] =	vst v1  }
0x122: {  	[tilespmem:s19], [sflag:$0x2] =	stream.indirect.gather [hbm4b:s4+s16], $0x10, s18, s16, $0xb8;
	[tilespmem:$0xF700] =	vst v63  }
0x123: {  	_ =	swait.ge [sflag:s20], $0x6800  }
0x124: {  	[sflag:s20] =	ssyncset.done $0x0  }
0x125: {  	s0 =	simm.s32 $0x13B0;
	[sflag:s20] =	ssyncadd.s32 $0xFFFF9800  }
0x126: {  	v1 =	vld [tilespmem:s0+$0x0]  }
0x127: {  	v2 =	vld [tilespmem:s0+$0xFFFFFFE0]  }
0x128: {  	s1 =	simm.s32 $0x30  }
0x129: {  	s31 =	simm.s32 $0x0;
	s28 =	simm.s32 $0x10;
	v4 =	vmov s1;
	v3 =	vld [tilespmem:s0+$0xFFFFFFF0]  }
0x12a: {  	v6 =	vmov s28;
	v4 =	vshll.u32 v4, $0x4;
	v5 =	vmov s31;
	s31 =	simm.s32 $0x20  }
0x12b: {  	v6 =	vshll.u32 v6, $0x4;
	v4 =	vor.u32 v0, v4;
	v8 =	vmov s31;
	v7 =	vld [tilespmem:s0+$0xFFFFFFD0]  }
0x12c: {  	v8 =	vshll.u32 v8, $0x4;
	v1 =	vand.u32 $0xF, v1;
	v2 =	vand.u32 $0xF, v2  }
0x12d: {  	s0 =	simm.s32 $0x13F0;
	v1 =	vor.u32 v4, v1;
	v4 =	vshll.u32 v5, $0x4;
	v5 =	vor.u32 v0, v6  }
0x12e: {  	v3 =	vand.u32 $0xF, v3;
	v6 =	vor.u32 v0, v8;
	v8 =	vld [tilespmem:s0+$0x0];
	v2 =	vor.u32 v5, v2  }
0x12f: {  	v11 =	vld [tilespmem:s0+$0xFFFFFFD0];
	v3 =	vor.u32 v6, v3  }
0x130: {  	s26 =	simm.s32 $0x70;
	v4 =	vor.u32 v0, v4;
	v5 =	vld [tilespmem:s0+$0xFFFFFFE0];
	v6 =	vand.u32 $0xF, v7  }
0x131: {  	s28 =	simm.s32 $0x50;
	s31 =	simm.s32 $0x40;
	v7 =	vld [tilespmem:s0+$0xFFFFFFF0];
	v4 =	vor.u32 v4, v6;
	v6 =	vmov s26  }
0x132: {  	v10 =	vmov s28;
	v9 =	vmov s31;
	s26 =	simm.s32 $0x60;
	v6 =	vshll.u32 v6, $0x4;
	v1 =	vld.idx.msk [tilespmem:v1+s19+$0x0], $0xffff  }
0x133: {  	v12 =	vmov s26;
	v6 =	vor.u32 v0, v6;
	v8 =	vand.u32 $0xF, v8;
	v13 =	vld.idx.msk [tilespmem:v2+s19+$0x0], $0xffff  }
0x134: {  	s0 =	simm.s32 $0x1430;
	v2 =	vshll.u32 v10, $0x4;
	v10 =	vshll.u32 v12, $0x4;
	v6 =	vor.u32 v6, v8;
	v62 =	vld.idx.msk [tilespmem:v3+s19+$0x0], $0xffff  }
0x135: {  	v3 =	vshll.u32 v9, $0x4;
	v5 =	vand.u32 $0xF, v5;
	v9 =	vld [tilespmem:s0+$0x0];
	v2 =	vor.u32 v0, v2  }
0x136: {  	v7 =	vand.u32 $0xF, v7;
	v8 =	vld.idx.msk [tilespmem:v4+s19+$0x0], $0xffff;
	v4 =	vor.u32 v0, v10;
	v5 =	vor.u32 v2, v5  }
0x137: {  	s29 =	simm.s32 $0xA0;
	v10 =	vld [tilespmem:s0+$0xFFFFFFE0];
	v2 =	vor.u32 v0, v3;
	v7 =	vor.u32 v4, v7;
	v3 =	vand.u32 $0xF, v11  }
0x138: {  	s30 =	simm.s32 $0xB0;
	v16 =	vmov s29;
	s31 =	simm.s32 $0x90;
	v14 =	vld [tilespmem:s0+$0xFFFFFFF0];
	v15 =	vor.u32 v2, v3  }
0x139: {  	v17 =	vmov s30;
	s28 =	simm.s32 $0xF0A0;
	v16 =	vshll.u32 v16, $0x4;
	s26 =	simm.s32 $0x80;
	v4 =	vld [tilespmem:s0+$0xFFFFFFD0];
	v3 =	vmov s31  }
0x13a: {  	v11 =	vmov s26;
	[tilespmem:s28+$0x10] =	vst v1;
	v1 =	vshll.u32 v3, $0x4;
	v3 =	vshll.u32 v17, $0x4;
	v2 =	vld.idx.msk [tilespmem:v6+s19+$0x0], $0xffff  }
0x13b: {  	v11 =	vshll.u32 v11, $0x4;
	[tilespmem:s28+$0xFFFFFFF0] =	vst v13;
	v6 =	vor.u32 v0, v3;
	v63 =	vand.u32 $0xF, v9;
	v3 =	vld.idx.msk [tilespmem:v5+s19+$0x0], $0xffff  }
0x13c: {  	[tilespmem:s28+$0xFFFFFFE0] =	vst v8;
	v8 =	vor.u32 v0, v1;
	v9 =	vand.u32 $0xF, v10;
	v6 =	vor.u32 v6, v63;
	v1 =	vld.idx.msk [tilespmem:v7+s19+$0x0], $0xffff  }
0x13d: {  	s29 =	simm.s32 $0x8;
	s30 =	simm.s32 $0x1470;
	[tilespmem:s28+$0x0] =	vst v62;
	v10 =	vor.u32 v0, v16;
	v7 =	vor.u32 v0, v11;
	v11 =	vand.u32 $0xF, v14;
	v5 =	vld.idx.msk [tilespmem:v15+s19+$0x0], $0xffff  }
.LBB2_16:
0x13e: {  	v12 =	vld [tilespmem:s30+$0x0];
	s29 =	sadd.s32 $0x4, s29;
	v8 =	vor.u32 v8, v9;
	v10 =	vor.u32 v10, v11;
	s28 =	sadd.s32 $0x40, s28  }
0x13f: {  	s26 =	sadd.s32 $0x40, s26;
	v9 =	vld [tilespmem:s30+$0xFFFFFFE0];
	p0 =	slt.u32 s29, $0x64;
	v4 =	vand.u32 $0xF, v4;
	[tilespmem:s28+$0x10] =	vst v2  }
0x140: {  	v11 =	vmov s26;
	s0 =	sadd.s32 $0x10, s26;
	s1 =	sadd.s32 $0x20, s26;
	s31 =	sadd.s32 $0x30, s26;
	v13 =	vld [tilespmem:s30+$0xFFFFFFF0];
	v14 =	vor.u32 v7, v4  }
.Ltmp7:
0x141: {  	v7 =	vmov s0;
	v15 =	vmov s1;
	v16 =	vmov s31;
	v2 =	vld.idx.msk [tilespmem:v6+s19+$0x0], $0xffff;
	(pc) =	sbr.rel @p0 .LBB2_16-.Ltmp7, $4  }
0x142: {  	v6 =	vshll.u32 v7, $0x4;
	v15 =	vshll.u32 v15, $0x4;
	v7 =	vshll.u32 v16, $0x4;
	v4 =	vld [tilespmem:s30+$0xFFFFFFD0];
	[tilespmem:s28+$0xFFFFFFF0] =	vst v3  }
0x143: {  	v11 =	vshll.u32 v11, $0x4;
	v7 =	vor.u32 v0, v7;
	v12 =	vand.u32 $0xF, v12;
	v3 =	vld.idx.msk [tilespmem:v8+s19+$0x0], $0xffff;
	[tilespmem:s28+$0xFFFFFFE0] =	vst v5  }
0x144: {  	v8 =	vor.u32 v0, v6;
	v9 =	vand.u32 $0xF, v9;
	v6 =	vor.u32 v7, v12;
	[tilespmem:s28+$0x0] =	vst v1;
	v1 =	vld.idx.msk [tilespmem:v10+s19+$0x0], $0xffff  }
0x145: {  	s30 =	sadd.s32 $0x40, s30;
	v7 =	vor.u32 v0, v11;
	v10 =	vor.u32 v0, v15;
	v11 =	vand.u32 $0xF, v13;
	v5 =	vld.idx.msk [tilespmem:v14+s19+$0x0], $0xffff  }
0x146: {  	v8 =	vor.u32 v8, v9  }
0x147: {  	v62 =	vor.u32 v10, v11;
	v4 =	vand.u32 $0xF, v4  }
0x148: {  	v4 =	vor.u32 v7, v4;
	_ =	sdelay $0x1  }
0x149: {  	s0 =	sadd.s32 $0x40, s28;
	v6 =	vld.idx.msk [tilespmem:v6+s19+$0x0], $0xffff  }
0x14a: {  	[tilespmem:s0+$0x10] =	vst v2;
	v2 =	vld.idx.msk [tilespmem:v8+s19+$0x0], $0xffff  }
0x14b: {  	[tilespmem:s0+$0xFFFFFFF0] =	vst v3;
	v63 =	vld.idx.msk [tilespmem:v62+s19+$0x0], $0xffff  }
0x14c: {  	[tilespmem:s0+$0x0] =	vst v1;
	v3 =	vld.idx.msk [tilespmem:v4+s19+$0x0], $0xffff  }
0x14d: {  	[tilespmem:s0+$0xFFFFFFE0] =	vst v5;
	s0 =	sadd.s32 $0x40, s0  }
0x14e: {  	[tilespmem:s0+$0x10] =	vst v6  }
0x14f: {  	[tilespmem:s0+$0xFFFFFFF0] =	vst v2  }
0x150: {  	[tilespmem:s0+$0x0] =	vst v63  }
0x151: {  	[tilespmem:s0+$0xFFFFFFE0] =	vst v3  }
0x152: {  	_ =	swait.ge [sflag:s21], $0x6800  }
0x153: {  	[sflag:s21] =	ssyncset.done $0x0  }
0x154: {  	[sflag:s21] =	ssyncadd.s32 $0xFFFF9800  }
0x155: {  	[hbm4b:s12+s2] =	stream.linear.scatter [tilespmem:s17], [sflag:$0x3], $0x6800, $0x38;
	[tilespmem:$0xF700] =	vst v63  }
0x156: {  	s25 =	sadd.s32 $0x1, s25;
	_ =	swait.ge [sflag:s15], $0x6800  }
0x157: {  	p0 =	sne.s32 s25, s14;
	[sflag:s15] =	ssyncset.done $0x0  }
.Ltmp8:
0x158: {  	[sflag:s15] =	ssyncadd.s32 $0xFFFF9800;
	(pc) =	sbr.rel @p0 .LBB2_1-.Ltmp8, $4  }
0x159: {  	[hbm4b:s13+s2] =	stream.linear.scatter [tilespmem:s22], [sflag:$0x3], $0x680, $0x38;
	[tilespmem:$0xF700] =	vst v63  }
0x15a: {  	_ =	swait.ge [sflag:s15], $0x680  }
0x15b: {  	[sflag:s15] =	ssyncset.done $0x0  }
0x15c: {  	[sflag:s15] =	ssyncadd.s32 $0xFFFFF980  }
0x15d: {  	_ =	sfence.sel $0x180000  }
0x15e: {  	[bflag:$0x0] =	sbarrier.arrive $0xFFFF  }
0x15f: {  	_ =	strace $0x9000004A  }
0x160: {  	s0 =	stileid.u32;
	[bflag:$0x2] =	sbarrier.arrive $0xFFFF  }
0x161: {  	p0 =	sne.s32 s0, $0x0;
	s0 =	rddreg [dreg:$0x1]  }
0x162: {  	s0 =	sadd.s32 @!p0 $0x100000, s0  }
0x163: {  	[sflag:s0] =	ssyncadd.tile.s32 @!p0 $0x1;
	_ =	shalt  }
.Lfunc_end2:
_tile_overlayer_lowered:
.L_overlay_start_2:
0x164: {  	(tag) =	ssettag $0x2  }
0x165: {  	s0 =	rddreg [dreg:$0x0];
	s2 =	stileid.u32  }
0x166: {  	s1 =	rddreg [dreg:$0x1];
	p0 =	sne.s32 s2, $0x0  }
0x167: {  	s3 =	rddreg [dreg:$0x2];
	[bflag:$0x3] =	sbarrier.arrive $0xFFFF;
	s2 =	simm.s32 @!p0 $0x1C03  }
0x168: {  	[timem:s3], [sflag:s2] =	dma.local @!p0 [hbm:s0], s1  }
0x169: {  	s0 =	simm.s32 @!p0 $0x3  }
0x16a: {  	_ =	swait.ge @!p0 [sflag:s0], s1  }
0x16b: {  	s1 =	ssub.s32 @!p0 $0x0, s1;
	[sflag:s0] =	ssyncset.done @!p0 $0x0  }
0x16c: {  	[sflag:s0] =	ssyncadd.s32 @!p0 s1  }
0x16d: {  	[bflag:$0x3] =	sbarrier.arrive $0xFFFF  }
0x16e: {  	_ =	shalt  }

// kernel: kernel.13.cloned.1.call-start
scs
__scs_entry_jumppad:
0x0: {  	(pc) =	sbr.rel $0x88, $3  }
0x1: {  	(tag) =	ssettag $0x0;
	lr =	simm.s32 $0x1  }
0x2: {  	[smem:$0x3F9C] =	sst lr;
	_ =	strace $0xD0000000  }
0x3: {  	_ = 	snop  }
0x4: {  	_ = 	snop  }
0x5: {  	_ = 	snop  }
0x6: {  	_ = 	snop  }
0x7: {  	_ = 	snop  }
__scs_overlays_trampoline_lowered:
0x8: {  	[smem:$0x3FAB] =	sst s0  }
0x9: {  	[smem:$0x3FAC] =	sst s1  }
0xa: {  	[smem:$0x3FAD] =	sst s2  }
0xb: {  	[smem:$0x3FAE] =	sst s3  }
0xc: {  	[smem:$0x3FAF] =	sst s4  }
0xd: {  	[smem:$0x3FB0] =	sst s5  }
0xe: {  	[smem:$0x3FB1] =	sst s6  }
0xf: {  	[smem:$0x3FB2] =	sst s7  }
0x10: {  	[smem:$0x3FB3] =	sst s8  }
0x11: {  	[smem:$0x3FB4] =	sst s9;
	s0 =	simm.s32 @!p0 $0x0  }
0x12: {  	s1 =	sld [smem:$0x3F9A];
	s0 =	simm.s32 @p0 $0x1  }
0x13: {  	[smem:$0x3FB5] =	sst s0;
	s0 =	simm.s32 @!p1 $0x0  }
0x14: {  	s2 =	sld [smem:$0x3F99];
	s0 =	simm.s32 @p1 $0x1  }
0x15: {  	[smem:$0x3FB6] =	sst s0;
	s0 =	simm.s32 @!p2 $0x0  }
0x16: {  	s3 =	sld [smem:$0x3FDB];
	s0 =	simm.s32 @p2 $0x1  }
0x17: {  	s4 =	simm.s32 $0x1BF5;
	[smem:$0x3FB8] =	sst s0  }
0x18: {  	s0 =	sld [smem:$0x3F9B];
	_ =	swait.ge [sflag:s4], $0x0  }
0x19: {  	s7 =	sld [smem:$0x3F9C]  }
0x1a: {  	s8 =	sadd.s32 $0xFFFFE003, lr  }
0x1b: {  	s9 =	sadd.s32 $0xFFFFFEF7, lr;
	s5 =	simm.s32 $0xFFFFFFFF;
	p2 =	slt.u32 s8, $0xFFFFF086  }
0x1c: {  	p1 =	slt.u32 s9, $0xF7A;
	s5 =	simm.s32 @!p2 $0x0  }
0x1d: {  	s5 =	simm.s32 @p1 $0x1;
	p0 =	seq.s32 s7, s2  }
0x1e: {  	s7 =	smul.u32 @!p0 $0xF7A, s2;
	p2 =	seq.s32 @!p0 s5, $0x0  }
0x1f: {  	s9 =	smul.u32 $0xF7A, s1;
	s8 =	simm.s32 @!p0 $0x1BF5;
	p2 =	por !p2, p0  }
0x20: {  	[sflag:s8] =	ssyncset.s32 @!p0 $0xFFFFF086;
	s6 =	sadd.s32 @!p0 s3, s7;
	s7 =	simm.s32 @!p0 $0x108  }
0x21: {  	s3 =	sadd.s32 s3, s9;
	s6 =	sadd.s32 @!p0 $0x88, s6;
	s7 =	simm.s32 @p2 $0x1082  }
0x22: {  	[simem:s7], [sflag:s8] =	dma.local @!p0 [hbm:s6], $0xF7A  }
0x23: {  	s9 =	sor.u32 $0xD0000000, s2;
	s6 =	simm.s32 $0x108;
	_ =	swait.ge @!p0 [sflag:s8], $0x0  }
0x24: {  	s3 =	sadd.s32 $0x88, s3;
	s6 =	simm.s32 @!p1 $0x1082;
	[sflag:s4] =	ssyncset.s32 $0xFFFFF086  }
0x25: {  	[simem:s6], [sflag:s4] =	dma.local [hbm:s3], $0xF7A  }
0x26: {  	[smem:$0x3F9C] =	sst s1;
	(tag) =	ssettag s2;
	_ =	strace s9  }
0x27: {  	s1 =	sld [smem:$0x3FAC]  }
0x28: {  	s2 =	sld [smem:$0x3FAD]  }
0x29: {  	s4 =	sld [smem:$0x3FAF]  }
0x2a: {  	p0 =	seq.s32 s5, $0x0;
	s5 =	sld [smem:$0x3FB0]  }
0x2b: {  	s6 =	sld [smem:$0x3FB1]  }
0x2c: {  	s7 =	sld [smem:$0x3FB2]  }
0x2d: {  	s3 =	simm.s32 $0x108;
	s8 =	sld [smem:$0x3FB3]  }
0x2e: {  	s3 =	simm.s32 @!p0 $0x1082;
	s9 =	sld [smem:$0x3FB4]  }
0x2f: {  	lr =	sadd.s32 s0, s3;
	s0 =	sld [smem:$0x3FAB]  }
0x30: {  	s3 =	sld [smem:$0x3FAE]  }
0x31: {  	[smem:$0x3FB7] =	sst s10  }
0x32: {  	s10 =	sld [smem:$0x3FB5];
	_ =	sdelay $0x3  }
0x33: {  	p0 =	seq.s32 s10, $0x1;
	s10 =	sld [smem:$0x3FB7];
	_ =	sdelay $0x3  }
0x34: {  	[smem:$0x3FB7] =	sst s10  }
0x35: {  	s10 =	sld [smem:$0x3FB6];
	_ =	sdelay $0x3  }
0x36: {  	p1 =	seq.s32 s10, $0x1;
	s10 =	sld [smem:$0x3FB7];
	_ =	sdelay $0x3  }
0x37: {  	[smem:$0x3FB7] =	sst s10  }
0x38: {  	s10 =	sld [smem:$0x3FB8]  }
0x39: {  	_ = 	snop;
	(pc) =	sbr.ind lr, $3  }
0x3a: {  	_ = 	snop  }
0x3b: {  	_ = 	snop  }
0x3c: {  	p2 =	seq.s32 s10, $0x1;
	s10 =	sld [smem:$0x3FB7]  }
0x3d: {  	_ =	shalt  }
0x3e: {  	_ =	shalt  }
0x3f: {  	_ =	shalt  }
0x40: {  	_ =	shalt  }
0x41: {  	_ =	shalt  }
0x42: {  	_ =	shalt  }
0x43: {  	_ =	shalt  }
0x44: {  	_ =	shalt  }
0x45: {  	_ =	shalt  }
0x46: {  	_ =	shalt  }
0x47: {  	_ =	shalt  }
0x48: {  	_ =	shalt  }
0x49: {  	_ =	shalt  }
0x4a: {  	_ =	shalt  }
0x4b: {  	_ =	shalt  }
0x4c: {  	_ =	shalt  }
0x4d: {  	_ =	shalt  }
0x4e: {  	_ =	shalt  }
0x4f: {  	_ =	shalt  }
0x50: {  	_ =	shalt  }
0x51: {  	_ =	shalt  }
0x52: {  	_ =	shalt  }
0x53: {  	_ =	shalt  }
0x54: {  	_ =	shalt  }
0x55: {  	_ =	shalt  }
0x56: {  	_ =	shalt  }
0x57: {  	_ =	shalt  }
0x58: {  	_ =	shalt  }
0x59: {  	_ =	shalt  }
0x5a: {  	_ =	shalt  }
0x5b: {  	_ =	shalt  }
0x5c: {  	_ =	shalt  }
0x5d: {  	_ =	shalt  }
0x5e: {  	_ =	shalt  }
0x5f: {  	_ =	shalt  }
0x60: {  	_ =	shalt  }
0x61: {  	_ =	shalt  }
0x62: {  	_ =	shalt  }
0x63: {  	_ =	shalt  }
0x64: {  	_ =	shalt  }
0x65: {  	_ =	shalt  }
0x66: {  	_ =	shalt  }
0x67: {  	_ =	shalt  }
0x68: {  	_ =	shalt  }
0x69: {  	_ =	shalt  }
0x6a: {  	_ =	shalt  }
0x6b: {  	_ =	shalt  }
0x6c: {  	_ =	shalt  }
0x6d: {  	_ =	shalt  }
0x6e: {  	_ =	shalt  }
0x6f: {  	_ =	shalt  }
0x70: {  	_ =	shalt  }
0x71: {  	_ =	shalt  }
0x72: {  	_ =	shalt  }
0x73: {  	_ =	shalt  }
0x74: {  	_ =	shalt  }
0x75: {  	_ =	shalt  }
0x76: {  	_ =	shalt  }
0x77: {  	_ =	shalt  }
0x78: {  	_ =	shalt  }
0x79: {  	_ =	shalt  }
0x7a: {  	_ =	shalt  }
0x7b: {  	_ =	shalt  }
0x7c: {  	_ =	shalt  }
0x7d: {  	_ =	shalt  }
0x7e: {  	_ =	shalt  }
0x7f: {  	_ =	shalt  }
0x80: {  	_ =	shalt  }
0x81: {  	_ =	shalt  }
0x82: {  	_ =	shalt  }
0x83: {  	_ =	shalt  }
0x84: {  	_ =	shalt  }
0x85: {  	_ =	shalt  }
0x86: {  	_ =	shalt  }
0x87: {  	_ =	shalt  }
.Lfunc_end0:
.L_simem_size_0:
called_computation.2_lowered:
.L_overlay_start_0:
0x88: {  	s2 =	sld [smem:$0x3FD9]  }
0x89: {  	s3 =	sld [smem:$0x3FFE];
	_ =	sdelay $0x1  }
0x8a: {  	s1 =	srdreg.scid  }
0x8b: {  	s0 =	sand.u32 $0x1, s1  }
0x8c: {  	s17 =	sshll.u32 s0, $0xA;
	s2 =	sadd.s32 s3, s2  }
0x8d: {  	s2 =	sadd.s32 s2, s17  }
0x8e: {  	[smem:$0x3FC3] =	sst s2  }
0x8f: {  	_ = 	snop  }
0x90: {  	(tm) =	ssettm $0x1  }
0x91: {  	s18 =	sld [smem:$0x3FFB];
	_ =	sdelay $0x3  }
0x92: {  	_ =	strace s18  }
0x93: {  	s2 =	sld [smem:$0x3FFC];
	_ =	sdelay $0x3  }
0x94: {  	_ =	strace s2  }
0x95: {  	s2 =	sld [smem:$0x3FFD];
	_ =	sdelay $0x3  }
0x96: {  	_ =	strace s2  }
0x97: {  	_ =	strace $0x8FFFFFFF  }
0x98: {  	s19 =	sld [smem:$0x3FDB];
	_ =	sdelay $0x1  }
0x99: {  	s20 =	simm.s32 $_scs_section_size  }
0x9a: {  	s4 =	simm.s32 $_size__tile_overlayer_lowered;
	s5 =	simm.s32 $_tile_overlayer_lowered  }
0x9b: {  	s6 =	simm.s32 $0x1BFF;
	s21 =	sshll.u32 s5, $0x1;
	s3 =	sadd.s32 s20, s19  }
0x9c: {  	s22 =	simm.s32 $0x0;
	s4 =	sshll.u32 s4, $0x1;
	s5 =	sadd.s32 s21, s3  }
0x9d: {  	[timem:s22], [sflag:s6] =	dma.local [hbm:s5], s4  }
0x9e: {  	_ =	swait.ge [sflag:s6], s4  }
0x9f: {  	s4 =	ssub.s32 $0x0, s4;
	[sflag:s6] =	ssyncset.done $0x0  }
0xa0: {  	[sflag:s6] =	ssyncadd.s32 s4;
	_ =	sdelay $0x1  }
0xa1: {  	s23 =	simm.s32 $0x1B8B  }
0xa2: {  	_ =	swait.ge [sflag:s23], $0x1  }
0xa3: {  	[sflag:s23] =	ssyncset.done $0x0  }
0xa4: {  	[sflag:s23] =	ssyncadd.s32 $0xFFFFFFFF  }
0xa5: {  	s4 =	sld [smem:$0x0]  }
0xa6: {  	s5 =	sand.u32 $0xFFFFFFFE, s1  }
0xa7: {  	p0 =	sne.s32 s1, s5  }
0xa8: {  	s5 =	sshll.u32 @p0 s5, $0xE  }
0xa9: {  	s5 =	sadd.s32 @p0 $0x11B8D, s5;
	s6 =	sshll.u32 @p0 s4, $0x11  }
0xaa: {  	s5 =	sor.u32 @p0 s6, s5  }
0xab: {  	[sflag:s5] =	ssyncadd.remote.s32 @p0 $0x1;
	_ =	sdelay $0x1  }
0xac: {  	s5 =	simm.s32 @p0 $0x1B8D  }
0xad: {  	_ =	swait.eq @p0 [sflag:s5], $0x1  }
0xae: {  	[sflag:s5] =	ssyncadd.s32 @p0 $0xFFFFFFFF  }
0xaf: {  	s6 =	sshll.u32 @!p0 s1, $0xE  }
0xb0: {  	s6 =	sor.u32 @!p0 $0x4000, s6;
	s5 =	simm.s32 @!p0 $0x1B8D  }
0xb1: {  	s4 =	sshll.u32 @!p0 s4, $0x11;
	s6 =	sadd.s32 @!p0 $0x11B8D, s6;
	_ =	swait.eq @!p0 [sflag:s5], $0x1  }
0xb2: {  	s4 =	sor.u32 @!p0 s4, s6;
	[sflag:s5] =	ssyncadd.s32 @!p0 $0xFFFFFFFF  }
0xb3: {  	s25 =	simm.s32 $0x1B8E;
	s24 =	sld [smem:$0x3FFE];
	[sflag:s4] =	ssyncadd.remote.s32 @!p0 $0x1  }
0xb4: {  	s26 =	simm.s32 $execute0_lowered;
	[smem:$0x3FD2] =	sst s25  }
0xb5: {  	s5 =	sshll.u32 s26, $0x1;
	_ =	strace $0x8000004C;
	[dreg:$0x1] =	wrdreg $0xFFFFFFFF  }
0xb6: {  	s28 =	simm.s32 $_size_execute0_lowered;
	s3 =	sadd.s32 s3, s5;
	[dreg:$0x0] =	wrdreg $0x0  }
0xb7: {  	s5 =	sshll.u32 s28, $0x1;
	[dreg:$0x2] =	wrdreg s3  }
0xb8: {  	[dreg:$0x3] =	wrdreg s5  }
0xb9: {  	[dreg:$0x4] =	wrdreg $0xC0  }
0xba: {  	_ =	task [dreg:s22], $0x5FFFF  }
0xbb: {  	[dreg:$0x1] =	wrdreg $0xFFFFFFFF  }
0xbc: {  	[dreg:$0x0] =	wrdreg $0x60  }
0xbd: {  	[dreg:$0x2] =	wrdreg s24  }
0xbe: {  	[dreg:$0x3] =	wrdreg $0xA  }
0xbf: {  	_ =	task.clear_ibuf [dreg:s22], $0x4FFFF;
	_ =	strace $0x9000004C  }
0xc0: {  	s29 =	simm.s32 $0xA;
	_ =	strace $0x8000004E  }
0xc1: {  	_ =	swait.ge [sflag:s29], $0x1  }
0xc2: {  	[sflag:s29] =	ssyncadd.s32 $0xFFFFFFFF  }
0xc3: {  	_ =	strace $0x9000004E  }
0xc4: {  	_ =	sfence  }
0xc5: {  	s30 =	sld [smem:$0x0];
	_ =	sdelay $0x2  }
0xc6: {  	s31 =	sshll.u32 s1, $0xD;
	s1 =	sshrl.u32 s1, $0x2  }
0xc7: {  	s4 =	sand.u32 $0x4000, s31;
	s1 =	sadd.s32 s1, s30  }
0xc8: {  	s0 =	sor.u32 s4, s0;
	s1 =	sshll.u32 s1, $0x11  }
0xc9: {  	s0 =	sor.u32 s1, s0  }
0xca: {  	s0 =	sadd.s32 $0x8F2B, s0  }
0xcb: {  	[sflag:s0] =	ssyncadd.remote.s32 $0x1  }
0xcc: {  	_ =	sfence.sel $0xFFFF  }
0xcd: {  	[dreg:$0x0] =	wrdreg $0xFFFFFFFF;
	(pc) =	sbr.abs _section_cstart, $3  }
0xce: {  	[dreg:$0x1] =	wrdreg $0xFFFFFFFF  }
0xcf: {  	_ =	task.clear_ibuf [dreg:s22], $0x2FFFF;
	_ =	strace $0x9FFFFFFF  }
0xd0: {  	(tm) =	ssettm $0x7FFFFFFF  }
0xd1: {  	_ =	shalt  }
tec
execute0_lowered:
.L_overlay_start_1:
0x0: {  	(tag) =	ssettag $0x1  }
0x1: {  	s1 =	srdreg.scid;
	s0 =	stileid.u32  }
0x2: {  	s5 =	rddreg [dreg:$0x0];
	s2 =	simm.s32 $0x0;
	s18 =	simm.s32 $0xEA00  }
0x3: {  	s19 =	simm.s32 $0x8200;
	s20 =	simm.s32 $0x2;
	s21 =	simm.s32 $0x1  }
0x4: {  	s22 =	simm.s32 $0xF080;
	s23 =	simm.s32 $0xD00;
	s24 =	simm.s32 $0x1380  }
0x5: {  	s25 =	simm.s32 $0x0;
	s6 =	sand.u32 $0x1, s1;
	s3 =	sshll.u32 s0, $0x1  }
0x6: {  	[smem:$0x7FF] =	sst s2;
	s4 =	sadd.s32 $0x1F0E00, s5;
	s7 =	sor.u32 s6, s3  }
0x7: {  	s12 =	sadd.s32 $0x284800, s5;
	s6 =	ssub.s32 $0x2, s6;
	s11 =	smul.u32 $0x1A00, s7  }
0x8: {  	s13 =	sadd.s32 $0x2EC800, s5;
	s10 =	sshrl.u32 s6, $0x1;
	s7 =	smul.u32 $0x3400, s7  }
0x9: {  	_ =	strace $0x8000004D;
	s3 =	sadd.s32 $0x2000, s5;
	s14 =	ssub.s32 s6, s10  }
0xa: {  	s8 =	sshrl.u32 s11, $0x3;
	s6 =	sadd.s32 s12, s7;
	s29 =	sadd.s32 $0x680, s11  }
0xb: {  	s15 =	sadd.s32 $0xD00, s11;
	s11 =	sadd.s32 $0x1380, s11;
	s14 =	smax.u32 s14, $0x1  }
0xc: {  	s9 =	sadd.s32 s8, s5;
	s7 =	sadd.s32 s13, s8;
	s30 =	sshll.u32 s29, $0x1  }
0xd: {  	s31 =	sshll.u32 s15, $0x1;
	s15 =	sshrl.u32 s15, $0x3;
	s16 =	sshll.u32 s11, $0x1  }
0xe: {  	s17 =	sshrl.u32 s11, $0x3;
	s5 =	sadd.s32 $0x27E000, s9;
	s8 =	sadd.s32 s12, s30  }
0xf: {  	s9 =	sshrl.u32 s29, $0x3;
	s10 =	sadd.s32 s12, s31;
	s11 =	sadd.s32 s13, s15  }
0x10: {  	v0 =	vlaneseq.u32;
	s12 =	sadd.s32 s12, s16;
	s15 =	simm.s32 $0x3;
	s16 =	simm.s32 $0x680  }
0x11: {  	v0 =	vmul.u32 $0x10, v0;
	s9 =	sadd.s32 s13, s9;
	s13 =	sadd.s32 s13, s17;
	s17 =	simm.s32 $0x1A00  }
.LBB2_1:
0x12: {  	[tilespmem:s2], [sflag:$0x3] =	stream.linear.gather [hbm4b:s5+s2], $0x1A00, $0x38;
	[tilespmem:$0xF700] =	vst v63  }
0x13: {  	_ =	swait.ge [sflag:s15], $0x1A00  }
0x14: {  	[sflag:s15] =	ssyncset.done $0x0  }
0x15: {  	s26 =	simm.s32 $0x20;
	[sflag:s15] =	ssyncadd.s32 $0xFFFFE600  }
0x16: {  	[tilespmem:s17], [sflag:$0x1] =	stream.indirect.gather [hbm4b:s3+s16], $0x10, s2, s16, $0xb8;
	[tilespmem:$0xF700] =	vst v63  }
0x17: {  	v1 =	vld [tilespmem:s26+$0xFFFFFFE0]  }
0x18: {  	v3 =	vld [tilespmem:s26+$0x0]  }
0x19: {  	v2 =	vld [tilespmem:s26+$0x10]  }
0x1a: {  	v4 =	vld [tilespmem:s26+$0xFFFFFFF0];
	_ =	sdelay $0x1  }
0x1b: {  	s28 =	simm.s32 $0x60;
	s26 =	simm.s32 $0xEA20;
	v5 =	vshrl.u32 v1, $0x4  }
0x1c: {  	v1 =	vld [tilespmem:s28+$0xFFFFFFE0];
	v6 =	vshrl.u32 v3, $0x4;
	[tilespmem:s26+$0xFFFFFFE0] =	vst v5  }
0x1d: {  	v3 =	vld [tilespmem:s28+$0x0];
	v5 =	vshrl.u32 v2, $0x4;
	[tilespmem:s26+$0x0] =	vst v6  }
0x1e: {  	s29 =	simm.s32 $0x4;
	v4 =	vshrl.u32 v4, $0x4;
	v2 =	vld [tilespmem:s28+$0x10];
	[tilespmem:s26+$0x10] =	vst v5  }
.LBB2_2:
0x1f: {  	s29 =	sadd.s32 $0x4, s29  }
0x20: {  	v5 =	vld [tilespmem:s28+$0xFFFFFFF0];
	[tilespmem:s26+$0xFFFFFFF0] =	vst v4;
	s26 =	sadd.s32 $0x40, s26;
	p0 =	slt.u32 s29, $0x64  }
.Ltmp0:
0x21: {  	(pc) =	sbr.rel @p0 .LBB2_2-.Ltmp0, $4  }
0x22: {  	s28 =	sadd.s32 $0x40, s28;
	v4 =	vshrl.u32 v1, $0x4  }
0x23: {  	v1 =	vld [tilespmem:s28+$0xFFFFFFE0];
	[tilespmem:s26+$0xFFFFFFE0] =	vst v4;
	v4 =	vshrl.u32 v2, $0x4  }
0x24: {  	v2 =	vld [tilespmem:s28+$0x10];
	v6 =	vshrl.u32 v3, $0x4;
	[tilespmem:s26+$0x10] =	vst v4  }
0x25: {  	v3 =	vld [tilespmem:s28+$0x0];
	v4 =	vshrl.u32 v5, $0x4;
	[tilespmem:s26+$0x0] =	vst v6  }
0x26: {  	v5 =	vld [tilespmem:s28+$0xFFFFFFF0];
	_ =	sdelay $0x1  }
0x27: {  	[tilespmem:s26+$0xFFFFFFF0] =	vst v4;
	s0 =	sadd.s32 $0x40, s26;
	v1 =	vshrl.u32 v1, $0x4  }
0x28: {  	[tilespmem:s0+$0xFFFFFFE0] =	vst v1;
	v1 =	vshrl.u32 v2, $0x4  }
0x29: {  	v2 =	vshrl.u32 v3, $0x4;
	[tilespmem:s0+$0x10] =	vst v1  }
0x2a: {  	v1 =	vshrl.u32 v5, $0x4;
	[tilespmem:s0+$0x0] =	vst v2  }
0x2b: {  	[tilespmem:s0+$0xFFFFFFF0] =	vst v1  }
0x2c: {  	[tilespmem:s19], [sflag:$0x2] =	stream.indirect.gather [hbm4b:s4+s16], $0x10, s18, s16, $0xb8;
	[tilespmem:$0xF700] =	vst v63  }
0x2d: {  	_ =	swait.ge [sflag:s20], $0x6800  }
0x2e: {  	[sflag:s20] =	ssyncset.done $0x0  }
0x2f: {  	s1 =	simm.s32 $0x20;
	[sflag:s20] =	ssyncadd.s32 $0xFFFF9800  }
0x30: {  	v1 =	vld [tilespmem:s1+$0x10]  }
0x31: {  	v2 =	vld [tilespmem:s1+$0xFFFFFFF0]  }
0x32: {  	s28 =	simm.s32 $0x30  }
0x33: {  	s30 =	simm.s32 $0x10;
	v4 =	vmov s28;
	s28 =	simm.s32 $0x20;
	v3 =	vld [tilespmem:s1+$0x0]  }
0x34: {  	v6 =	vmov s30;
	v4 =	vshll.u32 v4, $0x4;
	v8 =	vmov s28  }
0x35: {  	s29 =	simm.s32 $0x0;
	v6 =	vshll.u32 v6, $0x4;
	v4 =	vor.u32 v0, v4;
	v8 =	vshll.u32 v8, $0x4;
	v7 =	vld [tilespmem:s1+$0xFFFFFFE0]  }
0x36: {  	v5 =	vmov s29;
	v1 =	vand.u32 $0xF, v1;
	v2 =	vand.u32 $0xF, v2  }
0x37: {  	s31 =	simm.s32 $0x60;
	v1 =	vor.u32 v4, v1;
	v4 =	vshll.u32 v5, $0x4;
	v5 =	vor.u32 v0, v6  }
0x38: {  	v3 =	vand.u32 $0xF, v3;
	v6 =	vor.u32 v0, v8;
	v8 =	vld [tilespmem:s31+$0x10];
	v2 =	vor.u32 v5, v2  }
0x39: {  	v11 =	vld [tilespmem:s31+$0xFFFFFFE0];
	v3 =	vor.u32 v6, v3  }
0x3a: {  	s28 =	simm.s32 $0x70;
	v4 =	vor.u32 v0, v4;
	v5 =	vld [tilespmem:s31+$0xFFFFFFF0];
	v6 =	vand.u32 $0xF, v7  }
0x3b: {  	s30 =	simm.s32 $0x50;
	s29 =	simm.s32 $0x40;
	v7 =	vld [tilespmem:s31+$0x0];
	v4 =	vor.u32 v4, v6;
	v6 =	vmov s28  }
0x3c: {  	v10 =	vmov s30;
	v9 =	vmov s29;
	s28 =	simm.s32 $0x60;
	v6 =	vshll.u32 v6, $0x4;
	v1 =	vld.idx.msk [tilespmem:v1+s19+$0x0], $0xffff  }
0x3d: {  	v12 =	vmov s28;
	v6 =	vor.u32 v0, v6;
	v8 =	vand.u32 $0xF, v8;
	v13 =	vld.idx.msk [tilespmem:v2+s19+$0x0], $0xffff  }
0x3e: {  	s29 =	simm.s32 $0xA0;
	v2 =	vshll.u32 v10, $0x4;
	v10 =	vshll.u32 v12, $0x4;
	v6 =	vor.u32 v6, v8;
	v62 =	vld.idx.msk [tilespmem:v3+s19+$0x0], $0xffff  }
0x3f: {  	v3 =	vshll.u32 v9, $0x4;
	v5 =	vand.u32 $0xF, v5;
	v9 =	vld [tilespmem:s29+$0x10];
	v2 =	vor.u32 v0, v2  }
0x40: {  	v7 =	vand.u32 $0xF, v7;
	v8 =	vld.idx.msk [tilespmem:v4+s19+$0x0], $0xffff;
	v4 =	vor.u32 v0, v10;
	v5 =	vor.u32 v2, v5  }
0x41: {  	s31 =	simm.s32 $0xA0;
	v10 =	vld [tilespmem:s29+$0xFFFFFFF0];
	v2 =	vor.u32 v0, v3;
	v7 =	vor.u32 v4, v7;
	v3 =	vand.u32 $0xF, v11  }
0x42: {  	s30 =	simm.s32 $0x90;
	v14 =	vld [tilespmem:s29+$0x0];
	s1 =	simm.s32 $0xB0;
	v16 =	vmov s31;
	v15 =	vor.u32 v2, v3  }
0x43: {  	s26 =	simm.s32 $0x80;
	v17 =	vmov s1;
	s28 =	simm.s32 $0xF0A0;
	v16 =	vshll.u32 v16, $0x4;
	v4 =	vld [tilespmem:s29+$0xFFFFFFE0];
	v3 =	vmov s30  }
0x44: {  	v11 =	vmov s26;
	[tilespmem:s28+$0x10] =	vst v1;
	v1 =	vshll.u32 v3, $0x4;
	v3 =	vshll.u32 v17, $0x4;
	v2 =	vld.idx.msk [tilespmem:v6+s19+$0x0], $0xffff  }
0x45: {  	v11 =	vshll.u32 v11, $0x4;
	[tilespmem:s28+$0xFFFFFFF0] =	vst v13;
	v6 =	vor.u32 v0, v3;
	v63 =	vand.u32 $0xF, v9;
	v3 =	vld.idx.msk [tilespmem:v5+s19+$0x0], $0xffff  }
0x46: {  	[tilespmem:s28+$0xFFFFFFE0] =	vst v8;
	v8 =	vor.u32 v0, v1;
	v9 =	vand.u32 $0xF, v10;
	v6 =	vor.u32 v6, v63;
	v1 =	vld.idx.msk [tilespmem:v7+s19+$0x0], $0xffff  }
0x47: {  	s29 =	simm.s32 $0x8;
	s30 =	simm.s32 $0xE0;
	[tilespmem:s28+$0x0] =	vst v62;
	v10 =	vor.u32 v0, v16;
	v7 =	vor.u32 v0, v11;
	v11 =	vand.u32 $0xF, v14;
	v5 =	vld.idx.msk [tilespmem:v15+s19+$0x0], $0xffff  }
.LBB2_4:
0x48: {  	v12 =	vld [tilespmem:s30+$0x10];
	s29 =	sadd.s32 $0x4, s29;
	v8 =	vor.u32 v8, v9;
	v10 =	vor.u32 v10, v11;
	s28 =	sadd.s32 $0x40, s28  }
0x49: {  	s26 =	sadd.s32 $0x40, s26;
	v9 =	vld [tilespmem:s30+$0xFFFFFFF0];
	p0 =	slt.u32 s29, $0x64;
	v4 =	vand.u32 $0xF, v4;
	[tilespmem:s28+$0x10] =	vst v2  }
0x4a: {  	v11 =	vmov s26;
	s1 =	sadd.s32 $0x10, s26;
	s31 =	sadd.s32 $0x20, s26;
	s0 =	sadd.s32 $0x30, s26;
	v13 =	vld [tilespmem:s30+$0x0];
	v14 =	vor.u32 v7, v4  }
.Ltmp1:
0x4b: {  	v7 =	vmov s1;
	v15 =	vmov s31;
	v16 =	vmov s0;
	v2 =	vld.idx.msk [tilespmem:v6+s19+$0x0], $0xffff;
	(pc) =	sbr.rel @p0 .LBB2_4-.Ltmp1, $4  }
0x4c: {  	v6 =	vshll.u32 v7, $0x4;
	v15 =	vshll.u32 v15, $0x4;
	v7 =	vshll.u32 v16, $0x4;
	v4 =	vld [tilespmem:s30+$0xFFFFFFE0];
	[tilespmem:s28+$0xFFFFFFF0] =	vst v3  }
0x4d: {  	v11 =	vshll.u32 v11, $0x4;
	v7 =	vor.u32 v0, v7;
	v12 =	vand.u32 $0xF, v12;
	v3 =	vld.idx.msk [tilespmem:v8+s19+$0x0], $0xffff;
	[tilespmem:s28+$0xFFFFFFE0] =	vst v5  }
0x4e: {  	v8 =	vor.u32 v0, v6;
	v9 =	vand.u32 $0xF, v9;
	v6 =	vor.u32 v7, v12;
	[tilespmem:s28+$0x0] =	vst v1;
	v1 =	vld.idx.msk [tilespmem:v10+s19+$0x0], $0xffff  }
0x4f: {  	s30 =	sadd.s32 $0x40, s30;
	v7 =	vor.u32 v0, v11;
	v10 =	vor.u32 v0, v15;
	v11 =	vand.u32 $0xF, v13;
	v5 =	vld.idx.msk [tilespmem:v14+s19+$0x0], $0xffff  }
0x50: {  	_ = 	snop  }
0x51: {  	v8 =	vor.u32 v8, v9;
	v4 =	vand.u32 $0xF, v4  }
0x52: {  	v4 =	vor.u32 v7, v4  }
0x53: {  	v7 =	vor.u32 v10, v11;
	_ =	sdelay $0x1  }
0x54: {  	s0 =	sadd.s32 $0x40, s28;
	v6 =	vld.idx.msk [tilespmem:v6+s19+$0x0], $0xffff  }
0x55: {  	[tilespmem:s0+$0x10] =	vst v2;
	v2 =	vld.idx.msk [tilespmem:v8+s19+$0x0], $0xffff  }
0x56: {  	[tilespmem:s0+$0xFFFFFFF0] =	vst v3;
	v3 =	vld.idx.msk [tilespmem:v4+s19+$0x0], $0xffff  }
0x57: {  	[tilespmem:s0+$0x0] =	vst v1;
	v4 =	vld.idx.msk [tilespmem:v7+s19+$0x0], $0xffff  }
0x58: {  	[tilespmem:s0+$0xFFFFFFE0] =	vst v5;
	s0 =	sadd.s32 $0x40, s0  }
0x59: {  	[tilespmem:s0+$0x10] =	vst v6  }
0x5a: {  	[tilespmem:s0+$0xFFFFFFF0] =	vst v2  }
0x5b: {  	[tilespmem:s0+$0xFFFFFFE0] =	vst v3  }
0x5c: {  	[tilespmem:s0+$0x0] =	vst v4  }
0x5d: {  	_ =	swait.ge [sflag:s21], $0x6800  }
0x5e: {  	[sflag:s21] =	ssyncset.done $0x0  }
0x5f: {  	[sflag:s21] =	ssyncadd.s32 $0xFFFF9800  }
0x60: {  	[hbm4b:s6+s2] =	stream.linear.scatter [tilespmem:s17], [sflag:$0x3], $0x6800, $0x38;
	[tilespmem:$0xF700] =	vst v63  }
0x61: {  	_ =	swait.ge [sflag:s15], $0x6800  }
0x62: {  	[sflag:s15] =	ssyncset.done $0x0  }
0x63: {  	[sflag:s15] =	ssyncadd.s32 $0xFFFF9800  }
0x64: {  	[hbm4b:s7+s2] =	stream.linear.scatter [tilespmem:s22], [sflag:$0x3], $0x680, $0x38;
	[tilespmem:$0xF700] =	vst v63  }
0x65: {  	_ =	swait.ge [sflag:s15], $0x680  }
0x66: {  	[sflag:s15] =	ssyncset.done $0x0  }
0x67: {  	s31 =	simm.s32 $0x6B0;
	[sflag:s15] =	ssyncadd.s32 $0xFFFFF980  }
0x68: {  	[tilespmem:s17], [sflag:$0x1] =	stream.indirect.gather [hbm4b:s3+s16], $0x10, s16, s16, $0xb8;
	[tilespmem:$0xF700] =	vst v63  }
0x69: {  	v1 =	vld [tilespmem:s31+$0xFFFFFFD0]  }
0x6a: {  	v3 =	vld [tilespmem:s31+$0xFFFFFFF0]  }
0x6b: {  	v2 =	vld [tilespmem:s31+$0x0]  }
0x6c: {  	v4 =	vld [tilespmem:s31+$0xFFFFFFE0];
	_ =	sdelay $0x1  }
0x6d: {  	s26 =	simm.s32 $0xEA20;
	s28 =	simm.s32 $0x6F0;
	v5 =	vshrl.u32 v1, $0x4  }
0x6e: {  	v1 =	vld [tilespmem:s28+$0xFFFFFFD0];
	v6 =	vshrl.u32 v3, $0x4;
	[tilespmem:s26+$0xFFFFFFE0] =	vst v5  }
0x6f: {  	v3 =	vld [tilespmem:s28+$0xFFFFFFF0];
	v5 =	vshrl.u32 v2, $0x4;
	[tilespmem:s26+$0x0] =	vst v6  }
0x70: {  	s29 =	simm.s32 $0x4;
	v4 =	vshrl.u32 v4, $0x4;
	v2 =	vld [tilespmem:s28+$0x0];
	[tilespmem:s26+$0x10] =	vst v5  }
.LBB2_6:
0x71: {  	s29 =	sadd.s32 $0x4, s29  }
0x72: {  	v5 =	vld [tilespmem:s28+$0xFFFFFFE0];
	[tilespmem:s26+$0xFFFFFFF0] =	vst v4;
	s26 =	sadd.s32 $0x40, s26;
	p0 =	slt.u32 s29, $0x64  }
.Ltmp2:
0x73: {  	(pc) =	sbr.rel @p0 .LBB2_6-.Ltmp2, $4  }
0x74: {  	s28 =	sadd.s32 $0x40, s28;
	v4 =	vshrl.u32 v1, $0x4  }
0x75: {  	v1 =	vld [tilespmem:s28+$0xFFFFFFD0];
	[tilespmem:s26+$0xFFFFFFE0] =	vst v4;
	v4 =	vshrl.u32 v2, $0x4  }
0x76: {  	v2 =	vld [tilespmem:s28+$0x0];
	v6 =	vshrl.u32 v3, $0x4;
	[tilespmem:s26+$0x10] =	vst v4  }
0x77: {  	v3 =	vld [tilespmem:s28+$0xFFFFFFF0];
	v4 =	vshrl.u32 v5, $0x4;
	[tilespmem:s26+$0x0] =	vst v6  }
0x78: {  	v5 =	vld [tilespmem:s28+$0xFFFFFFE0];
	_ =	sdelay $0x1  }
0x79: {  	[tilespmem:s26+$0xFFFFFFF0] =	vst v4;
	s0 =	sadd.s32 $0x40, s26;
	v1 =	vshrl.u32 v1, $0x4  }
0x7a: {  	[tilespmem:s0+$0xFFFFFFE0] =	vst v1;
	v1 =	vshrl.u32 v2, $0x4  }
0x7b: {  	v2 =	vshrl.u32 v3, $0x4;
	[tilespmem:s0+$0x10] =	vst v1  }
0x7c: {  	v1 =	vshrl.u32 v5, $0x4;
	[tilespmem:s0+$0x0] =	vst v2  }
0x7d: {  	[tilespmem:s0+$0xFFFFFFF0] =	vst v1  }
0x7e: {  	[tilespmem:s19], [sflag:$0x2] =	stream.indirect.gather [hbm4b:s4+s16], $0x10, s18, s16, $0xb8;
	[tilespmem:$0xF700] =	vst v63  }
0x7f: {  	_ =	swait.ge [sflag:s20], $0x6800  }
0x80: {  	[sflag:s20] =	ssyncset.done $0x0  }
0x81: {  	s0 =	simm.s32 $0x6B0;
	[sflag:s20] =	ssyncadd.s32 $0xFFFF9800  }
0x82: {  	v1 =	vld [tilespmem:s0+$0x0]  }
0x83: {  	v2 =	vld [tilespmem:s0+$0xFFFFFFE0]  }
0x84: {  	s1 =	simm.s32 $0x30  }
0x85: {  	s31 =	simm.s32 $0x0;
	s28 =	simm.s32 $0x10;
	v4 =	vmov s1;
	v3 =	vld [tilespmem:s0+$0xFFFFFFF0]  }
0x86: {  	v6 =	vmov s28;
	v4 =	vshll.u32 v4, $0x4;
	v5 =	vmov s31;
	s31 =	simm.s32 $0x20  }
0x87: {  	v6 =	vshll.u32 v6, $0x4;
	v4 =	vor.u32 v0, v4;
	v8 =	vmov s31;
	v7 =	vld [tilespmem:s0+$0xFFFFFFD0]  }
0x88: {  	v8 =	vshll.u32 v8, $0x4;
	v1 =	vand.u32 $0xF, v1;
	v2 =	vand.u32 $0xF, v2  }
0x89: {  	s0 =	simm.s32 $0x6F0;
	v1 =	vor.u32 v4, v1;
	v4 =	vshll.u32 v5, $0x4;
	v5 =	vor.u32 v0, v6  }
0x8a: {  	v3 =	vand.u32 $0xF, v3;
	v6 =	vor.u32 v0, v8;
	v8 =	vld [tilespmem:s0+$0x0];
	v2 =	vor.u32 v5, v2  }
0x8b: {  	v11 =	vld [tilespmem:s0+$0xFFFFFFD0];
	v3 =	vor.u32 v6, v3  }
0x8c: {  	s26 =	simm.s32 $0x70;
	v4 =	vor.u32 v0, v4;
	v5 =	vld [tilespmem:s0+$0xFFFFFFE0];
	v6 =	vand.u32 $0xF, v7  }
0x8d: {  	s28 =	simm.s32 $0x50;
	s31 =	simm.s32 $0x40;
	v7 =	vld [tilespmem:s0+$0xFFFFFFF0];
	v4 =	vor.u32 v4, v6;
	v6 =	vmov s26  }
0x8e: {  	v10 =	vmov s28;
	v9 =	vmov s31;
	s26 =	simm.s32 $0x60;
	v6 =	vshll.u32 v6, $0x4;
	v1 =	vld.idx.msk [tilespmem:v1+s19+$0x0], $0xffff  }
0x8f: {  	v12 =	vmov s26;
	v6 =	vor.u32 v0, v6;
	v8 =	vand.u32 $0xF, v8;
	v13 =	vld.idx.msk [tilespmem:v2+s19+$0x0], $0xffff  }
0x90: {  	s0 =	simm.s32 $0x730;
	v2 =	vshll.u32 v10, $0x4;
	v10 =	vshll.u32 v12, $0x4;
	v6 =	vor.u32 v6, v8;
	v62 =	vld.idx.msk [tilespmem:v3+s19+$0x0], $0xffff  }
0x91: {  	v3 =	vshll.u32 v9, $0x4;
	v5 =	vand.u32 $0xF, v5;
	v9 =	vld [tilespmem:s0+$0x0];
	v2 =	vor.u32 v0, v2  }
0x92: {  	v7 =	vand.u32 $0xF, v7;
	v8 =	vld.idx.msk [tilespmem:v4+s19+$0x0], $0xffff;
	v4 =	vor.u32 v0, v10;
	v5 =	vor.u32 v2, v5  }
0x93: {  	s29 =	simm.s32 $0xA0;
	v10 =	vld [tilespmem:s0+$0xFFFFFFE0];
	v2 =	vor.u32 v0, v3;
	v7 =	vor.u32 v4, v7;
	v3 =	vand.u32 $0xF, v11  }
0x94: {  	s30 =	simm.s32 $0xB0;
	v16 =	vmov s29;
	s31 =	simm.s32 $0x90;
	v14 =	vld [tilespmem:s0+$0xFFFFFFF0];
	v15 =	vor.u32 v2, v3  }
0x95: {  	v17 =	vmov s30;
	s28 =	simm.s32 $0xF0A0;
	v16 =	vshll.u32 v16, $0x4;
	s26 =	simm.s32 $0x80;
	v4 =	vld [tilespmem:s0+$0xFFFFFFD0];
	v3 =	vmov s31  }
0x96: {  	v11 =	vmov s26;
	[tilespmem:s28+$0x10] =	vst v1;
	v1 =	vshll.u32 v3, $0x4;
	v3 =	vshll.u32 v17, $0x4;
	v2 =	vld.idx.msk [tilespmem:v6+s19+$0x0], $0xffff  }
0x97: {  	v11 =	vshll.u32 v11, $0x4;
	[tilespmem:s28+$0xFFFFFFF0] =	vst v13;
	v6 =	vor.u32 v0, v3;
	v63 =	vand.u32 $0xF, v9;
	v3 =	vld.idx.msk [tilespmem:v5+s19+$0x0], $0xffff  }
0x98: {  	[tilespmem:s28+$0xFFFFFFE0] =	vst v8;
	v8 =	vor.u32 v0, v1;
	v9 =	vand.u32 $0xF, v10;
	v6 =	vor.u32 v6, v63;
	v1 =	vld.idx.msk [tilespmem:v7+s19+$0x0], $0xffff  }
0x99: {  	s29 =	simm.s32 $0x8;
	s30 =	simm.s32 $0x770;
	[tilespmem:s28+$0x0] =	vst v62;
	v10 =	vor.u32 v0, v16;
	v7 =	vor.u32 v0, v11;
	v11 =	vand.u32 $0xF, v14;
	v5 =	vld.idx.msk [tilespmem:v15+s19+$0x0], $0xffff  }
.LBB2_8:
0x9a: {  	v12 =	vld [tilespmem:s30+$0x0];
	s29 =	sadd.s32 $0x4, s29;
	v8 =	vor.u32 v8, v9;
	v10 =	vor.u32 v10, v11;
	s28 =	sadd.s32 $0x40, s28  }
0x9b: {  	s26 =	sadd.s32 $0x40, s26;
	v9 =	vld [tilespmem:s30+$0xFFFFFFE0];
	p0 =	slt.u32 s29, $0x64;
	v4 =	vand.u32 $0xF, v4;
	[tilespmem:s28+$0x10] =	vst v2  }
0x9c: {  	v11 =	vmov s26;
	s0 =	sadd.s32 $0x10, s26;
	s1 =	sadd.s32 $0x20, s26;
	s31 =	sadd.s32 $0x30, s26;
	v13 =	vld [tilespmem:s30+$0xFFFFFFF0];
	v14 =	vor.u32 v7, v4  }
.Ltmp3:
0x9d: {  	v7 =	vmov s0;
	v15 =	vmov s1;
	v16 =	vmov s31;
	v2 =	vld.idx.msk [tilespmem:v6+s19+$0x0], $0xffff;
	(pc) =	sbr.rel @p0 .LBB2_8-.Ltmp3, $4  }
0x9e: {  	v6 =	vshll.u32 v7, $0x4;
	v15 =	vshll.u32 v15, $0x4;
	v7 =	vshll.u32 v16, $0x4;
	v4 =	vld [tilespmem:s30+$0xFFFFFFD0];
	[tilespmem:s28+$0xFFFFFFF0] =	vst v3  }
0x9f: {  	v11 =	vshll.u32 v11, $0x4;
	v7 =	vor.u32 v0, v7;
	v12 =	vand.u32 $0xF, v12;
	v3 =	vld.idx.msk [tilespmem:v8+s19+$0x0], $0xffff;
	[tilespmem:s28+$0xFFFFFFE0] =	vst v5  }
0xa0: {  	v8 =	vor.u32 v0, v6;
	v9 =	vand.u32 $0xF, v9;
	v6 =	vor.u32 v7, v12;
	[tilespmem:s28+$0x0] =	vst v1;
	v1 =	vld.idx.msk [tilespmem:v10+s19+$0x0], $0xffff  }
0xa1: {  	s30 =	sadd.s32 $0x40, s30;
	v7 =	vor.u32 v0, v11;
	v10 =	vor.u32 v0, v15;
	v11 =	vand.u32 $0xF, v13;
	v5 =	vld.idx.msk [tilespmem:v14+s19+$0x0], $0xffff  }
0xa2: {  	_ = 	snop  }
0xa3: {  	v8 =	vor.u32 v8, v9;
	v4 =	vand.u32 $0xF, v4  }
0xa4: {  	v4 =	vor.u32 v7, v4  }
0xa5: {  	v7 =	vor.u32 v10, v11;
	_ =	sdelay $0x1  }
0xa6: {  	s0 =	sadd.s32 $0x40, s28;
	v6 =	vld.idx.msk [tilespmem:v6+s19+$0x0], $0xffff  }
0xa7: {  	[tilespmem:s0+$0x10] =	vst v2;
	v2 =	vld.idx.msk [tilespmem:v8+s19+$0x0], $0xffff  }
0xa8: {  	[tilespmem:s0+$0xFFFFFFF0] =	vst v3;
	v3 =	vld.idx.msk [tilespmem:v4+s19+$0x0], $0xffff  }
0xa9: {  	[tilespmem:s0+$0x0] =	vst v1;
	v4 =	vld.idx.msk [tilespmem:v7+s19+$0x0], $0xffff  }
0xaa: {  	[tilespmem:s0+$0xFFFFFFE0] =	vst v5;
	s0 =	sadd.s32 $0x40, s0  }
0xab: {  	[tilespmem:s0+$0x10] =	vst v6  }
0xac: {  	[tilespmem:s0+$0xFFFFFFF0] =	vst v2  }
0xad: {  	[tilespmem:s0+$0xFFFFFFE0] =	vst v3  }
0xae: {  	[tilespmem:s0+$0x0] =	vst v4  }
0xaf: {  	_ =	swait.ge [sflag:s21], $0x6800  }
0xb0: {  	[sflag:s21] =	ssyncset.done $0x0  }
0xb1: {  	[sflag:s21] =	ssyncadd.s32 $0xFFFF9800  }
0xb2: {  	[hbm4b:s8+s2] =	stream.linear.scatter [tilespmem:s17], [sflag:$0x3], $0x6800, $0x38;
	[tilespmem:$0xF700] =	vst v63  }
0xb3: {  	_ =	swait.ge [sflag:s15], $0x6800  }
0xb4: {  	[sflag:s15] =	ssyncset.done $0x0  }
0xb5: {  	[sflag:s15] =	ssyncadd.s32 $0xFFFF9800  }
0xb6: {  	[hbm4b:s9+s2] =	stream.linear.scatter [tilespmem:s22], [sflag:$0x3], $0x680, $0x38;
	[tilespmem:$0xF700] =	vst v63  }
0xb7: {  	_ =	swait.ge [sflag:s15], $0x680  }
0xb8: {  	[sflag:s15] =	ssyncset.done $0x0  }
0xb9: {  	s31 =	simm.s32 $0xD30;
	[sflag:s15] =	ssyncadd.s32 $0xFFFFF980  }
0xba: {  	[tilespmem:s17], [sflag:$0x1] =	stream.indirect.gather [hbm4b:s3+s16], $0x10, s23, s16, $0xb8;
	[tilespmem:$0xF700] =	vst v63  }
0xbb: {  	v1 =	vld [tilespmem:s31+$0xFFFFFFD0]  }
0xbc: {  	v3 =	vld [tilespmem:s31+$0xFFFFFFF0]  }
0xbd: {  	v2 =	vld [tilespmem:s31+$0x0]  }
0xbe: {  	v4 =	vld [tilespmem:s31+$0xFFFFFFE0];
	_ =	sdelay $0x1  }
0xbf: {  	s26 =	simm.s32 $0xEA20;
	s28 =	simm.s32 $0xD70;
	v5 =	vshrl.u32 v1, $0x4  }
0xc0: {  	v1 =	vld [tilespmem:s28+$0xFFFFFFD0];
	v6 =	vshrl.u32 v3, $0x4;
	[tilespmem:s26+$0xFFFFFFE0] =	vst v5  }
0xc1: {  	v3 =	vld [tilespmem:s28+$0xFFFFFFF0];
	v5 =	vshrl.u32 v2, $0x4;
	[tilespmem:s26+$0x0] =	vst v6  }
0xc2: {  	s29 =	simm.s32 $0x4;
	v4 =	vshrl.u32 v4, $0x4;
	v2 =	vld [tilespmem:s28+$0x0];
	[tilespmem:s26+$0x10] =	vst v5  }
.LBB2_10:
0xc3: {  	s29 =	sadd.s32 $0x4, s29  }
0xc4: {  	v5 =	vld [tilespmem:s28+$0xFFFFFFE0];
	[tilespmem:s26+$0xFFFFFFF0] =	vst v4;
	s26 =	sadd.s32 $0x40, s26;
	p0 =	slt.u32 s29, $0x64  }
.Ltmp4:
0xc5: {  	(pc) =	sbr.rel @p0 .LBB2_10-.Ltmp4, $4  }
0xc6: {  	s28 =	sadd.s32 $0x40, s28;
	v4 =	vshrl.u32 v1, $0x4  }
0xc7: {  	v1 =	vld [tilespmem:s28+$0xFFFFFFD0];
	[tilespmem:s26+$0xFFFFFFE0] =	vst v4;
	v4 =	vshrl.u32 v2, $0x4  }
0xc8: {  	v2 =	vld [tilespmem:s28+$0x0];
	v6 =	vshrl.u32 v3, $0x4;
	[tilespmem:s26+$0x10] =	vst v4  }
0xc9: {  	v3 =	vld [tilespmem:s28+$0xFFFFFFF0];
	v4 =	vshrl.u32 v5, $0x4;
	[tilespmem:s26+$0x0] =	vst v6  }
0xca: {  	v5 =	vld [tilespmem:s28+$0xFFFFFFE0];
	_ =	sdelay $0x1  }
0xcb: {  	[tilespmem:s26+$0xFFFFFFF0] =	vst v4;
	s0 =	sadd.s32 $0x40, s26;
	v1 =	vshrl.u32 v1, $0x4  }
0xcc: {  	[tilespmem:s0+$0xFFFFFFE0] =	vst v1;
	v1 =	vshrl.u32 v2, $0x4  }
0xcd: {  	v2 =	vshrl.u32 v3, $0x4;
	[tilespmem:s0+$0x10] =	vst v1  }
0xce: {  	v1 =	vshrl.u32 v5, $0x4;
	[tilespmem:s0+$0x0] =	vst v2  }
0xcf: {  	[tilespmem:s0+$0xFFFFFFF0] =	vst v1  }
0xd0: {  	[tilespmem:s19], [sflag:$0x2] =	stream.indirect.gather [hbm4b:s4+s16], $0x10, s18, s16, $0xb8;
	[tilespmem:$0xF700] =	vst v63  }
0xd1: {  	_ =	swait.ge [sflag:s20], $0x6800  }
0xd2: {  	[sflag:s20] =	ssyncset.done $0x0  }
0xd3: {  	s0 =	simm.s32 $0xD30;
	[sflag:s20] =	ssyncadd.s32 $0xFFFF9800  }
0xd4: {  	v1 =	vld [tilespmem:s0+$0x0]  }
0xd5: {  	v2 =	vld [tilespmem:s0+$0xFFFFFFE0]  }
0xd6: {  	s1 =	simm.s32 $0x30  }
0xd7: {  	s31 =	simm.s32 $0x0;
	s28 =	simm.s32 $0x10;
	v4 =	vmov s1;
	v3 =	vld [tilespmem:s0+$0xFFFFFFF0]  }
0xd8: {  	v6 =	vmov s28;
	v4 =	vshll.u32 v4, $0x4;
	v5 =	vmov s31;
	s31 =	simm.s32 $0x20  }
0xd9: {  	v6 =	vshll.u32 v6, $0x4;
	v4 =	vor.u32 v0, v4;
	v8 =	vmov s31;
	v7 =	vld [tilespmem:s0+$0xFFFFFFD0]  }
0xda: {  	v8 =	vshll.u32 v8, $0x4;
	v1 =	vand.u32 $0xF, v1;
	v2 =	vand.u32 $0xF, v2  }
0xdb: {  	s0 =	simm.s32 $0xD70;
	v1 =	vor.u32 v4, v1;
	v4 =	vshll.u32 v5, $0x4;
	v5 =	vor.u32 v0, v6  }
0xdc: {  	v3 =	vand.u32 $0xF, v3;
	v6 =	vor.u32 v0, v8;
	v8 =	vld [tilespmem:s0+$0x0];
	v2 =	vor.u32 v5, v2  }
0xdd: {  	v11 =	vld [tilespmem:s0+$0xFFFFFFD0];
	v3 =	vor.u32 v6, v3  }
0xde: {  	s26 =	simm.s32 $0x70;
	v4 =	vor.u32 v0, v4;
	v5 =	vld [tilespmem:s0+$0xFFFFFFE0];
	v6 =	vand.u32 $0xF, v7  }
0xdf: {  	s28 =	simm.s32 $0x50;
	s31 =	simm.s32 $0x40;
	v7 =	vld [tilespmem:s0+$0xFFFFFFF0];
	v4 =	vor.u32 v4, v6;
	v6 =	vmov s26  }
0xe0: {  	v10 =	vmov s28;
	v9 =	vmov s31;
	s26 =	simm.s32 $0x60;
	v6 =	vshll.u32 v6, $0x4;
	v1 =	vld.idx.msk [tilespmem:v1+s19+$0x0], $0xffff  }
0xe1: {  	v12 =	vmov s26;
	v6 =	vor.u32 v0, v6;
	v8 =	vand.u32 $0xF, v8;
	v13 =	vld.idx.msk [tilespmem:v2+s19+$0x0], $0xffff  }
0xe2: {  	s0 =	simm.s32 $0xDB0;
	v2 =	vshll.u32 v10, $0x4;
	v10 =	vshll.u32 v12, $0x4;
	v6 =	vor.u32 v6, v8;
	v62 =	vld.idx.msk [tilespmem:v3+s19+$0x0], $0xffff  }
0xe3: {  	v3 =	vshll.u32 v9, $0x4;
	v5 =	vand.u32 $0xF, v5;
	v9 =	vld [tilespmem:s0+$0x0];
	v2 =	vor.u32 v0, v2  }
0xe4: {  	v7 =	vand.u32 $0xF, v7;
	v8 =	vld.idx.msk [tilespmem:v4+s19+$0x0], $0xffff;
	v4 =	vor.u32 v0, v10;
	v5 =	vor.u32 v2, v5  }
0xe5: {  	s29 =	simm.s32 $0xA0;
	v10 =	vld [tilespmem:s0+$0xFFFFFFE0];
	v2 =	vor.u32 v0, v3;
	v7 =	vor.u32 v4, v7;
	v3 =	vand.u32 $0xF, v11  }
0xe6: {  	s30 =	simm.s32 $0xB0;
	v16 =	vmov s29;
	s31 =	simm.s32 $0x90;
	v14 =	vld [tilespmem:s0+$0xFFFFFFF0];
	v15 =	vor.u32 v2, v3  }
0xe7: {  	v17 =	vmov s30;
	s28 =	simm.s32 $0xF0A0;
	v16 =	vshll.u32 v16, $0x4;
	s26 =	simm.s32 $0x80;
	v4 =	vld [tilespmem:s0+$0xFFFFFFD0];
	v3 =	vmov s31  }
0xe8: {  	v11 =	vmov s26;
	[tilespmem:s28+$0x10] =	vst v1;
	v1 =	vshll.u32 v3, $0x4;
	v3 =	vshll.u32 v17, $0x4;
	v2 =	vld.idx.msk [tilespmem:v6+s19+$0x0], $0xffff  }
0xe9: {  	v11 =	vshll.u32 v11, $0x4;
	[tilespmem:s28+$0xFFFFFFF0] =	vst v13;
	v6 =	vor.u32 v0, v3;
	v63 =	vand.u32 $0xF, v9;
	v3 =	vld.idx.msk [tilespmem:v5+s19+$0x0], $0xffff  }
0xea: {  	[tilespmem:s28+$0xFFFFFFE0] =	vst v8;
	v8 =	vor.u32 v0, v1;
	v9 =	vand.u32 $0xF, v10;
	v6 =	vor.u32 v6, v63;
	v1 =	vld.idx.msk [tilespmem:v7+s19+$0x0], $0xffff  }
0xeb: {  	s29 =	simm.s32 $0x8;
	s30 =	simm.s32 $0xDF0;
	[tilespmem:s28+$0x0] =	vst v62;
	v10 =	vor.u32 v0, v16;
	v7 =	vor.u32 v0, v11;
	v11 =	vand.u32 $0xF, v14;
	v5 =	vld.idx.msk [tilespmem:v15+s19+$0x0], $0xffff  }
.LBB2_12:
0xec: {  	v12 =	vld [tilespmem:s30+$0x0];
	s29 =	sadd.s32 $0x4, s29;
	v8 =	vor.u32 v8, v9;
	v10 =	vor.u32 v10, v11;
	s28 =	sadd.s32 $0x40, s28  }
0xed: {  	s26 =	sadd.s32 $0x40, s26;
	v9 =	vld [tilespmem:s30+$0xFFFFFFE0];
	p0 =	slt.u32 s29, $0x64;
	v4 =	vand.u32 $0xF, v4;
	[tilespmem:s28+$0x10] =	vst v2  }
0xee: {  	v11 =	vmov s26;
	s0 =	sadd.s32 $0x10, s26;
	s1 =	sadd.s32 $0x20, s26;
	s31 =	sadd.s32 $0x30, s26;
	v13 =	vld [tilespmem:s30+$0xFFFFFFF0];
	v14 =	vor.u32 v7, v4  }
.Ltmp5:
0xef: {  	v7 =	vmov s0;
	v15 =	vmov s1;
	v16 =	vmov s31;
	v2 =	vld.idx.msk [tilespmem:v6+s19+$0x0], $0xffff;
	(pc) =	sbr.rel @p0 .LBB2_12-.Ltmp5, $4  }
0xf0: {  	v6 =	vshll.u32 v7, $0x4;
	v15 =	vshll.u32 v15, $0x4;
	v7 =	vshll.u32 v16, $0x4;
	v4 =	vld [tilespmem:s30+$0xFFFFFFD0];
	[tilespmem:s28+$0xFFFFFFF0] =	vst v3  }
0xf1: {  	v11 =	vshll.u32 v11, $0x4;
	v7 =	vor.u32 v0, v7;
	v12 =	vand.u32 $0xF, v12;
	v3 =	vld.idx.msk [tilespmem:v8+s19+$0x0], $0xffff;
	[tilespmem:s28+$0xFFFFFFE0] =	vst v5  }
0xf2: {  	v8 =	vor.u32 v0, v6;
	v9 =	vand.u32 $0xF, v9;
	v6 =	vor.u32 v7, v12;
	[tilespmem:s28+$0x0] =	vst v1;
	v1 =	vld.idx.msk [tilespmem:v10+s19+$0x0], $0xffff  }
0xf3: {  	s30 =	sadd.s32 $0x40, s30;
	v7 =	vor.u32 v0, v11;
	v10 =	vor.u32 v0, v15;
	v11 =	vand.u32 $0xF, v13;
	v5 =	vld.idx.msk [tilespmem:v14+s19+$0x0], $0xffff  }
0xf4: {  	_ = 	snop  }
0xf5: {  	v8 =	vor.u32 v8, v9;
	v4 =	vand.u32 $0xF, v4  }
0xf6: {  	v4 =	vor.u32 v7, v4  }
0xf7: {  	v7 =	vor.u32 v10, v11;
	_ =	sdelay $0x1  }
0xf8: {  	s0 =	sadd.s32 $0x40, s28;
	v6 =	vld.idx.msk [tilespmem:v6+s19+$0x0], $0xffff  }
0xf9: {  	[tilespmem:s0+$0x10] =	vst v2;
	v2 =	vld.idx.msk [tilespmem:v8+s19+$0x0], $0xffff  }
0xfa: {  	[tilespmem:s0+$0xFFFFFFF0] =	vst v3;
	v3 =	vld.idx.msk [tilespmem:v4+s19+$0x0], $0xffff  }
0xfb: {  	[tilespmem:s0+$0x0] =	vst v1;
	v4 =	vld.idx.msk [tilespmem:v7+s19+$0x0], $0xffff  }
0xfc: {  	[tilespmem:s0+$0xFFFFFFE0] =	vst v5;
	s0 =	sadd.s32 $0x40, s0  }
0xfd: {  	[tilespmem:s0+$0x10] =	vst v6  }
0xfe: {  	[tilespmem:s0+$0xFFFFFFF0] =	vst v2  }
0xff: {  	[tilespmem:s0+$0xFFFFFFE0] =	vst v3  }
0x100: {  	[tilespmem:s0+$0x0] =	vst v4  }
0x101: {  	_ =	swait.ge [sflag:s21], $0x6800  }
0x102: {  	[sflag:s21] =	ssyncset.done $0x0  }
0x103: {  	[sflag:s21] =	ssyncadd.s32 $0xFFFF9800  }
0x104: {  	[hbm4b:s10+s2] =	stream.linear.scatter [tilespmem:s17], [sflag:$0x3], $0x6800, $0x38;
	[tilespmem:$0xF700] =	vst v63  }
0x105: {  	_ =	swait.ge [sflag:s15], $0x6800  }
0x106: {  	[sflag:s15] =	ssyncset.done $0x0  }
0x107: {  	[sflag:s15] =	ssyncadd.s32 $0xFFFF9800  }
0x108: {  	[hbm4b:s11+s2] =	stream.linear.scatter [tilespmem:s22], [sflag:$0x3], $0x680, $0x38;
	[tilespmem:$0xF700] =	vst v63  }
0x109: {  	_ =	swait.ge [sflag:s15], $0x680  }
0x10a: {  	[sflag:s15] =	ssyncset.done $0x0  }
0x10b: {  	s31 =	simm.s32 $0x13B0;
	[sflag:s15] =	ssyncadd.s32 $0xFFFFF980  }
0x10c: {  	[tilespmem:s17], [sflag:$0x1] =	stream.indirect.gather [hbm4b:s3+s16], $0x10, s24, s16, $0xb8;
	[tilespmem:$0xF700] =	vst v63  }
0x10d: {  	v1 =	vld [tilespmem:s31+$0xFFFFFFD0]  }
0x10e: {  	v3 =	vld [tilespmem:s31+$0xFFFFFFF0]  }
0x10f: {  	v2 =	vld [tilespmem:s31+$0x0]  }
0x110: {  	v4 =	vld [tilespmem:s31+$0xFFFFFFE0];
	_ =	sdelay $0x1  }
0x111: {  	s26 =	simm.s32 $0xEA20;
	s28 =	simm.s32 $0x13F0;
	v5 =	vshrl.u32 v1, $0x4  }
0x112: {  	v1 =	vld [tilespmem:s28+$0xFFFFFFD0];
	v6 =	vshrl.u32 v3, $0x4;
	[tilespmem:s26+$0xFFFFFFE0] =	vst v5  }
0x113: {  	v3 =	vld [tilespmem:s28+$0xFFFFFFF0];
	v5 =	vshrl.u32 v2, $0x4;
	[tilespmem:s26+$0x0] =	vst v6  }
0x114: {  	s29 =	simm.s32 $0x4;
	v4 =	vshrl.u32 v4, $0x4;
	v2 =	vld [tilespmem:s28+$0x0];
	[tilespmem:s26+$0x10] =	vst v5  }
.LBB2_14:
0x115: {  	s29 =	sadd.s32 $0x4, s29  }
0x116: {  	v5 =	vld [tilespmem:s28+$0xFFFFFFE0];
	[tilespmem:s26+$0xFFFFFFF0] =	vst v4;
	s26 =	sadd.s32 $0x40, s26;
	p0 =	slt.u32 s29, $0x64  }
.Ltmp6:
0x117: {  	(pc) =	sbr.rel @p0 .LBB2_14-.Ltmp6, $4  }
0x118: {  	s28 =	sadd.s32 $0x40, s28;
	v4 =	vshrl.u32 v1, $0x4  }
0x119: {  	v1 =	vld [tilespmem:s28+$0xFFFFFFD0];
	[tilespmem:s26+$0xFFFFFFE0] =	vst v4;
	v4 =	vshrl.u32 v2, $0x4  }
0x11a: {  	v2 =	vld [tilespmem:s28+$0x0];
	v6 =	vshrl.u32 v3, $0x4;
	[tilespmem:s26+$0x10] =	vst v4  }
0x11b: {  	v3 =	vld [tilespmem:s28+$0xFFFFFFF0];
	v4 =	vshrl.u32 v5, $0x4;
	[tilespmem:s26+$0x0] =	vst v6  }
0x11c: {  	v5 =	vld [tilespmem:s28+$0xFFFFFFE0];
	_ =	sdelay $0x1  }
0x11d: {  	[tilespmem:s26+$0xFFFFFFF0] =	vst v4;
	s0 =	sadd.s32 $0x40, s26;
	v1 =	vshrl.u32 v1, $0x4  }
0x11e: {  	[tilespmem:s0+$0xFFFFFFE0] =	vst v1;
	v1 =	vshrl.u32 v2, $0x4  }
0x11f: {  	v2 =	vshrl.u32 v3, $0x4;
	[tilespmem:s0+$0x10] =	vst v1  }
0x120: {  	v1 =	vshrl.u32 v5, $0x4;
	[tilespmem:s0+$0x0] =	vst v2  }
0x121: {  	[tilespmem:s0+$0xFFFFFFF0] =	vst v1  }
0x122: {  	[tilespmem:s19], [sflag:$0x2] =	stream.indirect.gather [hbm4b:s4+s16], $0x10, s18, s16, $0xb8;
	[tilespmem:$0xF700] =	vst v63  }
0x123: {  	_ =	swait.ge [sflag:s20], $0x6800  }
0x124: {  	[sflag:s20] =	ssyncset.done $0x0  }
0x125: {  	s0 =	simm.s32 $0x13B0;
	[sflag:s20] =	ssyncadd.s32 $0xFFFF9800  }
0x126: {  	v1 =	vld [tilespmem:s0+$0x0]  }
0x127: {  	v2 =	vld [tilespmem:s0+$0xFFFFFFE0]  }
0x128: {  	s1 =	simm.s32 $0x30  }
0x129: {  	s31 =	simm.s32 $0x0;
	s28 =	simm.s32 $0x10;
	v4 =	vmov s1;
	v3 =	vld [tilespmem:s0+$0xFFFFFFF0]  }
0x12a: {  	v6 =	vmov s28;
	v4 =	vshll.u32 v4, $0x4;
	v5 =	vmov s31;
	s31 =	simm.s32 $0x20  }
0x12b: {  	v6 =	vshll.u32 v6, $0x4;
	v4 =	vor.u32 v0, v4;
	v8 =	vmov s31;
	v7 =	vld [tilespmem:s0+$0xFFFFFFD0]  }
0x12c: {  	v8 =	vshll.u32 v8, $0x4;
	v1 =	vand.u32 $0xF, v1;
	v2 =	vand.u32 $0xF, v2  }
0x12d: {  	s0 =	simm.s32 $0x13F0;
	v1 =	vor.u32 v4, v1;
	v4 =	vshll.u32 v5, $0x4;
	v5 =	vor.u32 v0, v6  }
0x12e: {  	v3 =	vand.u32 $0xF, v3;
	v6 =	vor.u32 v0, v8;
	v8 =	vld [tilespmem:s0+$0x0];
	v2 =	vor.u32 v5, v2  }
0x12f: {  	v11 =	vld [tilespmem:s0+$0xFFFFFFD0];
	v3 =	vor.u32 v6, v3  }
0x130: {  	s26 =	simm.s32 $0x70;
	v4 =	vor.u32 v0, v4;
	v5 =	vld [tilespmem:s0+$0xFFFFFFE0];
	v6 =	vand.u32 $0xF, v7  }
0x131: {  	s28 =	simm.s32 $0x50;
	s31 =	simm.s32 $0x40;
	v7 =	vld [tilespmem:s0+$0xFFFFFFF0];
	v4 =	vor.u32 v4, v6;
	v6 =	vmov s26  }
0x132: {  	v10 =	vmov s28;
	v9 =	vmov s31;
	s26 =	simm.s32 $0x60;
	v6 =	vshll.u32 v6, $0x4;
	v1 =	vld.idx.msk [tilespmem:v1+s19+$0x0], $0xffff  }
0x133: {  	v12 =	vmov s26;
	v6 =	vor.u32 v0, v6;
	v8 =	vand.u32 $0xF, v8;
	v13 =	vld.idx.msk [tilespmem:v2+s19+$0x0], $0xffff  }
0x134: {  	s0 =	simm.s32 $0x1430;
	v2 =	vshll.u32 v10, $0x4;
	v10 =	vshll.u32 v12, $0x4;
	v6 =	vor.u32 v6, v8;
	v62 =	vld.idx.msk [tilespmem:v3+s19+$0x0], $0xffff  }
0x135: {  	v3 =	vshll.u32 v9, $0x4;
	v5 =	vand.u32 $0xF, v5;
	v9 =	vld [tilespmem:s0+$0x0];
	v2 =	vor.u32 v0, v2  }
0x136: {  	v7 =	vand.u32 $0xF, v7;
	v8 =	vld.idx.msk [tilespmem:v4+s19+$0x0], $0xffff;
	v4 =	vor.u32 v0, v10;
	v5 =	vor.u32 v2, v5  }
0x137: {  	s29 =	simm.s32 $0xA0;
	v10 =	vld [tilespmem:s0+$0xFFFFFFE0];
	v2 =	vor.u32 v0, v3;
	v7 =	vor.u32 v4, v7;
	v3 =	vand.u32 $0xF, v11  }
0x138: {  	s30 =	simm.s32 $0xB0;
	v16 =	vmov s29;
	s31 =	simm.s32 $0x90;
	v14 =	vld [tilespmem:s0+$0xFFFFFFF0];
	v15 =	vor.u32 v2, v3  }
0x139: {  	v17 =	vmov s30;
	s28 =	simm.s32 $0xF0A0;
	v16 =	vshll.u32 v16, $0x4;
	s26 =	simm.s32 $0x80;
	v4 =	vld [tilespmem:s0+$0xFFFFFFD0];
	v3 =	vmov s31  }
0x13a: {  	v11 =	vmov s26;
	[tilespmem:s28+$0x10] =	vst v1;
	v1 =	vshll.u32 v3, $0x4;
	v3 =	vshll.u32 v17, $0x4;
	v2 =	vld.idx.msk [tilespmem:v6+s19+$0x0], $0xffff  }
0x13b: {  	v11 =	vshll.u32 v11, $0x4;
	[tilespmem:s28+$0xFFFFFFF0] =	vst v13;
	v6 =	vor.u32 v0, v3;
	v63 =	vand.u32 $0xF, v9;
	v3 =	vld.idx.msk [tilespmem:v5+s19+$0x0], $0xffff  }
0x13c: {  	[tilespmem:s28+$0xFFFFFFE0] =	vst v8;
	v8 =	vor.u32 v0, v1;
	v9 =	vand.u32 $0xF, v10;
	v6 =	vor.u32 v6, v63;
	v1 =	vld.idx.msk [tilespmem:v7+s19+$0x0], $0xffff  }
0x13d: {  	s29 =	simm.s32 $0x8;
	s30 =	simm.s32 $0x1470;
	[tilespmem:s28+$0x0] =	vst v62;
	v10 =	vor.u32 v0, v16;
	v7 =	vor.u32 v0, v11;
	v11 =	vand.u32 $0xF, v14;
	v5 =	vld.idx.msk [tilespmem:v15+s19+$0x0], $0xffff  }
.LBB2_16:
0x13e: {  	v12 =	vld [tilespmem:s30+$0x0];
	s29 =	sadd.s32 $0x4, s29;
	v8 =	vor.u32 v8, v9;
	v10 =	vor.u32 v10, v11;
	s28 =	sadd.s32 $0x40, s28  }
0x13f: {  	s26 =	sadd.s32 $0x40, s26;
	v9 =	vld [tilespmem:s30+$0xFFFFFFE0];
	p0 =	slt.u32 s29, $0x64;
	v4 =	vand.u32 $0xF, v4;
	[tilespmem:s28+$0x10] =	vst v2  }
0x140: {  	v11 =	vmov s26;
	s0 =	sadd.s32 $0x10, s26;
	s1 =	sadd.s32 $0x20, s26;
	s31 =	sadd.s32 $0x30, s26;
	v13 =	vld [tilespmem:s30+$0xFFFFFFF0];
	v14 =	vor.u32 v7, v4  }
.Ltmp7:
0x141: {  	v7 =	vmov s0;
	v15 =	vmov s1;
	v16 =	vmov s31;
	v2 =	vld.idx.msk [tilespmem:v6+s19+$0x0], $0xffff;
	(pc) =	sbr.rel @p0 .LBB2_16-.Ltmp7, $4  }
0x142: {  	v6 =	vshll.u32 v7, $0x4;
	v15 =	vshll.u32 v15, $0x4;
	v7 =	vshll.u32 v16, $0x4;
	v4 =	vld [tilespmem:s30+$0xFFFFFFD0];
	[tilespmem:s28+$0xFFFFFFF0] =	vst v3  }
0x143: {  	v11 =	vshll.u32 v11, $0x4;
	v7 =	vor.u32 v0, v7;
	v12 =	vand.u32 $0xF, v12;
	v3 =	vld.idx.msk [tilespmem:v8+s19+$0x0], $0xffff;
	[tilespmem:s28+$0xFFFFFFE0] =	vst v5  }
0x144: {  	v8 =	vor.u32 v0, v6;
	v9 =	vand.u32 $0xF, v9;
	v6 =	vor.u32 v7, v12;
	[tilespmem:s28+$0x0] =	vst v1;
	v1 =	vld.idx.msk [tilespmem:v10+s19+$0x0], $0xffff  }
0x145: {  	s30 =	sadd.s32 $0x40, s30;
	v7 =	vor.u32 v0, v11;
	v10 =	vor.u32 v0, v15;
	v11 =	vand.u32 $0xF, v13;
	v5 =	vld.idx.msk [tilespmem:v14+s19+$0x0], $0xffff  }
0x146: {  	v8 =	vor.u32 v8, v9  }
0x147: {  	v62 =	vor.u32 v10, v11;
	v4 =	vand.u32 $0xF, v4  }
0x148: {  	v4 =	vor.u32 v7, v4;
	_ =	sdelay $0x1  }
0x149: {  	s0 =	sadd.s32 $0x40, s28;
	v6 =	vld.idx.msk [tilespmem:v6+s19+$0x0], $0xffff  }
0x14a: {  	[tilespmem:s0+$0x10] =	vst v2;
	v2 =	vld.idx.msk [tilespmem:v8+s19+$0x0], $0xffff  }
0x14b: {  	[tilespmem:s0+$0xFFFFFFF0] =	vst v3;
	v63 =	vld.idx.msk [tilespmem:v62+s19+$0x0], $0xffff  }
0x14c: {  	[tilespmem:s0+$0x0] =	vst v1;
	v3 =	vld.idx.msk [tilespmem:v4+s19+$0x0], $0xffff  }
0x14d: {  	[tilespmem:s0+$0xFFFFFFE0] =	vst v5;
	s0 =	sadd.s32 $0x40, s0  }
0x14e: {  	[tilespmem:s0+$0x10] =	vst v6  }
0x14f: {  	[tilespmem:s0+$0xFFFFFFF0] =	vst v2  }
0x150: {  	[tilespmem:s0+$0x0] =	vst v63  }
0x151: {  	[tilespmem:s0+$0xFFFFFFE0] =	vst v3  }
0x152: {  	_ =	swait.ge [sflag:s21], $0x6800  }
0x153: {  	[sflag:s21] =	ssyncset.done $0x0  }
0x154: {  	[sflag:s21] =	ssyncadd.s32 $0xFFFF9800  }
0x155: {  	[hbm4b:s12+s2] =	stream.linear.scatter [tilespmem:s17], [sflag:$0x3], $0x6800, $0x38;
	[tilespmem:$0xF700] =	vst v63  }
0x156: {  	s25 =	sadd.s32 $0x1, s25;
	_ =	swait.ge [sflag:s15], $0x6800  }
0x157: {  	p0 =	sne.s32 s25, s14;
	[sflag:s15] =	ssyncset.done $0x0  }
.Ltmp8:
0x158: {  	[sflag:s15] =	ssyncadd.s32 $0xFFFF9800;
	(pc) =	sbr.rel @p0 .LBB2_1-.Ltmp8, $4  }
0x159: {  	[hbm4b:s13+s2] =	stream.linear.scatter [tilespmem:s22], [sflag:$0x3], $0x680, $0x38;
	[tilespmem:$0xF700] =	vst v63  }
0x15a: {  	_ =	swait.ge [sflag:s15], $0x680  }
0x15b: {  	[sflag:s15] =	ssyncset.done $0x0  }
0x15c: {  	[sflag:s15] =	ssyncadd.s32 $0xFFFFF980  }
0x15d: {  	_ =	sfence.sel $0x180000  }
0x15e: {  	[bflag:$0x0] =	sbarrier.arrive $0xFFFF  }
0x15f: {  	_ =	strace $0x9000004D  }
0x160: {  	s0 =	stileid.u32;
	[bflag:$0x2] =	sbarrier.arrive $0xFFFF  }
0x161: {  	p0 =	sne.s32 s0, $0x0;
	s0 =	rddreg [dreg:$0x1]  }
0x162: {  	s0 =	sadd.s32 @!p0 $0x100000, s0  }
0x163: {  	[sflag:s0] =	ssyncadd.tile.s32 @!p0 $0x1;
	_ =	shalt  }
.Lfunc_end2:
_tile_overlayer_lowered:
.L_overlay_start_2:
0x164: {  	(tag) =	ssettag $0x2  }
0x165: {  	s0 =	rddreg [dreg:$0x0];
	s2 =	stileid.u32  }
0x166: {  	s1 =	rddreg [dreg:$0x1];
	p0 =	sne.s32 s2, $0x0  }
0x167: {  	s3 =	rddreg [dreg:$0x2];
	[bflag:$0x3] =	sbarrier.arrive $0xFFFF;
	s2 =	simm.s32 @!p0 $0x1C03  }
0x168: {  	[timem:s3], [sflag:s2] =	dma.local @!p0 [hbm:s0], s1  }
0x169: {  	s0 =	simm.s32 @!p0 $0x3  }
0x16a: {  	_ =	swait.ge @!p0 [sflag:s0], s1  }
0x16b: {  	s1 =	ssub.s32 @!p0 $0x0, s1;
	[sflag:s0] =	ssyncset.done @!p0 $0x0  }
0x16c: {  	[sflag:s0] =	ssyncadd.s32 @!p0 s1  }
0x16d: {  	[bflag:$0x3] =	sbarrier.arrive $0xFFFF  }
0x16e: {  	_ =	shalt  }

// kernel: kernel.7.cloned.1.call-start
scs
__scs_entry_jumppad:
0x0: {  	(pc) =	sbr.rel $0x88, $3  }
0x1: {  	(tag) =	ssettag $0x0;
	lr =	simm.s32 $0x1  }
0x2: {  	[smem:$0x3F9C] =	sst lr;
	_ =	strace $0xD0000000  }
0x3: {  	_ = 	snop  }
0x4: {  	_ = 	snop  }
0x5: {  	_ = 	snop  }
0x6: {  	_ = 	snop  }
0x7: {  	_ = 	snop  }
__scs_overlays_trampoline_lowered:
0x8: {  	[smem:$0x3FAB] =	sst s0  }
0x9: {  	[smem:$0x3FAC] =	sst s1  }
0xa: {  	[smem:$0x3FAD] =	sst s2  }
0xb: {  	[smem:$0x3FAE] =	sst s3  }
0xc: {  	[smem:$0x3FAF] =	sst s4  }
0xd: {  	[smem:$0x3FB0] =	sst s5  }
0xe: {  	[smem:$0x3FB1] =	sst s6  }
0xf: {  	[smem:$0x3FB2] =	sst s7  }
0x10: {  	[smem:$0x3FB3] =	sst s8  }
0x11: {  	[smem:$0x3FB4] =	sst s9;
	s0 =	simm.s32 @!p0 $0x0  }
0x12: {  	s1 =	sld [smem:$0x3F9A];
	s0 =	simm.s32 @p0 $0x1  }
0x13: {  	[smem:$0x3FB5] =	sst s0;
	s0 =	simm.s32 @!p1 $0x0  }
0x14: {  	s2 =	sld [smem:$0x3F99];
	s0 =	simm.s32 @p1 $0x1  }
0x15: {  	[smem:$0x3FB6] =	sst s0;
	s0 =	simm.s32 @!p2 $0x0  }
0x16: {  	s3 =	sld [smem:$0x3FDB];
	s0 =	simm.s32 @p2 $0x1  }
0x17: {  	s4 =	simm.s32 $0x1BF5;
	[smem:$0x3FB8] =	sst s0  }
0x18: {  	s0 =	sld [smem:$0x3F9B];
	_ =	swait.ge [sflag:s4], $0x0  }
0x19: {  	s7 =	sld [smem:$0x3F9C]  }
0x1a: {  	s8 =	sadd.s32 $0xFFFFE003, lr  }
0x1b: {  	s9 =	sadd.s32 $0xFFFFFEF7, lr;
	s5 =	simm.s32 $0xFFFFFFFF;
	p2 =	slt.u32 s8, $0xFFFFF086  }
0x1c: {  	p1 =	slt.u32 s9, $0xF7A;
	s5 =	simm.s32 @!p2 $0x0  }
0x1d: {  	s5 =	simm.s32 @p1 $0x1;
	p0 =	seq.s32 s7, s2  }
0x1e: {  	s7 =	smul.u32 @!p0 $0xF7A, s2;
	p2 =	seq.s32 @!p0 s5, $0x0  }
0x1f: {  	s9 =	smul.u32 $0xF7A, s1;
	s8 =	simm.s32 @!p0 $0x1BF5;
	p2 =	por !p2, p0  }
0x20: {  	[sflag:s8] =	ssyncset.s32 @!p0 $0xFFFFF086;
	s6 =	sadd.s32 @!p0 s3, s7;
	s7 =	simm.s32 @!p0 $0x108  }
0x21: {  	s3 =	sadd.s32 s3, s9;
	s6 =	sadd.s32 @!p0 $0x88, s6;
	s7 =	simm.s32 @p2 $0x1082  }
0x22: {  	[simem:s7], [sflag:s8] =	dma.local @!p0 [hbm:s6], $0xF7A  }
0x23: {  	s9 =	sor.u32 $0xD0000000, s2;
	s6 =	simm.s32 $0x108;
	_ =	swait.ge @!p0 [sflag:s8], $0x0  }
0x24: {  	s3 =	sadd.s32 $0x88, s3;
	s6 =	simm.s32 @!p1 $0x1082;
	[sflag:s4] =	ssyncset.s32 $0xFFFFF086  }
0x25: {  	[simem:s6], [sflag:s4] =	dma.local [hbm:s3], $0xF7A  }
0x26: {  	[smem:$0x3F9C] =	sst s1;
	(tag) =	ssettag s2;
	_ =	strace s9  }
0x27: {  	s1 =	sld [smem:$0x3FAC]  }
0x28: {  	s2 =	sld [smem:$0x3FAD]  }
0x29: {  	s4 =	sld [smem:$0x3FAF]  }
0x2a: {  	p0 =	seq.s32 s5, $0x0;
	s5 =	sld [smem:$0x3FB0]  }
0x2b: {  	s6 =	sld [smem:$0x3FB1]  }
0x2c: {  	s7 =	sld [smem:$0x3FB2]  }
0x2d: {  	s3 =	simm.s32 $0x108;
	s8 =	sld [smem:$0x3FB3]  }
0x2e: {  	s3 =	simm.s32 @!p0 $0x1082;
	s9 =	sld [smem:$0x3FB4]  }
0x2f: {  	lr =	sadd.s32 s0, s3;
	s0 =	sld [smem:$0x3FAB]  }
0x30: {  	s3 =	sld [smem:$0x3FAE]  }
0x31: {  	[smem:$0x3FB7] =	sst s10  }
0x32: {  	s10 =	sld [smem:$0x3FB5];
	_ =	sdelay $0x3  }
0x33: {  	p0 =	seq.s32 s10, $0x1;
	s10 =	sld [smem:$0x3FB7];
	_ =	sdelay $0x3  }
0x34: {  	[smem:$0x3FB7] =	sst s10  }
0x35: {  	s10 =	sld [smem:$0x3FB6];
	_ =	sdelay $0x3  }
0x36: {  	p1 =	seq.s32 s10, $0x1;
	s10 =	sld [smem:$0x3FB7];
	_ =	sdelay $0x3  }
0x37: {  	[smem:$0x3FB7] =	sst s10  }
0x38: {  	s10 =	sld [smem:$0x3FB8]  }
0x39: {  	_ = 	snop;
	(pc) =	sbr.ind lr, $3  }
0x3a: {  	_ = 	snop  }
0x3b: {  	_ = 	snop  }
0x3c: {  	p2 =	seq.s32 s10, $0x1;
	s10 =	sld [smem:$0x3FB7]  }
0x3d: {  	_ =	shalt  }
0x3e: {  	_ =	shalt  }
0x3f: {  	_ =	shalt  }
0x40: {  	_ =	shalt  }
0x41: {  	_ =	shalt  }
0x42: {  	_ =	shalt  }
0x43: {  	_ =	shalt  }
0x44: {  	_ =	shalt  }
0x45: {  	_ =	shalt  }
0x46: {  	_ =	shalt  }
0x47: {  	_ =	shalt  }
0x48: {  	_ =	shalt  }
0x49: {  	_ =	shalt  }
0x4a: {  	_ =	shalt  }
0x4b: {  	_ =	shalt  }
0x4c: {  	_ =	shalt  }
0x4d: {  	_ =	shalt  }
0x4e: {  	_ =	shalt  }
0x4f: {  	_ =	shalt  }
0x50: {  	_ =	shalt  }
0x51: {  	_ =	shalt  }
0x52: {  	_ =	shalt  }
0x53: {  	_ =	shalt  }
0x54: {  	_ =	shalt  }
0x55: {  	_ =	shalt  }
0x56: {  	_ =	shalt  }
0x57: {  	_ =	shalt  }
0x58: {  	_ =	shalt  }
0x59: {  	_ =	shalt  }
0x5a: {  	_ =	shalt  }
0x5b: {  	_ =	shalt  }
0x5c: {  	_ =	shalt  }
0x5d: {  	_ =	shalt  }
0x5e: {  	_ =	shalt  }
0x5f: {  	_ =	shalt  }
0x60: {  	_ =	shalt  }
0x61: {  	_ =	shalt  }
0x62: {  	_ =	shalt  }
0x63: {  	_ =	shalt  }
0x64: {  	_ =	shalt  }
0x65: {  	_ =	shalt  }
0x66: {  	_ =	shalt  }
0x67: {  	_ =	shalt  }
0x68: {  	_ =	shalt  }
0x69: {  	_ =	shalt  }
0x6a: {  	_ =	shalt  }
0x6b: {  	_ =	shalt  }
0x6c: {  	_ =	shalt  }
0x6d: {  	_ =	shalt  }
0x6e: {  	_ =	shalt  }
0x6f: {  	_ =	shalt  }
0x70: {  	_ =	shalt  }
0x71: {  	_ =	shalt  }
0x72: {  	_ =	shalt  }
0x73: {  	_ =	shalt  }
0x74: {  	_ =	shalt  }
0x75: {  	_ =	shalt  }
0x76: {  	_ =	shalt  }
0x77: {  	_ =	shalt  }
0x78: {  	_ =	shalt  }
0x79: {  	_ =	shalt  }
0x7a: {  	_ =	shalt  }
0x7b: {  	_ =	shalt  }
0x7c: {  	_ =	shalt  }
0x7d: {  	_ =	shalt  }
0x7e: {  	_ =	shalt  }
0x7f: {  	_ =	shalt  }
0x80: {  	_ =	shalt  }
0x81: {  	_ =	shalt  }
0x82: {  	_ =	shalt  }
0x83: {  	_ =	shalt  }
0x84: {  	_ =	shalt  }
0x85: {  	_ =	shalt  }
0x86: {  	_ =	shalt  }
0x87: {  	_ =	shalt  }
.Lfunc_end0:
.L_simem_size_0:
called_computation_lowered:
.L_overlay_start_0:
0x88: {  	s2 =	sld [smem:$0x3FD9]  }
0x89: {  	s3 =	sld [smem:$0x3FFE];
	_ =	sdelay $0x1  }
0x8a: {  	s1 =	srdreg.scid  }
0x8b: {  	s0 =	sand.u32 $0x1, s1  }
0x8c: {  	s17 =	sshll.u32 s0, $0xA;
	s2 =	sadd.s32 s3, s2  }
0x8d: {  	s2 =	sadd.s32 s2, s17  }
0x8e: {  	[smem:$0x3FC3] =	sst s2  }
0x8f: {  	_ = 	snop  }
0x90: {  	s2 =	sld [smem:$0x3FC6]  }
0x91: {  	s18 =	sld [smem:$0x3FD0];
	(tm) =	ssettm $0x1  }
0x92: {  	s4 =	sld [smem:$0x3FFB];
	_ =	sdelay $0x3  }
0x93: {  	_ =	strace s4  }
0x94: {  	s4 =	sld [smem:$0x3FFC];
	_ =	sdelay $0x3  }
0x95: {  	_ =	strace s4  }
0x96: {  	s4 =	sld [smem:$0x3FFD];
	_ =	sdelay $0x3  }
0x97: {  	_ =	strace s4  }
0x98: {  	_ =	strace $0x8FFFFFFF  }
0x99: {  	s19 =	sld [smem:$0x3FDB];
	_ =	sdelay $0x1  }
0x9a: {  	s5 =	simm.s32 $_scs_section_size  }
0x9b: {  	s6 =	simm.s32 $_size__tile_overlayer_lowered;
	s7 =	simm.s32 $_tile_overlayer_lowered  }
0x9c: {  	s22 =	simm.s32 $0x1BFF;
	s21 =	sshll.u32 s7, $0x1;
	s4 =	sadd.s32 s5, s19  }
0x9d: {  	s8 =	simm.s32 $0x0;
	s20 =	sshll.u32 s6, $0x1;
	s6 =	sadd.s32 s21, s4  }
0x9e: {  	[timem:s8], [sflag:s22] =	dma.local [hbm:s6], s20  }
0x9f: {  	_ =	swait.ge [sflag:s22], s20  }
0xa0: {  	s5 =	ssub.s32 $0x0, s20;
	[sflag:s22] =	ssyncset.done $0x0  }
0xa1: {  	[sflag:s22] =	ssyncadd.s32 s5;
	_ =	sdelay $0x1  }
0xa2: {  	s23 =	simm.s32 $0x1B8B  }
0xa3: {  	_ =	swait.ge [sflag:s23], $0x1  }
0xa4: {  	[sflag:s23] =	ssyncset.done $0x0  }
0xa5: {  	s25 =	simm.s32 $0x1B8E;
	s24 =	sld [smem:$0x3FFE];
	[sflag:s23] =	ssyncadd.s32 $0xFFFFFFFF  }
0xa6: {  	s26 =	simm.s32 $execute0_lowered;
	[smem:$0x3FD2] =	sst s25  }
0xa7: {  	s6 =	sshll.u32 s26, $0x1;
	_ =	strace $0x80000046;
	[dreg:$0x1] =	wrdreg $0xFFFFFFFF  }
0xa8: {  	s28 =	simm.s32 $_size_execute0_lowered;
	s4 =	sadd.s32 s4, s6;
	[dreg:$0x0] =	wrdreg $0x0  }
0xa9: {  	s6 =	sshll.u32 s28, $0x1;
	[dreg:$0x2] =	wrdreg s4  }
0xaa: {  	[dreg:$0x3] =	wrdreg s6  }
0xab: {  	[dreg:$0x4] =	wrdreg $0xC0  }
0xac: {  	_ =	task [dreg:s8], $0x5FFFF  }
0xad: {  	[dreg:$0x1] =	wrdreg $0xFFFFFFFF  }
0xae: {  	[dreg:$0x0] =	wrdreg $0x60  }
0xaf: {  	[dreg:$0x2] =	wrdreg s2  }
0xb0: {  	[dreg:$0x3] =	wrdreg s18  }
0xb1: {  	[dreg:$0x4] =	wrdreg s24  }
0xb2: {  	[dreg:$0x5] =	wrdreg $0x9  }
0xb3: {  	_ =	task.clear_ibuf [dreg:s8], $0x6FFFF;
	_ =	strace $0x90000046  }
0xb4: {  	s29 =	simm.s32 $0x9;
	_ =	strace $0x80000048  }
0xb5: {  	_ =	swait.ge [sflag:s29], $0x1  }
0xb6: {  	[sflag:s29] =	ssyncadd.s32 $0xFFFFFFFF  }
0xb7: {  	_ =	strace $0x90000048  }
0xb8: {  	_ =	sfence  }
0xb9: {  	s30 =	sld [smem:$0x0];
	_ =	sdelay $0x2  }
0xba: {  	s31 =	sshll.u32 s1, $0xD;
	s1 =	sshrl.u32 s1, $0x2  }
0xbb: {  	s3 =	sand.u32 $0x4000, s31;
	s1 =	sadd.s32 s1, s30  }
0xbc: {  	s0 =	sor.u32 s3, s0;
	s1 =	sshll.u32 s1, $0x11  }
0xbd: {  	s0 =	sor.u32 s1, s0  }
0xbe: {  	s0 =	sadd.s32 $0x8F2B, s0  }
0xbf: {  	[sflag:s0] =	ssyncadd.remote.s32 $0x1  }
0xc0: {  	_ =	sfence.sel $0xFFFF  }
0xc1: {  	[dreg:$0x0] =	wrdreg $0xFFFFFFFF;
	(pc) =	sbr.abs _section_cstart, $3  }
0xc2: {  	[dreg:$0x1] =	wrdreg $0xFFFFFFFF  }
0xc3: {  	_ =	task.clear_ibuf [dreg:s8], $0x2FFFF;
	_ =	strace $0x9FFFFFFF  }
0xc4: {  	(tm) =	ssettm $0x7FFFFFFF  }
0xc5: {  	_ =	shalt  }
tec
execute0_lowered:
.L_overlay_start_1:
0x0: {  	(tag) =	ssettag $0x1  }
0x1: {  	s6 =	rddreg [dreg:$0x0]  }
0x2: {  	s0 =	rddreg [dreg:$0x2]  }
0x3: {  	s1 =	srdreg.scid;
	s2 =	stileid.u32;
	s3 =	simm.s32 $0x0  }
0x4: {  	s18 =	simm.s32 $0x8000;
	[smem:$0x7FF] =	sst s3;
	s4 =	sadd.s32 $0x2000, s0  }
0x5: {  	s29 =	sadd.s32 $0x1EA400, s0;
	_ =	strace $0x80000047;
	[dreg:$0xa] =	wrdreg s4  }
0x6: {  	s1 =	sand.u32 $0x1, s1;
	s30 =	sadd.s32 $0xF4000, s6;
	[dreg:$0x10] =	wrdreg s29  }
0x7: {  	v0 =	vlaneseq.u32;
	s2 =	sshll.u32 s2, $0x1;
	s0 =	sadd.s32 $0x1EA000, s0;
	[dreg:$0x11] =	wrdreg s30  }
0x8: {  	v1 =	vand.u32 $0x7, v0;
	v0 =	vmul.u32 $0x10, v0;
	s2 =	sor.u32 s1, s2;
	s1 =	ssub.s32 $0x2, s1;
	[dreg:$0x12] =	wrdreg s0  }
0x9: {  	s21 =	ssub.s32 $0x3EF, s2;
	s22 =	sshrl.u32 s1, $0x1;
	s26 =	sshll.u32 s2, $0xD  }
0xa: {  	v17 =	vmul.u32 $0x10, v1;
	s23 =	sshll.u32 s2, $0xA;
	s28 =	sshll.u32 s2, $0xE;
	v2 =	vor.u32 $0x1, v0;
	v3 =	vor.u32 $0x2, v0;
	[dreg:$0xe] =	wrdreg s26  }
.Ltmp0:
0xb: {  	v4 =	vor.u32 $0x3, v0;
	v5 =	vor.u32 $0x4, v0;
	v6 =	vor.u32 $0x5, v0;
	s5 =	sshrl.u32 s21, $0x5;
	[dreg:$0xf] =	wrdreg s28;
	(pc) =	sbr.rel .LBB2_1-.Ltmp0, $4  }
0xc: {  	v7 =	vor.u32 $0x6, v0;
	v8 =	vor.u32 $0x7, v0;
	v9 =	vor.u32 $0x8, v0;
	s1 =	ssub.s32 s1, s22;
	s24 =	sadd.s32 s6, s23;
	[dreg:$0xb] =	wrdreg s5  }
0xd: {  	v10 =	vor.u32 $0x9, v0;
	v11 =	vor.u32 $0xA, v0;
	v12 =	vor.u32 $0xB, v0;
	s5 =	sadd.s32 $0x1, s5;
	[dreg:$0xc] =	wrdreg s24;
	s31 =	smax.u32 s1, $0x1  }
0xe: {  	v13 =	vor.u32 $0xC, v0;
	v14 =	vor.u32 $0xD, v0;
	p0 =	seq.s32 s2, $0x1;
	v15 =	vor.u32 $0xE, v0;
	s25 =	sshrl.u32 s5, $0x1;
	[dreg:$0x13] =	wrdreg s31  }
0xf: {  	v16 =	vor.u32 $0xF, v0;
	p1 =	sne.s32 s2, $0x0;
	v1 =	vor.u32 $0xFFFFFE80, v17;
	v17 =	vor.u32 $0xFFFFFF80, v17;
	s1 =	simm.s32 $0x0;
	[dreg:$0xd] =	wrdreg s25  }
.LBB2_14:
0x10: {  	s0 =	stileid.u32  }
0x11: {  	s1 =	rddreg [dreg:$0x1];
	s0 =	sshll.u32 s0, $0x6  }
0x12: {  	s2 =	rddreg [dreg:$0x10];
	s31 =	simm.s32 $0x5;
	s0 =	sor.u32 $0x1C05, s0  }
0x13: {  	[hbm:s2], [sflag:s0] =	dma.local [hbm:s1], $0x80  }
0x14: {  	_ =	swait.ge [sflag:s31], $0x80  }
0x15: {  	[sflag:s31] =	ssyncset.done $0x0  }
0x16: {  	s1 =	rddreg [dreg:$0x14];
	[sflag:s31] =	ssyncadd.s32 $0xFFFFFF80  }
.LBB2_15:
0x17: {  	s1 =	sadd.s32 $0x1, s1;
	s0 =	rddreg [dreg:$0x13]  }
0x18: {  	p2 =	sne.s32 s1, s0  }
.Ltmp1:
0x19: {  	_ = 	snop;
	(pc) =	sbr.rel @!p2 .LBB2_16-.Ltmp1, $1  }
0x1a: {  	_ =	sdelay $0x3  }
.LBB2_1:
.Ltmp2:
0x1b: {  	(pc) =	sbr.rel .LBB2_2-.Ltmp2, $4  }
0x1c: {  	[dreg:$0x14] =	wrdreg s1  }
0x1d: {  	s0 =	simm.s32 $0x0;
	s31 =	rddreg [dreg:$0xc]  }
0x1e: {  	s2 =	simm.s32 $0x2000;
	s3 =	simm.s32 $0x7A1400;
	s26 =	simm.s32 $0x0  }
0x1f: {  	[tilespmem:s0], [sflag:$0x1] =	stream.strided.gather [hbm4b:s31+s2], $0x4000, s3, s2, $0x38;
	[tilespmem:$0x10000] =	vst v63  }
.LBB2_8:
0x20: {  	s26 =	sadd.s32 $0x1, s26;
	s0 =	rddreg [dreg:$0xd]  }
0x21: {  	p2 =	sne.s32 s26, s0  }
.Ltmp3:
0x22: {  	_ = 	snop;
	(pc) =	sbr.rel @!p2 .LBB2_9-.Ltmp3, $1  }
0x23: {  	_ =	sdelay $0x3  }
.LBB2_2:
0x24: {  	s1 =	sshllo.u32 s26, $0x1;
	s0 =	rddreg [dreg:$0xb]  }
0x25: {  	p3 =	sge.u32 s1, s0;
	[dreg:$0x16] =	wrdreg s1  }
0x26: {  	s0 =	sshll.u32 @!p3 s1, $0x12;
	s1 =	rddreg [dreg:$0xe]  }
0x27: {  	s22 =	simm.s32 $0x1;
	s0 =	sor.u32 @!p3 s1, s0  }
0x28: {  	s2 =	simm.s32 @!p3 $0x7A1400;
	s1 =	rddreg [dreg:$0x0];
	s0 =	sshrl.u32 @!p3 s0, $0x3  }
0x29: {  	s3 =	simm.s32 @!p3 $0x4000;
	s0 =	sadd.s32 @!p3 s1, s0;
	s1 =	simm.s32 @!p3 $0x2000  }
0x2a: {  	[tilespmem:s3], [sflag:$0x2] =	stream.strided.gather @!p3 [hbm4b:s0+s1], $0x4000, s2, s1, $0x38;
	[tilespmem:$0x10000] =	vst v63  }
0x2b: {  	_ =	swait.ge [sflag:s22], $0x4000  }
0x2c: {  	p2 =	seq.s32 s26, $0x0;
	[sflag:s22] =	ssyncset.done $0x0  }
0x2d: {  	s23 =	simm.s32 $0x0;
	s0 =	simm.s32 @!p2 $0x3;
	[sflag:s22] =	ssyncadd.s32 $0xFFFFC000  }
0x2e: {  	s7 =	simm.s32 $0x0;
	s28 =	simm.s32 $0x0;
	_ =	swait.ge @!p2 [sflag:s0], $0x4000  }
0x2f: {  	s19 =	sand.u32 $0x1C00, s23;
	s1 =	sand.u32 $0x60, s7;
	[sflag:s0] =	ssyncset.done @!p2 $0x0  }
0x30: {  	v18 =	vor.u32 s28, v0;
	s5 =	sor.u32 s1, s19;
	[sflag:s0] =	ssyncadd.s32 @!p2 $0xFFFFC000  }
0x31: {  	v18 =	vand.u32 v1, v18;
	v19 =	vld [tilespmem:s5+$0x0];
	_ =	sdelay $0x3  }
0x32: {  	s25 =	simm.s32 $0x10  }
0x33: {  	s4 =	simm.s32 $0x100;
	s24 =	sand.u32 $0x70, s25;
	[tilespmem:v18+s18+$0x0] =	vst.idx.msk $0xffff, v19  }
0x34: {  	v20 =	vor.u32 s28, v2;
	s11 =	sor.u32 s24, s19;
	v18 =	vor.u32 s4, v0;
	v19 =	vld [tilespmem:s5+$0x80]  }
0x35: {  	v21 =	vld [tilespmem:s11+$0x0];
	v18 =	vand.u32 v17, v18;
	_ =	sdelay $0x3  }
0x36: {  	[tilespmem:v20+s18+$0x0] =	vst.idx.msk $0xffff, v19  }
0x37: {  	[tilespmem:v18+s18+$0x0] =	vst.idx.msk $0xffff, v21;
	v19 =	vor.u32 s28, v3;
	v18 =	vld [tilespmem:s5+$0x100]  }
0x38: {  	v20 =	vor.u32 s4, v2;
	v21 =	vld [tilespmem:s11+$0x80];
	_ =	sdelay $0x3  }
0x39: {  	[tilespmem:v19+s18+$0x0] =	vst.idx.msk $0xffff, v18  }
0x3a: {  	[tilespmem:v20+s18+$0x0] =	vst.idx.msk $0xffff, v21;
	v19 =	vor.u32 s28, v4;
	v18 =	vld [tilespmem:s5+$0x180]  }
0x3b: {  	v20 =	vor.u32 s4, v3;
	v21 =	vld [tilespmem:s11+$0x100];
	_ =	sdelay $0x3  }
0x3c: {  	[tilespmem:v19+s18+$0x0] =	vst.idx.msk $0xffff, v18  }
0x3d: {  	[tilespmem:v20+s18+$0x0] =	vst.idx.msk $0xffff, v21;
	v19 =	vor.u32 s28, v5;
	v18 =	vld [tilespmem:s5+$0x200]  }
0x3e: {  	v20 =	vor.u32 s4, v4;
	v21 =	vld [tilespmem:s11+$0x180]  }
0x3f: {  	s8 =	simm.s32 $0x100;
	s9 =	simm.s32 $0x20  }
0x40: {  	s29 =	sand.u32 $0x60, s9;
	s30 =	sand.u32 $0x1C00, s8;
	s0 =	simm.s32 $0x200  }
0x41: {  	s20 =	sor.u32 s29, s30;
	v22 =	vor.u32 s0, v0  }
0x42: {  	s6 =	simm.s32 $0x30;
	v24 =	vld [tilespmem:s20+$0x0];
	v22 =	vand.u32 v1, v22;
	[tilespmem:v19+s18+$0x0] =	vst.idx.msk $0xffff, v18  }
0x43: {  	s31 =	sand.u32 $0x70, s6;
	[tilespmem:v20+s18+$0x0] =	vst.idx.msk $0xffff, v21;
	v19 =	vor.u32 s28, v6;
	v18 =	vld [tilespmem:s5+$0x280];
	s5 =	simm.s32 $0x300  }
0x44: {  	s10 =	sor.u32 s31, s30;
	v20 =	vor.u32 s4, v5;
	v21 =	vld [tilespmem:s11+$0x200];
	v23 =	vor.u32 s5, v0  }
0x45: {  	s12 =	sand.u32 $0x3, s23;
	v25 =	vld [tilespmem:s10+$0x0];
	v23 =	vand.u32 v17, v23  }
0x46: {  	s12 =	sshll.u32 s12, $0x5  }
0x47: {  	s12 =	sadd.s32 $0x0, s12;
	[tilespmem:v22+s18+$0x0] =	vst.idx.msk $0xffff, v24  }
0x48: {  	s12 =	sor.u32 $0x300, s12;
	v24 =	vor.u32 s0, v2;
	v22 =	vld [tilespmem:s20+$0x80];
	[tilespmem:v19+s18+$0x0] =	vst.idx.msk $0xffff, v18  }
0x49: {  	[tilespmem:v20+s18+$0x0] =	vst.idx.msk $0xffff, v21;
	v19 =	vor.u32 s28, v7;
	v18 =	vld [tilespmem:s12+$0x0]  }
0x4a: {  	v20 =	vor.u32 s4, v6;
	v21 =	vld [tilespmem:s11+$0x280];
	[tilespmem:v23+s18+$0x0] =	vst.idx.msk $0xffff, v25  }
0x4b: {  	s12 =	sand.u32 $0x7, s23;
	v23 =	vor.u32 s5, v2;
	v25 =	vld [tilespmem:s10+$0x80]  }
0x4c: {  	s11 =	sshll.u32 s12, $0x4  }
0x4d: {  	s7 =	sor.u32 s7, s23;
	[tilespmem:v24+s18+$0x0] =	vst.idx.msk $0xffff, v22;
	s11 =	sadd.s32 $0x0, s11  }
0x4e: {  	s7 =	sor.u32 $0x380, s7;
	v24 =	vor.u32 s0, v3;
	v22 =	vld [tilespmem:s20+$0x100];
	s11 =	sadd.s32 $0x10, s11;
	[tilespmem:v19+s18+$0x0] =	vst.idx.msk $0xffff, v18  }
0x4f: {  	s11 =	sor.u32 $0x300, s11;
	[tilespmem:v20+s18+$0x0] =	vst.idx.msk $0xffff, v21;
	v19 =	vor.u32 s28, v8;
	v18 =	vld [tilespmem:s7+$0x0]  }
0x50: {  	v20 =	vor.u32 s4, v7;
	v21 =	vld [tilespmem:s11+$0x0];
	[tilespmem:v23+s18+$0x0] =	vst.idx.msk $0xffff, v25  }
0x51: {  	v23 =	vor.u32 s5, v3;
	v25 =	vld [tilespmem:s10+$0x100];
	_ =	sdelay $0x1  }
0x52: {  	s13 =	sor.u32 $0x2000, s19;
	[tilespmem:v24+s18+$0x0] =	vst.idx.msk $0xffff, v22  }
0x53: {  	s2 =	sor.u32 s25, s23;
	s14 =	sor.u32 s1, s13;
	v24 =	vor.u32 s0, v4;
	v22 =	vld [tilespmem:s20+$0x180];
	[tilespmem:v19+s18+$0x0] =	vst.idx.msk $0xffff, v18  }
0x54: {  	s2 =	sor.u32 $0x380, s2;
	[tilespmem:v20+s18+$0x0] =	vst.idx.msk $0xffff, v21;
	v19 =	vor.u32 s28, v9;
	v18 =	vld [tilespmem:s14+$0x0]  }
0x55: {  	v20 =	vor.u32 s4, v8;
	v21 =	vld [tilespmem:s2+$0x0];
	[tilespmem:v23+s18+$0x0] =	vst.idx.msk $0xffff, v25  }
0x56: {  	v23 =	vor.u32 s5, v4;
	v25 =	vld [tilespmem:s10+$0x180];
	_ =	sdelay $0x1  }
0x57: {  	s15 =	sor.u32 $0x2080, s19;
	[tilespmem:v24+s18+$0x0] =	vst.idx.msk $0xffff, v22  }
0x58: {  	s16 =	sor.u32 s1, s15;
	v24 =	vor.u32 s0, v5;
	v22 =	vld [tilespmem:s20+$0x200];
	[tilespmem:v19+s18+$0x0] =	vst.idx.msk $0xffff, v18  }
0x59: {  	s7 =	sor.u32 s24, s13;
	[tilespmem:v20+s18+$0x0] =	vst.idx.msk $0xffff, v21;
	v19 =	vor.u32 s28, v10;
	v18 =	vld [tilespmem:s16+$0x0]  }
0x5a: {  	v20 =	vor.u32 s4, v9;
	v21 =	vld [tilespmem:s7+$0x0];
	[tilespmem:v23+s18+$0x0] =	vst.idx.msk $0xffff, v25  }
0x5b: {  	v23 =	vor.u32 s5, v5;
	v25 =	vld [tilespmem:s10+$0x200];
	_ =	sdelay $0x1  }
0x5c: {  	s17 =	simm.s32 $0x2;
	[tilespmem:v24+s18+$0x0] =	vst.idx.msk $0xffff, v22;
	s16 =	sor.u32 $0x2100, s19  }
0x5d: {  	s17 =	sand.u32 $0x7, s17;
	s3 =	simm.s32 $0x400;
	v22 =	vld [tilespmem:s20+$0x280];
	s21 =	sor.u32 s1, s16;
	[tilespmem:v19+s18+$0x0] =	vst.idx.msk $0xffff, v18  }
0x5e: {  	s20 =	sor.u32 $0x2180, s19;
	s13 =	simm.s32 $0x40;
	s2 =	sor.u32 s24, s15;
	[tilespmem:v20+s18+$0x0] =	vst.idx.msk $0xffff, v21;
	v19 =	vor.u32 s28, v11;
	v18 =	vld [tilespmem:s21+$0x0]  }
0x5f: {  	s12 =	simm.s32 $0x50;
	s22 =	sand.u32 $0x60, s13;
	s15 =	simm.s32 $0x200;
	v20 =	vor.u32 s4, v10;
	v21 =	vld [tilespmem:s2+$0x0];
	[tilespmem:v23+s18+$0x0] =	vst.idx.msk $0xffff, v25  }
0x60: {  	v24 =	vor.u32 s0, v6;
	s23 =	sand.u32 $0x70, s12;
	s11 =	sand.u32 $0x1C00, s15;
	[dreg:$0x5] =	wrdreg s22  }
0x61: {  	s14 =	simm.s32 $0x500;
	s21 =	simm.s32 $0x1;
	v23 =	vor.u32 s5, v6;
	v25 =	vor.u32 s3, v0;
	s22 =	sor.u32 s22, s11;
	v26 =	vld [tilespmem:s10+$0x280]  }
0x62: {  	v27 =	vor.u32 s14, v0;
	s7 =	smov.u32 s23;
	s23 =	sor.u32 s23, s11;
	s25 =	sand.u32 $0x3, s21;
	v25 =	vand.u32 v1, v25;
	v28 =	vld [tilespmem:s22+$0x0]  }
0x63: {  	s17 =	sshll.u32 s17, $0x4;
	v27 =	vand.u32 v17, v27;
	v29 =	vld [tilespmem:s23+$0x0];
	s10 =	sshll.u32 s25, $0x5;
	s25 =	sor.u32 s1, s20;
	[tilespmem:v19+s18+$0x0] =	vst.idx.msk $0xffff, v18  }
0x64: {  	s17 =	sadd.s32 $0x100, s17;
	s16 =	sor.u32 s24, s16;
	s10 =	sadd.s32 $0x100, s10;
	[tilespmem:v20+s18+$0x0] =	vst.idx.msk $0xffff, v21;
	v19 =	vor.u32 s28, v12;
	v18 =	vld [tilespmem:s25+$0x0]  }
0x65: {  	s2 =	sadd.s32 $0x10, s17;
	[tilespmem:v24+s18+$0x0] =	vst.idx.msk $0xffff, v22;
	v21 =	vor.u32 s4, v11;
	s10 =	sor.u32 $0x300, s10;
	v20 =	vld [tilespmem:s16+$0x0]  }
0x66: {  	v24 =	vor.u32 s0, v7;
	v22 =	vld [tilespmem:s10+$0x0];
	s16 =	sor.u32 $0x300, s2;
	[tilespmem:v23+s18+$0x0] =	vst.idx.msk $0xffff, v26  }
0x67: {  	v26 =	vor.u32 s5, v7;
	[tilespmem:v25+s18+$0x0] =	vst.idx.msk $0xffff, v28;
	v23 =	vld [tilespmem:s16+$0x0]  }
0x68: {  	s10 =	sor.u32 $0x2200, s19;
	v28 =	vor.u32 s3, v2;
	[tilespmem:v27+s18+$0x0] =	vst.idx.msk $0xffff, v29;
	v25 =	vld [tilespmem:s22+$0x80]  }
0x69: {  	s17 =	sor.u32 s1, s10;
	v27 =	vor.u32 s14, v2;
	v29 =	vld [tilespmem:s23+$0x80];
	[tilespmem:v19+s18+$0x0] =	vst.idx.msk $0xffff, v18  }
0x6a: {  	s9 =	sor.u32 s9, s8;
	s25 =	sor.u32 s24, s20;
	[tilespmem:v21+s18+$0x0] =	vst.idx.msk $0xffff, v20;
	v19 =	vor.u32 s28, v13;
	v18 =	vld [tilespmem:s17+$0x0]  }
0x6b: {  	s6 =	sor.u32 s6, s8;
	s2 =	sor.u32 $0x380, s9;
	v20 =	vor.u32 s4, v12;
	[tilespmem:v24+s18+$0x0] =	vst.idx.msk $0xffff, v22;
	v21 =	vld [tilespmem:s25+$0x0]  }
0x6c: {  	s6 =	sor.u32 $0x380, s6;
	v24 =	vor.u32 s0, v8;
	v22 =	vld [tilespmem:s2+$0x0];
	[tilespmem:v26+s18+$0x0] =	vst.idx.msk $0xffff, v23  }
0x6d: {  	v23 =	vor.u32 s5, v8;
	[tilespmem:v28+s18+$0x0] =	vst.idx.msk $0xffff, v25;
	v25 =	vld [tilespmem:s6+$0x0]  }
0x6e: {  	v28 =	vor.u32 s3, v3;
	[tilespmem:v27+s18+$0x0] =	vst.idx.msk $0xffff, v29;
	v26 =	vld [tilespmem:s22+$0x100];
	s6 =	sor.u32 $0x2280, s19  }
0x6f: {  	v29 =	vor.u32 s14, v3;
	v31 =	vld [tilespmem:s23+$0x100];
	s9 =	sor.u32 s1, s6;
	[tilespmem:v19+s18+$0x0] =	vst.idx.msk $0xffff, v18  }
0x70: {  	v33 =	vor.u32 s28, v14;
	s10 =	sor.u32 s24, s10;
	[tilespmem:v20+s18+$0x0] =	vst.idx.msk $0xffff, v21;
	v32 =	vld [tilespmem:s9+$0x0]  }
0x71: {  	v34 =	vor.u32 s4, v13;
	s16 =	sor.u32 $0x2000, s30;
	[tilespmem:v24+s18+$0x0] =	vst.idx.msk $0xffff, v22;
	v24 =	vld [tilespmem:s10+$0x0]  }
0x72: {  	s17 =	sor.u32 s29, s16;
	[tilespmem:v23+s18+$0x0] =	vst.idx.msk $0xffff, v25  }
0x73: {  	v49 =	vor.u32 s28, v15;
	s20 =	sor.u32 s31, s16;
	v35 =	vld [tilespmem:s17+$0x0];
	[tilespmem:v28+s18+$0x0] =	vst.idx.msk $0xffff, v26  }
0x74: {  	v44 =	vor.u32 s3, v4;
	v38 =	vor.u32 s0, v9;
	[tilespmem:v29+s18+$0x0] =	vst.idx.msk $0xffff, v31;
	v26 =	vld [tilespmem:s20+$0x0]  }
0x75: {  	v40 =	vor.u32 s5, v9;
	v30 =	vor.u32 s5, v10;
	v46 =	vor.u32 s14, v4;
	s9 =	sor.u32 $0x2300, s19;
	v42 =	vld [tilespmem:s22+$0x180];
	[tilespmem:v33+s18+$0x0] =	vst.idx.msk $0xffff, v32  }
0x76: {  	v39 =	vor.u32 s14, v5;
	v37 =	vor.u32 s14, v6;
	v36 =	vor.u32 s14, v7;
	s25 =	simm.s32 $0x4;
	s2 =	sor.u32 s1, s9;
	v47 =	vld [tilespmem:s23+$0x180];
	[tilespmem:v34+s18+$0x0] =	vst.idx.msk $0xffff, v24  }
0x77: {  	s16 =	sshll.u32 s26, $0x1;
	v27 =	vor.u32 s5, v12;
	s6 =	sor.u32 s24, s6;
	v21 =	vor.u32 s4, v14;
	v19 =	vor.u32 s4, v15;
	v48 =	vld [tilespmem:s2+$0x0];
	[dreg:$0x15] =	wrdreg s26  }
0x78: {  	v18 =	vor.u32 s4, v16;
	s4 =	sand.u32 $0x7, s25;
	v22 =	vor.u32 s5, v15;
	v20 =	vor.u32 s5, v16;
	s10 =	sor.u32 $0x2080, s30;
	[dreg:$0x17] =	wrdreg s16  }
0x79: {  	s8 =	simm.s32 $0x4;
	s4 =	sshll.u32 s4, $0x4;
	s17 =	sor.u32 s29, s10;
	v28 =	vor.u32 s5, v11;
	v25 =	vor.u32 s5, v13;
	v23 =	vor.u32 s5, v14;
	[tilespmem:v38+s18+$0x0] =	vst.idx.msk $0xffff, v35;
	v41 =	vld [tilespmem:s6+$0x0]  }
0x7a: {  	s4 =	sadd.s32 $0x200, s4;
	s25 =	sor.u32 s31, s10;
	s10 =	sor.u32 s24, s9;
	v31 =	vor.u32 s14, v12;
	v29 =	vor.u32 s14, v13;
	v34 =	vor.u32 s14, v8;
	v43 =	vld [tilespmem:s17+$0x0];
	[tilespmem:v40+s18+$0x0] =	vst.idx.msk $0xffff, v26  }
0x7b: {  	s4 =	sadd.s32 $0x10, s4;
	s5 =	simm.s32 $0x6;
	s20 =	sor.u32 s12, s15;
	v33 =	vor.u32 s14, v9;
	v32 =	vor.u32 s14, v11;
	v24 =	vor.u32 s14, v16;
	[tilespmem:v44+s18+$0x0] =	vst.idx.msk $0xffff, v42;
	v42 =	vld [tilespmem:s25+$0x0]  }
0x7c: {  	s26 =	sor.u32 $0x2380, s19;
	v38 =	vor.u32 s14, v10;
	s6 =	sor.u32 $0x300, s4;
	s4 =	sor.u32 $0x380, s20;
	v35 =	vor.u32 s14, v14;
	v26 =	vor.u32 s14, v15;
	[tilespmem:v46+s18+$0x0] =	vst.idx.msk $0xffff, v47;
	v45 =	vld [tilespmem:s22+$0x200]  }
0x7d: {  	s9 =	sor.u32 s1, s26;
	s19 =	sor.u32 s24, s26;
	s1 =	simm.s32 $0x200;
	v44 =	vor.u32 s0, v10;
	v47 =	vor.u32 s3, v5;
	v46 =	vld [tilespmem:s23+$0x200];
	[tilespmem:v49+s18+$0x0] =	vst.idx.msk $0xffff, v48  }
.LBB2_3:
0x7e: {  	_ =	sdelay $0x2  }
0x7f: {  	s17 =	sand.u32 $0x7, s5;
	s20 =	sor.u32 $0x2100, s30;
	v48 =	vld [tilespmem:s9+$0x0];
	v49 =	vor.u32 s28, v16;
	[tilespmem:v21+s18+$0x0] =	vst.idx.msk $0xffff, v41  }
0x80: {  	s28 =	smov.u32 s0;
	s12 =	sadd.s32 $0x20, s12;
	s24 =	sor.u32 s29, s20;
	v59 =	vld [tilespmem:s10+$0x0];
	[tilespmem:v44+s18+$0x0] =	vst.idx.msk $0xffff, v43  }
0x81: {  	s14 =	sadd.s32 $0x200, s14;
	s15 =	sadd.s32 $0x100, s15;
	s20 =	sor.u32 s31, s20;
	v44 =	vor.u32 s28, v11;
	[tilespmem:v30+s18+$0x0] =	vst.idx.msk $0xffff, v42;
	v43 =	vld [tilespmem:s24+$0x0]  }
0x82: {  	s21 =	sadd.s32 $0x1, s21;
	s16 =	sshll.u32 s17, $0x4;
	s10 =	sadd.s32 $0xFFFFFFF0, s12;
	[tilespmem:v47+s18+$0x0] =	vst.idx.msk $0xffff, v45;
	v61 =	vld [tilespmem:s20+$0x0]  }
0x83: {  	v52 =	vor.u32 s3, v6;
	s17 =	sadd.s32 $0xFFFFFF00, s14;
	s9 =	sand.u32 $0x1C00, s15;
	s24 =	sand.u32 $0x60, s10;
	[tilespmem:v39+s18+$0x0] =	vst.idx.msk $0xffff, v46;
	v51 =	vld [tilespmem:s22+$0x280]  }
0x84: {  	s26 =	sor.u32 $0x2180, s30;
	v62 =	vor.u32 s17, v0;
	s20 =	sand.u32 $0x70, s12;
	s22 =	sor.u32 s24, s9;
	v53 =	vld [tilespmem:s23+$0x280];
	[tilespmem:v49+s18+$0x0] =	vst.idx.msk $0xffff, v48  }
0x85: {  	s2 =	simm.s32 $0x8000;
	v60 =	vor.u32 s14, v0;
	s25 =	sand.u32 $0x3, s21;
	v63 =	vand.u32 v1, v62;
	s23 =	sor.u32 s20, s9;
	v48 =	vld [tilespmem:s22+$0x0];
	[tilespmem:v19+s18+$0x0] =	vst.idx.msk $0xffff, v59  }
0x86: {  	s0 =	sadd.s32 s15, s16;
	s25 =	sshll.u32 s25, $0x5;
	s16 =	sor.u32 s29, s26;
	v47 =	vand.u32 v17, v60;
	v56 =	vld [tilespmem:s23+$0x0];
	[tilespmem:v44+s18+$0x0] =	vst.idx.msk $0xffff, v43  }
0x87: {  	v58 =	vor.u32 s28, v12;
	s25 =	sadd.s32 s25, s1;
	[tilespmem:v28+s2+$0x0] =	vst.idx.msk $0xffff, v61;
	v57 =	vld [tilespmem:s16+$0x0]  }
0x88: {  	s0 =	sadd.s32 $0x10, s0;
	s25 =	sor.u32 $0x300, s25;
	[tilespmem:v52+s2+$0x0] =	vst.idx.msk $0xffff, v51;
	v62 =	vld [tilespmem:s19+$0x0]  }
0x89: {  	v46 =	vor.u32 s14, v6;
	v59 =	vor.u32 s3, v7;
	s16 =	sor.u32 $0x300, s0;
	[tilespmem:v37+s2+$0x0] =	vst.idx.msk $0xffff, v53;
	s0 =	smov.u32 s3;
	s3 =	smov.u32 s17;
	v52 =	vld [tilespmem:s25+$0x0]  }
0x8a: {  	v37 =	vmov v46;
	s17 =	smov.u32 s29;
	s25 =	sor.u32 s31, s26;
	[tilespmem:v63+s2+$0x0] =	vst.idx.msk $0xffff, v48;
	v46 =	vld [tilespmem:s6+$0x0];
	s26 =	rddreg [dreg:$0x5]  }
0x8b: {  	s19 =	smov.u32 s24;
	v63 =	vor.u32 s3, v2;
	s29 =	smov.u32 s26;
	v48 =	vld [tilespmem:s22+$0x80];
	s26 =	sor.u32 $0x2200, s30;
	[tilespmem:v47+s2+$0x0] =	vst.idx.msk $0xffff, v56  }
0x8c: {  	v50 =	vor.u32 s14, v2;
	[dreg:$0x5] =	wrdreg s19;
	s19 =	smov.u32 s31;
	s24 =	sor.u32 s17, s26;
	v47 =	vld [tilespmem:s23+$0x80];
	[tilespmem:v58+s2+$0x0] =	vst.idx.msk $0xffff, v57  }
0x8d: {  	v60 =	vor.u32 s14, v11;
	s31 =	smov.u32 s7;
	s7 =	smov.u32 s20;
	s20 =	sor.u32 s13, s1;
	v56 =	vor.u32 s28, v13;
	[tilespmem:v18+s2+$0x0] =	vst.idx.msk $0xffff, v62;
	v53 =	vld [tilespmem:s24+$0x0]  }
0x8e: {  	v28 =	vmov v32;
	v32 =	vmov v60;
	v61 =	vor.u32 s14, v16;
	[tilespmem:v59+s2+$0x0] =	vst.idx.msk $0xffff, v52;
	s24 =	sor.u32 $0x380, s20;
	v60 =	vld [tilespmem:s25+$0x0]  }
0x8f: {  	s18 =	sor.u32 s12, s15;
	v18 =	vmovc v20;
	v20 =	vmov v24;
	v24 =	vmov v61;
	v62 =	vor.u32 s0, v8;
	[tilespmem:v36+s2+$0x0] =	vst.idx.msk $0xffff, v46;
	v61 =	vld [tilespmem:s24+$0x0]  }
0x90: {  	s18 =	sor.u32 $0x380, s18;
	[tilespmem:v63+s2+$0x0] =	vst.idx.msk $0xffff, v48;
	v46 =	vld [tilespmem:s4+$0x0]  }
0x91: {  	s4 =	smov.u32 s18;
	v63 =	vor.u32 s3, v3;
	s18 =	sor.u32 $0x2280, s30;
	v48 =	vld [tilespmem:s22+$0x100];
	[tilespmem:v50+s2+$0x0] =	vst.idx.msk $0xffff, v47  }
0x92: {  	v41 =	vor.u32 s14, v3;
	s20 =	sor.u32 s17, s18;
	v47 =	vld [tilespmem:s23+$0x100];
	[tilespmem:v56+s2+$0x0] =	vst.idx.msk $0xffff, v53  }
0x93: {  	s26 =	sor.u32 s19, s26;
	v57 =	vor.u32 s28, v14;
	s24 =	sor.u32 $0x2000, s11;
	[tilespmem:v27+s2+$0x0] =	vst.idx.msk $0xffff, v60;
	v56 =	vld [tilespmem:s20+$0x0]  }
0x94: {  	s25 =	sor.u32 s29, s24;
	[tilespmem:v62+s2+$0x0] =	vst.idx.msk $0xffff, v61;
	v58 =	vld [tilespmem:s26+$0x0]  }
0x95: {  	s13 =	smov.u32 s10;
	s10 =	sor.u32 s31, s24;
	v60 =	vor.u32 s0, v9;
	[tilespmem:v34+s2+$0x0] =	vst.idx.msk $0xffff, v46;
	v59 =	vld [tilespmem:s25+$0x0]  }
0x96: {  	[tilespmem:v63+s2+$0x0] =	vst.idx.msk $0xffff, v48;
	v46 =	vld [tilespmem:s10+$0x0]  }
0x97: {  	s6 =	smov.u32 s16;
	s16 =	sor.u32 $0x2300, s30;
	v61 =	vor.u32 s3, v4;
	v48 =	vld [tilespmem:s22+$0x180];
	[tilespmem:v41+s2+$0x0] =	vst.idx.msk $0xffff, v47  }
0x98: {  	s8 =	sadd.s32 $0x2, s8;
	v40 =	vor.u32 s14, v4;
	s20 =	sor.u32 s17, s16;
	v62 =	vld [tilespmem:s23+$0x180];
	[tilespmem:v57+s2+$0x0] =	vst.idx.msk $0xffff, v56  }
0x99: {  	p4 =	slt.u32 s8, $0x3E;
	s18 =	sor.u32 s19, s18;
	s24 =	sor.u32 $0x2080, s11;
	v63 =	vor.u32 s28, v15;
	[tilespmem:v25+s2+$0x0] =	vst.idx.msk $0xffff, v58;
	v50 =	vld [tilespmem:s20+$0x0]  }
.Ltmp4:
0x9a: {  	v21 =	vmov v23;
	v23 =	vmov v35;
	v43 =	vor.u32 s14, v12;
	s25 =	sor.u32 s29, s24;
	[tilespmem:v60+s2+$0x0] =	vst.idx.msk $0xffff, v59;
	v41 =	vld [tilespmem:s18+$0x0];
	s18 =	simm.s32 $0x8000;
	(pc) =	sbr.rel @p4 .LBB2_3-.Ltmp4, $4  }
0x9b: {  	v54 =	vor.u32 s14, v7;
	v55 =	vor.u32 s14, v8;
	v42 =	vor.u32 s14, v9;
	v27 =	vmovc v31;
	v31 =	vmovc v43;
	s20 =	sor.u32 s31, s24;
	v43 =	vld [tilespmem:s25+$0x0];
	[tilespmem:v33+s18+$0x0] =	vst.idx.msk $0xffff, v46  }
0x9c: {  	s5 =	sadd.s32 $0x2, s5;
	v35 =	vor.u32 s14, v14;
	v30 =	vmovc v38;
	v38 =	vor.u32 s14, v10;
	v39 =	vor.u32 s14, v5;
	s1 =	smov.u32 s15;
	v33 =	vmovc v42;
	[tilespmem:v61+s18+$0x0] =	vst.idx.msk $0xffff, v48;
	v42 =	vld [tilespmem:s20+$0x0]  }
0x9d: {  	v19 =	vmovc v22;
	v22 =	vmovc v26;
	v26 =	vor.u32 s14, v15;
	v44 =	vor.u32 s14, v13;
	v36 =	vmov v54;
	s26 =	sor.u32 $0x2380, s30;
	s30 =	smov.u32 s11;
	s11 =	smov.u32 s9;
	v45 =	vld [tilespmem:s22+$0x200];
	[tilespmem:v40+s18+$0x0] =	vst.idx.msk $0xffff, v62  }
0x9e: {  	v34 =	vmovc v55;
	s10 =	sor.u32 s19, s16;
	s9 =	sor.u32 s17, s26;
	s19 =	sor.u32 s19, s26;
	v47 =	vor.u32 s3, v5;
	v25 =	vmovc v29;
	v29 =	vmov v44;
	v44 =	vor.u32 s0, v10;
	v46 =	vld [tilespmem:s23+$0x200];
	[tilespmem:v63+s18+$0x0] =	vst.idx.msk $0xffff, v50  }
0x9f: {  	_ =	sdelay $0x3  }
0xa0: {  	[tilespmem:v47+s18+$0x0] =	vst.idx.msk $0xffff, v45  }
0xa1: {  	v54 =	vor.u32 s3, v6;
	v40 =	vld [tilespmem:s22+$0x280];
	[tilespmem:v39+s18+$0x0] =	vst.idx.msk $0xffff, v46  }
0xa2: {  	s5 =	sadd.s32 $0x1, s21;
	v39 =	vld [tilespmem:s23+$0x280]  }
0xa3: {  	s5 =	sand.u32 $0x3, s5  }
0xa4: {  	s5 =	sshll.u32 s5, $0x5  }
0xa5: {  	s5 =	sadd.s32 s5, s1  }
0xa6: {  	s5 =	sor.u32 $0x300, s5;
	[tilespmem:v54+s18+$0x0] =	vst.idx.msk $0xffff, v40  }
0xa7: {  	v55 =	vor.u32 s3, v7;
	v40 =	vld [tilespmem:s5+$0x0];
	[tilespmem:v37+s18+$0x0] =	vst.idx.msk $0xffff, v39  }
0xa8: {  	v37 =	vld [tilespmem:s6+$0x0];
	_ =	sdelay $0x2  }
0xa9: {  	s8 =	sor.u32 s13, s1  }
0xaa: {  	s1 =	sor.u32 $0x380, s8;
	[tilespmem:v55+s18+$0x0] =	vst.idx.msk $0xffff, v40  }
0xab: {  	v57 =	vor.u32 s3, v8;
	v56 =	vld [tilespmem:s1+$0x0];
	[tilespmem:v36+s18+$0x0] =	vst.idx.msk $0xffff, v37  }
0xac: {  	v36 =	vld [tilespmem:s4+$0x0];
	_ =	sdelay $0x3  }
0xad: {  	s12 =	sor.u32 $0x2000, s11;
	[tilespmem:v57+s18+$0x0] =	vst.idx.msk $0xffff, v56  }
0xae: {  	s1 =	sor.u32 s7, s12;
	s13 =	rddreg [dreg:$0x5];
	[tilespmem:v34+s18+$0x0] =	vst.idx.msk $0xffff, v36  }
0xaf: {  	s14 =	sor.u32 s13, s12;
	v34 =	vld [tilespmem:s1+$0x0]  }
0xb0: {  	v59 =	vor.u32 s3, v9;
	v58 =	vld [tilespmem:s14+$0x0];
	_ =	sdelay $0x2  }
0xb1: {  	s15 =	sor.u32 $0x2080, s11  }
0xb2: {  	s1 =	sor.u32 s7, s15;
	[tilespmem:v33+s18+$0x0] =	vst.idx.msk $0xffff, v34  }
0xb3: {  	s16 =	sor.u32 s13, s15;
	[tilespmem:v59+s18+$0x0] =	vst.idx.msk $0xffff, v58;
	v33 =	vld [tilespmem:s1+$0x0]  }
0xb4: {  	v61 =	vor.u32 s3, v10;
	v60 =	vld [tilespmem:s16+$0x0]  }
0xb5: {  	s17 =	sor.u32 $0x2100, s30  }
0xb6: {  	s20 =	sor.u32 s29, s17;
	[tilespmem:v44+s18+$0x0] =	vst.idx.msk $0xffff, v43  }
0xb7: {  	v63 =	vor.u32 s0, v11;
	s21 =	sor.u32 $0x2100, s11;
	[tilespmem:v30+s18+$0x0] =	vst.idx.msk $0xffff, v42;
	v62 =	vld [tilespmem:s20+$0x0];
	s1 =	sor.u32 s31, s17  }
0xb8: {  	s4 =	sor.u32 s7, s21;
	v30 =	vld [tilespmem:s1+$0x0];
	[tilespmem:v38+s18+$0x0] =	vst.idx.msk $0xffff, v33  }
0xb9: {  	s22 =	sor.u32 s13, s21;
	[tilespmem:v61+s18+$0x0] =	vst.idx.msk $0xffff, v60;
	v33 =	vld [tilespmem:s4+$0x0]  }
0xba: {  	v40 =	vor.u32 s3, v11;
	v36 =	vld [tilespmem:s22+$0x0]  }
0xbb: {  	s23 =	sor.u32 $0x2180, s30  }
0xbc: {  	s24 =	sor.u32 s29, s23;
	[tilespmem:v63+s18+$0x0] =	vst.idx.msk $0xffff, v62  }
0xbd: {  	s25 =	sor.u32 $0x2180, s11;
	v42 =	vor.u32 s0, v12;
	v34 =	vld [tilespmem:s24+$0x0];
	s1 =	sor.u32 s31, s23;
	[tilespmem:v28+s18+$0x0] =	vst.idx.msk $0xffff, v30  }
0xbe: {  	s2 =	sor.u32 s7, s25;
	v28 =	vld [tilespmem:s1+$0x0];
	[tilespmem:v32+s18+$0x0] =	vst.idx.msk $0xffff, v33  }
0xbf: {  	s26 =	sor.u32 s13, s25;
	[tilespmem:v40+s18+$0x0] =	vst.idx.msk $0xffff, v36;
	v32 =	vld [tilespmem:s2+$0x0]  }
0xc0: {  	v44 =	vor.u32 s3, v12;
	v43 =	vld [tilespmem:s26+$0x0]  }
0xc1: {  	s4 =	sor.u32 $0x2200, s30  }
0xc2: {  	[tilespmem:v42+s18+$0x0] =	vst.idx.msk $0xffff, v34;
	s5 =	sor.u32 s29, s4  }
0xc3: {  	v46 =	vor.u32 s0, v13;
	s6 =	sor.u32 $0x2200, s11;
	s1 =	sor.u32 s31, s4;
	v45 =	vld [tilespmem:s5+$0x0];
	[tilespmem:v27+s18+$0x0] =	vst.idx.msk $0xffff, v28  }
0xc4: {  	s4 =	sor.u32 s7, s6;
	v27 =	vld [tilespmem:s1+$0x0];
	[tilespmem:v31+s18+$0x0] =	vst.idx.msk $0xffff, v32  }
0xc5: {  	s8 =	sor.u32 s13, s6;
	[tilespmem:v44+s18+$0x0] =	vst.idx.msk $0xffff, v43;
	v31 =	vld [tilespmem:s4+$0x0]  }
0xc6: {  	v48 =	vor.u32 s3, v13;
	v47 =	vld [tilespmem:s8+$0x0]  }
0xc7: {  	s12 =	sor.u32 $0x2280, s30  }
0xc8: {  	s14 =	sor.u32 s29, s12;
	[tilespmem:v46+s18+$0x0] =	vst.idx.msk $0xffff, v45  }
0xc9: {  	v50 =	vor.u32 s0, v14;
	s15 =	sor.u32 $0x2280, s11;
	s1 =	sor.u32 s31, s12;
	v49 =	vld [tilespmem:s14+$0x0];
	[tilespmem:v25+s18+$0x0] =	vst.idx.msk $0xffff, v27  }
0xca: {  	s4 =	sor.u32 s7, s15;
	v25 =	vld [tilespmem:s1+$0x0];
	[tilespmem:v29+s18+$0x0] =	vst.idx.msk $0xffff, v31  }
0xcb: {  	s16 =	sor.u32 s13, s15;
	[tilespmem:v48+s18+$0x0] =	vst.idx.msk $0xffff, v47;
	v29 =	vld [tilespmem:s4+$0x0]  }
0xcc: {  	v52 =	vor.u32 s3, v14;
	v51 =	vld [tilespmem:s16+$0x0]  }
0xcd: {  	[tilespmem:v21+s18+$0x0] =	vst.idx.msk $0xffff, v41;
	s17 =	sor.u32 $0x2300, s30  }
0xce: {  	v21 =	vld [tilespmem:s10+$0x0];
	s20 =	sor.u32 s29, s17;
	[tilespmem:v50+s18+$0x0] =	vst.idx.msk $0xffff, v49  }
0xcf: {  	v54 =	vor.u32 s0, v15;
	s21 =	sor.u32 $0x2300, s11;
	s1 =	sor.u32 s31, s17;
	v53 =	vld [tilespmem:s20+$0x0];
	[tilespmem:v23+s18+$0x0] =	vst.idx.msk $0xffff, v25  }
0xd0: {  	s4 =	sor.u32 s7, s21;
	v23 =	vld [tilespmem:s1+$0x0];
	[tilespmem:v35+s18+$0x0] =	vst.idx.msk $0xffff, v29  }
0xd1: {  	s22 =	sor.u32 s13, s21;
	[tilespmem:v52+s18+$0x0] =	vst.idx.msk $0xffff, v51;
	v57 =	vld [tilespmem:s4+$0x0]  }
0xd2: {  	v56 =	vor.u32 s3, v15;
	v55 =	vld [tilespmem:s22+$0x0]  }
0xd3: {  	[tilespmem:v19+s18+$0x0] =	vst.idx.msk $0xffff, v21;
	v58 =	vld [tilespmem:s9+$0x0];
	v59 =	vor.u32 s28, v16;
	s23 =	sor.u32 $0x2380, s30  }
0xd4: {  	v19 =	vld [tilespmem:s19+$0x0];
	s24 =	sor.u32 s29, s23;
	[tilespmem:v54+s18+$0x0] =	vst.idx.msk $0xffff, v53  }
0xd5: {  	s25 =	sor.u32 $0x2380, s11;
	v61 =	vor.u32 s0, v16;
	s1 =	sor.u32 s31, s23;
	v60 =	vld [tilespmem:s24+$0x0];
	[tilespmem:v22+s18+$0x0] =	vst.idx.msk $0xffff, v23  }
0xd6: {  	s0 =	sor.u32 s7, s25;
	v22 =	vld [tilespmem:s1+$0x0];
	[tilespmem:v26+s18+$0x0] =	vst.idx.msk $0xffff, v57  }
0xd7: {  	s26 =	sor.u32 s13, s25;
	[tilespmem:v56+s18+$0x0] =	vst.idx.msk $0xffff, v55;
	v26 =	vld [tilespmem:s0+$0x0]  }
0xd8: {  	v63 =	vor.u32 s3, v16;
	[tilespmem:v59+s18+$0x0] =	vst.idx.msk $0xffff, v58;
	v62 =	vld [tilespmem:s26+$0x0]  }
0xd9: {  	[tilespmem:v18+s18+$0x0] =	vst.idx.msk $0xffff, v19  }
0xda: {  	[tilespmem:v61+s18+$0x0] =	vst.idx.msk $0xffff, v60  }
0xdb: {  	s26 =	rddreg [dreg:$0x15];
	[tilespmem:v20+s18+$0x0] =	vst.idx.msk $0xffff, v22  }
.Ltmp5:
0xdc: {  	s28 =	sshll.u32 s26, $0x14;
	s29 =	rddreg [dreg:$0xf];
	[tilespmem:v24+s18+$0x0] =	vst.idx.msk $0xffff, v26;
	(pc) =	sbr.rel @p3 .LBB2_8-.Ltmp5, $4  }
0xdd: {  	s0 =	sor.u32 s29, s28;
	[tilespmem:v63+s18+$0x0] =	vst.idx.msk $0xffff, v62  }
0xde: {  	s0 =	sshrl.u32 s0, $0x3;
	s30 =	rddreg [dreg:$0xa]  }
0xdf: {  	s31 =	simm.s32 $0x0;
	s0 =	sadd.s32 s30, s0  }
0xe0: {  	[hbm4b:s0+s31] =	stream.linear.scatter [tilespmem:s18], [sflag:$0x3], $0x4000, $0x38;
	[tilespmem:$0x10000] =	vst v63  }
0xe1: {  	s0 =	rddreg [dreg:$0x17]  }
0xe2: {  	s1 =	rddreg [dreg:$0xb];
	s0 =	sadd.s32 $0x2, s0  }
0xe3: {  	p3 =	sge.u32 s0, s1  }
0xe4: {  	s1 =	rddreg [dreg:$0xe];
	s0 =	sshll.u32 @!p3 s0, $0x12  }
0xe5: {  	s17 =	simm.s32 $0x2;
	s0 =	sor.u32 @!p3 s1, s0  }
0xe6: {  	s2 =	simm.s32 @!p3 $0x7A1400;
	s1 =	rddreg [dreg:$0x0];
	s0 =	sshrl.u32 @!p3 s0, $0x3  }
0xe7: {  	s3 =	simm.s32 @!p3 $0x0;
	s0 =	sadd.s32 @!p3 s1, s0;
	s1 =	simm.s32 @!p3 $0x2000  }
0xe8: {  	[tilespmem:s3], [sflag:$0x1] =	stream.strided.gather @!p3 [hbm4b:s0+s1], $0x4000, s2, s1, $0x38;
	[tilespmem:$0x10000] =	vst v63  }
0xe9: {  	_ =	swait.ge [sflag:s17], $0x4000  }
0xea: {  	s18 =	simm.s32 $0x0;
	[sflag:s17] =	ssyncset.done $0x0  }
0xeb: {  	s6 =	simm.s32 $0x10;
	s1 =	simm.s32 @!p2 $0x4;
	[sflag:s17] =	ssyncadd.s32 $0xFFFFC000  }
0xec: {  	s11 =	simm.s32 $0x100;
	s3 =	sand.u32 $0x1C00, s18;
	_ =	swait.ge @!p2 [sflag:s1], $0x4000  }
0xed: {  	s2 =	sand.u32 $0x70, s6;
	s5 =	sor.u32 $0x4000, s3;
	[sflag:s1] =	ssyncset.done @!p2 $0x0  }
0xee: {  	v18 =	vor.u32 s11, v0;
	s8 =	sor.u32 s2, s5;
	[sflag:s1] =	ssyncadd.s32 @!p2 $0xFFFFC000  }
0xef: {  	v18 =	vand.u32 v17, v18;
	v19 =	vld [tilespmem:s8+$0x0];
	_ =	sdelay $0x3  }
0xf0: {  	s25 =	simm.s32 $0xC000  }
0xf1: {  	[tilespmem:v18+s25+$0x0] =	vst.idx.msk $0xffff, v19  }
0xf2: {  	v19 =	vor.u32 s11, v2;
	v18 =	vld [tilespmem:s8+$0x80];
	_ =	sdelay $0x3  }
0xf3: {  	s4 =	simm.s32 $0x0  }
0xf4: {  	s23 =	simm.s32 $0x0;
	s1 =	sand.u32 $0x60, s4;
	[tilespmem:v19+s25+$0x0] =	vst.idx.msk $0xffff, v18  }
0xf5: {  	v20 =	vor.u32 s11, v3;
	s12 =	sor.u32 s1, s5;
	v18 =	vor.u32 s23, v0;
	v19 =	vld [tilespmem:s8+$0x100]  }
0xf6: {  	v21 =	vld [tilespmem:s12+$0x0];
	v18 =	vand.u32 v1, v18;
	_ =	sdelay $0x3  }
0xf7: {  	[tilespmem:v20+s25+$0x0] =	vst.idx.msk $0xffff, v19  }
0xf8: {  	[tilespmem:v18+s25+$0x0] =	vst.idx.msk $0xffff, v21;
	v19 =	vor.u32 s11, v4;
	v18 =	vld [tilespmem:s8+$0x180]  }
0xf9: {  	v20 =	vor.u32 s23, v2;
	v21 =	vld [tilespmem:s12+$0x80];
	_ =	sdelay $0x3  }
0xfa: {  	[tilespmem:v19+s25+$0x0] =	vst.idx.msk $0xffff, v18  }
0xfb: {  	[tilespmem:v20+s25+$0x0] =	vst.idx.msk $0xffff, v21;
	v19 =	vor.u32 s11, v5;
	v18 =	vld [tilespmem:s8+$0x200]  }
0xfc: {  	v20 =	vor.u32 s23, v3;
	v21 =	vld [tilespmem:s12+$0x100];
	_ =	sdelay $0x2  }
0xfd: {  	s7 =	simm.s32 $0x100  }
0xfe: {  	s10 =	simm.s32 $0x30;
	s14 =	sand.u32 $0x1C00, s7;
	[tilespmem:v19+s25+$0x0] =	vst.idx.msk $0xffff, v18  }
0xff: {  	s28 =	simm.s32 $0x300;
	s15 =	sand.u32 $0x70, s10;
	s13 =	sor.u32 $0x4000, s14;
	[tilespmem:v20+s25+$0x0] =	vst.idx.msk $0xffff, v21;
	v19 =	vor.u32 s11, v6;
	v18 =	vld [tilespmem:s8+$0x280]  }
0x100: {  	v22 =	vor.u32 s28, v0;
	s20 =	sand.u32 $0x7, s18;
	s5 =	sor.u32 s15, s13;
	v20 =	vor.u32 s23, v4;
	v21 =	vld [tilespmem:s12+$0x180]  }
0x101: {  	v22 =	vand.u32 v17, v22;
	v23 =	vld [tilespmem:s5+$0x0];
	s8 =	sshll.u32 s20, $0x4  }
0x102: {  	s8 =	sadd.s32 $0x0, s8  }
0x103: {  	s8 =	sadd.s32 $0x10, s8  }
0x104: {  	s8 =	sor.u32 $0x300, s8;
	[tilespmem:v19+s25+$0x0] =	vst.idx.msk $0xffff, v18  }
0x105: {  	[tilespmem:v20+s25+$0x0] =	vst.idx.msk $0xffff, v21;
	v19 =	vor.u32 s11, v7;
	v18 =	vld [tilespmem:s8+$0x4000]  }
0x106: {  	[tilespmem:v22+s25+$0x0] =	vst.idx.msk $0xffff, v23;
	v20 =	vor.u32 s23, v5;
	v21 =	vld [tilespmem:s12+$0x200]  }
0x107: {  	s9 =	simm.s32 $0x20;
	v23 =	vor.u32 s28, v2;
	v22 =	vld [tilespmem:s5+$0x80]  }
0x108: {  	s19 =	simm.s32 $0x200;
	s22 =	sand.u32 $0x60, s9  }
0x109: {  	v24 =	vor.u32 s19, v0;
	s6 =	sor.u32 s6, s18;
	s13 =	sor.u32 s22, s13  }
0x10a: {  	v24 =	vand.u32 v1, v24;
	s6 =	sor.u32 $0x380, s6;
	v25 =	vld [tilespmem:s13+$0x0];
	[tilespmem:v19+s25+$0x0] =	vst.idx.msk $0xffff, v18  }
0x10b: {  	[tilespmem:v20+s25+$0x0] =	vst.idx.msk $0xffff, v21;
	v19 =	vor.u32 s11, v8;
	v18 =	vld [tilespmem:s6+$0x4000]  }
0x10c: {  	[tilespmem:v23+s25+$0x0] =	vst.idx.msk $0xffff, v22;
	v20 =	vor.u32 s23, v6;
	v21 =	vld [tilespmem:s12+$0x280]  }
0x10d: {  	v23 =	vor.u32 s28, v3;
	v22 =	vld [tilespmem:s5+$0x100]  }
0x10e: {  	s21 =	sand.u32 $0x3, s18  }
0x10f: {  	s24 =	sor.u32 $0x6000, s3;
	[tilespmem:v24+s25+$0x0] =	vst.idx.msk $0xffff, v25;
	s6 =	sshll.u32 s21, $0x5  }
0x110: {  	s26 =	sor.u32 s2, s24;
	v24 =	vor.u32 s19, v2;
	v25 =	vld [tilespmem:s13+$0x80];
	s6 =	sadd.s32 $0x0, s6;
	[tilespmem:v19+s25+$0x0] =	vst.idx.msk $0xffff, v18  }
0x111: {  	s6 =	sor.u32 $0x300, s6;
	[tilespmem:v20+s25+$0x0] =	vst.idx.msk $0xffff, v21;
	v19 =	vor.u32 s11, v9;
	v18 =	vld [tilespmem:s26+$0x0]  }
0x112: {  	[tilespmem:v23+s25+$0x0] =	vst.idx.msk $0xffff, v22;
	v20 =	vor.u32 s23, v7;
	v21 =	vld [tilespmem:s6+$0x4000]  }
0x113: {  	v23 =	vor.u32 s28, v4;
	v22 =	vld [tilespmem:s5+$0x180];
	_ =	sdelay $0x1  }
0x114: {  	s29 =	sor.u32 $0x6080, s3;
	[tilespmem:v24+s25+$0x0] =	vst.idx.msk $0xffff, v25  }
0x115: {  	s0 =	sor.u32 s4, s18;
	s16 =	sor.u32 s2, s29;
	v24 =	vor.u32 s19, v3;
	v25 =	vld [tilespmem:s13+$0x100];
	[tilespmem:v19+s25+$0x0] =	vst.idx.msk $0xffff, v18  }
0x116: {  	s0 =	sor.u32 $0x380, s0;
	[tilespmem:v20+s25+$0x0] =	vst.idx.msk $0xffff, v21;
	v19 =	vor.u32 s11, v10;
	v18 =	vld [tilespmem:s16+$0x0]  }
0x117: {  	[tilespmem:v23+s25+$0x0] =	vst.idx.msk $0xffff, v22;
	v20 =	vor.u32 s23, v8;
	v21 =	vld [tilespmem:s0+$0x4000]  }
0x118: {  	v23 =	vor.u32 s28, v5;
	v22 =	vld [tilespmem:s5+$0x200];
	_ =	sdelay $0x1  }
0x119: {  	[tilespmem:v24+s25+$0x0] =	vst.idx.msk $0xffff, v25;
	s16 =	sor.u32 $0x6100, s3  }
0x11a: {  	s4 =	simm.s32 $0x200;
	v24 =	vor.u32 s19, v4;
	v25 =	vld [tilespmem:s13+$0x180];
	s17 =	sor.u32 s2, s16;
	[tilespmem:v19+s25+$0x0] =	vst.idx.msk $0xffff, v18  }
0x11b: {  	s18 =	sor.u32 s1, s24;
	s30 =	sand.u32 $0x1C00, s4;
	s8 =	simm.s32 $0x50;
	[tilespmem:v20+s25+$0x0] =	vst.idx.msk $0xffff, v21;
	v19 =	vor.u32 s11, v11;
	v18 =	vld [tilespmem:s17+$0x0]  }
0x11c: {  	[tilespmem:v23+s25+$0x0] =	vst.idx.msk $0xffff, v22;
	s26 =	sand.u32 $0x70, s8;
	s0 =	simm.s32 $0x500;
	v20 =	vor.u32 s23, v9;
	v21 =	vld [tilespmem:s18+$0x0];
	s17 =	sor.u32 $0x4000, s30  }
0x11d: {  	v23 =	vor.u32 s28, v6;
	v22 =	vld [tilespmem:s5+$0x280];
	v26 =	vor.u32 s0, v0;
	s18 =	simm.s32 $0x2;
	s12 =	sor.u32 s26, s17  }
0x11e: {  	v26 =	vand.u32 v17, v26;
	s20 =	sand.u32 $0x7, s18;
	v27 =	vld [tilespmem:s12+$0x0]  }
0x11f: {  	[tilespmem:v24+s25+$0x0] =	vst.idx.msk $0xffff, v25;
	s18 =	sor.u32 $0x6180, s3;
	s5 =	sshll.u32 s20, $0x4  }
0x120: {  	v24 =	vor.u32 s19, v5;
	v25 =	vld [tilespmem:s13+$0x200];
	s20 =	sor.u32 s2, s18;
	s5 =	sadd.s32 $0x100, s5;
	[tilespmem:v19+s25+$0x0] =	vst.idx.msk $0xffff, v18  }
0x121: {  	s21 =	sor.u32 s1, s29;
	s5 =	sadd.s32 $0x10, s5;
	[tilespmem:v20+s25+$0x0] =	vst.idx.msk $0xffff, v21;
	v19 =	vor.u32 s11, v12;
	v18 =	vld [tilespmem:s20+$0x0]  }
0x122: {  	[tilespmem:v23+s25+$0x0] =	vst.idx.msk $0xffff, v22;
	s6 =	simm.s32 $0x40;
	v20 =	vor.u32 s23, v10;
	s5 =	sor.u32 $0x300, s5;
	v21 =	vld [tilespmem:s21+$0x0]  }
0x123: {  	v23 =	vor.u32 s28, v7;
	s29 =	sand.u32 $0x60, s6;
	v22 =	vld [tilespmem:s5+$0x4000];
	s5 =	simm.s32 $0x400;
	[tilespmem:v26+s25+$0x0] =	vst.idx.msk $0xffff, v27  }
0x124: {  	v28 =	vor.u32 s0, v2;
	s24 =	sor.u32 s29, s17;
	v26 =	vor.u32 s5, v0;
	v27 =	vld [tilespmem:s12+$0x80]  }
0x125: {  	[tilespmem:v24+s25+$0x0] =	vst.idx.msk $0xffff, v25;
	s17 =	sor.u32 $0x6200, s3;
	v24 =	vld [tilespmem:s24+$0x0];
	v25 =	vand.u32 v1, v26  }
0x126: {  	v29 =	vor.u32 s19, v6;
	s21 =	sor.u32 s2, s17;
	v26 =	vld [tilespmem:s13+$0x280];
	[tilespmem:v19+s25+$0x0] =	vst.idx.msk $0xffff, v18  }
0x127: {  	s10 =	sor.u32 s10, s7;
	s16 =	sor.u32 s1, s16;
	s20 =	simm.s32 $0x1;
	[tilespmem:v20+s25+$0x0] =	vst.idx.msk $0xffff, v21;
	v19 =	vor.u32 s11, v13;
	v18 =	vld [tilespmem:s21+$0x0]  }
0x128: {  	s10 =	sor.u32 $0x380, s10;
	v21 =	vor.u32 s23, v11;
	[tilespmem:v23+s25+$0x0] =	vst.idx.msk $0xffff, v22;
	v20 =	vld [tilespmem:s16+$0x0];
	s21 =	sand.u32 $0x3, s20  }
0x129: {  	v23 =	vor.u32 s28, v8;
	v22 =	vld [tilespmem:s10+$0x4000];
	s13 =	sshll.u32 s21, $0x5;
	[tilespmem:v28+s25+$0x0] =	vst.idx.msk $0xffff, v27  }
0x12a: {  	[tilespmem:v25+s25+$0x0] =	vst.idx.msk $0xffff, v24;
	v25 =	vor.u32 s0, v3;
	s16 =	sadd.s32 $0x100, s13;
	v24 =	vld [tilespmem:s12+$0x100]  }
0x12b: {  	v27 =	vor.u32 s5, v2;
	[tilespmem:v29+s25+$0x0] =	vst.idx.msk $0xffff, v26;
	v28 =	vld [tilespmem:s24+$0x80];
	s13 =	sor.u32 $0x6280, s3;
	s10 =	sor.u32 $0x300, s16  }
0x12c: {  	v26 =	vor.u32 s19, v7;
	s20 =	sor.u32 s2, s13;
	v29 =	vld [tilespmem:s10+$0x4000];
	[tilespmem:v19+s25+$0x0] =	vst.idx.msk $0xffff, v18  }
0x12d: {  	s21 =	sor.u32 s1, s18;
	s10 =	sor.u32 $0x6000, s14;
	[tilespmem:v21+s25+$0x0] =	vst.idx.msk $0xffff, v20;
	v19 =	vor.u32 s11, v14;
	v18 =	vld [tilespmem:s20+$0x0]  }
0x12e: {  	v20 =	vor.u32 s23, v12;
	[tilespmem:v23+s25+$0x0] =	vst.idx.msk $0xffff, v22;
	s18 =	sor.u32 s15, s10;
	v21 =	vld [tilespmem:s21+$0x0]  }
0x12f: {  	v23 =	vor.u32 s28, v9;
	v22 =	vld [tilespmem:s18+$0x0];
	[tilespmem:v25+s25+$0x0] =	vst.idx.msk $0xffff, v24  }
0x130: {  	s7 =	sor.u32 s9, s7;
	[tilespmem:v27+s25+$0x0] =	vst.idx.msk $0xffff, v28;
	v25 =	vor.u32 s0, v4;
	v24 =	vld [tilespmem:s12+$0x180]  }
0x131: {  	s7 =	sor.u32 $0x380, s7;
	s9 =	sor.u32 $0x6300, s3;
	v27 =	vor.u32 s5, v3;
	v28 =	vld [tilespmem:s24+$0x100];
	[tilespmem:v26+s25+$0x0] =	vst.idx.msk $0xffff, v29  }
0x132: {  	s20 =	sor.u32 s2, s9;
	v26 =	vor.u32 s19, v8;
	v29 =	vld [tilespmem:s7+$0x4000];
	[tilespmem:v19+s25+$0x0] =	vst.idx.msk $0xffff, v18  }
0x133: {  	s21 =	sor.u32 s1, s17;
	s18 =	sor.u32 $0x6080, s14;
	[tilespmem:v20+s25+$0x0] =	vst.idx.msk $0xffff, v21;
	v19 =	vor.u32 s11, v15;
	v18 =	vld [tilespmem:s20+$0x0]  }
0x134: {  	s17 =	sor.u32 s15, s18;
	v20 =	vor.u32 s23, v13;
	[tilespmem:v23+s25+$0x0] =	vst.idx.msk $0xffff, v22;
	v21 =	vld [tilespmem:s21+$0x0]  }
0x135: {  	v23 =	vor.u32 s28, v10;
	v22 =	vld [tilespmem:s17+$0x0];
	[tilespmem:v25+s25+$0x0] =	vst.idx.msk $0xffff, v24  }
0x136: {  	[tilespmem:v27+s25+$0x0] =	vst.idx.msk $0xffff, v28;
	v25 =	vor.u32 s0, v5;
	v24 =	vld [tilespmem:s12+$0x200]  }
0x137: {  	s20 =	sor.u32 s22, s10;
	s17 =	sor.u32 $0x6380, s3;
	v27 =	vor.u32 s5, v4;
	v28 =	vld [tilespmem:s24+$0x180];
	[tilespmem:v26+s25+$0x0] =	vst.idx.msk $0xffff, v29  }
0x138: {  	s2 =	sor.u32 s2, s17;
	v26 =	vor.u32 s19, v9;
	v29 =	vld [tilespmem:s20+$0x0];
	[tilespmem:v19+s25+$0x0] =	vst.idx.msk $0xffff, v18  }
0x139: {  	s21 =	sor.u32 s1, s13;
	s20 =	sor.u32 $0x6100, s14;
	[tilespmem:v20+s25+$0x0] =	vst.idx.msk $0xffff, v21;
	v18 =	vld [tilespmem:s2+$0x0]  }
0x13a: {  	v19 =	vor.u32 s23, v14;
	[tilespmem:v23+s25+$0x0] =	vst.idx.msk $0xffff, v22;
	s7 =	sor.u32 s15, s20;
	v20 =	vld [tilespmem:s21+$0x0]  }
0x13b: {  	s16 =	simm.s32 $0x300;
	v22 =	vor.u32 s28, v11;
	v21 =	vld [tilespmem:s7+$0x0];
	[tilespmem:v25+s25+$0x0] =	vst.idx.msk $0xffff, v24  }
0x13c: {  	s10 =	sor.u32 s22, s18;
	s13 =	simm.s32 $0x70;
	s3 =	sand.u32 $0x1C00, s16;
	[tilespmem:v27+s25+$0x0] =	vst.idx.msk $0xffff, v28;
	v24 =	vor.u32 s0, v6;
	v23 =	vld [tilespmem:s12+$0x280]  }
0x13d: {  	s7 =	simm.s32 $0x700;
	s21 =	sand.u32 $0x70, s13;
	v25 =	vor.u32 s5, v5;
	s12 =	simm.s32 $0x4;
	v27 =	vld [tilespmem:s24+$0x200];
	[tilespmem:v26+s25+$0x0] =	vst.idx.msk $0xffff, v29  }
0x13e: {  	s2 =	sor.u32 $0x4000, s3;
	s18 =	sand.u32 $0x7, s12;
	v26 =	vor.u32 s11, v16;
	v28 =	vld [tilespmem:s10+$0x0];
	[dreg:$0x4] =	wrdreg s21  }
0x13f: {  	v29 =	vor.u32 s7, v0;
	s11 =	sshll.u32 s18, $0x4;
	s21 =	sor.u32 s21, s2;
	[tilespmem:v19+s25+$0x0] =	vst.idx.msk $0xffff, v20  }
0x140: {  	s9 =	sor.u32 s1, s9;
	v29 =	vand.u32 v17, v29;
	v30 =	vld [tilespmem:s21+$0x0];
	s10 =	sadd.s32 $0x200, s11;
	s11 =	sor.u32 $0x6180, s14;
	[tilespmem:v22+s25+$0x0] =	vst.idx.msk $0xffff, v21  }
0x141: {  	v20 =	vor.u32 s19, v10;
	v19 =	vld [tilespmem:s9+$0x0];
	s9 =	sadd.s32 $0x10, s10;
	s18 =	sor.u32 s15, s11;
	[tilespmem:v24+s25+$0x0] =	vst.idx.msk $0xffff, v23  }
0x142: {  	v22 =	vor.u32 s28, v12;
	s10 =	simm.s32 $0x60;
	v21 =	vld [tilespmem:s18+$0x0];
	s9 =	sor.u32 $0x300, s9;
	[tilespmem:v25+s25+$0x0] =	vst.idx.msk $0xffff, v27  }
0x143: {  	v24 =	vor.u32 s23, v15;
	s18 =	sand.u32 $0x60, s10;
	v23 =	vld [tilespmem:s9+$0x4000];
	s9 =	simm.s32 $0x600;
	[tilespmem:v26+s25+$0x0] =	vst.idx.msk $0xffff, v18  }
0x144: {  	v25 =	vld [tilespmem:s24+$0x280];
	s24 =	sor.u32 s18, s2;
	v26 =	vor.u32 s0, v7;
	[dreg:$0x7] =	wrdreg s18;
	v18 =	vor.u32 s9, v0  }
0x145: {  	v27 =	vld [tilespmem:s24+$0x0];
	v31 =	vand.u32 v1, v18;
	[tilespmem:v29+s25+$0x0] =	vst.idx.msk $0xffff, v30  }
0x146: {  	s2 =	sor.u32 $0x6200, s14;
	s18 =	sor.u32 s22, s20;
	[tilespmem:v20+s25+$0x0] =	vst.idx.msk $0xffff, v28;
	v28 =	vor.u32 s7, v2;
	v20 =	vld [tilespmem:s21+$0x80]  }
0x147: {  	v30 =	vor.u32 s5, v6;
	v29 =	vld [tilespmem:s18+$0x0];
	s18 =	sor.u32 s15, s2;
	[tilespmem:v22+s25+$0x0] =	vst.idx.msk $0xffff, v21  }
0x148: {  	s8 =	sor.u32 s8, s4;
	s1 =	sor.u32 s1, s17;
	[tilespmem:v24+s25+$0x0] =	vst.idx.msk $0xffff, v19;
	v22 =	vor.u32 s28, v13;
	v21 =	vld [tilespmem:s18+$0x0];
	s18 =	simm.s32 $0x2  }
0x149: {  	s8 =	sor.u32 $0x380, s8;
	v24 =	vor.u32 s19, v11;
	v18 =	vld [tilespmem:s1+$0x0];
	[tilespmem:v26+s25+$0x0] =	vst.idx.msk $0xffff, v23;
	s17 =	sand.u32 $0x3, s18  }
0x14a: {  	v26 =	vor.u32 s0, v8;
	v23 =	vld [tilespmem:s8+$0x4000];
	s1 =	sshll.u32 s17, $0x5;
	[tilespmem:v31+s25+$0x0] =	vst.idx.msk $0xffff, v27  }
0x14b: {  	v27 =	vor.u32 s9, v2;
	s1 =	sadd.s32 $0x200, s1;
	v31 =	vld [tilespmem:s24+$0x80];
	[tilespmem:v28+s25+$0x0] =	vst.idx.msk $0xffff, v20  }
0x14c: {  	v33 =	vor.u32 s7, v3;
	[tilespmem:v30+s25+$0x0] =	vst.idx.msk $0xffff, v25;
	s18 =	sor.u32 $0x300, s1;
	v28 =	vld [tilespmem:s21+$0x100];
	s1 =	sor.u32 $0x6280, s14  }
0x14d: {  	v35 =	vor.u32 s5, v7;
	v30 =	vld [tilespmem:s18+$0x4000];
	[tilespmem:v22+s25+$0x0] =	vst.idx.msk $0xffff, v21;
	s17 =	sor.u32 s15, s1  }
0x14e: {  	v37 =	vor.u32 s19, v12;
	v38 =	vor.u32 s28, v14;
	[tilespmem:v24+s25+$0x0] =	vst.idx.msk $0xffff, v29;
	s18 =	sor.u32 s22, s11;
	v36 =	vld [tilespmem:s17+$0x0]  }
0x14f: {  	v41 =	vor.u32 s0, v9;
	v47 =	vor.u32 s5, v8;
	v34 =	vor.u32 s5, v9;
	s11 =	sor.u32 $0x6000, s30;
	[tilespmem:v26+s25+$0x0] =	vst.idx.msk $0xffff, v23;
	v39 =	vld [tilespmem:s18+$0x0]  }
0x150: {  	v32 =	vor.u32 s5, v10;
	v46 =	vor.u32 s9, v3;
	v25 =	vor.u32 s19, v13;
	s17 =	sor.u32 s26, s11;
	s18 =	simm.s32 $0x3;
	[tilespmem:v27+s25+$0x0] =	vst.idx.msk $0xffff, v31  }
0x151: {  	s4 =	sor.u32 s6, s4;
	v20 =	vor.u32 s19, v16;
	v24 =	vor.u32 s19, v14;
	v29 =	vor.u32 s5, v12;
	s6 =	sand.u32 $0x3, s18;
	v27 =	vld [tilespmem:s17+$0x0];
	[tilespmem:v33+s25+$0x0] =	vst.idx.msk $0xffff, v28  }
0x152: {  	s31 =	smov.u32 s29;
	v21 =	vor.u32 s19, v15;
	v22 =	vor.u32 s5, v16;
	v26 =	vor.u32 s5, v14;
	s18 =	sshll.u32 s6, $0x5;
	v48 =	vld [tilespmem:s24+$0x100];
	[tilespmem:v35+s25+$0x0] =	vst.idx.msk $0xffff, v30  }
0x153: {  	s19 =	sor.u32 $0x380, s4;
	v23 =	vor.u32 s5, v15;
	v31 =	vor.u32 s5, v11;
	s17 =	sor.u32 $0x6300, s14;
	v28 =	vor.u32 s5, v13;
	s5 =	sadd.s32 $0x300, s18;
	v49 =	vld [tilespmem:s21+$0x180];
	[tilespmem:v38+s25+$0x0] =	vst.idx.msk $0xffff, v36  }
0x154: {  	v51 =	vor.u32 s7, v4;
	s20 =	smov.u32 s26;
	s5 =	sor.u32 $0x300, s5;
	v52 =	vld [tilespmem:s19+$0x4000];
	s19 =	sor.u32 s15, s17;
	[tilespmem:v37+s25+$0x0] =	vst.idx.msk $0xffff, v39  }
0x155: {  	v54 =	vor.u32 s28, v15;
	s2 =	sor.u32 s22, s2;
	v53 =	vld [tilespmem:s19+$0x0];
	[dreg:$0x8] =	wrdreg s5;
	s19 =	sor.u32 s10, s16  }
0x156: {  	v44 =	vor.u32 s9, v4;
	v42 =	vor.u32 s9, v5;
	v19 =	vor.u32 s23, v16;
	s23 =	smov.u32 s30;
	s30 =	sor.u32 $0x6080, s30;
	[tilespmem:v41+s25+$0x0] =	vst.idx.msk $0xffff, v27;
	s5 =	sor.u32 $0x380, s19  }
0x157: {  	v40 =	vor.u32 s9, v6;
	v43 =	vor.u32 s9, v9;
	s4 =	simm.s32 $0x6;
	s26 =	sor.u32 s26, s30;
	v33 =	vor.u32 s9, v12;
	v45 =	vld [tilespmem:s2+$0x0];
	[dreg:$0x9] =	wrdreg s5  }
0x158: {  	s11 =	sor.u32 s29, s11;
	s6 =	sor.u32 s22, s1;
	s18 =	simm.s32 $0xC000;
	v35 =	vor.u32 s9, v11;
	v30 =	vor.u32 s9, v15;
	v39 =	vor.u32 s9, v7;
	[tilespmem:v46+s25+$0x0] =	vst.idx.msk $0xffff, v48;
	v46 =	vld [tilespmem:s26+$0x0]  }
0x159: {  	s8 =	sor.u32 s22, s17;
	v38 =	vor.u32 s9, v8;
	v37 =	vor.u32 s9, v10;
	v36 =	vor.u32 s9, v14;
	s10 =	sor.u32 s29, s30;
	s30 =	sor.u32 $0x6380, s14;
	[tilespmem:v51+s18+$0x0] =	vst.idx.msk $0xffff, v49;
	v50 =	vld [tilespmem:s24+$0x180]  }
0x15a: {  	s14 =	simm.s32 $0x700;
	v41 =	vor.u32 s9, v13;
	v27 =	vor.u32 s9, v16;
	s1 =	sor.u32 s22, s30;
	s9 =	sor.u32 s15, s30;
	v49 =	vld [tilespmem:s21+$0x200];
	[tilespmem:v47+s18+$0x0] =	vst.idx.msk $0xffff, v52;
	v47 =	vor.u32 s0, v10  }
0x15b: {  	s15 =	simm.s32 $0x300;
	s22 =	simm.s32 $0x70;
	s5 =	simm.s32 $0x4;
	v51 =	vor.u32 s7, v5;
	v48 =	vld [tilespmem:s11+$0x0];
	[tilespmem:v54+s18+$0x0] =	vst.idx.msk $0xffff, v53  }
.LBB2_6:
0x15c: {  	_ = 	snop  }
0x15d: {  	s2 =	sand.u32 $0x3, s5  }
0x15e: {  	s11 =	sor.u32 $0x6100, s23;
	v63 =	vld [tilespmem:s9+$0x0];
	v52 =	vor.u32 s28, v16;
	s19 =	smov.u32 s0;
	s13 =	sadd.s32 $0x20, s13;
	[tilespmem:v25+s18+$0x0] =	vst.idx.msk $0xffff, v45  }
0x15f: {  	s7 =	sadd.s32 $0x200, s7;
	s16 =	sadd.s32 $0x100, s16;
	s29 =	sor.u32 s20, s11;
	[tilespmem:v47+s18+$0x0] =	vst.idx.msk $0xffff, v46;
	v55 =	vld [tilespmem:s6+$0x0]  }
0x160: {  	s12 =	sadd.s32 $0x2, s12;
	s28 =	smov.u32 s20;
	s0 =	sshll.u32 s2, $0x5;
	v57 =	vor.u32 s19, v11;
	[tilespmem:v44+s18+$0x0] =	vst.idx.msk $0xffff, v50;
	v56 =	vld [tilespmem:s29+$0x0]  }
0x161: {  	s25 =	sor.u32 s31, s11;
	s9 =	sand.u32 $0x1C00, s16;
	s26 =	sand.u32 $0x70, s13;
	v58 =	vld [tilespmem:s24+$0x200];
	[tilespmem:v51+s18+$0x0] =	vst.idx.msk $0xffff, v49  }
0x162: {  	v59 =	vor.u32 s14, v6;
	s17 =	sadd.s32 $0xFFFFFFF0, s13;
	s30 =	sand.u32 $0x7, s12;
	s2 =	sor.u32 $0x4000, s9;
	[tilespmem:v34+s18+$0x0] =	vst.idx.msk $0xffff, v48;
	v49 =	vld [tilespmem:s21+$0x280]  }
0x163: {  	v60 =	vor.u32 s7, v0;
	s29 =	smov.u32 s3;
	s3 =	simm.s32 $0xC000;
	s21 =	sor.u32 s26, s2;
	v48 =	vld [tilespmem:s10+$0x0];
	[tilespmem:v52+s18+$0x0] =	vst.idx.msk $0xffff, v63  }
0x164: {  	s11 =	sshll.u32 s30, $0x4;
	s0 =	sadd.s32 s0, s16;
	v34 =	vmov v43;
	v43 =	vand.u32 v17, v60;
	s18 =	sor.u32 $0x6180, s23;
	v45 =	vld [tilespmem:s21+$0x0];
	[tilespmem:v24+s3+$0x0] =	vst.idx.msk $0xffff, v55  }
0x165: {  	s6 =	sand.u32 $0x60, s17;
	s10 =	sadd.s32 s15, s11;
	s30 =	sor.u32 s20, s18;
	[tilespmem:v57+s3+$0x0] =	vst.idx.msk $0xffff, v56;
	v61 =	vld [tilespmem:s8+$0x0]  }
0x166: {  	v25 =	vmov v28;
	v28 =	vmov v41;
	v46 =	vor.u32 s19, v12;
	s17 =	sor.u32 s17, s16;
	s2 =	sor.u32 s6, s2;
	s10 =	sadd.s32 $0x10, s10;
	[tilespmem:v42+s3+$0x0] =	vst.idx.msk $0xffff, v58;
	v41 =	vld [tilespmem:s30+$0x0]  }
0x167: {  	s11 =	sadd.s32 $0xFFFFFF00, s7;
	s20 =	sor.u32 $0x300, s0;
	s8 =	sor.u32 $0x300, s10;
	v47 =	vld [tilespmem:s2+$0x0];
	[tilespmem:v59+s3+$0x0] =	vst.idx.msk $0xffff, v49  }
0x168: {  	v53 =	vor.u32 s14, v7;
	v62 =	vor.u32 s11, v0;
	s0 =	smov.u32 s14;
	s10 =	sor.u32 $0x380, s17;
	s17 =	smov.u32 s28;
	[tilespmem:v32+s3+$0x0] =	vst.idx.msk $0xffff, v48;
	v50 =	vld [tilespmem:s8+$0x4000]  }
0x169: {  	v49 =	vand.u32 v1, v62;
	s30 =	smov.u32 s26;
	s26 =	smov.u32 s31;
	[tilespmem:v43+s3+$0x0] =	vst.idx.msk $0xffff, v45;
	v45 =	vld [tilespmem:s24+$0x280];
	s24 =	rddreg [dreg:$0x4]  }
0x16a: {  	v57 =	vor.u32 s7, v2;
	s8 =	sor.u32 s31, s18;
	s18 =	sor.u32 $0x6200, s23;
	s28 =	smov.u32 s24;
	v56 =	vld [tilespmem:s21+$0x80];
	[tilespmem:v21+s3+$0x0] =	vst.idx.msk $0xffff, v61  }
0x16b: {  	v51 =	vor.u32 s11, v2;
	s24 =	rddreg [dreg:$0x7];
	v60 =	vld [tilespmem:s25+$0x0];
	s25 =	sor.u32 s26, s18;
	[tilespmem:v46+s3+$0x0] =	vst.idx.msk $0xffff, v41;
	s18 =	sor.u32 s17, s18  }
0x16c: {  	v52 =	vor.u32 s11, v3;
	v44 =	vor.u32 s11, v4;
	[dreg:$0x4] =	wrdreg s30;
	s30 =	smov.u32 s24;
	s24 =	sor.u32 s22, s15;
	v61 =	vor.u32 s19, v13;
	[tilespmem:v19+s3+$0x0] =	vst.idx.msk $0xffff, v18;
	v46 =	vld [tilespmem:s18+$0x0]  }
0x16d: {  	v54 =	vor.u32 s11, v7;
	v63 =	vor.u32 s0, v8;
	v55 =	vor.u32 s11, v8;
	[tilespmem:v53+s3+$0x0] =	vst.idx.msk $0xffff, v50;
	s18 =	sor.u32 $0x380, s24;
	v18 =	vld [tilespmem:s1+$0x0];
	s24 =	smov.u32 s6  }
0x16e: {  	v24 =	vmovc v26;
	v26 =	vmovc v36;
	v36 =	vor.u32 s11, v14;
	v42 =	vor.u32 s11, v5;
	v58 =	vor.u32 s11, v11;
	[tilespmem:v49+s3+$0x0] =	vst.idx.msk $0xffff, v47;
	[dreg:$0x7] =	wrdreg s24;
	s24 =	smov.u32 s2;
	v47 =	vld [tilespmem:s18+$0x4000];
	s18 =	simm.s32 $0xC000  }
0x16f: {  	v32 =	vmovc v37;
	v48 =	vor.u32 s11, v6;
	v37 =	vor.u32 s11, v10;
	v59 =	vor.u32 s11, v12;
	v50 =	vld [tilespmem:s24+$0x80];
	[tilespmem:v57+s18+$0x0] =	vst.idx.msk $0xffff, v56  }
0x170: {  	v62 =	vor.u32 s7, v3;
	v43 =	vor.u32 s11, v9;
	v21 =	vmovc v23;
	v23 =	vmovc v30;
	v30 =	vor.u32 s11, v15;
	s3 =	sor.u32 $0x6280, s23;
	s6 =	rddreg [dreg:$0x8];
	[tilespmem:v40+s18+$0x0] =	vst.idx.msk $0xffff, v45;
	v53 =	vld [tilespmem:s21+$0x100]  }
0x171: {  	v41 =	vor.u32 s11, v13;
	v19 =	vmovc v20;
	v20 =	vmovc v22;
	v22 =	vmov v27;
	v27 =	vor.u32 s11, v16;
	s11 =	smov.u32 s20;
	s1 =	sor.u32 s17, s3;
	v45 =	vld [tilespmem:s6+$0x4000];
	[tilespmem:v61+s18+$0x0] =	vst.idx.msk $0xffff, v46  }
0x172: {  	s20 =	smov.u32 s28;
	v40 =	vmov v48;
	v48 =	vor.u32 s19, v14;
	s6 =	sor.u32 s26, s3;
	s3 =	sor.u32 $0x6000, s29;
	[tilespmem:v31+s18+$0x0] =	vst.idx.msk $0xffff, v60;
	v46 =	vld [tilespmem:s1+$0x0]  }
0x173: {  	s2 =	sor.u32 s20, s3;
	[tilespmem:v63+s18+$0x0] =	vst.idx.msk $0xffff, v47;
	v63 =	vld [tilespmem:s8+$0x0]  }
0x174: {  	v60 =	vor.u32 s0, v9;
	[tilespmem:v51+s18+$0x0] =	vst.idx.msk $0xffff, v50;
	v49 =	vld [tilespmem:s2+$0x0]  }
0x175: {  	[dreg:$0x8] =	wrdreg s11;
	v51 =	vld [tilespmem:s24+$0x100];
	[tilespmem:v62+s18+$0x0] =	vst.idx.msk $0xffff, v53  }
0x176: {  	s4 =	sadd.s32 $0x2, s4;
	s11 =	sor.u32 $0x6300, s23;
	v61 =	vor.u32 s7, v4;
	s8 =	rddreg [dreg:$0x9];
	[tilespmem:v39+s18+$0x0] =	vst.idx.msk $0xffff, v45;
	v53 =	vld [tilespmem:s21+$0x180]  }
0x177: {  	s5 =	sadd.s32 $0x1, s5;
	p2 =	slt.u32 s4, $0x3E;
	s2 =	sor.u32 s17, s11;
	v62 =	vld [tilespmem:s8+$0x4000];
	[tilespmem:v48+s18+$0x0] =	vst.idx.msk $0xffff, v46  }
0x178: {  	s14 =	smov.u32 s7;
	s1 =	sor.u32 s30, s3;
	s3 =	sor.u32 $0x6080, s29;
	[tilespmem:v29+s18+$0x0] =	vst.idx.msk $0xffff, v63;
	v63 =	vor.u32 s19, v15;
	v57 =	vld [tilespmem:s2+$0x0]  }
.Ltmp6:
0x179: {  	s28 =	smov.u32 s19;
	s19 =	sor.u32 s20, s3;
	[tilespmem:v60+s18+$0x0] =	vst.idx.msk $0xffff, v49;
	v45 =	vld [tilespmem:s25+$0x0];
	(pc) =	sbr.rel @p2 .LBB2_6-.Ltmp6, $4  }
0x17a: {  	s22 =	smov.u32 s13;
	s15 =	smov.u32 s16;
	s31 =	smov.u32 s30;
	[tilespmem:v52+s18+$0x0] =	vst.idx.msk $0xffff, v51;
	v46 =	vld [tilespmem:s19+$0x0]  }
0x17b: {  	s8 =	sor.u32 s26, s11;
	s11 =	smov.u32 s10;
	s10 =	sor.u32 s30, s3;
	v50 =	vld [tilespmem:s24+$0x180];
	[tilespmem:v61+s18+$0x0] =	vst.idx.msk $0xffff, v53  }
0x17c: {  	v31 =	vmov v35;
	v35 =	vmov v58;
	v47 =	vor.u32 s0, v10;
	s30 =	sor.u32 $0x6380, s23;
	s23 =	smov.u32 s29;
	[dreg:$0x9] =	wrdreg s11;
	[tilespmem:v38+s18+$0x0] =	vst.idx.msk $0xffff, v62;
	v49 =	vld [tilespmem:s21+$0x200]  }
0x17d: {  	v39 =	vmovc v54;
	v29 =	vmovc v33;
	v33 =	vmov v59;
	s3 =	smov.u32 s9;
	s9 =	sor.u32 s17, s30;
	v51 =	vor.u32 s7, v5;
	v38 =	vmov v55;
	v48 =	vld [tilespmem:s1+$0x0];
	s1 =	sor.u32 s26, s30;
	[tilespmem:v63+s18+$0x0] =	vst.idx.msk $0xffff, v57  }
0x17e: {  	_ =	sdelay $0x3  }
0x17f: {  	[tilespmem:v44+s18+$0x0] =	vst.idx.msk $0xffff, v50  }
0x180: {  	v44 =	vld [tilespmem:s24+$0x200];
	_ =	sdelay $0x2  }
0x181: {  	[tilespmem:v51+s18+$0x0] =	vst.idx.msk $0xffff, v49  }
0x182: {  	s2 =	sadd.s32 $0x2, s12;
	v59 =	vor.u32 s14, v6;
	v49 =	vld [tilespmem:s21+$0x280]  }
0x183: {  	s2 =	sand.u32 $0x7, s2;
	[tilespmem:v42+s18+$0x0] =	vst.idx.msk $0xffff, v44  }
0x184: {  	s2 =	sshll.u32 s2, $0x4;
	v42 =	vld [tilespmem:s24+$0x280]  }
0x185: {  	s2 =	sadd.s32 s15, s2  }
0x186: {  	s2 =	sadd.s32 $0x10, s2  }
0x187: {  	s2 =	sor.u32 $0x300, s2;
	[tilespmem:v59+s18+$0x0] =	vst.idx.msk $0xffff, v49  }
0x188: {  	v61 =	vor.u32 s14, v7;
	v60 =	vld [tilespmem:s2+$0x4000]  }
0x189: {  	[tilespmem:v40+s18+$0x0] =	vst.idx.msk $0xffff, v42  }
0x18a: {  	s29 =	rddreg [dreg:$0x8]  }
0x18b: {  	v40 =	vld [tilespmem:s29+$0x4000]  }
0x18c: {  	s30 =	sor.u32 s22, s15  }
0x18d: {  	s2 =	sor.u32 $0x380, s30;
	[tilespmem:v61+s18+$0x0] =	vst.idx.msk $0xffff, v60  }
0x18e: {  	v63 =	vor.u32 s14, v8;
	v62 =	vld [tilespmem:s2+$0x4000];
	_ =	sdelay $0x1  }
0x18f: {  	[tilespmem:v39+s18+$0x0] =	vst.idx.msk $0xffff, v40  }
0x190: {  	s4 =	rddreg [dreg:$0x9]  }
0x191: {  	v39 =	vld [tilespmem:s4+$0x4000]  }
0x192: {  	[tilespmem:v63+s18+$0x0] =	vst.idx.msk $0xffff, v62  }
0x193: {  	s5 =	sor.u32 $0x6000, s3;
	s7 =	rddreg [dreg:$0x4]  }
0x194: {  	s4 =	sor.u32 s7, s5  }
0x195: {  	v50 =	vor.u32 s14, v9;
	s11 =	rddreg [dreg:$0x7];
	v49 =	vld [tilespmem:s4+$0x0]  }
0x196: {  	s2 =	sor.u32 s11, s5;
	[tilespmem:v38+s18+$0x0] =	vst.idx.msk $0xffff, v39  }
0x197: {  	v38 =	vld [tilespmem:s2+$0x0];
	_ =	sdelay $0x1  }
0x198: {  	s12 =	sor.u32 $0x6080, s3  }
0x199: {  	s13 =	sor.u32 s7, s12;
	[tilespmem:v50+s18+$0x0] =	vst.idx.msk $0xffff, v49  }
0x19a: {  	v52 =	vor.u32 s14, v10;
	[tilespmem:v34+s18+$0x0] =	vst.idx.msk $0xffff, v48;
	v51 =	vld [tilespmem:s13+$0x0]  }
0x19b: {  	v53 =	vld [tilespmem:s10+$0x0];
	s2 =	sor.u32 s11, s12;
	[tilespmem:v43+s18+$0x0] =	vst.idx.msk $0xffff, v38  }
0x19c: {  	v38 =	vld [tilespmem:s2+$0x0]  }
0x19d: {  	s15 =	sor.u32 $0x6100, s23  }
0x19e: {  	s17 =	sor.u32 $0x6100, s3;
	s16 =	sor.u32 s20, s15;
	[tilespmem:v47+s18+$0x0] =	vst.idx.msk $0xffff, v46  }
0x19f: {  	v55 =	vor.u32 s0, v11;
	v54 =	vld [tilespmem:s16+$0x0];
	s5 =	sor.u32 s7, s17;
	[tilespmem:v52+s18+$0x0] =	vst.idx.msk $0xffff, v51  }
0x1a0: {  	v57 =	vor.u32 s14, v11;
	s4 =	sor.u32 s31, s15;
	[tilespmem:v32+s18+$0x0] =	vst.idx.msk $0xffff, v53;
	v56 =	vld [tilespmem:s5+$0x0]  }
0x1a1: {  	v58 =	vld [tilespmem:s4+$0x0];
	s2 =	sor.u32 s11, s17;
	[tilespmem:v37+s18+$0x0] =	vst.idx.msk $0xffff, v38  }
0x1a2: {  	v37 =	vld [tilespmem:s2+$0x0]  }
0x1a3: {  	s19 =	sor.u32 $0x6180, s23  }
0x1a4: {  	s22 =	sor.u32 $0x6180, s3;
	s21 =	sor.u32 s20, s19;
	[tilespmem:v55+s18+$0x0] =	vst.idx.msk $0xffff, v54  }
0x1a5: {  	v60 =	vor.u32 s0, v12;
	s24 =	sor.u32 s7, s22;
	v59 =	vld [tilespmem:s21+$0x0];
	[tilespmem:v57+s18+$0x0] =	vst.idx.msk $0xffff, v56  }
0x1a6: {  	v62 =	vor.u32 s14, v12;
	s4 =	sor.u32 s31, s19;
	[tilespmem:v31+s18+$0x0] =	vst.idx.msk $0xffff, v58;
	v61 =	vld [tilespmem:s24+$0x0]  }
0x1a7: {  	v63 =	vld [tilespmem:s4+$0x0];
	s2 =	sor.u32 s11, s22;
	[tilespmem:v35+s18+$0x0] =	vst.idx.msk $0xffff, v37  }
0x1a8: {  	v35 =	vld [tilespmem:s2+$0x0]  }
0x1a9: {  	s25 =	sor.u32 $0x6200, s23  }
0x1aa: {  	s26 =	sor.u32 s20, s25;
	s29 =	sor.u32 $0x6200, s3;
	[tilespmem:v60+s18+$0x0] =	vst.idx.msk $0xffff, v59  }
0x1ab: {  	s30 =	sor.u32 s7, s29;
	v43 =	vor.u32 s0, v13;
	v42 =	vld [tilespmem:s26+$0x0];
	[tilespmem:v62+s18+$0x0] =	vst.idx.msk $0xffff, v61  }
0x1ac: {  	v44 =	vor.u32 s14, v13;
	s4 =	sor.u32 s31, s25;
	[tilespmem:v29+s18+$0x0] =	vst.idx.msk $0xffff, v63;
	v31 =	vld [tilespmem:s30+$0x0]  }
0x1ad: {  	v46 =	vld [tilespmem:s4+$0x0];
	s2 =	sor.u32 s11, s29;
	[tilespmem:v33+s18+$0x0] =	vst.idx.msk $0xffff, v35  }
0x1ae: {  	v33 =	vld [tilespmem:s2+$0x0]  }
0x1af: {  	[tilespmem:v25+s18+$0x0] =	vst.idx.msk $0xffff, v45;
	s10 =	sor.u32 $0x6280, s23  }
0x1b0: {  	s12 =	sor.u32 s20, s10;
	v49 =	vld [tilespmem:s6+$0x0];
	s13 =	sor.u32 $0x6280, s3;
	[tilespmem:v43+s18+$0x0] =	vst.idx.msk $0xffff, v42  }
0x1b1: {  	v48 =	vor.u32 s0, v14;
	s15 =	sor.u32 s7, s13;
	v47 =	vld [tilespmem:s12+$0x0];
	[tilespmem:v44+s18+$0x0] =	vst.idx.msk $0xffff, v31  }
0x1b2: {  	v50 =	vor.u32 s14, v14;
	s4 =	sor.u32 s31, s10;
	[tilespmem:v28+s18+$0x0] =	vst.idx.msk $0xffff, v46;
	v29 =	vld [tilespmem:s15+$0x0]  }
0x1b3: {  	v51 =	vld [tilespmem:s4+$0x0];
	s2 =	sor.u32 s11, s13;
	[tilespmem:v41+s18+$0x0] =	vst.idx.msk $0xffff, v33  }
0x1b4: {  	v52 =	vld [tilespmem:s2+$0x0]  }
0x1b5: {  	s16 =	sor.u32 $0x6300, s23;
	[tilespmem:v24+s18+$0x0] =	vst.idx.msk $0xffff, v49  }
0x1b6: {  	s19 =	sor.u32 $0x6300, s3;
	s17 =	sor.u32 s20, s16;
	v57 =	vld [tilespmem:s8+$0x0];
	[tilespmem:v48+s18+$0x0] =	vst.idx.msk $0xffff, v47  }
0x1b7: {  	s21 =	sor.u32 s7, s19;
	v56 =	vor.u32 s0, v15;
	v55 =	vld [tilespmem:s17+$0x0];
	[tilespmem:v50+s18+$0x0] =	vst.idx.msk $0xffff, v29  }
0x1b8: {  	v58 =	vor.u32 s14, v15;
	[tilespmem:v26+s18+$0x0] =	vst.idx.msk $0xffff, v51;
	s2 =	sor.u32 s31, s16;
	v28 =	vld [tilespmem:s21+$0x0]  }
0x1b9: {  	s22 =	sor.u32 s11, s19;
	v59 =	vld [tilespmem:s2+$0x0];
	[tilespmem:v36+s18+$0x0] =	vst.idx.msk $0xffff, v52  }
0x1ba: {  	[tilespmem:v19+s18+$0x0] =	vst.idx.msk $0xffff, v18;
	v60 =	vld [tilespmem:s22+$0x0]  }
0x1bb: {  	s23 =	sor.u32 $0x6380, s23;
	v53 =	vld [tilespmem:s9+$0x0];
	v54 =	vor.u32 s28, v16;
	[tilespmem:v21+s18+$0x0] =	vst.idx.msk $0xffff, v57  }
0x1bc: {  	s25 =	sor.u32 $0x6380, s3;
	s24 =	sor.u32 s20, s23;
	v21 =	vld [tilespmem:s1+$0x0];
	[tilespmem:v56+s18+$0x0] =	vst.idx.msk $0xffff, v55  }
0x1bd: {  	s26 =	sor.u32 s7, s25;
	v61 =	vor.u32 s0, v16;
	v24 =	vld [tilespmem:s24+$0x0];
	[tilespmem:v58+s18+$0x0] =	vst.idx.msk $0xffff, v28  }
0x1be: {  	v62 =	vor.u32 s14, v16;
	s2 =	sor.u32 s31, s23;
	[tilespmem:v23+s18+$0x0] =	vst.idx.msk $0xffff, v59;
	v26 =	vld [tilespmem:s26+$0x0]  }
0x1bf: {  	s0 =	sor.u32 s11, s25;
	v23 =	vld [tilespmem:s2+$0x0];
	[tilespmem:v30+s18+$0x0] =	vst.idx.msk $0xffff, v60  }
0x1c0: {  	[tilespmem:v54+s18+$0x0] =	vst.idx.msk $0xffff, v53;
	v63 =	vld [tilespmem:s0+$0x0]  }
0x1c1: {  	[tilespmem:v20+s18+$0x0] =	vst.idx.msk $0xffff, v21  }
0x1c2: {  	[tilespmem:v61+s18+$0x0] =	vst.idx.msk $0xffff, v24  }
0x1c3: {  	s28 =	rddreg [dreg:$0x16];
	[tilespmem:v62+s18+$0x0] =	vst.idx.msk $0xffff, v26  }
0x1c4: {  	s0 =	sshll.u32 s28, $0x13;
	s29 =	rddreg [dreg:$0xf];
	[tilespmem:v22+s18+$0x0] =	vst.idx.msk $0xffff, v23  }
.Ltmp7:
0x1c5: {  	s0 =	sor.u32 s29, s0;
	[tilespmem:v27+s18+$0x0] =	vst.idx.msk $0xffff, v63;
	(pc) =	sbr.rel .LBB2_8-.Ltmp7, $4  }
0x1c6: {  	s0 =	sshrl.u32 s0, $0x3;
	s30 =	rddreg [dreg:$0xa]  }
0x1c7: {  	s31 =	simm.s32 $0x0;
	s0 =	sadd.s32 s30, s0  }
0x1c8: {  	[hbm4b:s0+s31] =	stream.linear.scatter [tilespmem:s18], [sflag:$0x4], $0x4000, $0x38;
	[tilespmem:$0x10000] =	vst v63  }
0x1c9: {  	s26 =	rddreg [dreg:$0x15];
	s18 =	simm.s32 $0x8000  }
.LBB2_9:
0x1ca: {  	s0 =	simm.s32 $0x3  }
0x1cb: {  	_ =	swait.ge [sflag:s0], $0x4000  }
.Ltmp8:
0x1cc: {  	[sflag:s0] =	ssyncset.done $0x0;
	(pc) =	sbr.rel @p0 .LBB2_14-.Ltmp8, $4  }
0x1cd: {  	s31 =	simm.s32 $0x4;
	[sflag:s0] =	ssyncadd.s32 $0xFFFFC000  }
0x1ce: {  	_ =	swait.ge [sflag:s31], $0x4000  }
0x1cf: {  	[sflag:s31] =	ssyncset.done $0x0  }
0x1d0: {  	[sflag:s31] =	ssyncadd.s32 $0xFFFFC000  }
.Ltmp9:
0x1d1: {  	(pc) =	sbr.rel @p1 .LBB2_15-.Ltmp9, $2  }
0x1d2: {  	_ =	sdelay $0x2  }
0x1d3: {  	s1 =	rddreg [dreg:$0x14]  }
0x1d4: {  	s2 =	simm.s32 $0x0;
	s0 =	rddreg [dreg:$0x11]  }
0x1d5: {  	[tilespmem:s2], [sflag:$0x5] =	stream.linear.gather [hbm4b:s0+s2], $0x1000, $0x38;
	[tilespmem:$0x10000] =	vst v63  }
0x1d6: {  	s1 =	simm.s32 $0x2000;
	s13 =	simm.s32 $0x5;
	s0 =	sadd.s32 $0xF4280, s0  }
0x1d7: {  	[tilespmem:s1], [sflag:$0x5] =	stream.linear.gather [hbm4b:s0+s2], $0x1000, $0x38;
	[tilespmem:$0x10000] =	vst v63  }
0x1d8: {  	s11 =	simm.s32 $0x0;
	s25 =	simm.s32 $0x0;
	_ =	swait.ge [sflag:s13], $0x2000  }
0x1d9: {  	s19 =	sand.u32 $0xC00, s2;
	s1 =	sand.u32 $0x60, s11;
	[sflag:s13] =	ssyncset.done $0x0  }
0x1da: {  	v18 =	vor.u32 s25, v0;
	s14 =	sor.u32 s1, s19;
	[sflag:s13] =	ssyncadd.s32 $0xFFFFE000  }
0x1db: {  	v18 =	vand.u32 v1, v18;
	v19 =	vld [tilespmem:s14+$0x0];
	_ =	sdelay $0x3  }
0x1dc: {  	s7 =	simm.s32 $0x10  }
0x1dd: {  	s4 =	simm.s32 $0x100;
	s23 =	sand.u32 $0x70, s7;
	[tilespmem:v18+s18+$0x0] =	vst.idx.msk $0xffff, v19  }
0x1de: {  	v20 =	vor.u32 s25, v2;
	s12 =	sor.u32 s23, s19;
	v18 =	vor.u32 s4, v0;
	v19 =	vld [tilespmem:s14+$0x80]  }
0x1df: {  	v21 =	vld [tilespmem:s12+$0x0];
	v18 =	vand.u32 v17, v18;
	_ =	sdelay $0x3  }
0x1e0: {  	[tilespmem:v20+s18+$0x0] =	vst.idx.msk $0xffff, v19  }
0x1e1: {  	[tilespmem:v18+s18+$0x0] =	vst.idx.msk $0xffff, v21;
	v19 =	vor.u32 s25, v3;
	v18 =	vld [tilespmem:s14+$0x100]  }
0x1e2: {  	v20 =	vor.u32 s4, v2;
	v21 =	vld [tilespmem:s12+$0x80];
	_ =	sdelay $0x3  }
0x1e3: {  	[tilespmem:v19+s18+$0x0] =	vst.idx.msk $0xffff, v18  }
0x1e4: {  	[tilespmem:v20+s18+$0x0] =	vst.idx.msk $0xffff, v21;
	v19 =	vor.u32 s25, v4;
	v18 =	vld [tilespmem:s14+$0x180]  }
0x1e5: {  	v20 =	vor.u32 s4, v3;
	v21 =	vld [tilespmem:s12+$0x100];
	_ =	sdelay $0x3  }
0x1e6: {  	[tilespmem:v19+s18+$0x0] =	vst.idx.msk $0xffff, v18  }
0x1e7: {  	[tilespmem:v20+s18+$0x0] =	vst.idx.msk $0xffff, v21;
	v19 =	vor.u32 s25, v5;
	v18 =	vld [tilespmem:s14+$0x200]  }
0x1e8: {  	s6 =	simm.s32 $0x30;
	s8 =	simm.s32 $0x100;
	s9 =	simm.s32 $0x20;
	v20 =	vor.u32 s4, v4;
	v21 =	vld [tilespmem:s12+$0x180]  }
0x1e9: {  	s3 =	simm.s32 $0x200;
	s26 =	sand.u32 $0x60, s9;
	s28 =	sand.u32 $0xC00, s8  }
0x1ea: {  	s5 =	simm.s32 $0x300;
	v22 =	vor.u32 s3, v0;
	s20 =	sor.u32 s26, s28;
	s0 =	sand.u32 $0x70, s6  }
0x1eb: {  	v23 =	vor.u32 s5, v0;
	v22 =	vand.u32 v1, v22;
	s10 =	sor.u32 s0, s28;
	v24 =	vld [tilespmem:s20+$0x0]  }
0x1ec: {  	v23 =	vand.u32 v17, v23;
	v25 =	vld [tilespmem:s10+$0x0];
	[tilespmem:v19+s18+$0x0] =	vst.idx.msk $0xffff, v18  }
0x1ed: {  	[tilespmem:v20+s18+$0x0] =	vst.idx.msk $0xffff, v21;
	v19 =	vor.u32 s25, v6;
	v18 =	vld [tilespmem:s14+$0x280]  }
0x1ee: {  	v20 =	vor.u32 s4, v5;
	v21 =	vld [tilespmem:s12+$0x200]  }
0x1ef: {  	s14 =	sand.u32 $0x3, s2  }
0x1f0: {  	[tilespmem:v22+s18+$0x0] =	vst.idx.msk $0xffff, v24;
	s14 =	sshll.u32 s14, $0x5  }
0x1f1: {  	v24 =	vor.u32 s3, v2;
	[tilespmem:v23+s18+$0x0] =	vst.idx.msk $0xffff, v25;
	v22 =	vld [tilespmem:s20+$0x80];
	s14 =	sadd.s32 $0x0, s14  }
0x1f2: {  	v23 =	vor.u32 s5, v2;
	v25 =	vld [tilespmem:s10+$0x80];
	s14 =	sor.u32 $0x300, s14;
	[tilespmem:v19+s18+$0x0] =	vst.idx.msk $0xffff, v18  }
0x1f3: {  	[tilespmem:v20+s18+$0x0] =	vst.idx.msk $0xffff, v21;
	v19 =	vor.u32 s25, v7;
	v18 =	vld [tilespmem:s14+$0x0]  }
0x1f4: {  	v20 =	vor.u32 s4, v6;
	v21 =	vld [tilespmem:s12+$0x280]  }
0x1f5: {  	s15 =	sand.u32 $0x7, s2  }
0x1f6: {  	[tilespmem:v24+s18+$0x0] =	vst.idx.msk $0xffff, v22;
	s12 =	sshll.u32 s15, $0x4  }
0x1f7: {  	s11 =	sor.u32 s11, s2;
	v24 =	vor.u32 s3, v3;
	[tilespmem:v23+s18+$0x0] =	vst.idx.msk $0xffff, v25;
	v22 =	vld [tilespmem:s20+$0x100];
	s12 =	sadd.s32 $0x0, s12  }
0x1f8: {  	s11 =	sor.u32 $0x380, s11;
	v23 =	vor.u32 s5, v3;
	v25 =	vld [tilespmem:s10+$0x100];
	s12 =	sadd.s32 $0x10, s12;
	[tilespmem:v19+s18+$0x0] =	vst.idx.msk $0xffff, v18  }
0x1f9: {  	s12 =	sor.u32 $0x300, s12;
	[tilespmem:v20+s18+$0x0] =	vst.idx.msk $0xffff, v21;
	v19 =	vor.u32 s25, v8;
	v18 =	vld [tilespmem:s11+$0x0]  }
0x1fa: {  	v20 =	vor.u32 s4, v7;
	v21 =	vld [tilespmem:s12+$0x0];
	_ =	sdelay $0x1  }
0x1fb: {  	[tilespmem:v24+s18+$0x0] =	vst.idx.msk $0xffff, v22  }
0x1fc: {  	s16 =	sor.u32 $0x2000, s19;
	v24 =	vor.u32 s3, v4;
	[tilespmem:v23+s18+$0x0] =	vst.idx.msk $0xffff, v25;
	v22 =	vld [tilespmem:s20+$0x180]  }
0x1fd: {  	s17 =	sor.u32 s1, s16;
	v23 =	vor.u32 s5, v4;
	v25 =	vld [tilespmem:s10+$0x180];
	s2 =	sor.u32 s7, s2;
	[tilespmem:v19+s18+$0x0] =	vst.idx.msk $0xffff, v18  }
0x1fe: {  	s2 =	sor.u32 $0x380, s2;
	[tilespmem:v20+s18+$0x0] =	vst.idx.msk $0xffff, v21;
	v19 =	vor.u32 s25, v9;
	v18 =	vld [tilespmem:s17+$0x0]  }
0x1ff: {  	v20 =	vor.u32 s4, v8;
	v21 =	vld [tilespmem:s2+$0x0];
	_ =	sdelay $0x1  }
0x200: {  	[tilespmem:v24+s18+$0x0] =	vst.idx.msk $0xffff, v22  }
0x201: {  	s21 =	sor.u32 $0x2080, s19;
	v24 =	vor.u32 s3, v5;
	[tilespmem:v23+s18+$0x0] =	vst.idx.msk $0xffff, v25;
	v22 =	vld [tilespmem:s20+$0x200]  }
0x202: {  	s22 =	sor.u32 s1, s21;
	v23 =	vor.u32 s5, v5;
	v25 =	vld [tilespmem:s10+$0x200];
	[tilespmem:v19+s18+$0x0] =	vst.idx.msk $0xffff, v18  }
0x203: {  	s11 =	sor.u32 s23, s16;
	[tilespmem:v20+s18+$0x0] =	vst.idx.msk $0xffff, v21;
	v19 =	vor.u32 s25, v10;
	v18 =	vld [tilespmem:s22+$0x0]  }
0x204: {  	v20 =	vor.u32 s4, v9;
	v21 =	vld [tilespmem:s11+$0x0]  }
0x205: {  	s24 =	simm.s32 $0x2;
	s29 =	simm.s32 $0x8000  }
0x206: {  	s31 =	sand.u32 $0x7, s24;
	s13 =	simm.s32 $0x40;
	[tilespmem:v24+s29+$0x0] =	vst.idx.msk $0xffff, v22  }
0x207: {  	[tilespmem:v23+s29+$0x0] =	vst.idx.msk $0xffff, v25;
	s14 =	simm.s32 $0x500;
	s15 =	simm.s32 $0x200;
	s17 =	sor.u32 $0x2100, s19  }
0x208: {  	v24 =	vor.u32 s3, v6;
	v22 =	vld [tilespmem:s20+$0x280];
	s12 =	simm.s32 $0x50;
	s16 =	sand.u32 $0x60, s13;
	s30 =	sor.u32 s1, s17;
	[tilespmem:v19+s18+$0x0] =	vst.idx.msk $0xffff, v18  }
0x209: {  	s24 =	sand.u32 $0x70, s12;
	s2 =	sor.u32 s23, s21;
	s11 =	sand.u32 $0xC00, s15;
	[tilespmem:v20+s29+$0x0] =	vst.idx.msk $0xffff, v21;
	v19 =	vor.u32 s25, v11;
	v18 =	vld [tilespmem:s30+$0x0]  }
0x20a: {  	s21 =	sor.u32 s16, s11;
	v20 =	vor.u32 s4, v10;
	v21 =	vld [tilespmem:s2+$0x0];
	[dreg:$0x6] =	wrdreg s16;
	s16 =	simm.s32 $0x1  }
0x20b: {  	v23 =	vor.u32 s5, v6;
	v27 =	vor.u32 s14, v0;
	s22 =	sor.u32 s24, s11;
	s2 =	simm.s32 $0x400;
	v26 =	vld [tilespmem:s10+$0x280];
	s30 =	sand.u32 $0x3, s16  }
0x20c: {  	v27 =	vand.u32 v17, v27;
	v25 =	vor.u32 s2, v0;
	v29 =	vld [tilespmem:s22+$0x0];
	s10 =	sshll.u32 s30, $0x5  }
0x20d: {  	v28 =	vld [tilespmem:s21+$0x0];
	[tilespmem:v24+s29+$0x0] =	vst.idx.msk $0xffff, v22;
	v25 =	vand.u32 v1, v25;
	s10 =	sadd.s32 $0x100, s10  }
0x20e: {  	s20 =	sor.u32 $0x2180, s19;
	s18 =	sshll.u32 s31, $0x4;
	s10 =	sor.u32 $0x300, s10;
	[tilespmem:v19+s29+$0x0] =	vst.idx.msk $0xffff, v18  }
0x20f: {  	s7 =	smov.u32 s24;
	s24 =	sor.u32 s1, s20;
	s18 =	sadd.s32 $0x100, s18;
	v24 =	vor.u32 s3, v7;
	[tilespmem:v20+s29+$0x0] =	vst.idx.msk $0xffff, v21;
	v22 =	vld [tilespmem:s10+$0x0]  }
0x210: {  	s17 =	sor.u32 s23, s17;
	s31 =	sadd.s32 $0x10, s18;
	v19 =	vor.u32 s25, v12;
	v18 =	vld [tilespmem:s24+$0x0];
	[tilespmem:v23+s29+$0x0] =	vst.idx.msk $0xffff, v26  }
0x211: {  	s18 =	sor.u32 $0x300, s31;
	v21 =	vor.u32 s4, v11;
	v20 =	vld [tilespmem:s17+$0x0];
	[tilespmem:v27+s29+$0x0] =	vst.idx.msk $0xffff, v29  }
0x212: {  	v23 =	vor.u32 s5, v7;
	[tilespmem:v25+s29+$0x0] =	vst.idx.msk $0xffff, v28;
	v25 =	vld [tilespmem:s18+$0x0]  }
0x213: {  	s9 =	sor.u32 s9, s8;
	v27 =	vor.u32 s14, v2;
	v29 =	vld [tilespmem:s22+$0x80]  }
0x214: {  	s9 =	sor.u32 $0x380, s9;
	s24 =	sor.u32 $0x2200, s19;
	v28 =	vor.u32 s2, v2;
	v26 =	vld [tilespmem:s21+$0x80];
	[tilespmem:v24+s29+$0x0] =	vst.idx.msk $0xffff, v22  }
0x215: {  	s30 =	sor.u32 s1, s24;
	v24 =	vor.u32 s3, v8;
	[tilespmem:v19+s29+$0x0] =	vst.idx.msk $0xffff, v18;
	v22 =	vld [tilespmem:s9+$0x0]  }
0x216: {  	s6 =	sor.u32 s6, s8;
	s31 =	sor.u32 s23, s20;
	[tilespmem:v21+s29+$0x0] =	vst.idx.msk $0xffff, v20;
	v19 =	vor.u32 s25, v13;
	v18 =	vld [tilespmem:s30+$0x0]  }
0x217: {  	s6 =	sor.u32 $0x380, s6;
	v21 =	vor.u32 s4, v12;
	v20 =	vld [tilespmem:s31+$0x0];
	[tilespmem:v23+s29+$0x0] =	vst.idx.msk $0xffff, v25  }
0x218: {  	v23 =	vor.u32 s5, v8;
	[tilespmem:v27+s29+$0x0] =	vst.idx.msk $0xffff, v29;
	v25 =	vld [tilespmem:s6+$0x0]  }
0x219: {  	v31 =	vor.u32 s14, v3;
	[tilespmem:v28+s29+$0x0] =	vst.idx.msk $0xffff, v26;
	v32 =	vld [tilespmem:s22+$0x100]  }
0x21a: {  	v28 =	vor.u32 s2, v3;
	s6 =	sor.u32 $0x2280, s19;
	v26 =	vld [tilespmem:s21+$0x100];
	[tilespmem:v24+s29+$0x0] =	vst.idx.msk $0xffff, v22  }
0x21b: {  	s20 =	sor.u32 $0x2000, s28;
	s17 =	sor.u32 s1, s6;
	[tilespmem:v19+s29+$0x0] =	vst.idx.msk $0xffff, v18  }
0x21c: {  	v34 =	vor.u32 s25, v14;
	s18 =	sor.u32 s23, s24;
	s24 =	sor.u32 s26, s20;
	[tilespmem:v21+s29+$0x0] =	vst.idx.msk $0xffff, v20;
	v33 =	vld [tilespmem:s17+$0x0]  }
0x21d: {  	v40 =	vor.u32 s3, v9;
	v38 =	vld [tilespmem:s24+$0x0];
	[tilespmem:v23+s29+$0x0] =	vst.idx.msk $0xffff, v25  }
0x21e: {  	v35 =	vor.u32 s4, v13;
	v42 =	vor.u32 s5, v9;
	v30 =	vor.u32 s5, v10;
	s8 =	sor.u32 s0, s20;
	v24 =	vld [tilespmem:s18+$0x0];
	[tilespmem:v31+s29+$0x0] =	vst.idx.msk $0xffff, v32  }
0x21f: {  	v49 =	vor.u32 s25, v15;
	v46 =	vor.u32 s14, v4;
	v39 =	vor.u32 s14, v5;
	[tilespmem:v28+s29+$0x0] =	vst.idx.msk $0xffff, v26;
	v26 =	vld [tilespmem:s8+$0x0]  }
0x220: {  	v37 =	vor.u32 s14, v6;
	v36 =	vor.u32 s14, v7;
	v45 =	vor.u32 s2, v4;
	s30 =	simm.s32 $0x4;
	s31 =	sor.u32 $0x2300, s19;
	v47 =	vld [tilespmem:s22+$0x180]  }
0x221: {  	s10 =	sor.u32 s1, s31;
	v21 =	vor.u32 s4, v14;
	v19 =	vor.u32 s4, v15;
	v18 =	vor.u32 s4, v16;
	s4 =	sand.u32 $0x7, s30;
	s18 =	sor.u32 $0x2080, s28;
	v44 =	vld [tilespmem:s21+$0x180];
	[tilespmem:v34+s29+$0x0] =	vst.idx.msk $0xffff, v33  }
0x222: {  	v29 =	vor.u32 s5, v11;
	v27 =	vor.u32 s5, v12;
	v22 =	vor.u32 s5, v15;
	s4 =	sshll.u32 s4, $0x4;
	s20 =	sor.u32 s26, s18;
	[tilespmem:v40+s29+$0x0] =	vst.idx.msk $0xffff, v38;
	v48 =	vld [tilespmem:s10+$0x0]  }
0x223: {  	v20 =	vor.u32 s5, v16;
	v25 =	vor.u32 s5, v13;
	v23 =	vor.u32 s5, v14;
	s17 =	sor.u32 s23, s6;
	s4 =	sadd.s32 $0x200, s4;
	[tilespmem:v35+s29+$0x0] =	vst.idx.msk $0xffff, v24;
	v43 =	vld [tilespmem:s20+$0x0]  }
0x224: {  	s24 =	sor.u32 s12, s15;
	v32 =	vor.u32 s14, v11;
	v31 =	vor.u32 s14, v12;
	s30 =	sor.u32 s0, s18;
	v28 =	vor.u32 s14, v13;
	s4 =	sadd.s32 $0x10, s4;
	v41 =	vld [tilespmem:s17+$0x0];
	[tilespmem:v42+s29+$0x0] =	vst.idx.msk $0xffff, v26  }
0x225: {  	s5 =	simm.s32 $0x6;
	s8 =	simm.s32 $0x4;
	s6 =	sor.u32 $0x300, s4;
	v38 =	vor.u32 s14, v10;
	v34 =	vor.u32 s14, v8;
	v33 =	vor.u32 s14, v9;
	[tilespmem:v46+s29+$0x0] =	vst.idx.msk $0xffff, v47;
	v42 =	vld [tilespmem:s30+$0x0]  }
0x226: {  	s4 =	sor.u32 $0x380, s24;
	v35 =	vor.u32 s14, v14;
	v24 =	vor.u32 s14, v16;
	v26 =	vor.u32 s14, v15;
	s10 =	sor.u32 s23, s31;
	s31 =	sor.u32 $0x2380, s19;
	[tilespmem:v45+s29+$0x0] =	vst.idx.msk $0xffff, v44;
	v46 =	vld [tilespmem:s22+$0x200]  }
0x227: {  	v47 =	vor.u32 s2, v5;
	v44 =	vor.u32 s3, v10;
	s9 =	sor.u32 s1, s31;
	s19 =	sor.u32 s23, s31;
	s1 =	simm.s32 $0x200;
	v45 =	vld [tilespmem:s21+$0x200];
	[tilespmem:v49+s29+$0x0] =	vst.idx.msk $0xffff, v48  }
.LBB2_12:
0x228: {  	_ =	sdelay $0x2  }
0x229: {  	s18 =	sor.u32 $0x2100, s28;
	v48 =	vld [tilespmem:s9+$0x0];
	v49 =	vor.u32 s25, v16;
	[tilespmem:v21+s29+$0x0] =	vst.idx.msk $0xffff, v41  }
0x22a: {  	s17 =	sand.u32 $0x7, s5;
	s25 =	smov.u32 s3;
	s30 =	sor.u32 s26, s18;
	[tilespmem:v44+s29+$0x0] =	vst.idx.msk $0xffff, v43;
	v59 =	vld [tilespmem:s10+$0x0]  }
0x22b: {  	s12 =	sadd.s32 $0x20, s12;
	s14 =	sadd.s32 $0x200, s14;
	s18 =	sor.u32 s0, s18;
	v44 =	vor.u32 s25, v11;
	[tilespmem:v30+s29+$0x0] =	vst.idx.msk $0xffff, v42;
	v43 =	vld [tilespmem:s30+$0x0]  }
0x22c: {  	s15 =	sadd.s32 $0x100, s15;
	s3 =	sshll.u32 s17, $0x4;
	s10 =	sadd.s32 $0xFFFFFFF0, s12;
	[tilespmem:v47+s29+$0x0] =	vst.idx.msk $0xffff, v45;
	v61 =	vld [tilespmem:s18+$0x0]  }
0x22d: {  	v52 =	vor.u32 s2, v6;
	s17 =	sadd.s32 $0xFFFFFF00, s14;
	s9 =	sand.u32 $0xC00, s15;
	s23 =	sand.u32 $0x60, s10;
	[tilespmem:v39+s29+$0x0] =	vst.idx.msk $0xffff, v46;
	v51 =	vld [tilespmem:s21+$0x280]  }
0x22e: {  	s16 =	sadd.s32 $0x1, s16;
	s20 =	sand.u32 $0x70, s12;
	v62 =	vor.u32 s17, v0;
	s21 =	sor.u32 s23, s9;
	v53 =	vld [tilespmem:s22+$0x280];
	[tilespmem:v49+s29+$0x0] =	vst.idx.msk $0xffff, v48  }
0x22f: {  	s24 =	sor.u32 $0x2180, s28;
	v60 =	vor.u32 s14, v0;
	s31 =	sand.u32 $0x3, s16;
	v63 =	vand.u32 v1, v62;
	s22 =	sor.u32 s20, s9;
	v48 =	vld [tilespmem:s21+$0x0];
	[tilespmem:v19+s29+$0x0] =	vst.idx.msk $0xffff, v59  }
0x230: {  	v47 =	vand.u32 v17, v60;
	s18 =	sshll.u32 s31, $0x5;
	s30 =	sor.u32 s26, s24;
	v56 =	vld [tilespmem:s22+$0x0];
	[tilespmem:v44+s29+$0x0] =	vst.idx.msk $0xffff, v43  }
0x231: {  	v58 =	vor.u32 s25, v12;
	s3 =	sadd.s32 s15, s3;
	s18 =	sadd.s32 s18, s1;
	[tilespmem:v29+s29+$0x0] =	vst.idx.msk $0xffff, v61;
	v57 =	vld [tilespmem:s30+$0x0]  }
0x232: {  	s3 =	sadd.s32 $0x10, s3;
	s18 =	sor.u32 $0x300, s18;
	[tilespmem:v52+s29+$0x0] =	vst.idx.msk $0xffff, v51;
	v62 =	vld [tilespmem:s19+$0x0]  }
0x233: {  	v46 =	vor.u32 s14, v6;
	v59 =	vor.u32 s2, v7;
	s30 =	sor.u32 $0x300, s3;
	[tilespmem:v37+s29+$0x0] =	vst.idx.msk $0xffff, v53;
	s3 =	smov.u32 s2;
	s2 =	smov.u32 s17;
	v52 =	vld [tilespmem:s18+$0x0]  }
0x234: {  	v37 =	vmov v46;
	s17 =	smov.u32 s26;
	s18 =	sor.u32 s0, s24;
	[tilespmem:v63+s29+$0x0] =	vst.idx.msk $0xffff, v48;
	v46 =	vld [tilespmem:s6+$0x0];
	s24 =	rddreg [dreg:$0x6]  }
0x235: {  	s19 =	smov.u32 s23;
	v63 =	vor.u32 s2, v2;
	s26 =	smov.u32 s24;
	v48 =	vld [tilespmem:s21+$0x80];
	s24 =	sor.u32 $0x2200, s28;
	[tilespmem:v47+s29+$0x0] =	vst.idx.msk $0xffff, v56  }
0x236: {  	v50 =	vor.u32 s14, v2;
	[dreg:$0x6] =	wrdreg s19;
	s19 =	smov.u32 s0;
	s23 =	sor.u32 s17, s24;
	v47 =	vld [tilespmem:s22+$0x80];
	[tilespmem:v58+s29+$0x0] =	vst.idx.msk $0xffff, v57  }
0x237: {  	v60 =	vor.u32 s14, v11;
	s0 =	smov.u32 s7;
	s7 =	smov.u32 s20;
	s20 =	sor.u32 s13, s1;
	v56 =	vor.u32 s25, v13;
	[tilespmem:v18+s29+$0x0] =	vst.idx.msk $0xffff, v62;
	v53 =	vld [tilespmem:s23+$0x0]  }
0x238: {  	v29 =	vmov v32;
	v32 =	vmov v60;
	v61 =	vor.u32 s14, v16;
	[tilespmem:v59+s29+$0x0] =	vst.idx.msk $0xffff, v52;
	s23 =	sor.u32 $0x380, s20;
	v60 =	vld [tilespmem:s18+$0x0]  }
0x239: {  	v18 =	vmovc v20;
	v20 =	vmov v24;
	v24 =	vmov v61;
	v62 =	vor.u32 s3, v8;
	[tilespmem:v36+s29+$0x0] =	vst.idx.msk $0xffff, v46;
	v61 =	vld [tilespmem:s23+$0x0]  }
0x23a: {  	[tilespmem:v63+s29+$0x0] =	vst.idx.msk $0xffff, v48;
	v46 =	vld [tilespmem:s4+$0x0]  }
0x23b: {  	s31 =	sor.u32 s12, s15;
	s20 =	sor.u32 $0x2280, s28;
	v63 =	vor.u32 s2, v3;
	v48 =	vld [tilespmem:s21+$0x100];
	[tilespmem:v50+s29+$0x0] =	vst.idx.msk $0xffff, v47  }
0x23c: {  	v41 =	vor.u32 s14, v3;
	s31 =	sor.u32 $0x380, s31;
	s23 =	sor.u32 s17, s20;
	v47 =	vld [tilespmem:s22+$0x100];
	[tilespmem:v56+s29+$0x0] =	vst.idx.msk $0xffff, v53  }
0x23d: {  	s6 =	smov.u32 s30;
	s30 =	sor.u32 $0x2000, s11;
	s24 =	sor.u32 s19, s24;
	v57 =	vor.u32 s25, v14;
	[tilespmem:v27+s29+$0x0] =	vst.idx.msk $0xffff, v60;
	v56 =	vld [tilespmem:s23+$0x0]  }
0x23e: {  	s4 =	smov.u32 s31;
	s31 =	sor.u32 s26, s30;
	[tilespmem:v62+s29+$0x0] =	vst.idx.msk $0xffff, v61;
	v58 =	vld [tilespmem:s24+$0x0]  }
0x23f: {  	s13 =	smov.u32 s10;
	s10 =	sor.u32 s0, s30;
	v60 =	vor.u32 s3, v9;
	[tilespmem:v34+s29+$0x0] =	vst.idx.msk $0xffff, v46;
	v59 =	vld [tilespmem:s31+$0x0]  }
0x240: {  	[tilespmem:v63+s29+$0x0] =	vst.idx.msk $0xffff, v48;
	v46 =	vld [tilespmem:s10+$0x0]  }
0x241: {  	s18 =	sor.u32 $0x2300, s28;
	v61 =	vor.u32 s2, v4;
	v48 =	vld [tilespmem:s21+$0x180];
	[tilespmem:v41+s29+$0x0] =	vst.idx.msk $0xffff, v47  }
0x242: {  	s8 =	sadd.s32 $0x2, s8;
	v40 =	vor.u32 s14, v4;
	s23 =	sor.u32 s17, s18;
	v62 =	vld [tilespmem:s22+$0x180];
	[tilespmem:v57+s29+$0x0] =	vst.idx.msk $0xffff, v56  }
0x243: {  	p2 =	slt.u32 s8, $0x1E;
	s20 =	sor.u32 s19, s20;
	s24 =	sor.u32 $0x2080, s11;
	v63 =	vor.u32 s25, v15;
	[tilespmem:v25+s29+$0x0] =	vst.idx.msk $0xffff, v58;
	v50 =	vld [tilespmem:s23+$0x0]  }
.Ltmp10:
0x244: {  	v54 =	vor.u32 s14, v7;
	v55 =	vor.u32 s14, v8;
	v43 =	vor.u32 s14, v12;
	s30 =	sor.u32 s26, s24;
	[tilespmem:v60+s29+$0x0] =	vst.idx.msk $0xffff, v59;
	v41 =	vld [tilespmem:s20+$0x0];
	(pc) =	sbr.rel @p2 .LBB2_12-.Ltmp10, $4  }
0x245: {  	v21 =	vmovc v23;
	v23 =	vmovc v35;
	v42 =	vor.u32 s14, v9;
	v27 =	vmov v31;
	v31 =	vmov v43;
	s23 =	sor.u32 s0, s24;
	[tilespmem:v33+s29+$0x0] =	vst.idx.msk $0xffff, v46;
	v43 =	vld [tilespmem:s30+$0x0]  }
0x246: {  	s5 =	sadd.s32 $0x2, s5;
	v35 =	vor.u32 s14, v14;
	v30 =	vmovc v38;
	v38 =	vor.u32 s14, v10;
	v39 =	vor.u32 s14, v5;
	s1 =	smov.u32 s15;
	v33 =	vmovc v42;
	[tilespmem:v61+s29+$0x0] =	vst.idx.msk $0xffff, v48;
	v42 =	vld [tilespmem:s23+$0x0]  }
0x247: {  	v19 =	vmovc v22;
	v22 =	vmovc v26;
	v26 =	vor.u32 s14, v15;
	v44 =	vor.u32 s14, v13;
	v36 =	vmov v54;
	s10 =	sor.u32 s19, s18;
	s31 =	sor.u32 $0x2380, s28;
	s28 =	smov.u32 s11;
	v45 =	vld [tilespmem:s21+$0x200];
	[tilespmem:v40+s29+$0x0] =	vst.idx.msk $0xffff, v62  }
0x248: {  	v34 =	vmovc v55;
	s11 =	smov.u32 s9;
	s9 =	sor.u32 s17, s31;
	s19 =	sor.u32 s19, s31;
	v47 =	vor.u32 s2, v5;
	v25 =	vmovc v28;
	v28 =	vmov v44;
	v44 =	vor.u32 s3, v10;
	v46 =	vld [tilespmem:s22+$0x200];
	[tilespmem:v63+s29+$0x0] =	vst.idx.msk $0xffff, v50  }
0x249: {  	_ =	sdelay $0x3  }
0x24a: {  	[tilespmem:v47+s29+$0x0] =	vst.idx.msk $0xffff, v45  }
0x24b: {  	v54 =	vor.u32 s2, v6;
	v40 =	vld [tilespmem:s21+$0x280];
	[tilespmem:v39+s29+$0x0] =	vst.idx.msk $0xffff, v46  }
0x24c: {  	s5 =	sadd.s32 $0x1, s16;
	v39 =	vld [tilespmem:s22+$0x280]  }
0x24d: {  	s5 =	sand.u32 $0x3, s5  }
0x24e: {  	s5 =	sshll.u32 s5, $0x5  }
0x24f: {  	s5 =	sadd.s32 s5, s1  }
0x250: {  	s5 =	sor.u32 $0x300, s5;
	[tilespmem:v54+s29+$0x0] =	vst.idx.msk $0xffff, v40  }
0x251: {  	v55 =	vor.u32 s2, v7;
	v40 =	vld [tilespmem:s5+$0x0];
	[tilespmem:v37+s29+$0x0] =	vst.idx.msk $0xffff, v39  }
0x252: {  	v37 =	vld [tilespmem:s6+$0x0];
	_ =	sdelay $0x2  }
0x253: {  	s8 =	sor.u32 s13, s1  }
0x254: {  	s1 =	sor.u32 $0x380, s8;
	[tilespmem:v55+s29+$0x0] =	vst.idx.msk $0xffff, v40  }
0x255: {  	v57 =	vor.u32 s2, v8;
	v56 =	vld [tilespmem:s1+$0x0];
	[tilespmem:v36+s29+$0x0] =	vst.idx.msk $0xffff, v37  }
0x256: {  	v36 =	vld [tilespmem:s4+$0x0];
	_ =	sdelay $0x3  }
0x257: {  	s12 =	sor.u32 $0x2000, s11;
	[tilespmem:v57+s29+$0x0] =	vst.idx.msk $0xffff, v56  }
0x258: {  	s1 =	sor.u32 s7, s12;
	s13 =	rddreg [dreg:$0x6];
	[tilespmem:v34+s29+$0x0] =	vst.idx.msk $0xffff, v36  }
0x259: {  	s14 =	sor.u32 s13, s12;
	v34 =	vld [tilespmem:s1+$0x0]  }
0x25a: {  	v59 =	vor.u32 s2, v9;
	v58 =	vld [tilespmem:s14+$0x0];
	_ =	sdelay $0x2  }
0x25b: {  	s15 =	sor.u32 $0x2080, s11  }
0x25c: {  	s1 =	sor.u32 s7, s15;
	[tilespmem:v33+s29+$0x0] =	vst.idx.msk $0xffff, v34  }
0x25d: {  	s16 =	sor.u32 s13, s15;
	[tilespmem:v59+s29+$0x0] =	vst.idx.msk $0xffff, v58;
	v33 =	vld [tilespmem:s1+$0x0]  }
0x25e: {  	v61 =	vor.u32 s2, v10;
	v60 =	vld [tilespmem:s16+$0x0]  }
0x25f: {  	s17 =	sor.u32 $0x2100, s28  }
0x260: {  	s18 =	sor.u32 s26, s17;
	[tilespmem:v44+s29+$0x0] =	vst.idx.msk $0xffff, v43  }
0x261: {  	v63 =	vor.u32 s3, v11;
	s20 =	sor.u32 $0x2100, s11;
	[tilespmem:v30+s29+$0x0] =	vst.idx.msk $0xffff, v42;
	v62 =	vld [tilespmem:s18+$0x0];
	s1 =	sor.u32 s0, s17  }
0x262: {  	s4 =	sor.u32 s7, s20;
	v30 =	vld [tilespmem:s1+$0x0];
	[tilespmem:v38+s29+$0x0] =	vst.idx.msk $0xffff, v33  }
0x263: {  	s21 =	sor.u32 s13, s20;
	[tilespmem:v61+s29+$0x0] =	vst.idx.msk $0xffff, v60;
	v33 =	vld [tilespmem:s4+$0x0]  }
0x264: {  	v42 =	vor.u32 s2, v11;
	v36 =	vld [tilespmem:s21+$0x0]  }
0x265: {  	s22 =	sor.u32 $0x2180, s28  }
0x266: {  	s23 =	sor.u32 s26, s22;
	[tilespmem:v63+s29+$0x0] =	vst.idx.msk $0xffff, v62  }
0x267: {  	s24 =	sor.u32 $0x2180, s11;
	v43 =	vor.u32 s3, v12;
	v34 =	vld [tilespmem:s23+$0x0];
	s1 =	sor.u32 s0, s22;
	[tilespmem:v29+s29+$0x0] =	vst.idx.msk $0xffff, v30  }
0x268: {  	s31 =	sor.u32 s7, s24;
	v29 =	vld [tilespmem:s1+$0x0];
	[tilespmem:v32+s29+$0x0] =	vst.idx.msk $0xffff, v33  }
0x269: {  	s30 =	sor.u32 s13, s24;
	[tilespmem:v42+s29+$0x0] =	vst.idx.msk $0xffff, v36;
	v32 =	vld [tilespmem:s31+$0x0]  }
0x26a: {  	v45 =	vor.u32 s2, v12;
	v44 =	vld [tilespmem:s30+$0x0]  }
0x26b: {  	s4 =	sor.u32 $0x2200, s28  }
0x26c: {  	[tilespmem:v43+s29+$0x0] =	vst.idx.msk $0xffff, v34;
	s5 =	sor.u32 s26, s4  }
0x26d: {  	v47 =	vor.u32 s3, v13;
	s6 =	sor.u32 $0x2200, s11;
	s1 =	sor.u32 s0, s4;
	v46 =	vld [tilespmem:s5+$0x0];
	[tilespmem:v27+s29+$0x0] =	vst.idx.msk $0xffff, v29  }
0x26e: {  	s4 =	sor.u32 s7, s6;
	v27 =	vld [tilespmem:s1+$0x0];
	[tilespmem:v31+s29+$0x0] =	vst.idx.msk $0xffff, v32  }
0x26f: {  	s8 =	sor.u32 s13, s6;
	[tilespmem:v45+s29+$0x0] =	vst.idx.msk $0xffff, v44;
	v31 =	vld [tilespmem:s4+$0x0]  }
0x270: {  	v49 =	vor.u32 s2, v13;
	v48 =	vld [tilespmem:s8+$0x0]  }
0x271: {  	s12 =	sor.u32 $0x2280, s28  }
0x272: {  	s14 =	sor.u32 s26, s12;
	[tilespmem:v47+s29+$0x0] =	vst.idx.msk $0xffff, v46  }
0x273: {  	v51 =	vor.u32 s3, v14;
	s15 =	sor.u32 $0x2280, s11;
	s1 =	sor.u32 s0, s12;
	v50 =	vld [tilespmem:s14+$0x0];
	[tilespmem:v25+s29+$0x0] =	vst.idx.msk $0xffff, v27  }
0x274: {  	s4 =	sor.u32 s7, s15;
	v25 =	vld [tilespmem:s1+$0x0];
	[tilespmem:v28+s29+$0x0] =	vst.idx.msk $0xffff, v31  }
0x275: {  	s16 =	sor.u32 s13, s15;
	[tilespmem:v49+s29+$0x0] =	vst.idx.msk $0xffff, v48;
	v28 =	vld [tilespmem:s4+$0x0]  }
0x276: {  	v53 =	vor.u32 s2, v14;
	v52 =	vld [tilespmem:s16+$0x0]  }
0x277: {  	[tilespmem:v21+s29+$0x0] =	vst.idx.msk $0xffff, v41;
	s17 =	sor.u32 $0x2300, s28  }
0x278: {  	v21 =	vld [tilespmem:s10+$0x0];
	s18 =	sor.u32 s26, s17;
	[tilespmem:v51+s29+$0x0] =	vst.idx.msk $0xffff, v50  }
0x279: {  	v55 =	vor.u32 s3, v15;
	s20 =	sor.u32 $0x2300, s11;
	s1 =	sor.u32 s0, s17;
	v54 =	vld [tilespmem:s18+$0x0];
	[tilespmem:v23+s29+$0x0] =	vst.idx.msk $0xffff, v25  }
0x27a: {  	s4 =	sor.u32 s7, s20;
	v23 =	vld [tilespmem:s1+$0x0];
	[tilespmem:v35+s29+$0x0] =	vst.idx.msk $0xffff, v28  }
0x27b: {  	s21 =	sor.u32 s13, s20;
	[tilespmem:v53+s29+$0x0] =	vst.idx.msk $0xffff, v52;
	v28 =	vld [tilespmem:s4+$0x0]  }
0x27c: {  	v57 =	vor.u32 s2, v15;
	v56 =	vld [tilespmem:s21+$0x0]  }
0x27d: {  	[tilespmem:v19+s29+$0x0] =	vst.idx.msk $0xffff, v21;
	v58 =	vld [tilespmem:s9+$0x0];
	v59 =	vor.u32 s25, v16;
	s22 =	sor.u32 $0x2380, s28  }
0x27e: {  	v19 =	vld [tilespmem:s19+$0x0];
	s23 =	sor.u32 s26, s22;
	[tilespmem:v55+s29+$0x0] =	vst.idx.msk $0xffff, v54  }
0x27f: {  	s25 =	sor.u32 $0x2380, s11;
	s24 =	sor.u32 s0, s22;
	v61 =	vor.u32 s3, v16;
	v60 =	vld [tilespmem:s23+$0x0];
	[tilespmem:v22+s29+$0x0] =	vst.idx.msk $0xffff, v23  }
0x280: {  	s1 =	sor.u32 s7, s25;
	v22 =	vld [tilespmem:s24+$0x0];
	[tilespmem:v26+s29+$0x0] =	vst.idx.msk $0xffff, v28  }
0x281: {  	s26 =	sor.u32 s13, s25;
	[tilespmem:v57+s29+$0x0] =	vst.idx.msk $0xffff, v56;
	v26 =	vld [tilespmem:s1+$0x0]  }
0x282: {  	v63 =	vor.u32 s2, v16;
	[tilespmem:v59+s29+$0x0] =	vst.idx.msk $0xffff, v58;
	v62 =	vld [tilespmem:s26+$0x0]  }
0x283: {  	[tilespmem:v18+s29+$0x0] =	vst.idx.msk $0xffff, v19  }
0x284: {  	[tilespmem:v61+s29+$0x0] =	vst.idx.msk $0xffff, v60  }
0x285: {  	[tilespmem:v20+s29+$0x0] =	vst.idx.msk $0xffff, v22  }
0x286: {  	[tilespmem:v24+s29+$0x0] =	vst.idx.msk $0xffff, v26  }
0x287: {  	s28 =	simm.s32 $0x0;
	[tilespmem:v63+s29+$0x0] =	vst.idx.msk $0xffff, v62  }
.Ltmp11:
0x288: {  	s31 =	simm.s32 $0x5;
	s30 =	rddreg [dreg:$0x12];
	(pc) =	sbr.rel .LBB2_15-.Ltmp11, $4  }
0x289: {  	[hbm4b:s30+s28] =	stream.linear.scatter [tilespmem:s29], [sflag:$0x5], $0x2000, $0x38;
	[tilespmem:$0x10000] =	vst v63  }
0x28a: {  	_ =	swait.ge [sflag:s31], $0x2000  }
0x28b: {  	[sflag:s31] =	ssyncset.done $0x0  }
0x28c: {  	s18 =	simm.s32 $0x8000;
	s1 =	rddreg [dreg:$0x14];
	[sflag:s31] =	ssyncadd.s32 $0xFFFFE000  }
.LBB2_16:
0x28d: {  	_ =	sfence.sel $0x180000  }
0x28e: {  	[bflag:$0x0] =	sbarrier.arrive $0xFFFF  }
0x28f: {  	_ =	strace $0x90000047  }
0x290: {  	s0 =	stileid.u32;
	[bflag:$0x2] =	sbarrier.arrive $0xFFFF  }
0x291: {  	p0 =	sne.s32 s0, $0x0;
	s0 =	rddreg [dreg:$0x3]  }
0x292: {  	s0 =	sadd.s32 @!p0 $0x100000, s0  }
0x293: {  	[sflag:s0] =	ssyncadd.tile.s32 @!p0 $0x1;
	_ =	shalt  }
.Lfunc_end2:
_tile_overlayer_lowered:
.L_overlay_start_2:
0x294: {  	(tag) =	ssettag $0x2  }
0x295: {  	s0 =	rddreg [dreg:$0x0];
	s2 =	stileid.u32  }
0x296: {  	s1 =	rddreg [dreg:$0x1];
	p0 =	sne.s32 s2, $0x0  }
0x297: {  	s3 =	rddreg [dreg:$0x2];
	[bflag:$0x3] =	sbarrier.arrive $0xFFFF;
	s2 =	simm.s32 @!p0 $0x1C05  }
0x298: {  	[timem:s3], [sflag:s2] =	dma.local @!p0 [hbm:s0], s1  }
0x299: {  	s0 =	simm.s32 @!p0 $0x5  }
0x29a: {  	_ =	swait.ge @!p0 [sflag:s0], s1  }
0x29b: {  	s1 =	ssub.s32 @!p0 $0x0, s1;
	[sflag:s0] =	ssyncset.done @!p0 $0x0  }
0x29c: {  	[sflag:s0] =	ssyncadd.s32 @!p0 s1  }
0x29d: {  	[bflag:$0x3] =	sbarrier.arrive $0xFFFF  }
0x29e: {  	_ =	shalt  }

</sc_bundles>
